<compile_context>
chip_gen: v7x
topology: tpu7x:2x2x1
jax: 0.10.2.dev20260603
libtpu: 0.0.44.dev20260713+nightly
codegen_flags: <defaults>
</compile_context>

<pallas_src>
import functools

import jax
import jax.numpy as jnp
from jax import lax
from jax.experimental import pallas as pl
from jax.experimental.pallas import tpu as pltpu
from jax.experimental.pallas import tpu_sc as plsc

N = 10000
E = 320000
F = 128
NC = 2
NS = 16
NW = NC * NS
EPW = E // NW
DCH = 128
DNCH = 80
CCH = 128
CNCH = 80
DST0 = 128
NP = 10112
RPT = NP // NS
DW = 8

_MESH = plsc.VectorSubcoreMesh(core_axis_name="c", subcore_axis_name="s")


def _sc_deg_body(edges_hbm, out_hbm, idx_v, ones_v, zbuf, acc,
                 d0, d1, d2, d3, d4, d5, d6, d7):
    dsems = (d0, d1, d2, d3, d4, d5, d6, d7)
    c = lax.axis_index("c")
    s = lax.axis_index("s")
    wid = s * NC + c

    @pl.loop(0, DCH)
    def _fill(i):
        for k in range(F // 16):
            ones_v[i, pl.ds(k * 16, 16)] = jnp.full((16,), 1.0, jnp.float32)
            zbuf[i, pl.ds(k * 16, 16)] = jnp.zeros((16,), jnp.float32)

    for a in range(4):
        for k in range(RPT // DCH):
            pltpu.sync_copy(zbuf, acc.at[pl.ds(s * RPT + k * DCH, DCH)])
        pltpu.sync_copy(zbuf.at[pl.ds(0, RPT % DCH)],
                        acc.at[pl.ds(s * RPT + (RPT // DCH) * DCH,
                                     RPT % DCH)])
        pltpu.sync_copy(edges_hbm.at[a, wid], idx_v)
        plsc.subcore_barrier()

        @pl.loop(0, DNCH // 8)
        def _chunk(m):
            j0 = m * 8
            ds = [pltpu.async_copy(ones_v, acc.at[idx_v.at[j0 + k]],
                                   dsems[k], add=True) for k in range(8)]
            for d in ds:
                d.wait()

        plsc.subcore_barrier()
        pltpu.sync_copy(acc.at[pl.ds(s * RPT, RPT)],
                        out_hbm.at[a, c, pl.ds(s * RPT, RPT)])
        plsc.subcore_barrier()


_sc_degrees = pl.kernel(
    _sc_deg_body,
    out_type=jax.ShapeDtypeStruct((4, NC, NP, F), jnp.float32),
    mesh=_MESH,
    scratch_types=[
        pltpu.VMEM((DNCH, DCH), jnp.int32),
        pltpu.VMEM((DCH, F), jnp.float32),
        pltpu.VMEM((DCH, F), jnp.float32),
        pltpu.VMEM_SHARED((NP, F), jnp.float32),
        pltpu.SemaphoreType.DMA,
        pltpu.SemaphoreType.DMA,
        pltpu.SemaphoreType.DMA,
        pltpu.SemaphoreType.DMA,
        pltpu.SemaphoreType.DMA,
        pltpu.SemaphoreType.DMA,
        pltpu.SemaphoreType.DMA,
        pltpu.SemaphoreType.DMA,
    ],
)


def _sc_conv2_body(ha_hbm, hb_hbm, srca_hbm, dsta_hbm, srcb_hbm, dstb_hbm,
                   outa_hbm, outb_hbm,
                   idx_v, rows_v, gsem, acc):
    c = lax.axis_index("c")
    s = lax.axis_index("s")
    wid = s * NC + c

    for h_hbm, src_hbm, dst_hbm, out_hbm in (
            (ha_hbm, srca_hbm, dsta_hbm, outa_hbm),
            (hb_hbm, srcb_hbm, dstb_hbm, outb_hbm)):
        @pl.loop(0, CCH)
        def _zrow(i):
            for k in range(F // 16):
                rows_v[i, pl.ds(k * 16, 16)] = jnp.zeros((16,), jnp.float32)

        pltpu.sync_copy(src_hbm.at[wid], idx_v.at[pl.ds(0, CNCH)])
        pltpu.sync_copy(dst_hbm.at[wid], idx_v.at[pl.ds(DST0, CNCH)])
        for k in range(RPT // CCH):
            pltpu.sync_copy(rows_v, acc.at[pl.ds(s * RPT + k * CCH, CCH)])
        pltpu.sync_copy(rows_v.at[pl.ds(0, RPT % CCH)],
                        acc.at[pl.ds(s * RPT + (RPT // CCH) * CCH,
                                     RPT % CCH)])
        plsc.subcore_barrier()

        @pl.loop(0, CNCH)
        def _blk(j):
            pltpu.async_copy(h_hbm.at[idx_v.at[j]], rows_v, gsem).wait()
            pltpu.sync_copy(rows_v, acc.at[idx_v.at[DST0 + j]], add=True)

        plsc.subcore_barrier()
        pltpu.sync_copy(acc.at[pl.ds(s * RPT, RPT)],
                        out_hbm.at[c, pl.ds(s * RPT, RPT)])
        plsc.subcore_barrier()


_sc_conv2 = pl.kernel(
    _sc_conv2_body,
    out_type=[jax.ShapeDtypeStruct((NC, NP, F), jnp.float32),
              jax.ShapeDtypeStruct((NC, NP, F), jnp.float32)],
    mesh=_MESH,
    scratch_types=[
        pltpu.VMEM((DST0 + CNCH, CCH), jnp.int32),
        pltpu.VMEM((CCH, F), jnp.float32),
        pltpu.SemaphoreType.DMA,
        pltpu.VMEM_SHARED((NP, F), jnp.float32),
    ],
)


_BR = 2000


def _mm_body(x_ref, degp_ref, w_ref, o_ref):
    deg = degp_ref[0, :, 0:1] + degp_ref[1, :, 0:1]
    dinv = 1.0 / jnp.sqrt(jnp.maximum(deg, 1.0))
    o_ref[...] = jnp.dot(x_ref[...] * dinv, w_ref[...],
                         preferred_element_type=jnp.float32)


@functools.cache
def _make_mm(d):
    return pl.pallas_call(
        _mm_body,
        grid=(N // _BR,),
        in_specs=[
            pl.BlockSpec((_BR, d), lambda i: (i, 0)),
            pl.BlockSpec((NC, _BR, DW), lambda i: (0, i, 0)),
            pl.BlockSpec((d, F), lambda i: (0, 0)),
        ],
        out_specs=pl.BlockSpec((_BR, F), lambda i: (i, 0)),
        out_shape=jax.ShapeDtypeStruct((N, F), jnp.float32),
    )


def _post_body(p_ref, degp_ref, b_ref, g_ref, bb_ref, o_ref):
    x = p_ref[0] + p_ref[1]
    deg = degp_ref[0, :, 0:1] + degp_ref[1, :, 0:1]
    x = x / jnp.sqrt(jnp.maximum(deg, 1.0)) + b_ref[...]
    mu = jnp.mean(x, axis=-1, keepdims=True)
    var = jnp.mean((x - mu) ** 2, axis=-1, keepdims=True)
    y = (x - mu) / jnp.sqrt(var + 1e-5) * g_ref[...] + bb_ref[...]
    o_ref[...] = jnp.where(y > 0.0, y, jnp.exp(jnp.minimum(y, 0.0)) - 1.0)


_post = pl.pallas_call(
    _post_body,
    grid=(N // _BR,),
    in_specs=[
        pl.BlockSpec((NC, _BR, F), lambda i: (0, i, 0)),
        pl.BlockSpec((NC, _BR, DW), lambda i: (0, i, 0)),
        pl.BlockSpec((1, F), lambda i: (0, 0)),
        pl.BlockSpec((1, F), lambda i: (0, 0)),
        pl.BlockSpec((1, F), lambda i: (0, 0)),
    ],
    out_specs=pl.BlockSpec((_BR, F), lambda i: (i, 0)),
    out_shape=jax.ShapeDtypeStruct((N, F), jnp.float32),
)


def _readout_body(hn, hl, wm1, bm1, wm2, bm2, wd1, bd1, wd2, bd2, wd3, bd3,
                  wp1, bp1, wp2, bp2, wp3, bp3, rec_ref, prop_ref, z_ref):
    def colmean(ref):
        acc = jnp.zeros((1, F), jnp.float32)
        for k in range(10):
            acc = acc + jnp.sum(ref[k * 1000:(k + 1) * 1000, :],
                                axis=0, keepdims=True)
        return acc * (1.0 / N)

    hg = colmean(hn) + colmean(hl)
    hg8 = jnp.broadcast_to(hg, (8, F))

    def dot(a, b):
        return jnp.dot(a, b, preferred_element_type=jnp.float32)

    t = jnp.maximum(dot(hg8, wm1[...]) + bm1[...], 0.0)
    z = dot(t, wm2[...]) + bm2[...]
    d = jnp.maximum(dot(z, wd1[...]) + bd1[...], 0.0)
    d = jnp.maximum(dot(d, wd2[...]) + bd2[...], 0.0)
    rec = dot(d, wd3[...]) + bd3[...]
    p = jnp.maximum(dot(z, wp1[...]) + bp1[...], 0.0)
    p = jnp.maximum(dot(p, wp2[...]) + bp2[...], 0.0)
    prop = dot(p, wp3[...]) + bp3[...]
    rec_ref[...] = rec
    prop_ref[...] = prop
    z_ref[...] = z


_readout = pl.pallas_call(
    _readout_body,
    out_shape=(
        jax.ShapeDtypeStruct((8, 64), jnp.float32),
        jax.ShapeDtypeStruct((8, F), jnp.float32),
        jax.ShapeDtypeStruct((8, 64), jnp.float32),
    ),
)


def kernel(x_l, x_n, edge_l2n, edge_n2l, params):
    f32 = jnp.float32
    i32 = jnp.int32

    def pad_edges(arr, padvals, nch, ch):
        a = arr.astype(i32).reshape(NW, EPW)
        p = jnp.broadcast_to(padvals[:, None], (NW, nch * ch - EPW))
        return jnp.concatenate([a, p], axis=1).reshape(NW, nch, ch)

    widv = jnp.arange(NW, dtype=i32)
    pad_lo = (widv * 313) % N
    pad_hi = N + widv

    sl, dl = edge_l2n[0], edge_l2n[1]
    sn, dn = edge_n2l[0], edge_n2l[1]
    src_l2n = pad_edges(sl, pad_lo, CNCH, CCH)
    dst_l2n = pad_edges(dl, pad_hi, CNCH, CCH)
    src_n2l = pad_edges(sn, pad_lo, CNCH, CCH)
    dst_n2l = pad_edges(dn, pad_hi, CNCH, CCH)
    deg_edges = jnp.stack(
        [pad_edges(x, pad_hi, DNCH, DCH) for x in (sl, dl, sn, dn)])

    degs = _sc_degrees(deg_edges)[..., 0:DW]
    dp_sl, dp_dl, dp_sn, dp_dn = degs[0], degs[1], degs[2], degs[3]

    def r1(v):
        return v.reshape(1, -1)

    h_l, h_n = x_l, x_n
    for i in range(3):
        mm_l = _make_mm(h_l.shape[1])
        mm_n = _make_mm(h_n.shape[1])
        hs_l2n = mm_l(h_l, dp_sl, params['W_l2n'][i])
        hs_n2l = mm_n(h_n, dp_sn, params['W_n2l'][i])
        agg_n, agg_l = _sc_conv2(hs_l2n, hs_n2l, src_l2n, dst_l2n,
                                 src_n2l, dst_n2l)
        h_n = _post(agg_n, dp_dl, r1(params['b_l2n'][i]),
                    r1(params['ln_g_n'][i]), r1(params['ln_b_n'][i]))
        h_l = _post(agg_l, dp_dn, r1(params['b_n2l'][i]),
                    r1(params['ln_g_l'][i]), r1(params['ln_b_l'][i]))

    wp3 = jnp.pad(params['Wp3'], ((0, 0), (0, F - 1)))
    bp3 = jnp.pad(r1(params['bp3']), ((0, 0), (0, F - 1)))
    rec8, prop8, z8 = _readout(
        h_n, h_l,
        params['Wm1'], r1(params['bm1']), params['Wm2'], r1(params['bm2']),
        params['Wd1'], r1(params['bd1']), params['Wd2'], r1(params['bd2']),
        params['Wd3'], r1(params['bd3']),
        params['Wp1'], r1(params['bp1']), params['Wp2'], r1(params['bp2']),
        wp3, bp3)
    return rec8[0:1, :], prop8[0:1, 0:1], z8[0:1, :]

# --- scband reference (transcript-rebuilt; emitter-appended) ---
"""Pipeline reference for scband-contrastive-autoencoder-16037407883756 (READ-ONLY COPY).

The authoritative reference and input builder live on the scoring server;
editing this copy changes nothing except your own understanding.
"""

import jax, jax.numpy as jnp
import numpy as np

N_L = 10000
N_N = 10000
E = 320000
CONV = 128
LAT = 64

def _lin_init(key, shape):
    return jax.random.normal(key, shape, dtype=jnp.float32) * (1.0 / np.sqrt(shape[0]))

def setup_inputs(seed: int = 0) -> dict:
    key = jax.random.key(seed)
    ks = jax.random.split(key, 64)
    x_l = jax.random.normal(ks[0], (N_L, 300), dtype=jnp.float32)
    x_n = jax.random.normal(ks[1], (N_N, 200), dtype=jnp.float32)
    edge_l2n = jax.random.randint(ks[2], (2, E), 0, N_N, dtype=jnp.int64) if jax.config.jax_enable_x64 else jax.random.randint(ks[2], (2, E), 0, N_N).astype(jnp.int32)
    edge_n2l = jax.random.randint(ks[3], (2, E), 0, N_L).astype(edge_l2n.dtype)
    i = 4
    params = {}
    in_dims = {'l2n': [300, CONV, CONV], 'n2l': [200, CONV, CONV]}
    for name in ('l2n', 'n2l'):
        Ws, bs = [], []
        for l in range(3):
            Ws.append(_lin_init(ks[i], (in_dims[name][l], CONV))); i += 1
            bs.append(jnp.zeros((CONV,), jnp.float32))
        params['W_' + name] = Ws
        params['b_' + name] = bs
    for nt in ('n', 'l'):
        params['ln_g_' + nt] = [jnp.ones((CONV,), jnp.float32) for _ in range(3)]
        params['ln_b_' + nt] = [jnp.zeros((CONV,), jnp.float32) for _ in range(3)]
    params['Wm1'] = _lin_init(ks[i], (CONV, CONV // 2)); i += 1
    params['bm1'] = jnp.zeros((CONV // 2,), jnp.float32)
    params['Wm2'] = _lin_init(ks[i], (CONV // 2, LAT)); i += 1
    params['bm2'] = jnp.zeros((LAT,), jnp.float32)
    params['Wd1'] = _lin_init(ks[i], (LAT, 128)); i += 1
    params['bd1'] = jnp.zeros((128,), jnp.float32)
    params['Wd2'] = _lin_init(ks[i], (128, 128)); i += 1
    params['bd2'] = jnp.zeros((128,), jnp.float32)
    params['Wd3'] = _lin_init(ks[i], (128, 64)); i += 1
    params['bd3'] = jnp.zeros((64,), jnp.float32)
    params['Wp1'] = _lin_init(ks[i], (LAT, 64)); i += 1
    params['bp1'] = jnp.zeros((64,), jnp.float32)
    params['Wp2'] = _lin_init(ks[i], (64, 32)); i += 1
    params['bp2'] = jnp.zeros((32,), jnp.float32)
    params['Wp3'] = _lin_init(ks[i], (32, 1)); i += 1
    params['bp3'] = jnp.zeros((1,), jnp.float32)
    return {"x_l": x_l, "x_n": x_n, "edge_l2n": edge_l2n, "edge_n2l": edge_n2l, "params": params}

def _graph_conv(x_src, src, dst, W, b, n_src, n_dst):
    # DGL GraphConv with norm='both': D_dst^{-1/2} A (D_src^{-1/2} X) W + b
    deg_out = jnp.clip(jnp.bincount(src, length=n_src), 1).astype(jnp.float32)
    deg_in = jnp.clip(jnp.bincount(dst, length=n_dst), 1).astype(jnp.float32)
    h = (x_src * (deg_out ** -0.5)[:, None]) @ W
    agg = jax.ops.segment_sum(h[src], dst, num_segments=n_dst)
    return agg * (deg_in ** -0.5)[:, None] + b

def _ln(x, g, b):
    mu = jnp.mean(x, axis=-1, keepdims=True)
    var = jnp.mean((x - mu) ** 2, axis=-1, keepdims=True)
    return (x - mu) / jnp.sqrt(var + 1e-5) * g + b

def reference(x_l, x_n, edge_l2n, edge_n2l, params):
    sl, dl = edge_l2n[0], edge_l2n[1]  # relation l2n: src in 'l', dst in 'n'
    sn, dn = edge_n2l[0], edge_n2l[1]  # relation n2l: src in 'n', dst in 'l'
    h_l, h_n = x_l, x_n
    for i in range(3):
        new_n = _graph_conv(h_l, sl, dl, params['W_l2n'][i], params['b_l2n'][i], N_L, N_N)
        new_l = _graph_conv(h_n, sn, dn, params['W_n2l'][i], params['b_n2l'][i], N_N, N_L)
        h_n = jax.nn.elu(_ln(new_n, params['ln_g_n'][i], params['ln_b_n'][i]))
        h_l = jax.nn.elu(_ln(new_l, params['ln_g_l'][i], params['ln_b_l'][i]))
    hg = jnp.mean(h_n, axis=0, keepdims=True) + jnp.mean(h_l, axis=0, keepdims=True)
    z = jax.nn.relu(hg @ params['Wm1'] + params['bm1']) @ params['Wm2'] + params['bm2']
    d = jax.nn.relu(z @ params['Wd1'] + params['bd1'])
    d = jax.nn.relu(d @ params['Wd2'] + params['bd2'])
    reconstructed = d @ params['Wd3'] + params['bd3']
    p = jax.nn.relu(z @ params['Wp1'] + params['bp1'])
    p = jax.nn.relu(p @ params['Wp2'] + params['bp2'])
    property_pred = p @ params['Wp3'] + params['bp3']
    return (reconstructed, property_pred, z)

if __name__ == "__main__":
    import jax
    _d = setup_inputs()
    print(jax.jit(kernel)(*tuple(_d.values())))

</pallas_src>

<mosaic_0001>
#map = affine_map<(d0, d1) -> (0, 0)>
#map1 = affine_map<(d0, d1) -> (0, 0, 0)>
module attributes {stable_mosaic.version = 14 : i64} {
  func.func @_sc_conv2_body(%arg0: i32, %arg1: i32, %arg2: memref<10000x128xf32, #tpu.memory_space<hbm>>, %arg3: memref<10000x128xf32, #tpu.memory_space<hbm>>, %arg4: memref<32x80x128xi32, #tpu.memory_space<hbm>>, %arg5: memref<32x80x128xi32, #tpu.memory_space<hbm>>, %arg6: memref<32x80x128xi32, #tpu.memory_space<hbm>>, %arg7: memref<32x80x128xi32, #tpu.memory_space<hbm>>, %arg8: memref<2x10112x128xf32, #tpu.memory_space<hbm>>, %arg9: memref<2x10112x128xf32, #tpu.memory_space<hbm>>, %arg10: memref<208x128xi32, #tpu.memory_space<vmem>>, %arg11: memref<128x128xf32, #tpu.memory_space<vmem>>, %arg12: memref<!tpu.dma_semaphore, #tpu.memory_space<semaphore_mem>>, %arg13: memref<10112x128xf32, #tpu.memory_space<vmem_shared>>) attributes {dimension_semantics = [#tpu.dimension_semantics<core_parallel>, #tpu.dimension_semantics<subcore_parallel>], iteration_bounds = array<i64: 2, 16>, scalar_prefetch = 0 : i64, scratch_operands = 4 : i64, tpu.core_type = #tpu.core_type<sc_vector_subcore>, window_params = [{transform_indices = #map}, {transform_indices = #map}, {transform_indices = #map1}, {transform_indices = #map1}, {transform_indices = #map1}, {transform_indices = #map1}, {transform_indices = #map1}, {transform_indices = #map1}]} {
    %mul3A = arith.constant 2 : i32
    %mul3A_0 = arith.muli %arg1, %mul3A : i32
    %add3A = arith.addi %mul3A_0, %arg0 : i32
    %scan3A = arith.constant 0 : i32
    %scan3A_1 = arith.constant 128 : i32
    %scan3A_2 = arith.addi %scan3A, %scan3A_1 : i32
    %scan3A_3 = arith.constant 1 : i32
    scf.for %scan3A_73 = %scan3A to %scan3A_2 step %scan3A_3  : i32 {
      %mul3A_74 = arith.constant 1 : i32
      %mul3A_75 = arith.muli %scan3A_73, %mul3A_74 : i32
      %add3A_76 = arith.constant 0 : i32
      %add3A_77 = arith.addi %add3A_76, %mul3A_75 : i32
      %broadcast_in_dim3A = arith.constant 0.000000e+00 : f32
      %broadcast_in_dim3A_78 = vector.broadcast %broadcast_in_dim3A : f32 to vector<16xf32>
      %swap3A = arith.index_cast %add3A_77 : i32 to index
      %swap3A_79 = arith.constant 0 : index
      %swap3A_80 = tpu.vector_load %arg11[%swap3A, %swap3A_79] {strides = array<i32>} : memref<128x128xf32, #tpu.memory_space<vmem>>, vector<1x16xf32>,
      %swap3A_81 = vector.shape_cast %swap3A_80 : vector<1x16xf32> to vector<16xf32>
      %swap3A_82 = vector.shape_cast %broadcast_in_dim3A_78 : vector<16xf32> to vector<1x16xf32>
      tpu.vector_store %arg11[%swap3A, %swap3A_79], %swap3A_82 {strides = array<i32>} : memref<128x128xf32, #tpu.memory_space<vmem>>, vector<1x16xf32>,
      %broadcast_in_dim3A_83 = arith.constant 0.000000e+00 : f32
      %broadcast_in_dim3A_84 = vector.broadcast %broadcast_in_dim3A_83 : f32 to vector<16xf32>
      %swap3A_85 = arith.index_cast %add3A_77 : i32 to index
      %swap3A_86 = arith.constant 16 : index
      %swap3A_87 = tpu.vector_load %arg11[%swap3A_85, %swap3A_86] {strides = array<i32>} : memref<128x128xf32, #tpu.memory_space<vmem>>, vector<1x16xf32>,
      %swap3A_88 = vector.shape_cast %swap3A_87 : vector<1x16xf32> to vector<16xf32>
      %swap3A_89 = vector.shape_cast %broadcast_in_dim3A_84 : vector<16xf32> to vector<1x16xf32>
      tpu.vector_store %arg11[%swap3A_85, %swap3A_86], %swap3A_89 {strides = array<i32>} : memref<128x128xf32, #tpu.memory_space<vmem>>, vector<1x16xf32>,
      %broadcast_in_dim3A_90 = arith.constant 0.000000e+00 : f32
      %broadcast_in_dim3A_91 = vector.broadcast %broadcast_in_dim3A_90 : f32 to vector<16xf32>
      %swap3A_92 = arith.index_cast %add3A_77 : i32 to index
      %swap3A_93 = arith.constant 32 : index
      %swap3A_94 = tpu.vector_load %arg11[%swap3A_92, %swap3A_93] {strides = array<i32>} : memref<128x128xf32, #tpu.memory_space<vmem>>, vector<1x16xf32>,
      %swap3A_95 = vector.shape_cast %swap3A_94 : vector<1x16xf32> to vector<16xf32>
      %swap3A_96 = vector.shape_cast %broadcast_in_dim3A_91 : vector<16xf32> to vector<1x16xf32>
      tpu.vector_store %arg11[%swap3A_92, %swap3A_93], %swap3A_96 {strides = array<i32>} : memref<128x128xf32, #tpu.memory_space<vmem>>, vector<1x16xf32>,
      %broadcast_in_dim3A_97 = arith.constant 0.000000e+00 : f32
      %broadcast_in_dim3A_98 = vector.broadcast %broadcast_in_dim3A_97 : f32 to vector<16xf32>
      %swap3A_99 = arith.index_cast %add3A_77 : i32 to index
      %swap3A_100 = arith.constant 48 : index
      %swap3A_101 = tpu.vector_load %arg11[%swap3A_99, %swap3A_100] {strides = array<i32>} : memref<128x128xf32, #tpu.memory_space<vmem>>, vector<1x16xf32>,
      %swap3A_102 = vector.shape_cast %swap3A_101 : vector<1x16xf32> to vector<16xf32>
      %swap3A_103 = vector.shape_cast %broadcast_in_dim3A_98 : vector<16xf32> to vector<1x16xf32>
      tpu.vector_store %arg11[%swap3A_99, %swap3A_100], %swap3A_103 {strides = array<i32>} : memref<128x128xf32, #tpu.memory_space<vmem>>, vector<1x16xf32>,
      %broadcast_in_dim3A_104 = arith.constant 0.000000e+00 : f32
      %broadcast_in_dim3A_105 = vector.broadcast %broadcast_in_dim3A_104 : f32 to vector<16xf32>
      %swap3A_106 = arith.index_cast %add3A_77 : i32 to index
      %swap3A_107 = arith.constant 64 : index
      %swap3A_108 = tpu.vector_load %arg11[%swap3A_106, %swap3A_107] {strides = array<i32>} : memref<128x128xf32, #tpu.memory_space<vmem>>, vector<1x16xf32>,
      %swap3A_109 = vector.shape_cast %swap3A_108 : vector<1x16xf32> to vector<16xf32>
      %swap3A_110 = vector.shape_cast %broadcast_in_dim3A_105 : vector<16xf32> to vector<1x16xf32>
      tpu.vector_store %arg11[%swap3A_106, %swap3A_107], %swap3A_110 {strides = array<i32>} : memref<128x128xf32, #tpu.memory_space<vmem>>, vector<1x16xf32>,
      %broadcast_in_dim3A_111 = arith.constant 0.000000e+00 : f32
      %broadcast_in_dim3A_112 = vector.broadcast %broadcast_in_dim3A_111 : f32 to vector<16xf32>
      %swap3A_113 = arith.index_cast %add3A_77 : i32 to index
      %swap3A_114 = arith.constant 80 : index
      %swap3A_115 = tpu.vector_load %arg11[%swap3A_113, %swap3A_114] {strides = array<i32>} : memref<128x128xf32, #tpu.memory_space<vmem>>, vector<1x16xf32>,
      %swap3A_116 = vector.shape_cast %swap3A_115 : vector<1x16xf32> to vector<16xf32>
      %swap3A_117 = vector.shape_cast %broadcast_in_dim3A_112 : vector<16xf32> to vector<1x16xf32>
      tpu.vector_store %arg11[%swap3A_113, %swap3A_114], %swap3A_117 {strides = array<i32>} : memref<128x128xf32, #tpu.memory_space<vmem>>, vector<1x16xf32>,
      %broadcast_in_dim3A_118 = arith.constant 0.000000e+00 : f32
      %broadcast_in_dim3A_119 = vector.broadcast %broadcast_in_dim3A_118 : f32 to vector<16xf32>
      %swap3A_120 = arith.index_cast %add3A_77 : i32 to index
      %swap3A_121 = arith.constant 96 : index
      %swap3A_122 = tpu.vector_load %arg11[%swap3A_120, %swap3A_121] {strides = array<i32>} : memref<128x128xf32, #tpu.memory_space<vmem>>, vector<1x16xf32>,
      %swap3A_123 = vector.shape_cast %swap3A_122 : vector<1x16xf32> to vector<16xf32>
      %swap3A_124 = vector.shape_cast %broadcast_in_dim3A_119 : vector<16xf32> to vector<1x16xf32>
      tpu.vector_store %arg11[%swap3A_120, %swap3A_121], %swap3A_124 {strides = array<i32>} : memref<128x128xf32, #tpu.memory_space<vmem>>, vector<1x16xf32>,
      %broadcast_in_dim3A_125 = arith.constant 0.000000e+00 : f32
      %broadcast_in_dim3A_126 = vector.broadcast %broadcast_in_dim3A_125 : f32 to vector<16xf32>
      %swap3A_127 = arith.index_cast %add3A_77 : i32 to index
      %swap3A_128 = arith.constant 112 : index
      %swap3A_129 = tpu.vector_load %arg11[%swap3A_127, %swap3A_128] {strides = array<i32>} : memref<128x128xf32, #tpu.memory_space<vmem>>, vector<1x16xf32>,
      %swap3A_130 = vector.shape_cast %swap3A_129 : vector<1x16xf32> to vector<16xf32>
      %swap3A_131 = vector.shape_cast %broadcast_in_dim3A_126 : vector<16xf32> to vector<1x16xf32>
      tpu.vector_store %arg11[%swap3A_127, %swap3A_128], %swap3A_131 {strides = array<i32>} : memref<128x128xf32, #tpu.memory_space<vmem>>, vector<1x16xf32>,
    }
    %scan3A_4 = arith.constant 128 : i32
    "tpu.region"() ({
      %run_scoped3A = tpu.sem_alloc : memref<!tpu.dma_semaphore, #tpu.memory_space<semaphore_mem>>
      %dma_start3A = arith.constant 0 : i32
      %dma_start3A_73 = arith.constant 0 : i32
      %dma_start3A_74 = tpu.memref_slice %arg10[%dma_start3A, %dma_start3A_73] : memref<208x128xi32, #tpu.memory_space<vmem>> -> memref<80x128xi32, #tpu.memory_space<vmem>>
      %dma_start3A_75 = arith.constant 0 : i32
      %dma_start3A_76 = arith.constant 0 : i32
      %dma_start3A_77 = tpu.memref_slice %arg4[%add3A, %dma_start3A_75, %dma_start3A_76] : memref<32x80x128xi32, #tpu.memory_space<hbm>> -> memref<1x80x128xi32, #tpu.memory_space<hbm>>
      %dma_start3A_78 = tpu.memref_squeeze %dma_start3A_77 : memref<1x80x128xi32, #tpu.memory_space<hbm>> -> memref<80x128xi32, #tpu.memory_space<hbm>>
      %dma_start3A_79 = arith.constant 0 : i32
      %dma_start3A_80 = arith.constant 0 : i32
      %dma_start3A_81 = tpu.memref_slice %arg10[%dma_start3A_79, %dma_start3A_80] : memref<208x128xi32, #tpu.memory_space<vmem>> -> memref<80x128xi32, #tpu.memory_space<vmem>>
      %dma_start3A_82 = arith.constant 0 : i32
      %dma_start3A_83 = arith.constant 0 : i32
      %dma_start3A_84 = tpu.memref_slice %arg4[%add3A, %dma_start3A_82, %dma_start3A_83] : memref<32x80x128xi32, #tpu.memory_space<hbm>> -> memref<1x80x128xi32, #tpu.memory_space<hbm>>
      %dma_start3A_85 = tpu.memref_squeeze %dma_start3A_84 : memref<1x80x128xi32, #tpu.memory_space<hbm>> -> memref<80x128xi32, #tpu.memory_space<hbm>>
      tpu.enqueue_dma source(%dma_start3A_85 : memref<80x128xi32, #tpu.memory_space<hbm>>) target(%dma_start3A_81 : memref<80x128xi32, #tpu.memory_space<vmem>>) target_semaphore(%run_scoped3A : memref<!tpu.dma_semaphore, #tpu.memory_space<semaphore_mem>>)
      %dma_wait3A = arith.constant 0 : i32
      %dma_wait3A_86 = arith.constant 0 : i32
      %dma_wait3A_87 = tpu.memref_slice %arg10[%dma_wait3A, %dma_wait3A_86] : memref<208x128xi32, #tpu.memory_space<vmem>> -> memref<80x128xi32, #tpu.memory_space<vmem>>
      %dma_wait3A_88 = arith.constant 0 : i32
      %dma_wait3A_89 = arith.constant 0 : i32
      %dma_wait3A_90 = tpu.memref_slice %arg4[%add3A, %dma_wait3A_88, %dma_wait3A_89] : memref<32x80x128xi32, #tpu.memory_space<hbm>> -> memref<1x80x128xi32, #tpu.memory_space<hbm>>
      %dma_wait3A_91 = tpu.memref_squeeze %dma_wait3A_90 : memref<1x80x128xi32, #tpu.memory_space<hbm>> -> memref<80x128xi32, #tpu.memory_space<hbm>>
      %dma_wait3A_92 = arith.constant 0 : i32
      %dma_wait3A_93 = arith.constant 0 : i32
      %dma_wait3A_94 = tpu.memref_slice %arg10[%dma_wait3A_92, %dma_wait3A_93] : memref<208x128xi32, #tpu.memory_space<vmem>> -> memref<80x128xi32, #tpu.memory_space<vmem>>
      %dma_wait3A_95 = arith.constant 0 : i32
      %dma_wait3A_96 = arith.constant 0 : i32
      %dma_wait3A_97 = tpu.memref_slice %arg4[%add3A, %dma_wait3A_95, %dma_wait3A_96] : memref<32x80x128xi32, #tpu.memory_space<hbm>> -> memref<1x80x128xi32, #tpu.memory_space<hbm>>
      %dma_wait3A_98 = tpu.memref_squeeze %dma_wait3A_97 : memref<1x80x128xi32, #tpu.memory_space<hbm>> -> memref<80x128xi32, #tpu.memory_space<hbm>>
      tpu.wait_dma2 semaphore(%run_scoped3A : memref<!tpu.dma_semaphore, #tpu.memory_space<semaphore_mem>>) src(%dma_wait3A_98 : memref<80x128xi32, #tpu.memory_space<hbm>>) dst(%dma_wait3A_94 : memref<80x128xi32, #tpu.memory_space<vmem>>)
      tpu.yield
    }) : () -> ()
    "tpu.region"() ({
      %run_scoped3A = tpu.sem_alloc : memref<!tpu.dma_semaphore, #tpu.memory_space<semaphore_mem>>
      %dma_start3A = arith.constant 128 : i32
      %dma_start3A_73 = arith.constant 0 : i32
      %dma_start3A_74 = tpu.memref_slice %arg10[%dma_start3A, %dma_start3A_73] : memref<208x128xi32, #tpu.memory_space<vmem>> -> memref<80x128xi32, #tpu.memory_space<vmem>>
      %dma_start3A_75 = arith.constant 0 : i32
      %dma_start3A_76 = arith.constant 0 : i32
      %dma_start3A_77 = tpu.memref_slice %arg5[%add3A, %dma_start3A_75, %dma_start3A_76] : memref<32x80x128xi32, #tpu.memory_space<hbm>> -> memref<1x80x128xi32, #tpu.memory_space<hbm>>
      %dma_start3A_78 = tpu.memref_squeeze %dma_start3A_77 : memref<1x80x128xi32, #tpu.memory_space<hbm>> -> memref<80x128xi32, #tpu.memory_space<hbm>>
      %dma_start3A_79 = arith.constant 128 : i32
      %dma_start3A_80 = arith.constant 0 : i32
      %dma_start3A_81 = tpu.memref_slice %arg10[%dma_start3A_79, %dma_start3A_80] : memref<208x128xi32, #tpu.memory_space<vmem>> -> memref<80x128xi32, #tpu.memory_space<vmem>>
      %dma_start3A_82 = arith.constant 0 : i32
      %dma_start3A_83 = arith.constant 0 : i32
      %dma_start3A_84 = tpu.memref_slice %arg5[%add3A, %dma_start3A_82, %dma_start3A_83] : memref<32x80x128xi32, #tpu.memory_space<hbm>> -> memref<1x80x128xi32, #tpu.memory_space<hbm>>
      %dma_start3A_85 = tpu.memref_squeeze %dma_start3A_84 : memref<1x80x128xi32, #tpu.memory_space<hbm>> -> memref<80x128xi32, #tpu.memory_space<hbm>>
      tpu.enqueue_dma source(%dma_start3A_85 : memref<80x128xi32, #tpu.memory_space<hbm>>) target(%dma_start3A_81 : memref<80x128xi32, #tpu.memory_space<vmem>>) target_semaphore(%run_scoped3A : memref<!tpu.dma_semaphore, #tpu.memory_space<semaphore_mem>>)
      %dma_wait3A = arith.constant 128 : i32
      %dma_wait3A_86 = arith.constant 0 : i32
      %dma_wait3A_87 = tpu.memref_slice %arg10[%dma_wait3A, %dma_wait3A_86] : memref<208x128xi32, #tpu.memory_space<vmem>> -> memref<80x128xi32, #tpu.memory_space<vmem>>
      %dma_wait3A_88 = arith.constant 0 : i32
      %dma_wait3A_89 = arith.constant 0 : i32
      %dma_wait3A_90 = tpu.memref_slice %arg5[%add3A, %dma_wait3A_88, %dma_wait3A_89] : memref<32x80x128xi32, #tpu.memory_space<hbm>> -> memref<1x80x128xi32, #tpu.memory_space<hbm>>
      %dma_wait3A_91 = tpu.memref_squeeze %dma_wait3A_90 : memref<1x80x128xi32, #tpu.memory_space<hbm>> -> memref<80x128xi32, #tpu.memory_space<hbm>>
      %dma_wait3A_92 = arith.constant 128 : i32
      %dma_wait3A_93 = arith.constant 0 : i32
      %dma_wait3A_94 = tpu.memref_slice %arg10[%dma_wait3A_92, %dma_wait3A_93] : memref<208x128xi32, #tpu.memory_space<vmem>> -> memref<80x128xi32, #tpu.memory_space<vmem>>
      %dma_wait3A_95 = arith.constant 0 : i32
      %dma_wait3A_96 = arith.constant 0 : i32
      %dma_wait3A_97 = tpu.memref_slice %arg5[%add3A, %dma_wait3A_95, %dma_wait3A_96] : memref<32x80x128xi32, #tpu.memory_space<hbm>> -> memref<1x80x128xi32, #tpu.memory_space<hbm>>
      %dma_wait3A_98 = tpu.memref_squeeze %dma_wait3A_97 : memref<1x80x128xi32, #tpu.memory_space<hbm>> -> memref<80x128xi32, #tpu.memory_space<hbm>>
      tpu.wait_dma2 semaphore(%run_scoped3A : memref<!tpu.dma_semaphore, #tpu.memory_space<semaphore_mem>>) src(%dma_wait3A_98 : memref<80x128xi32, #tpu.memory_space<hbm>>) dst(%dma_wait3A_94 : memref<80x128xi32, #tpu.memory_space<vmem>>)
      tpu.yield
    }) : () -> ()
    %mul3A_5 = arith.constant 632 : i32
    %mul3A_6 = arith.muli %arg1, %mul3A_5 : i32
    %add3A_7 = arith.constant 0 : i32
    %add3A_8 = arith.addi %mul3A_6, %add3A_7 : i32
    "tpu.region"() ({
      %run_scoped3A = tpu.sem_alloc : memref<!tpu.dma_semaphore, #tpu.memory_space<semaphore_mem>>
      %dma_start3A = arith.constant 0 : i32
      %dma_start3A_73 = tpu.memref_slice %arg13[%add3A_8, %dma_start3A] : memref<10112x128xf32, #tpu.memory_space<vmem_shared>> -> memref<128x128xf32, #tpu.memory_space<vmem_shared>>
      %dma_start3A_74 = arith.constant 0 : i32
      %dma_start3A_75 = tpu.memref_slice %arg13[%add3A_8, %dma_start3A_74] : memref<10112x128xf32, #tpu.memory_space<vmem_shared>> -> memref<128x128xf32, #tpu.memory_space<vmem_shared>>
      tpu.enqueue_dma source(%arg11 : memref<128x128xf32, #tpu.memory_space<vmem>>) target(%dma_start3A_75 : memref<128x128xf32, #tpu.memory_space<vmem_shared>>) target_semaphore(%run_scoped3A : memref<!tpu.dma_semaphore, #tpu.memory_space<semaphore_mem>>)
      %dma_wait3A = arith.constant 0 : i32
      %dma_wait3A_76 = tpu.memref_slice %arg13[%add3A_8, %dma_wait3A] : memref<10112x128xf32, #tpu.memory_space<vmem_shared>> -> memref<128x128xf32, #tpu.memory_space<vmem_shared>>
      %dma_wait3A_77 = arith.constant 0 : i32
      %dma_wait3A_78 = tpu.memref_slice %arg13[%add3A_8, %dma_wait3A_77] : memref<10112x128xf32, #tpu.memory_space<vmem_shared>> -> memref<128x128xf32, #tpu.memory_space<vmem_shared>>
      tpu.wait_dma2 semaphore(%run_scoped3A : memref<!tpu.dma_semaphore, #tpu.memory_space<semaphore_mem>>) src(%arg11 : memref<128x128xf32, #tpu.memory_space<vmem>>) dst(%dma_wait3A_78 : memref<128x128xf32, #tpu.memory_space<vmem_shared>>)
      tpu.yield
    }) : () -> ()
    %mul3A_9 = arith.constant 632 : i32
    %mul3A_10 = arith.muli %arg1, %mul3A_9 : i32
    %add3A_11 = arith.constant 128 : i32
    %add3A_12 = arith.addi %mul3A_10, %add3A_11 : i32
    "tpu.region"() ({
      %run_scoped3A = tpu.sem_alloc : memref<!tpu.dma_semaphore, #tpu.memory_space<semaphore_mem>>
      %dma_start3A = arith.constant 0 : i32
      %dma_start3A_73 = tpu.memref_slice %arg13[%add3A_12, %dma_start3A] : memref<10112x128xf32, #tpu.memory_space<vmem_shared>> -> memref<128x128xf32, #tpu.memory_space<vmem_shared>>
      %dma_start3A_74 = arith.constant 0 : i32
      %dma_start3A_75 = tpu.memref_slice %arg13[%add3A_12, %dma_start3A_74] : memref<10112x128xf32, #tpu.memory_space<vmem_shared>> -> memref<128x128xf32, #tpu.memory_space<vmem_shared>>
      tpu.enqueue_dma source(%arg11 : memref<128x128xf32, #tpu.memory_space<vmem>>) target(%dma_start3A_75 : memref<128x128xf32, #tpu.memory_space<vmem_shared>>) target_semaphore(%run_scoped3A : memref<!tpu.dma_semaphore, #tpu.memory_space<semaphore_mem>>)
      %dma_wait3A = arith.constant 0 : i32
      %dma_wait3A_76 = tpu.memref_slice %arg13[%add3A_12, %dma_wait3A] : memref<10112x128xf32, #tpu.memory_space<vmem_shared>> -> memref<128x128xf32, #tpu.memory_space<vmem_shared>>
      %dma_wait3A_77 = arith.constant 0 : i32
      %dma_wait3A_78 = tpu.memref_slice %arg13[%add3A_12, %dma_wait3A_77] : memref<10112x128xf32, #tpu.memory_space<vmem_shared>> -> memref<128x128xf32, #tpu.memory_space<vmem_shared>>
      tpu.wait_dma2 semaphore(%run_scoped3A : memref<!tpu.dma_semaphore, #tpu.memory_space<semaphore_mem>>) src(%arg11 : memref<128x128xf32, #tpu.memory_space<vmem>>) dst(%dma_wait3A_78 : memref<128x128xf32, #tpu.memory_space<vmem_shared>>)
      tpu.yield
    }) : () -> ()
    %mul3A_13 = arith.constant 632 : i32
    %mul3A_14 = arith.muli %arg1, %mul3A_13 : i32
    %add3A_15 = arith.constant 256 : i32
    %add3A_16 = arith.addi %mul3A_14, %add3A_15 : i32
    "tpu.region"() ({
      %run_scoped3A = tpu.sem_alloc : memref<!tpu.dma_semaphore, #tpu.memory_space<semaphore_mem>>
      %dma_start3A = arith.constant 0 : i32
      %dma_start3A_73 = tpu.memref_slice %arg13[%add3A_16, %dma_start3A] : memref<10112x128xf32, #tpu.memory_space<vmem_shared>> -> memref<128x128xf32, #tpu.memory_space<vmem_shared>>
      %dma_start3A_74 = arith.constant 0 : i32
      %dma_start3A_75 = tpu.memref_slice %arg13[%add3A_16, %dma_start3A_74] : memref<10112x128xf32, #tpu.memory_space<vmem_shared>> -> memref<128x128xf32, #tpu.memory_space<vmem_shared>>
      tpu.enqueue_dma source(%arg11 : memref<128x128xf32, #tpu.memory_space<vmem>>) target(%dma_start3A_75 : memref<128x128xf32, #tpu.memory_space<vmem_shared>>) target_semaphore(%run_scoped3A : memref<!tpu.dma_semaphore, #tpu.memory_space<semaphore_mem>>)
      %dma_wait3A = arith.constant 0 : i32
      %dma_wait3A_76 = tpu.memref_slice %arg13[%add3A_16, %dma_wait3A] : memref<10112x128xf32, #tpu.memory_space<vmem_shared>> -> memref<128x128xf32, #tpu.memory_space<vmem_shared>>
      %dma_wait3A_77 = arith.constant 0 : i32
      %dma_wait3A_78 = tpu.memref_slice %arg13[%add3A_16, %dma_wait3A_77] : memref<10112x128xf32, #tpu.memory_space<vmem_shared>> -> memref<128x128xf32, #tpu.memory_space<vmem_shared>>
      tpu.wait_dma2 semaphore(%run_scoped3A : memref<!tpu.dma_semaphore, #tpu.memory_space<semaphore_mem>>) src(%arg11 : memref<128x128xf32, #tpu.memory_space<vmem>>) dst(%dma_wait3A_78 : memref<128x128xf32, #tpu.memory_space<vmem_shared>>)
      tpu.yield
    }) : () -> ()
    %mul3A_17 = arith.constant 632 : i32
    %mul3A_18 = arith.muli %arg1, %mul3A_17 : i32
    %add3A_19 = arith.constant 384 : i32
    %add3A_20 = arith.addi %mul3A_18, %add3A_19 : i32
    "tpu.region"() ({
      %run_scoped3A = tpu.sem_alloc : memref<!tpu.dma_semaphore, #tpu.memory_space<semaphore_mem>>
      %dma_start3A = arith.constant 0 : i32
      %dma_start3A_73 = tpu.memref_slice %arg13[%add3A_20, %dma_start3A] : memref<10112x128xf32, #tpu.memory_space<vmem_shared>> -> memref<128x128xf32, #tpu.memory_space<vmem_shared>>
      %dma_start3A_74 = arith.constant 0 : i32
      %dma_start3A_75 = tpu.memref_slice %arg13[%add3A_20, %dma_start3A_74] : memref<10112x128xf32, #tpu.memory_space<vmem_shared>> -> memref<128x128xf32, #tpu.memory_space<vmem_shared>>
      tpu.enqueue_dma source(%arg11 : memref<128x128xf32, #tpu.memory_space<vmem>>) target(%dma_start3A_75 : memref<128x128xf32, #tpu.memory_space<vmem_shared>>) target_semaphore(%run_scoped3A : memref<!tpu.dma_semaphore, #tpu.memory_space<semaphore_mem>>)
      %dma_wait3A = arith.constant 0 : i32
      %dma_wait3A_76 = tpu.memref_slice %arg13[%add3A_20, %dma_wait3A] : memref<10112x128xf32, #tpu.memory_space<vmem_shared>> -> memref<128x128xf32, #tpu.memory_space<vmem_shared>>
      %dma_wait3A_77 = arith.constant 0 : i32
      %dma_wait3A_78 = tpu.memref_slice %arg13[%add3A_20, %dma_wait3A_77] : memref<10112x128xf32, #tpu.memory_space<vmem_shared>> -> memref<128x128xf32, #tpu.memory_space<vmem_shared>>
      tpu.wait_dma2 semaphore(%run_scoped3A : memref<!tpu.dma_semaphore, #tpu.memory_space<semaphore_mem>>) src(%arg11 : memref<128x128xf32, #tpu.memory_space<vmem>>) dst(%dma_wait3A_78 : memref<128x128xf32, #tpu.memory_space<vmem_shared>>)
      tpu.yield
    }) : () -> ()
    %mul3A_21 = arith.constant 632 : i32
    %mul3A_22 = arith.muli %arg1, %mul3A_21 : i32
    %add3A_23 = arith.constant 512 : i32
    %add3A_24 = arith.addi %mul3A_22, %add3A_23 : i32
    "tpu.region"() ({
      %run_scoped3A = tpu.sem_alloc : memref<!tpu.dma_semaphore, #tpu.memory_space<semaphore_mem>>
      %dma_start3A = arith.constant 0 : i32
      %dma_start3A_73 = arith.constant 0 : i32
      %dma_start3A_74 = tpu.memref_slice %arg11[%dma_start3A, %dma_start3A_73] : memref<128x128xf32, #tpu.memory_space<vmem>> -> memref<120x128xf32, #tpu.memory_space<vmem>>
      %dma_start3A_75 = arith.constant 0 : i32
      %dma_start3A_76 = tpu.memref_slice %arg13[%add3A_24, %dma_start3A_75] : memref<10112x128xf32, #tpu.memory_space<vmem_shared>> -> memref<120x128xf32, #tpu.memory_space<vmem_shared>>
      %dma_start3A_77 = arith.constant 0 : i32
      %dma_start3A_78 = tpu.memref_slice %arg13[%add3A_24, %dma_start3A_77] : memref<10112x128xf32, #tpu.memory_space<vmem_shared>> -> memref<120x128xf32, #tpu.memory_space<vmem_shared>>
      %dma_start3A_79 = arith.constant 0 : i32
      %dma_start3A_80 = arith.constant 0 : i32
      %dma_start3A_81 = tpu.memref_slice %arg11[%dma_start3A_79, %dma_start3A_80] : memref<128x128xf32, #tpu.memory_space<vmem>> -> memref<120x128xf32, #tpu.memory_space<vmem>>
      tpu.enqueue_dma source(%dma_start3A_81 : memref<120x128xf32, #tpu.memory_space<vmem>>) target(%dma_start3A_78 : memref<120x128xf32, #tpu.memory_space<vmem_shared>>) target_semaphore(%run_scoped3A : memref<!tpu.dma_semaphore, #tpu.memory_space<semaphore_mem>>)
      %dma_wait3A = arith.constant 0 : i32
      %dma_wait3A_82 = arith.constant 0 : i32
      %dma_wait3A_83 = tpu.memref_slice %arg11[%dma_wait3A, %dma_wait3A_82] : memref<128x128xf32, #tpu.memory_space<vmem>> -> memref<120x128xf32, #tpu.memory_space<vmem>>
      %dma_wait3A_84 = arith.constant 0 : i32
      %dma_wait3A_85 = tpu.memref_slice %arg13[%add3A_24, %dma_wait3A_84] : memref<10112x128xf32, #tpu.memory_space<vmem_shared>> -> memref<120x128xf32, #tpu.memory_space<vmem_shared>>
      %dma_wait3A_86 = arith.constant 0 : i32
      %dma_wait3A_87 = tpu.memref_slice %arg13[%add3A_24, %dma_wait3A_86] : memref<10112x128xf32, #tpu.memory_space<vmem_shared>> -> memref<120x128xf32, #tpu.memory_space<vmem_shared>>
      %dma_wait3A_88 = arith.constant 0 : i32
      %dma_wait3A_89 = arith.constant 0 : i32
      %dma_wait3A_90 = tpu.memref_slice %arg11[%dma_wait3A_88, %dma_wait3A_89] : memref<128x128xf32, #tpu.memory_space<vmem>> -> memref<120x128xf32, #tpu.memory_space<vmem>>
      tpu.wait_dma2 semaphore(%run_scoped3A : memref<!tpu.dma_semaphore, #tpu.memory_space<semaphore_mem>>) src(%dma_wait3A_90 : memref<120x128xf32, #tpu.memory_space<vmem>>) dst(%dma_wait3A_87 : memref<120x128xf32, #tpu.memory_space<vmem_shared>>)
      tpu.yield
    }) : () -> ()
    %barrier3A = arith.constant 0 : index
    tpu.barrier barrier_id(%barrier3A)
    %scan3A_25 = arith.constant 0 : i32
    %scan3A_26 = arith.constant 80 : i32
    %scan3A_27 = arith.addi %scan3A_25, %scan3A_26 : i32
    %scan3A_28 = arith.constant 1 : i32
    scf.for %scan3A_73 = %scan3A_25 to %scan3A_27 step %scan3A_28  : i32 {
      %mul3A_74 = arith.constant 1 : i32
      %mul3A_75 = arith.muli %scan3A_73, %mul3A_74 : i32
      %add3A_76 = arith.constant 0 : i32
      %add3A_77 = arith.addi %add3A_76, %mul3A_75 : i32
      %dma_start3A = arith.constant 0 : i32
      %dma_start3A_78 = tpu.memref_slice %arg10[%add3A_77, %dma_start3A] : memref<208x128xi32, #tpu.memory_space<vmem>> -> memref<1x128xi32, #tpu.memory_space<vmem>>
      %dma_start3A_79 = tpu.memref_squeeze %dma_start3A_78 : memref<1x128xi32, #tpu.memory_space<vmem>> -> memref<128xi32, #tpu.memory_space<vmem>>
      %dma_start3A_80 = arith.constant 0 : i32
      %dma_start3A_81 = arith.constant 0 : i32
      %dma_start3A_82 = tpu.memref_slice %arg2[%dma_start3A_80, %dma_start3A_81] : memref<10000x128xf32, #tpu.memory_space<hbm>> -> memref<10000x128xf32, #tpu.memory_space<hbm>>
      tpu.enqueue_indirect_dma source(%dma_start3A_82 : memref<10000x128xf32, #tpu.memory_space<hbm>>) target(%arg11 : memref<128x128xf32, #tpu.memory_space<vmem>>) offsets(%dma_start3A_79 : memref<128xi32, #tpu.memory_space<vmem>>) semaphore(%arg12 : memref<!tpu.dma_semaphore, #tpu.memory_space<semaphore_mem>>)
      %dma_wait3A = arith.constant 0 : i32
      %dma_wait3A_83 = tpu.memref_slice %arg10[%add3A_77, %dma_wait3A] : memref<208x128xi32, #tpu.memory_space<vmem>> -> memref<1x128xi32, #tpu.memory_space<vmem>>
      %dma_wait3A_84 = tpu.memref_squeeze %dma_wait3A_83 : memref<1x128xi32, #tpu.memory_space<vmem>> -> memref<128xi32, #tpu.memory_space<vmem>>
      %dma_wait3A_85 = arith.constant 0 : i32
      %dma_wait3A_86 = arith.constant 0 : i32
      %dma_wait3A_87 = tpu.memref_slice %arg2[%dma_wait3A_85, %dma_wait3A_86] : memref<10000x128xf32, #tpu.memory_space<hbm>> -> memref<10000x128xf32, #tpu.memory_space<hbm>>
      tpu.wait_indirect_dma semaphore(%arg12 : memref<!tpu.dma_semaphore, #tpu.memory_space<semaphore_mem>>) src(%dma_wait3A_87 : memref<10000x128xf32, #tpu.memory_space<hbm>>) dst(%arg11 : memref<128x128xf32, #tpu.memory_space<vmem>>)
      %add3A_88 = arith.constant 128 : i32
      %add3A_89 = arith.addi %add3A_88, %add3A_77 : i32
      "tpu.region"() ({
        %run_scoped3A = tpu.sem_alloc : memref<!tpu.dma_semaphore, #tpu.memory_space<semaphore_mem>>
        %dma_start3A_90 = arith.constant 0 : i32
        %dma_start3A_91 = tpu.memref_slice %arg10[%add3A_89, %dma_start3A_90] : memref<208x128xi32, #tpu.memory_space<vmem>> -> memref<1x128xi32, #tpu.memory_space<vmem>>
        %dma_start3A_92 = tpu.memref_squeeze %dma_start3A_91 : memref<1x128xi32, #tpu.memory_space<vmem>> -> memref<128xi32, #tpu.memory_space<vmem>>
        %dma_start3A_93 = arith.constant 0 : i32
        %dma_start3A_94 = arith.constant 0 : i32
        %dma_start3A_95 = tpu.memref_slice %arg13[%dma_start3A_93, %dma_start3A_94] : memref<10112x128xf32, #tpu.memory_space<vmem_shared>> -> memref<10112x128xf32, #tpu.memory_space<vmem_shared>>
        tpu.enqueue_indirect_dma source(%arg11 : memref<128x128xf32, #tpu.memory_space<vmem>>) target(%dma_start3A_95 : memref<10112x128xf32, #tpu.memory_space<vmem_shared>>) offsets(%dma_start3A_92 : memref<128xi32, #tpu.memory_space<vmem>>) semaphore(%run_scoped3A : memref<!tpu.dma_semaphore, #tpu.memory_space<semaphore_mem>>) {add = true}
        %dma_wait3A_96 = arith.constant 0 : i32
        %dma_wait3A_97 = tpu.memref_slice %arg10[%add3A_89, %dma_wait3A_96] : memref<208x128xi32, #tpu.memory_space<vmem>> -> memref<1x128xi32, #tpu.memory_space<vmem>>
        %dma_wait3A_98 = tpu.memref_squeeze %dma_wait3A_97 : memref<1x128xi32, #tpu.memory_space<vmem>> -> memref<128xi32, #tpu.memory_space<vmem>>
        %dma_wait3A_99 = arith.constant 0 : i32
        %dma_wait3A_100 = arith.constant 0 : i32
        %dma_wait3A_101 = tpu.memref_slice %arg13[%dma_wait3A_99, %dma_wait3A_100] : memref<10112x128xf32, #tpu.memory_space<vmem_shared>> -> memref<10112x128xf32, #tpu.memory_space<vmem_shared>>
        tpu.wait_indirect_dma semaphore(%run_scoped3A : memref<!tpu.dma_semaphore, #tpu.memory_space<semaphore_mem>>) src(%arg11 : memref<128x128xf32, #tpu.memory_space<vmem>>) dst(%dma_wait3A_101 : memref<10112x128xf32, #tpu.memory_space<vmem_shared>>)
        tpu.yield
      }) : () -> ()
    }
    %scan3A_29 = arith.constant 80 : i32
    %barrier3A_30 = arith.constant 0 : index
    tpu.barrier barrier_id(%barrier3A_30)
    %mul3A_31 = arith.constant 632 : i32
    %mul3A_32 = arith.muli %arg1, %mul3A_31 : i32
    %mul3A_33 = arith.constant 632 : i32
    %mul3A_34 = arith.muli %arg1, %mul3A_33 : i32
    "tpu.region"() ({
      %run_scoped3A = tpu.sem_alloc : memref<!tpu.dma_semaphore, #tpu.memory_space<semaphore_mem>>
      %dma_start3A = arith.constant 0 : i32
      %dma_start3A_73 = tpu.memref_slice %arg8[%arg0, %mul3A_34, %dma_start3A] : memref<2x10112x128xf32, #tpu.memory_space<hbm>> -> memref<1x632x128xf32, #tpu.memory_space<hbm>>
      %dma_start3A_74 = tpu.memref_squeeze %dma_start3A_73 : memref<1x632x128xf32, #tpu.memory_space<hbm>> -> memref<632x128xf32, #tpu.memory_space<hbm>>
      %dma_start3A_75 = arith.constant 0 : i32
      %dma_start3A_76 = tpu.memref_slice %arg13[%mul3A_32, %dma_start3A_75] : memref<10112x128xf32, #tpu.memory_space<vmem_shared>> -> memref<632x128xf32, #tpu.memory_space<vmem_shared>>
      tpu.enqueue_dma source(%dma_start3A_76 : memref<632x128xf32, #tpu.memory_space<vmem_shared>>) target(%dma_start3A_74 : memref<632x128xf32, #tpu.memory_space<hbm>>) target_semaphore(%run_scoped3A : memref<!tpu.dma_semaphore, #tpu.memory_space<semaphore_mem>>)
      %dma_wait3A = arith.constant 0 : i32
      %dma_wait3A_77 = tpu.memref_slice %arg8[%arg0, %mul3A_34, %dma_wait3A] : memref<2x10112x128xf32, #tpu.memory_space<hbm>> -> memref<1x632x128xf32, #tpu.memory_space<hbm>>
      %dma_wait3A_78 = tpu.memref_squeeze %dma_wait3A_77 : memref<1x632x128xf32, #tpu.memory_space<hbm>> -> memref<632x128xf32, #tpu.memory_space<hbm>>
      %dma_wait3A_79 = arith.constant 0 : i32
      %dma_wait3A_80 = tpu.memref_slice %arg13[%mul3A_32, %dma_wait3A_79] : memref<10112x128xf32, #tpu.memory_space<vmem_shared>> -> memref<632x128xf32, #tpu.memory_space<vmem_shared>>
      tpu.wait_dma2 semaphore(%run_scoped3A : memref<!tpu.dma_semaphore, #tpu.memory_space<semaphore_mem>>) src(%dma_wait3A_80 : memref<632x128xf32, #tpu.memory_space<vmem_shared>>) dst(%dma_wait3A_78 : memref<632x128xf32, #tpu.memory_space<hbm>>)
      tpu.yield
    }) : () -> ()
    %barrier3A_35 = arith.constant 0 : index
    tpu.barrier barrier_id(%barrier3A_35)
    %scan3A_36 = arith.constant 0 : i32
    %scan3A_37 = arith.constant 128 : i32
    %scan3A_38 = arith.addi %scan3A_36, %scan3A_37 : i32
    %scan3A_39 = arith.constant 1 : i32
    scf.for %scan3A_73 = %scan3A_36 to %scan3A_38 step %scan3A_39  : i32 {
      %mul3A_74 = arith.constant 1 : i32
      %mul3A_75 = arith.muli %scan3A_73, %mul3A_74 : i32
      %add3A_76 = arith.constant 0 : i32
      %add3A_77 = arith.addi %add3A_76, %mul3A_75 : i32
      %broadcast_in_dim3A = arith.constant 0.000000e+00 : f32
      %broadcast_in_dim3A_78 = vector.broadcast %broadcast_in_dim3A : f32 to vector<16xf32>
      %swap3A = arith.index_cast %add3A_77 : i32 to index
      %swap3A_79 = arith.constant 0 : index
      %swap3A_80 = tpu.vector_load %arg11[%swap3A, %swap3A_79] {strides = array<i32>} : memref<128x128xf32, #tpu.memory_space<vmem>>, vector<1x16xf32>,
      %swap3A_81 = vector.shape_cast %swap3A_80 : vector<1x16xf32> to vector<16xf32>
      %swap3A_82 = vector.shape_cast %broadcast_in_dim3A_78 : vector<16xf32> to vector<1x16xf32>
      tpu.vector_store %arg11[%swap3A, %swap3A_79], %swap3A_82 {strides = array<i32>} : memref<128x128xf32, #tpu.memory_space<vmem>>, vector<1x16xf32>,
      %broadcast_in_dim3A_83 = arith.constant 0.000000e+00 : f32
      %broadcast_in_dim3A_84 = vector.broadcast %broadcast_in_dim3A_83 : f32 to vector<16xf32>
      %swap3A_85 = arith.index_cast %add3A_77 : i32 to index
      %swap3A_86 = arith.constant 16 : index
      %swap3A_87 = tpu.vector_load %arg11[%swap3A_85, %swap3A_86] {strides = array<i32>} : memref<128x128xf32, #tpu.memory_space<vmem>>, vector<1x16xf32>,
      %swap3A_88 = vector.shape_cast %swap3A_87 : vector<1x16xf32> to vector<16xf32>
      %swap3A_89 = vector.shape_cast %broadcast_in_dim3A_84 : vector<16xf32> to vector<1x16xf32>
      tpu.vector_store %arg11[%swap3A_85, %swap3A_86], %swap3A_89 {strides = array<i32>} : memref<128x128xf32, #tpu.memory_space<vmem>>, vector<1x16xf32>,
      %broadcast_in_dim3A_90 = arith.constant 0.000000e+00 : f32
      %broadcast_in_dim3A_91 = vector.broadcast %broadcast_in_dim3A_90 : f32 to vector<16xf32>
      %swap3A_92 = arith.index_cast %add3A_77 : i32 to index
      %swap3A_93 = arith.constant 32 : index
      %swap3A_94 = tpu.vector_load %arg11[%swap3A_92, %swap3A_93] {strides = array<i32>} : memref<128x128xf32, #tpu.memory_space<vmem>>, vector<1x16xf32>,
      %swap3A_95 = vector.shape_cast %swap3A_94 : vector<1x16xf32> to vector<16xf32>
      %swap3A_96 = vector.shape_cast %broadcast_in_dim3A_91 : vector<16xf32> to vector<1x16xf32>
      tpu.vector_store %arg11[%swap3A_92, %swap3A_93], %swap3A_96 {strides = array<i32>} : memref<128x128xf32, #tpu.memory_space<vmem>>, vector<1x16xf32>,
      %broadcast_in_dim3A_97 = arith.constant 0.000000e+00 : f32
      %broadcast_in_dim3A_98 = vector.broadcast %broadcast_in_dim3A_97 : f32 to vector<16xf32>
      %swap3A_99 = arith.index_cast %add3A_77 : i32 to index
      %swap3A_100 = arith.constant 48 : index
      %swap3A_101 = tpu.vector_load %arg11[%swap3A_99, %swap3A_100] {strides = array<i32>} : memref<128x128xf32, #tpu.memory_space<vmem>>, vector<1x16xf32>,
      %swap3A_102 = vector.shape_cast %swap3A_101 : vector<1x16xf32> to vector<16xf32>
      %swap3A_103 = vector.shape_cast %broadcast_in_dim3A_98 : vector<16xf32> to vector<1x16xf32>
      tpu.vector_store %arg11[%swap3A_99, %swap3A_100], %swap3A_103 {strides = array<i32>} : memref<128x128xf32, #tpu.memory_space<vmem>>, vector<1x16xf32>,
      %broadcast_in_dim3A_104 = arith.constant 0.000000e+00 : f32
      %broadcast_in_dim3A_105 = vector.broadcast %broadcast_in_dim3A_104 : f32 to vector<16xf32>
      %swap3A_106 = arith.index_cast %add3A_77 : i32 to index
      %swap3A_107 = arith.constant 64 : index
      %swap3A_108 = tpu.vector_load %arg11[%swap3A_106, %swap3A_107] {strides = array<i32>} : memref<128x128xf32, #tpu.memory_space<vmem>>, vector<1x16xf32>,
      %swap3A_109 = vector.shape_cast %swap3A_108 : vector<1x16xf32> to vector<16xf32>
      %swap3A_110 = vector.shape_cast %broadcast_in_dim3A_105 : vector<16xf32> to vector<1x16xf32>
      tpu.vector_store %arg11[%swap3A_106, %swap3A_107], %swap3A_110 {strides = array<i32>} : memref<128x128xf32, #tpu.memory_space<vmem>>, vector<1x16xf32>,
      %broadcast_in_dim3A_111 = arith.constant 0.000000e+00 : f32
      %broadcast_in_dim3A_112 = vector.broadcast %broadcast_in_dim3A_111 : f32 to vector<16xf32>
      %swap3A_113 = arith.index_cast %add3A_77 : i32 to index
      %swap3A_114 = arith.constant 80 : index
      %swap3A_115 = tpu.vector_load %arg11[%swap3A_113, %swap3A_114] {strides = array<i32>} : memref<128x128xf32, #tpu.memory_space<vmem>>, vector<1x16xf32>,
      %swap3A_116 = vector.shape_cast %swap3A_115 : vector<1x16xf32> to vector<16xf32>
      %swap3A_117 = vector.shape_cast %broadcast_in_dim3A_112 : vector<16xf32> to vector<1x16xf32>
      tpu.vector_store %arg11[%swap3A_113, %swap3A_114], %swap3A_117 {strides = array<i32>} : memref<128x128xf32, #tpu.memory_space<vmem>>, vector<1x16xf32>,
      %broadcast_in_dim3A_118 = arith.constant 0.000000e+00 : f32
      %broadcast_in_dim3A_119 = vector.broadcast %broadcast_in_dim3A_118 : f32 to vector<16xf32>
      %swap3A_120 = arith.index_cast %add3A_77 : i32 to index
      %swap3A_121 = arith.constant 96 : index
      %swap3A_122 = tpu.vector_load %arg11[%swap3A_120, %swap3A_121] {strides = array<i32>} : memref<128x128xf32, #tpu.memory_space<vmem>>, vector<1x16xf32>,
      %swap3A_123 = vector.shape_cast %swap3A_122 : vector<1x16xf32> to vector<16xf32>
      %swap3A_124 = vector.shape_cast %broadcast_in_dim3A_119 : vector<16xf32> to vector<1x16xf32>
      tpu.vector_store %arg11[%swap3A_120, %swap3A_121], %swap3A_124 {strides = array<i32>} : memref<128x128xf32, #tpu.memory_space<vmem>>, vector<1x16xf32>,
      %broadcast_in_dim3A_125 = arith.constant 0.000000e+00 : f32
      %broadcast_in_dim3A_126 = vector.broadcast %broadcast_in_dim3A_125 : f32 to vector<16xf32>
      %swap3A_127 = arith.index_cast %add3A_77 : i32 to index
      %swap3A_128 = arith.constant 112 : index
      %swap3A_129 = tpu.vector_load %arg11[%swap3A_127, %swap3A_128] {strides = array<i32>} : memref<128x128xf32, #tpu.memory_space<vmem>>, vector<1x16xf32>,
      %swap3A_130 = vector.shape_cast %swap3A_129 : vector<1x16xf32> to vector<16xf32>
      %swap3A_131 = vector.shape_cast %broadcast_in_dim3A_126 : vector<16xf32> to vector<1x16xf32>
      tpu.vector_store %arg11[%swap3A_127, %swap3A_128], %swap3A_131 {strides = array<i32>} : memref<128x128xf32, #tpu.memory_space<vmem>>, vector<1x16xf32>,
    }
    %scan3A_40 = arith.constant 128 : i32
    "tpu.region"() ({
      %run_scoped3A = tpu.sem_alloc : memref<!tpu.dma_semaphore, #tpu.memory_space<semaphore_mem>>
      %dma_start3A = arith.constant 0 : i32
      %dma_start3A_73 = arith.constant 0 : i32
      %dma_start3A_74 = tpu.memref_slice %arg10[%dma_start3A, %dma_start3A_73] : memref<208x128xi32, #tpu.memory_space<vmem>> -> memref<80x128xi32, #tpu.memory_space<vmem>>
      %dma_start3A_75 = arith.constant 0 : i32
      %dma_start3A_76 = arith.constant 0 : i32
      %dma_start3A_77 = tpu.memref_slice %arg6[%add3A, %dma_start3A_75, %dma_start3A_76] : memref<32x80x128xi32, #tpu.memory_space<hbm>> -> memref<1x80x128xi32, #tpu.memory_space<hbm>>
      %dma_start3A_78 = tpu.memref_squeeze %dma_start3A_77 : memref<1x80x128xi32, #tpu.memory_space<hbm>> -> memref<80x128xi32, #tpu.memory_space<hbm>>
      %dma_start3A_79 = arith.constant 0 : i32
      %dma_start3A_80 = arith.constant 0 : i32
      %dma_start3A_81 = tpu.memref_slice %arg10[%dma_start3A_79, %dma_start3A_80] : memref<208x128xi32, #tpu.memory_space<vmem>> -> memref<80x128xi32, #tpu.memory_space<vmem>>
      %dma_start3A_82 = arith.constant 0 : i32
      %dma_start3A_83 = arith.constant 0 : i32
      %dma_start3A_84 = tpu.memref_slice %arg6[%add3A, %dma_start3A_82, %dma_start3A_83] : memref<32x80x128xi32, #tpu.memory_space<hbm>> -> memref<1x80x128xi32, #tpu.memory_space<hbm>>
      %dma_start3A_85 = tpu.memref_squeeze %dma_start3A_84 : memref<1x80x128xi32, #tpu.memory_space<hbm>> -> memref<80x128xi32, #tpu.memory_space<hbm>>
      tpu.enqueue_dma source(%dma_start3A_85 : memref<80x128xi32, #tpu.memory_space<hbm>>) target(%dma_start3A_81 : memref<80x128xi32, #tpu.memory_space<vmem>>) target_semaphore(%run_scoped3A : memref<!tpu.dma_semaphore, #tpu.memory_space<semaphore_mem>>)
      %dma_wait3A = arith.constant 0 : i32
      %dma_wait3A_86 = arith.constant 0 : i32
      %dma_wait3A_87 = tpu.memref_slice %arg10[%dma_wait3A, %dma_wait3A_86] : memref<208x128xi32, #tpu.memory_space<vmem>> -> memref<80x128xi32, #tpu.memory_space<vmem>>
      %dma_wait3A_88 = arith.constant 0 : i32
      %dma_wait3A_89 = arith.constant 0 : i32
      %dma_wait3A_90 = tpu.memref_slice %arg6[%add3A, %dma_wait3A_88, %dma_wait3A_89] : memref<32x80x128xi32, #tpu.memory_space<hbm>> -> memref<1x80x128xi32, #tpu.memory_space<hbm>>
      %dma_wait3A_91 = tpu.memref_squeeze %dma_wait3A_90 : memref<1x80x128xi32, #tpu.memory_space<hbm>> -> memref<80x128xi32, #tpu.memory_space<hbm>>
      %dma_wait3A_92 = arith.constant 0 : i32
      %dma_wait3A_93 = arith.constant 0 : i32
      %dma_wait3A_94 = tpu.memref_slice %arg10[%dma_wait3A_92, %dma_wait3A_93] : memref<208x128xi32, #tpu.memory_space<vmem>> -> memref<80x128xi32, #tpu.memory_space<vmem>>
      %dma_wait3A_95 = arith.constant 0 : i32
      %dma_wait3A_96 = arith.constant 0 : i32
      %dma_wait3A_97 = tpu.memref_slice %arg6[%add3A, %dma_wait3A_95, %dma_wait3A_96] : memref<32x80x128xi32, #tpu.memory_space<hbm>> -> memref<1x80x128xi32, #tpu.memory_space<hbm>>
      %dma_wait3A_98 = tpu.memref_squeeze %dma_wait3A_97 : memref<1x80x128xi32, #tpu.memory_space<hbm>> -> memref<80x128xi32, #tpu.memory_space<hbm>>
      tpu.wait_dma2 semaphore(%run_scoped3A : memref<!tpu.dma_semaphore, #tpu.memory_space<semaphore_mem>>) src(%dma_wait3A_98 : memref<80x128xi32, #tpu.memory_space<hbm>>) dst(%dma_wait3A_94 : memref<80x128xi32, #tpu.memory_space<vmem>>)
      tpu.yield
    }) : () -> ()
    "tpu.region"() ({
      %run_scoped3A = tpu.sem_alloc : memref<!tpu.dma_semaphore, #tpu.memory_space<semaphore_mem>>
      %dma_start3A = arith.constant 128 : i32
      %dma_start3A_73 = arith.constant 0 : i32
      %dma_start3A_74 = tpu.memref_slice %arg10[%dma_start3A, %dma_start3A_73] : memref<208x128xi32, #tpu.memory_space<vmem>> -> memref<80x128xi32, #tpu.memory_space<vmem>>
      %dma_start3A_75 = arith.constant 0 : i32
      %dma_start3A_76 = arith.constant 0 : i32
      %dma_start3A_77 = tpu.memref_slice %arg7[%add3A, %dma_start3A_75, %dma_start3A_76] : memref<32x80x128xi32, #tpu.memory_space<hbm>> -> memref<1x80x128xi32, #tpu.memory_space<hbm>>
      %dma_start3A_78 = tpu.memref_squeeze %dma_start3A_77 : memref<1x80x128xi32, #tpu.memory_space<hbm>> -> memref<80x128xi32, #tpu.memory_space<hbm>>
      %dma_start3A_79 = arith.constant 128 : i32
      %dma_start3A_80 = arith.constant 0 : i32
      %dma_start3A_81 = tpu.memref_slice %arg10[%dma_start3A_79, %dma_start3A_80] : memref<208x128xi32, #tpu.memory_space<vmem>> -> memref<80x128xi32, #tpu.memory_space<vmem>>
      %dma_start3A_82 = arith.constant 0 : i32
      %dma_start3A_83 = arith.constant 0 : i32
      %dma_start3A_84 = tpu.memref_slice %arg7[%add3A, %dma_start3A_82, %dma_start3A_83] : memref<32x80x128xi32, #tpu.memory_space<hbm>> -> memref<1x80x128xi32, #tpu.memory_space<hbm>>
      %dma_start3A_85 = tpu.memref_squeeze %dma_start3A_84 : memref<1x80x128xi32, #tpu.memory_space<hbm>> -> memref<80x128xi32, #tpu.memory_space<hbm>>
      tpu.enqueue_dma source(%dma_start3A_85 : memref<80x128xi32, #tpu.memory_space<hbm>>) target(%dma_start3A_81 : memref<80x128xi32, #tpu.memory_space<vmem>>) target_semaphore(%run_scoped3A : memref<!tpu.dma_semaphore, #tpu.memory_space<semaphore_mem>>)
      %dma_wait3A = arith.constant 128 : i32
      %dma_wait3A_86 = arith.constant 0 : i32
      %dma_wait3A_87 = tpu.memref_slice %arg10[%dma_wait3A, %dma_wait3A_86] : memref<208x128xi32, #tpu.memory_space<vmem>> -> memref<80x128xi32, #tpu.memory_space<vmem>>
      %dma_wait3A_88 = arith.constant 0 : i32
      %dma_wait3A_89 = arith.constant 0 : i32
      %dma_wait3A_90 = tpu.memref_slice %arg7[%add3A, %dma_wait3A_88, %dma_wait3A_89] : memref<32x80x128xi32, #tpu.memory_space<hbm>> -> memref<1x80x128xi32, #tpu.memory_space<hbm>>
      %dma_wait3A_91 = tpu.memref_squeeze %dma_wait3A_90 : memref<1x80x128xi32, #tpu.memory_space<hbm>> -> memref<80x128xi32, #tpu.memory_space<hbm>>
      %dma_wait3A_92 = arith.constant 128 : i32
      %dma_wait3A_93 = arith.constant 0 : i32
      %dma_wait3A_94 = tpu.memref_slice %arg10[%dma_wait3A_92, %dma_wait3A_93] : memref<208x128xi32, #tpu.memory_space<vmem>> -> memref<80x128xi32, #tpu.memory_space<vmem>>
      %dma_wait3A_95 = arith.constant 0 : i32
      %dma_wait3A_96 = arith.constant 0 : i32
      %dma_wait3A_97 = tpu.memref_slice %arg7[%add3A, %dma_wait3A_95, %dma_wait3A_96] : memref<32x80x128xi32, #tpu.memory_space<hbm>> -> memref<1x80x128xi32, #tpu.memory_space<hbm>>
      %dma_wait3A_98 = tpu.memref_squeeze %dma_wait3A_97 : memref<1x80x128xi32, #tpu.memory_space<hbm>> -> memref<80x128xi32, #tpu.memory_space<hbm>>
      tpu.wait_dma2 semaphore(%run_scoped3A : memref<!tpu.dma_semaphore, #tpu.memory_space<semaphore_mem>>) src(%dma_wait3A_98 : memref<80x128xi32, #tpu.memory_space<hbm>>) dst(%dma_wait3A_94 : memref<80x128xi32, #tpu.memory_space<vmem>>)
      tpu.yield
    }) : () -> ()
    %mul3A_41 = arith.constant 632 : i32
    %mul3A_42 = arith.muli %arg1, %mul3A_41 : i32
    %add3A_43 = arith.constant 0 : i32
    %add3A_44 = arith.addi %mul3A_42, %add3A_43 : i32
    "tpu.region"() ({
      %run_scoped3A = tpu.sem_alloc : memref<!tpu.dma_semaphore, #tpu.memory_space<semaphore_mem>>
      %dma_start3A = arith.constant 0 : i32
      %dma_start3A_73 = tpu.memref_slice %arg13[%add3A_44, %dma_start3A] : memref<10112x128xf32, #tpu.memory_space<vmem_shared>> -> memref<128x128xf32, #tpu.memory_space<vmem_shared>>
      %dma_start3A_74 = arith.constant 0 : i32
      %dma_start3A_75 = tpu.memref_slice %arg13[%add3A_44, %dma_start3A_74] : memref<10112x128xf32, #tpu.memory_space<vmem_shared>> -> memref<128x128xf32, #tpu.memory_space<vmem_shared>>
      tpu.enqueue_dma source(%arg11 : memref<128x128xf32, #tpu.memory_space<vmem>>) target(%dma_start3A_75 : memref<128x128xf32, #tpu.memory_space<vmem_shared>>) target_semaphore(%run_scoped3A : memref<!tpu.dma_semaphore, #tpu.memory_space<semaphore_mem>>)
      %dma_wait3A = arith.constant 0 : i32
      %dma_wait3A_76 = tpu.memref_slice %arg13[%add3A_44, %dma_wait3A] : memref<10112x128xf32, #tpu.memory_space<vmem_shared>> -> memref<128x128xf32, #tpu.memory_space<vmem_shared>>
      %dma_wait3A_77 = arith.constant 0 : i32
      %dma_wait3A_78 = tpu.memref_slice %arg13[%add3A_44, %dma_wait3A_77] : memref<10112x128xf32, #tpu.memory_space<vmem_shared>> -> memref<128x128xf32, #tpu.memory_space<vmem_shared>>
      tpu.wait_dma2 semaphore(%run_scoped3A : memref<!tpu.dma_semaphore, #tpu.memory_space<semaphore_mem>>) src(%arg11 : memref<128x128xf32, #tpu.memory_space<vmem>>) dst(%dma_wait3A_78 : memref<128x128xf32, #tpu.memory_space<vmem_shared>>)
      tpu.yield
    }) : () -> ()
    %mul3A_45 = arith.constant 632 : i32
    %mul3A_46 = arith.muli %arg1, %mul3A_45 : i32
    %add3A_47 = arith.constant 128 : i32
    %add3A_48 = arith.addi %mul3A_46, %add3A_47 : i32
    "tpu.region"() ({
      %run_scoped3A = tpu.sem_alloc : memref<!tpu.dma_semaphore, #tpu.memory_space<semaphore_mem>>
      %dma_start3A = arith.constant 0 : i32
      %dma_start3A_73 = tpu.memref_slice %arg13[%add3A_48, %dma_start3A] : memref<10112x128xf32, #tpu.memory_space<vmem_shared>> -> memref<128x128xf32, #tpu.memory_space<vmem_shared>>
      %dma_start3A_74 = arith.constant 0 : i32
      %dma_start3A_75 = tpu.memref_slice %arg13[%add3A_48, %dma_start3A_74] : memref<10112x128xf32, #tpu.memory_space<vmem_shared>> -> memref<128x128xf32, #tpu.memory_space<vmem_shared>>
      tpu.enqueue_dma source(%arg11 : memref<128x128xf32, #tpu.memory_space<vmem>>) target(%dma_start3A_75 : memref<128x128xf32, #tpu.memory_space<vmem_shared>>) target_semaphore(%run_scoped3A : memref<!tpu.dma_semaphore, #tpu.memory_space<semaphore_mem>>)
      %dma_wait3A = arith.constant 0 : i32
      %dma_wait3A_76 = tpu.memref_slice %arg13[%add3A_48, %dma_wait3A] : memref<10112x128xf32, #tpu.memory_space<vmem_shared>> -> memref<128x128xf32, #tpu.memory_space<vmem_shared>>
      %dma_wait3A_77 = arith.constant 0 : i32
      %dma_wait3A_78 = tpu.memref_slice %arg13[%add3A_48, %dma_wait3A_77] : memref<10112x128xf32, #tpu.memory_space<vmem_shared>> -> memref<128x128xf32, #tpu.memory_space<vmem_shared>>
      tpu.wait_dma2 semaphore(%run_scoped3A : memref<!tpu.dma_semaphore, #tpu.memory_space<semaphore_mem>>) src(%arg11 : memref<128x128xf32, #tpu.memory_space<vmem>>) dst(%dma_wait3A_78 : memref<128x128xf32, #tpu.memory_space<vmem_shared>>)
      tpu.yield
    }) : () -> ()
    %mul3A_49 = arith.constant 632 : i32
    %mul3A_50 = arith.muli %arg1, %mul3A_49 : i32
    %add3A_51 = arith.constant 256 : i32
    %add3A_52 = arith.addi %mul3A_50, %add3A_51 : i32
    "tpu.region"() ({
      %run_scoped3A = tpu.sem_alloc : memref<!tpu.dma_semaphore, #tpu.memory_space<semaphore_mem>>
      %dma_start3A = arith.constant 0 : i32
      %dma_start3A_73 = tpu.memref_slice %arg13[%add3A_52, %dma_start3A] : memref<10112x128xf32, #tpu.memory_space<vmem_shared>> -> memref<128x128xf32, #tpu.memory_space<vmem_shared>>
      %dma_start3A_74 = arith.constant 0 : i32
      %dma_start3A_75 = tpu.memref_slice %arg13[%add3A_52, %dma_start3A_74] : memref<10112x128xf32, #tpu.memory_space<vmem_shared>> -> memref<128x128xf32, #tpu.memory_space<vmem_shared>>
      tpu.enqueue_dma source(%arg11 : memref<128x128xf32, #tpu.memory_space<vmem>>) target(%dma_start3A_75 : memref<128x128xf32, #tpu.memory_space<vmem_shared>>) target_semaphore(%run_scoped3A : memref<!tpu.dma_semaphore, #tpu.memory_space<semaphore_mem>>)
      %dma_wait3A = arith.constant 0 : i32
      %dma_wait3A_76 = tpu.memref_slice %arg13[%add3A_52, %dma_wait3A] : memref<10112x128xf32, #tpu.memory_space<vmem_shared>> -> memref<128x128xf32, #tpu.memory_space<vmem_shared>>
      %dma_wait3A_77 = arith.constant 0 : i32
      %dma_wait3A_78 = tpu.memref_slice %arg13[%add3A_52, %dma_wait3A_77] : memref<10112x128xf32, #tpu.memory_space<vmem_shared>> -> memref<128x128xf32, #tpu.memory_space<vmem_shared>>
      tpu.wait_dma2 semaphore(%run_scoped3A : memref<!tpu.dma_semaphore, #tpu.memory_space<semaphore_mem>>) src(%arg11 : memref<128x128xf32, #tpu.memory_space<vmem>>) dst(%dma_wait3A_78 : memref<128x128xf32, #tpu.memory_space<vmem_shared>>)
      tpu.yield
    }) : () -> ()
    %mul3A_53 = arith.constant 632 : i32
    %mul3A_54 = arith.muli %arg1, %mul3A_53 : i32
    %add3A_55 = arith.constant 384 : i32
    %add3A_56 = arith.addi %mul3A_54, %add3A_55 : i32
    "tpu.region"() ({
      %run_scoped3A = tpu.sem_alloc : memref<!tpu.dma_semaphore, #tpu.memory_space<semaphore_mem>>
      %dma_start3A = arith.constant 0 : i32
      %dma_start3A_73 = tpu.memref_slice %arg13[%add3A_56, %dma_start3A] : memref<10112x128xf32, #tpu.memory_space<vmem_shared>> -> memref<128x128xf32, #tpu.memory_space<vmem_shared>>
      %dma_start3A_74 = arith.constant 0 : i32
      %dma_start3A_75 = tpu.memref_slice %arg13[%add3A_56, %dma_start3A_74] : memref<10112x128xf32, #tpu.memory_space<vmem_shared>> -> memref<128x128xf32, #tpu.memory_space<vmem_shared>>
      tpu.enqueue_dma source(%arg11 : memref<128x128xf32, #tpu.memory_space<vmem>>) target(%dma_start3A_75 : memref<128x128xf32, #tpu.memory_space<vmem_shared>>) target_semaphore(%run_scoped3A : memref<!tpu.dma_semaphore, #tpu.memory_space<semaphore_mem>>)
      %dma_wait3A = arith.constant 0 : i32
      %dma_wait3A_76 = tpu.memref_slice %arg13[%add3A_56, %dma_wait3A] : memref<10112x128xf32, #tpu.memory_space<vmem_shared>> -> memref<128x128xf32, #tpu.memory_space<vmem_shared>>
      %dma_wait3A_77 = arith.constant 0 : i32
      %dma_wait3A_78 = tpu.memref_slice %arg13[%add3A_56, %dma_wait3A_77] : memref<10112x128xf32, #tpu.memory_space<vmem_shared>> -> memref<128x128xf32, #tpu.memory_space<vmem_shared>>
      tpu.wait_dma2 semaphore(%run_scoped3A : memref<!tpu.dma_semaphore, #tpu.memory_space<semaphore_mem>>) src(%arg11 : memref<128x128xf32, #tpu.memory_space<vmem>>) dst(%dma_wait3A_78 : memref<128x128xf32, #tpu.memory_space<vmem_shared>>)
      tpu.yield
    }) : () -> ()
    %mul3A_57 = arith.constant 632 : i32
    %mul3A_58 = arith.muli %arg1, %mul3A_57 : i32
    %add3A_59 = arith.constant 512 : i32
    %add3A_60 = arith.addi %mul3A_58, %add3A_59 : i32
    "tpu.region"() ({
      %run_scoped3A = tpu.sem_alloc : memref<!tpu.dma_semaphore, #tpu.memory_space<semaphore_mem>>
      %dma_start3A = arith.constant 0 : i32
      %dma_start3A_73 = arith.constant 0 : i32
      %dma_start3A_74 = tpu.memref_slice %arg11[%dma_start3A, %dma_start3A_73] : memref<128x128xf32, #tpu.memory_space<vmem>> -> memref<120x128xf32, #tpu.memory_space<vmem>>
      %dma_start3A_75 = arith.constant 0 : i32
      %dma_start3A_76 = tpu.memref_slice %arg13[%add3A_60, %dma_start3A_75] : memref<10112x128xf32, #tpu.memory_space<vmem_shared>> -> memref<120x128xf32, #tpu.memory_space<vmem_shared>>
      %dma_start3A_77 = arith.constant 0 : i32
      %dma_start3A_78 = tpu.memref_slice %arg13[%add3A_60, %dma_start3A_77] : memref<10112x128xf32, #tpu.memory_space<vmem_shared>> -> memref<120x128xf32, #tpu.memory_space<vmem_shared>>
      %dma_start3A_79 = arith.constant 0 : i32
      %dma_start3A_80 = arith.constant 0 : i32
      %dma_start3A_81 = tpu.memref_slice %arg11[%dma_start3A_79, %dma_start3A_80] : memref<128x128xf32, #tpu.memory_space<vmem>> -> memref<120x128xf32, #tpu.memory_space<vmem>>
      tpu.enqueue_dma source(%dma_start3A_81 : memref<120x128xf32, #tpu.memory_space<vmem>>) target(%dma_start3A_78 : memref<120x128xf32, #tpu.memory_space<vmem_shared>>) target_semaphore(%run_scoped3A : memref<!tpu.dma_semaphore, #tpu.memory_space<semaphore_mem>>)
      %dma_wait3A = arith.constant 0 : i32
      %dma_wait3A_82 = arith.constant 0 : i32
      %dma_wait3A_83 = tpu.memref_slice %arg11[%dma_wait3A, %dma_wait3A_82] : memref<128x128xf32, #tpu.memory_space<vmem>> -> memref<120x128xf32, #tpu.memory_space<vmem>>
      %dma_wait3A_84 = arith.constant 0 : i32
      %dma_wait3A_85 = tpu.memref_slice %arg13[%add3A_60, %dma_wait3A_84] : memref<10112x128xf32, #tpu.memory_space<vmem_shared>> -> memref<120x128xf32, #tpu.memory_space<vmem_shared>>
      %dma_wait3A_86 = arith.constant 0 : i32
      %dma_wait3A_87 = tpu.memref_slice %arg13[%add3A_60, %dma_wait3A_86] : memref<10112x128xf32, #tpu.memory_space<vmem_shared>> -> memref<120x128xf32, #tpu.memory_space<vmem_shared>>
      %dma_wait3A_88 = arith.constant 0 : i32
      %dma_wait3A_89 = arith.constant 0 : i32
      %dma_wait3A_90 = tpu.memref_slice %arg11[%dma_wait3A_88, %dma_wait3A_89] : memref<128x128xf32, #tpu.memory_space<vmem>> -> memref<120x128xf32, #tpu.memory_space<vmem>>
      tpu.wait_dma2 semaphore(%run_scoped3A : memref<!tpu.dma_semaphore, #tpu.memory_space<semaphore_mem>>) src(%dma_wait3A_90 : memref<120x128xf32, #tpu.memory_space<vmem>>) dst(%dma_wait3A_87 : memref<120x128xf32, #tpu.memory_space<vmem_shared>>)
      tpu.yield
    }) : () -> ()
    %barrier3A_61 = arith.constant 0 : index
    tpu.barrier barrier_id(%barrier3A_61)
    %scan3A_62 = arith.constant 0 : i32
    %scan3A_63 = arith.constant 80 : i32
    %scan3A_64 = arith.addi %scan3A_62, %scan3A_63 : i32
    %scan3A_65 = arith.constant 1 : i32
    scf.for %scan3A_73 = %scan3A_62 to %scan3A_64 step %scan3A_65  : i32 {
      %mul3A_74 = arith.constant 1 : i32
      %mul3A_75 = arith.muli %scan3A_73, %mul3A_74 : i32
      %add3A_76 = arith.constant 0 : i32
      %add3A_77 = arith.addi %add3A_76, %mul3A_75 : i32
      %dma_start3A = arith.constant 0 : i32
      %dma_start3A_78 = tpu.memref_slice %arg10[%add3A_77, %dma_start3A] : memref<208x128xi32, #tpu.memory_space<vmem>> -> memref<1x128xi32, #tpu.memory_space<vmem>>
      %dma_start3A_79 = tpu.memref_squeeze %dma_start3A_78 : memref<1x128xi32, #tpu.memory_space<vmem>> -> memref<128xi32, #tpu.memory_space<vmem>>
      %dma_start3A_80 = arith.constant 0 : i32
      %dma_start3A_81 = arith.constant 0 : i32
      %dma_start3A_82 = tpu.memref_slice %arg3[%dma_start3A_80, %dma_start3A_81] : memref<10000x128xf32, #tpu.memory_space<hbm>> -> memref<10000x128xf32, #tpu.memory_space<hbm>>
      tpu.enqueue_indirect_dma source(%dma_start3A_82 : memref<10000x128xf32, #tpu.memory_space<hbm>>) target(%arg11 : memref<128x128xf32, #tpu.memory_space<vmem>>) offsets(%dma_start3A_79 : memref<128xi32, #tpu.memory_space<vmem>>) semaphore(%arg12 : memref<!tpu.dma_semaphore, #tpu.memory_space<semaphore_mem>>)
      %dma_wait3A = arith.constant 0 : i32
      %dma_wait3A_83 = tpu.memref_slice %arg10[%add3A_77, %dma_wait3A] : memref<208x128xi32, #tpu.memory_space<vmem>> -> memref<1x128xi32, #tpu.memory_space<vmem>>
      %dma_wait3A_84 = tpu.memref_squeeze %dma_wait3A_83 : memref<1x128xi32, #tpu.memory_space<vmem>> -> memref<128xi32, #tpu.memory_space<vmem>>
      %dma_wait3A_85 = arith.constant 0 : i32
      %dma_wait3A_86 = arith.constant 0 : i32
      %dma_wait3A_87 = tpu.memref_slice %arg3[%dma_wait3A_85, %dma_wait3A_86] : memref<10000x128xf32, #tpu.memory_space<hbm>> -> memref<10000x128xf32, #tpu.memory_space<hbm>>
      tpu.wait_indirect_dma semaphore(%arg12 : memref<!tpu.dma_semaphore, #tpu.memory_space<semaphore_mem>>) src(%dma_wait3A_87 : memref<10000x128xf32, #tpu.memory_space<hbm>>) dst(%arg11 : memref<128x128xf32, #tpu.memory_space<vmem>>)
      %add3A_88 = arith.constant 128 : i32
      %add3A_89 = arith.addi %add3A_88, %add3A_77 : i32
      "tpu.region"() ({
        %run_scoped3A = tpu.sem_alloc : memref<!tpu.dma_semaphore, #tpu.memory_space<semaphore_mem>>
        %dma_start3A_90 = arith.constant 0 : i32
        %dma_start3A_91 = tpu.memref_slice %arg10[%add3A_89, %dma_start3A_90] : memref<208x128xi32, #tpu.memory_space<vmem>> -> memref<1x128xi32, #tpu.memory_space<vmem>>
        %dma_start3A_92 = tpu.memref_squeeze %dma_start3A_91 : memref<1x128xi32, #tpu.memory_space<vmem>> -> memref<128xi32, #tpu.memory_space<vmem>>
        %dma_start3A_93 = arith.constant 0 : i32
        %dma_start3A_94 = arith.constant 0 : i32
        %dma_start3A_95 = tpu.memref_slice %arg13[%dma_start3A_93, %dma_start3A_94] : memref<10112x128xf32, #tpu.memory_space<vmem_shared>> -> memref<10112x128xf32, #tpu.memory_space<vmem_shared>>
        tpu.enqueue_indirect_dma source(%arg11 : memref<128x128xf32, #tpu.memory_space<vmem>>) target(%dma_start3A_95 : memref<10112x128xf32, #tpu.memory_space<vmem_shared>>) offsets(%dma_start3A_92 : memref<128xi32, #tpu.memory_space<vmem>>) semaphore(%run_scoped3A : memref<!tpu.dma_semaphore, #tpu.memory_space<semaphore_mem>>) {add = true}
        %dma_wait3A_96 = arith.constant 0 : i32
        %dma_wait3A_97 = tpu.memref_slice %arg10[%add3A_89, %dma_wait3A_96] : memref<208x128xi32, #tpu.memory_space<vmem>> -> memref<1x128xi32, #tpu.memory_space<vmem>>
        %dma_wait3A_98 = tpu.memref_squeeze %dma_wait3A_97 : memref<1x128xi32, #tpu.memory_space<vmem>> -> memref<128xi32, #tpu.memory_space<vmem>>
        %dma_wait3A_99 = arith.constant 0 : i32
        %dma_wait3A_100 = arith.constant 0 : i32
        %dma_wait3A_101 = tpu.memref_slice %arg13[%dma_wait3A_99, %dma_wait3A_100] : memref<10112x128xf32, #tpu.memory_space<vmem_shared>> -> memref<10112x128xf32, #tpu.memory_space<vmem_shared>>
        tpu.wait_indirect_dma semaphore(%run_scoped3A : memref<!tpu.dma_semaphore, #tpu.memory_space<semaphore_mem>>) src(%arg11 : memref<128x128xf32, #tpu.memory_space<vmem>>) dst(%dma_wait3A_101 : memref<10112x128xf32, #tpu.memory_space<vmem_shared>>)
        tpu.yield
      }) : () -> ()
    }
    %scan3A_66 = arith.constant 80 : i32
    %barrier3A_67 = arith.constant 0 : index
    tpu.barrier barrier_id(%barrier3A_67)
    %mul3A_68 = arith.constant 632 : i32
    %mul3A_69 = arith.muli %arg1, %mul3A_68 : i32
    %mul3A_70 = arith.constant 632 : i32
    %mul3A_71 = arith.muli %arg1, %mul3A_70 : i32
    "tpu.region"() ({
      %run_scoped3A = tpu.sem_alloc : memref<!tpu.dma_semaphore, #tpu.memory_space<semaphore_mem>>
      %dma_start3A = arith.constant 0 : i32
      %dma_start3A_73 = tpu.memref_slice %arg9[%arg0, %mul3A_71, %dma_start3A] : memref<2x10112x128xf32, #tpu.memory_space<hbm>> -> memref<1x632x128xf32, #tpu.memory_space<hbm>>
      %dma_start3A_74 = tpu.memref_squeeze %dma_start3A_73 : memref<1x632x128xf32, #tpu.memory_space<hbm>> -> memref<632x128xf32, #tpu.memory_space<hbm>>
      %dma_start3A_75 = arith.constant 0 : i32
      %dma_start3A_76 = tpu.memref_slice %arg13[%mul3A_69, %dma_start3A_75] : memref<10112x128xf32, #tpu.memory_space<vmem_shared>> -> memref<632x128xf32, #tpu.memory_space<vmem_shared>>
      tpu.enqueue_dma source(%dma_start3A_76 : memref<632x128xf32, #tpu.memory_space<vmem_shared>>) target(%dma_start3A_74 : memref<632x128xf32, #tpu.memory_space<hbm>>) target_semaphore(%run_scoped3A : memref<!tpu.dma_semaphore, #tpu.memory_space<semaphore_mem>>)
      %dma_wait3A = arith.constant 0 : i32
      %dma_wait3A_77 = tpu.memref_slice %arg9[%arg0, %mul3A_71, %dma_wait3A] : memref<2x10112x128xf32, #tpu.memory_space<hbm>> -> memref<1x632x128xf32, #tpu.memory_space<hbm>>
      %dma_wait3A_78 = tpu.memref_squeeze %dma_wait3A_77 : memref<1x632x128xf32, #tpu.memory_space<hbm>> -> memref<632x128xf32, #tpu.memory_space<hbm>>
      %dma_wait3A_79 = arith.constant 0 : i32
      %dma_wait3A_80 = tpu.memref_slice %arg13[%mul3A_69, %dma_wait3A_79] : memref<10112x128xf32, #tpu.memory_space<vmem_shared>> -> memref<632x128xf32, #tpu.memory_space<vmem_shared>>
      tpu.wait_dma2 semaphore(%run_scoped3A : memref<!tpu.dma_semaphore, #tpu.memory_space<semaphore_mem>>) src(%dma_wait3A_80 : memref<632x128xf32, #tpu.memory_space<vmem_shared>>) dst(%dma_wait3A_78 : memref<632x128xf32, #tpu.memory_space<hbm>>)
      tpu.yield
    }) : () -> ()
    %barrier3A_72 = arith.constant 0 : index
    tpu.barrier barrier_id(%barrier3A_72)
    return
  }
}

#map = affine_map<(d0, d1) -> (0, 0, 0, 0)>
module attributes {stable_mosaic.version = 14 : i64} {
  func.func @_sc_deg_body(%arg0: i32, %arg1: i32, %arg2: memref<4x32x80x128xi32, #tpu.memory_space<hbm>>, %arg3: memref<4x2x10112x128xf32, #tpu.memory_space<hbm>>, %arg4: memref<80x128xi32, #tpu.memory_space<vmem>>, %arg5: memref<128x128xf32, #tpu.memory_space<vmem>>, %arg6: memref<128x128xf32, #tpu.memory_space<vmem>>, %arg7: memref<10112x128xf32, #tpu.memory_space<vmem_shared>>, %arg8: memref<!tpu.dma_semaphore, #tpu.memory_space<semaphore_mem>>, %arg9: memref<!tpu.dma_semaphore, #tpu.memory_space<semaphore_mem>>, %arg10: memref<!tpu.dma_semaphore, #tpu.memory_space<semaphore_mem>>, %arg11: memref<!tpu.dma_semaphore, #tpu.memory_space<semaphore_mem>>, %arg12: memref<!tpu.dma_semaphore, #tpu.memory_space<semaphore_mem>>, %arg13: memref<!tpu.dma_semaphore, #tpu.memory_space<semaphore_mem>>, %arg14: memref<!tpu.dma_semaphore, #tpu.memory_space<semaphore_mem>>, %arg15: memref<!tpu.dma_semaphore, #tpu.memory_space<semaphore_mem>>) attributes {dimension_semantics = [#tpu.dimension_semantics<core_parallel>, #tpu.dimension_semantics<subcore_parallel>], iteration_bounds = array<i64: 2, 16>, scalar_prefetch = 0 : i64, scratch_operands = 12 : i64, tpu.core_type = #tpu.core_type<sc_vector_subcore>, window_params = [{transform_indices = #map}, {transform_indices = #map}]} {
    %mul3A = arith.constant 2 : i32
    %mul3A_0 = arith.muli %arg1, %mul3A : i32
    %add3A = arith.addi %mul3A_0, %arg0 : i32
    %scan3A = arith.constant 0 : i32
    %scan3A_1 = arith.constant 128 : i32
    %scan3A_2 = arith.addi %scan3A, %scan3A_1 : i32
    %scan3A_3 = arith.constant 1 : i32
    scf.for %scan3A_139 = %scan3A to %scan3A_2 step %scan3A_3  : i32 {
      %mul3A_140 = arith.constant 1 : i32
      %mul3A_141 = arith.muli %scan3A_139, %mul3A_140 : i32
      %add3A_142 = arith.constant 0 : i32
      %add3A_143 = arith.addi %add3A_142, %mul3A_141 : i32
      %broadcast_in_dim3A = arith.constant 1.000000e+00 : f32
      %broadcast_in_dim3A_144 = vector.broadcast %broadcast_in_dim3A : f32 to vector<16xf32>
      %swap3A = arith.index_cast %add3A_143 : i32 to index
      %swap3A_145 = arith.constant 0 : index
      %swap3A_146 = tpu.vector_load %arg5[%swap3A, %swap3A_145] {strides = array<i32>} : memref<128x128xf32, #tpu.memory_space<vmem>>, vector<1x16xf32>,
      %swap3A_147 = vector.shape_cast %swap3A_146 : vector<1x16xf32> to vector<16xf32>
      %swap3A_148 = vector.shape_cast %broadcast_in_dim3A_144 : vector<16xf32> to vector<1x16xf32>
      tpu.vector_store %arg5[%swap3A, %swap3A_145], %swap3A_148 {strides = array<i32>} : memref<128x128xf32, #tpu.memory_space<vmem>>, vector<1x16xf32>,
      %broadcast_in_dim3A_149 = arith.constant 0.000000e+00 : f32
      %broadcast_in_dim3A_150 = vector.broadcast %broadcast_in_dim3A_149 : f32 to vector<16xf32>
      %swap3A_151 = arith.index_cast %add3A_143 : i32 to index
      %swap3A_152 = arith.constant 0 : index
      %swap3A_153 = tpu.vector_load %arg6[%swap3A_151, %swap3A_152] {strides = array<i32>} : memref<128x128xf32, #tpu.memory_space<vmem>>, vector<1x16xf32>,
      %swap3A_154 = vector.shape_cast %swap3A_153 : vector<1x16xf32> to vector<16xf32>
      %swap3A_155 = vector.shape_cast %broadcast_in_dim3A_150 : vector<16xf32> to vector<1x16xf32>
      tpu.vector_store %arg6[%swap3A_151, %swap3A_152], %swap3A_155 {strides = array<i32>} : memref<128x128xf32, #tpu.memory_space<vmem>>, vector<1x16xf32>,
      %broadcast_in_dim3A_156 = arith.constant 1.000000e+00 : f32
      %broadcast_in_dim3A_157 = vector.broadcast %broadcast_in_dim3A_156 : f32 to vector<16xf32>
      %swap3A_158 = arith.index_cast %add3A_143 : i32 to index
      %swap3A_159 = arith.constant 16 : index
      %swap3A_160 = tpu.vector_load %arg5[%swap3A_158, %swap3A_159] {strides = array<i32>} : memref<128x128xf32, #tpu.memory_space<vmem>>, vector<1x16xf32>,
      %swap3A_161 = vector.shape_cast %swap3A_160 : vector<1x16xf32> to vector<16xf32>
      %swap3A_162 = vector.shape_cast %broadcast_in_dim3A_157 : vector<16xf32> to vector<1x16xf32>
      tpu.vector_store %arg5[%swap3A_158, %swap3A_159], %swap3A_162 {strides = array<i32>} : memref<128x128xf32, #tpu.memory_space<vmem>>, vector<1x16xf32>,
      %broadcast_in_dim3A_163 = arith.constant 0.000000e+00 : f32
      %broadcast_in_dim3A_164 = vector.broadcast %broadcast_in_dim3A_163 : f32 to vector<16xf32>
      %swap3A_165 = arith.index_cast %add3A_143 : i32 to index
      %swap3A_166 = arith.constant 16 : index
      %swap3A_167 = tpu.vector_load %arg6[%swap3A_165, %swap3A_166] {strides = array<i32>} : memref<128x128xf32, #tpu.memory_space<vmem>>, vector<1x16xf32>,
      %swap3A_168 = vector.shape_cast %swap3A_167 : vector<1x16xf32> to vector<16xf32>
      %swap3A_169 = vector.shape_cast %broadcast_in_dim3A_164 : vector<16xf32> to vector<1x16xf32>
      tpu.vector_store %arg6[%swap3A_165, %swap3A_166], %swap3A_169 {strides = array<i32>} : memref<128x128xf32, #tpu.memory_space<vmem>>, vector<1x16xf32>,
      %broadcast_in_dim3A_170 = arith.constant 1.000000e+00 : f32
      %broadcast_in_dim3A_171 = vector.broadcast %broadcast_in_dim3A_170 : f32 to vector<16xf32>
      %swap3A_172 = arith.index_cast %add3A_143 : i32 to index
      %swap3A_173 = arith.constant 32 : index
      %swap3A_174 = tpu.vector_load %arg5[%swap3A_172, %swap3A_173] {strides = array<i32>} : memref<128x128xf32, #tpu.memory_space<vmem>>, vector<1x16xf32>,
      %swap3A_175 = vector.shape_cast %swap3A_174 : vector<1x16xf32> to vector<16xf32>
      %swap3A_176 = vector.shape_cast %broadcast_in_dim3A_171 : vector<16xf32> to vector<1x16xf32>
      tpu.vector_store %arg5[%swap3A_172, %swap3A_173], %swap3A_176 {strides = array<i32>} : memref<128x128xf32, #tpu.memory_space<vmem>>, vector<1x16xf32>,
      %broadcast_in_dim3A_177 = arith.constant 0.000000e+00 : f32
      %broadcast_in_dim3A_178 = vector.broadcast %broadcast_in_dim3A_177 : f32 to vector<16xf32>
      %swap3A_179 = arith.index_cast %add3A_143 : i32 to index
      %swap3A_180 = arith.constant 32 : index
      %swap3A_181 = tpu.vector_load %arg6[%swap3A_179, %swap3A_180] {strides = array<i32>} : memref<128x128xf32, #tpu.memory_space<vmem>>, vector<1x16xf32>,
      %swap3A_182 = vector.shape_cast %swap3A_181 : vector<1x16xf32> to vector<16xf32>
      %swap3A_183 = vector.shape_cast %broadcast_in_dim3A_178 : vector<16xf32> to vector<1x16xf32>
      tpu.vector_store %arg6[%swap3A_179, %swap3A_180], %swap3A_183 {strides = array<i32>} : memref<128x128xf32, #tpu.memory_space<vmem>>, vector<1x16xf32>,
      %broadcast_in_dim3A_184 = arith.constant 1.000000e+00 : f32
      %broadcast_in_dim3A_185 = vector.broadcast %broadcast_in_dim3A_184 : f32 to vector<16xf32>
      %swap3A_186 = arith.index_cast %add3A_143 : i32 to index
      %swap3A_187 = arith.constant 48 : index
      %swap3A_188 = tpu.vector_load %arg5[%swap3A_186, %swap3A_187] {strides = array<i32>} : memref<128x128xf32, #tpu.memory_space<vmem>>, vector<1x16xf32>,
      %swap3A_189 = vector.shape_cast %swap3A_188 : vector<1x16xf32> to vector<16xf32>
      %swap3A_190 = vector.shape_cast %broadcast_in_dim3A_185 : vector<16xf32> to vector<1x16xf32>
      tpu.vector_store %arg5[%swap3A_186, %swap3A_187], %swap3A_190 {strides = array<i32>} : memref<128x128xf32, #tpu.memory_space<vmem>>, vector<1x16xf32>,
      %broadcast_in_dim3A_191 = arith.constant 0.000000e+00 : f32
      %broadcast_in_dim3A_192 = vector.broadcast %broadcast_in_dim3A_191 : f32 to vector<16xf32>
      %swap3A_193 = arith.index_cast %add3A_143 : i32 to index
      %swap3A_194 = arith.constant 48 : index
      %swap3A_195 = tpu.vector_load %arg6[%swap3A_193, %swap3A_194] {strides = array<i32>} : memref<128x128xf32, #tpu.memory_space<vmem>>, vector<1x16xf32>,
      %swap3A_196 = vector.shape_cast %swap3A_195 : vector<1x16xf32> to vector<16xf32>
      %swap3A_197 = vector.shape_cast %broadcast_in_dim3A_192 : vector<16xf32> to vector<1x16xf32>
      tpu.vector_store %arg6[%swap3A_193, %swap3A_194], %swap3A_197 {strides = array<i32>} : memref<128x128xf32, #tpu.memory_space<vmem>>, vector<1x16xf32>,
      %broadcast_in_dim3A_198 = arith.constant 1.000000e+00 : f32
      %broadcast_in_dim3A_199 = vector.broadcast %broadcast_in_dim3A_198 : f32 to vector<16xf32>
      %swap3A_200 = arith.index_cast %add3A_143 : i32 to index
      %swap3A_201 = arith.constant 64 : index
      %swap3A_202 = tpu.vector_load %arg5[%swap3A_200, %swap3A_201] {strides = array<i32>} : memref<128x128xf32, #tpu.memory_space<vmem>>, vector<1x16xf32>,
      %swap3A_203 = vector.shape_cast %swap3A_202 : vector<1x16xf32> to vector<16xf32>
      %swap3A_204 = vector.shape_cast %broadcast_in_dim3A_199 : vector<16xf32> to vector<1x16xf32>
      tpu.vector_store %arg5[%swap3A_200, %swap3A_201], %swap3A_204 {strides = array<i32>} : memref<128x128xf32, #tpu.memory_space<vmem>>, vector<1x16xf32>,
      %broadcast_in_dim3A_205 = arith.constant 0.000000e+00 : f32
      %broadcast_in_dim3A_206 = vector.broadcast %broadcast_in_dim3A_205 : f32 to vector<16xf32>
      %swap3A_207 = arith.index_cast %add3A_143 : i32 to index
      %swap3A_208 = arith.constant 64 : index
      %swap3A_209 = tpu.vector_load %arg6[%swap3A_207, %swap3A_208] {strides = array<i32>} : memref<128x128xf32, #tpu.memory_space<vmem>>, vector<1x16xf32>,
      %swap3A_210 = vector.shape_cast %swap3A_209 : vector<1x16xf32> to vector<16xf32>
      %swap3A_211 = vector.shape_cast %broadcast_in_dim3A_206 : vector<16xf32> to vector<1x16xf32>
      tpu.vector_store %arg6[%swap3A_207, %swap3A_208], %swap3A_211 {strides = array<i32>} : memref<128x128xf32, #tpu.memory_space<vmem>>, vector<1x16xf32>,
      %broadcast_in_dim3A_212 = arith.constant 1.000000e+00 : f32
      %broadcast_in_dim3A_213 = vector.broadcast %broadcast_in_dim3A_212 : f32 to vector<16xf32>
      %swap3A_214 = arith.index_cast %add3A_143 : i32 to index
      %swap3A_215 = arith.constant 80 : index
      %swap3A_216 = tpu.vector_load %arg5[%swap3A_214, %swap3A_215] {strides = array<i32>} : memref<128x128xf32, #tpu.memory_space<vmem>>, vector<1x16xf32>,
      %swap3A_217 = vector.shape_cast %swap3A_216 : vector<1x16xf32> to vector<16xf32>
      %swap3A_218 = vector.shape_cast %broadcast_in_dim3A_213 : vector<16xf32> to vector<1x16xf32>
      tpu.vector_store %arg5[%swap3A_214, %swap3A_215], %swap3A_218 {strides = array<i32>} : memref<128x128xf32, #tpu.memory_space<vmem>>, vector<1x16xf32>,
      %broadcast_in_dim3A_219 = arith.constant 0.000000e+00 : f32
      %broadcast_in_dim3A_220 = vector.broadcast %broadcast_in_dim3A_219 : f32 to vector<16xf32>
      %swap3A_221 = arith.index_cast %add3A_143 : i32 to index
      %swap3A_222 = arith.constant 80 : index
      %swap3A_223 = tpu.vector_load %arg6[%swap3A_221, %swap3A_222] {strides = array<i32>} : memref<128x128xf32, #tpu.memory_space<vmem>>, vector<1x16xf32>,
      %swap3A_224 = vector.shape_cast %swap3A_223 : vector<1x16xf32> to vector<16xf32>
      %swap3A_225 = vector.shape_cast %broadcast_in_dim3A_220 : vector<16xf32> to vector<1x16xf32>
      tpu.vector_store %arg6[%swap3A_221, %swap3A_222], %swap3A_225 {strides = array<i32>} : memref<128x128xf32, #tpu.memory_space<vmem>>, vector<1x16xf32>,
      %broadcast_in_dim3A_226 = arith.constant 1.000000e+00 : f32
      %broadcast_in_dim3A_227 = vector.broadcast %broadcast_in_dim3A_226 : f32 to vector<16xf32>
      %swap3A_228 = arith.index_cast %add3A_143 : i32 to index
      %swap3A_229 = arith.constant 96 : index
      %swap3A_230 = tpu.vector_load %arg5[%swap3A_228, %swap3A_229] {strides = array<i32>} : memref<128x128xf32, #tpu.memory_space<vmem>>, vector<1x16xf32>,
      %swap3A_231 = vector.shape_cast %swap3A_230 : vector<1x16xf32> to vector<16xf32>
      %swap3A_232 = vector.shape_cast %broadcast_in_dim3A_227 : vector<16xf32> to vector<1x16xf32>
      tpu.vector_store %arg5[%swap3A_228, %swap3A_229], %swap3A_232 {strides = array<i32>} : memref<128x128xf32, #tpu.memory_space<vmem>>, vector<1x16xf32>,
      %broadcast_in_dim3A_233 = arith.constant 0.000000e+00 : f32
      %broadcast_in_dim3A_234 = vector.broadcast %broadcast_in_dim3A_233 : f32 to vector<16xf32>
      %swap3A_235 = arith.index_cast %add3A_143 : i32 to index
      %swap3A_236 = arith.constant 96 : index
      %swap3A_237 = tpu.vector_load %arg6[%swap3A_235, %swap3A_236] {strides = array<i32>} : memref<128x128xf32, #tpu.memory_space<vmem>>, vector<1x16xf32>,
      %swap3A_238 = vector.shape_cast %swap3A_237 : vector<1x16xf32> to vector<16xf32>
      %swap3A_239 = vector.shape_cast %broadcast_in_dim3A_234 : vector<16xf32> to vector<1x16xf32>
      tpu.vector_store %arg6[%swap3A_235, %swap3A_236], %swap3A_239 {strides = array<i32>} : memref<128x128xf32, #tpu.memory_space<vmem>>, vector<1x16xf32>,
      %broadcast_in_dim3A_240 = arith.constant 1.000000e+00 : f32
      %broadcast_in_dim3A_241 = vector.broadcast %broadcast_in_dim3A_240 : f32 to vector<16xf32>
      %swap3A_242 = arith.index_cast %add3A_143 : i32 to index
      %swap3A_243 = arith.constant 112 : index
      %swap3A_244 = tpu.vector_load %arg5[%swap3A_242, %swap3A_243] {strides = array<i32>} : memref<128x128xf32, #tpu.memory_space<vmem>>, vector<1x16xf32>,
      %swap3A_245 = vector.shape_cast %swap3A_244 : vector<1x16xf32> to vector<16xf32>
      %swap3A_246 = vector.shape_cast %broadcast_in_dim3A_241 : vector<16xf32> to vector<1x16xf32>
      tpu.vector_store %arg5[%swap3A_242, %swap3A_243], %swap3A_246 {strides = array<i32>} : memref<128x128xf32, #tpu.memory_space<vmem>>, vector<1x16xf32>,
      %broadcast_in_dim3A_247 = arith.constant 0.000000e+00 : f32
      %broadcast_in_dim3A_248 = vector.broadcast %broadcast_in_dim3A_247 : f32 to vector<16xf32>
      %swap3A_249 = arith.index_cast %add3A_143 : i32 to index
      %swap3A_250 = arith.constant 112 : index
      %swap3A_251 = tpu.vector_load %arg6[%swap3A_249, %swap3A_250] {strides = array<i32>} : memref<128x128xf32, #tpu.memory_space<vmem>>, vector<1x16xf32>,
      %swap3A_252 = vector.shape_cast %swap3A_251 : vector<1x16xf32> to vector<16xf32>
      %swap3A_253 = vector.shape_cast %broadcast_in_dim3A_248 : vector<16xf32> to vector<1x16xf32>
      tpu.vector_store %arg6[%swap3A_249, %swap3A_250], %swap3A_253 {strides = array<i32>} : memref<128x128xf32, #tpu.memory_space<vmem>>, vector<1x16xf32>,
    }
    %scan3A_4 = arith.constant 128 : i32
    %mul3A_5 = arith.constant 632 : i32
    %mul3A_6 = arith.muli %arg1, %mul3A_5 : i32
    %add3A_7 = arith.constant 0 : i32
    %add3A_8 = arith.addi %mul3A_6, %add3A_7 : i32
    "tpu.region"() ({
      %run_scoped3A_139 = tpu.sem_alloc : memref<!tpu.dma_semaphore, #tpu.memory_space<semaphore_mem>>
      %dma_start3A = arith.constant 0 : i32
      %dma_start3A_140 = tpu.memref_slice %arg7[%add3A_8, %dma_start3A] : memref<10112x128xf32, #tpu.memory_space<vmem_shared>> -> memref<128x128xf32, #tpu.memory_space<vmem_shared>>
      %dma_start3A_141 = arith.constant 0 : i32
      %dma_start3A_142 = tpu.memref_slice %arg7[%add3A_8, %dma_start3A_141] : memref<10112x128xf32, #tpu.memory_space<vmem_shared>> -> memref<128x128xf32, #tpu.memory_space<vmem_shared>>
      tpu.enqueue_dma source(%arg6 : memref<128x128xf32, #tpu.memory_space<vmem>>) target(%dma_start3A_142 : memref<128x128xf32, #tpu.memory_space<vmem_shared>>) target_semaphore(%run_scoped3A_139 : memref<!tpu.dma_semaphore, #tpu.memory_space<semaphore_mem>>)
      %dma_wait3A = arith.constant 0 : i32
      %dma_wait3A_143 = tpu.memref_slice %arg7[%add3A_8, %dma_wait3A] : memref<10112x128xf32, #tpu.memory_space<vmem_shared>> -> memref<128x128xf32, #tpu.memory_space<vmem_shared>>
      %dma_wait3A_144 = arith.constant 0 : i32
      %dma_wait3A_145 = tpu.memref_slice %arg7[%add3A_8, %dma_wait3A_144] : memref<10112x128xf32, #tpu.memory_space<vmem_shared>> -> memref<128x128xf32, #tpu.memory_space<vmem_shared>>
      tpu.wait_dma2 semaphore(%run_scoped3A_139 : memref<!tpu.dma_semaphore, #tpu.memory_space<semaphore_mem>>) src(%arg6 : memref<128x128xf32, #tpu.memory_space<vmem>>) dst(%dma_wait3A_145 : memref<128x128xf32, #tpu.memory_space<vmem_shared>>)
      tpu.yield
    }) : () -> ()
    %mul3A_9 = arith.constant 632 : i32
    %mul3A_10 = arith.muli %arg1, %mul3A_9 : i32
    %add3A_11 = arith.constant 128 : i32
    %add3A_12 = arith.addi %mul3A_10, %add3A_11 : i32
    "tpu.region"() ({
      %run_scoped3A_139 = tpu.sem_alloc : memref<!tpu.dma_semaphore, #tpu.memory_space<semaphore_mem>>
      %dma_start3A = arith.constant 0 : i32
      %dma_start3A_140 = tpu.memref_slice %arg7[%add3A_12, %dma_start3A] : memref<10112x128xf32, #tpu.memory_space<vmem_shared>> -> memref<128x128xf32, #tpu.memory_space<vmem_shared>>
      %dma_start3A_141 = arith.constant 0 : i32
      %dma_start3A_142 = tpu.memref_slice %arg7[%add3A_12, %dma_start3A_141] : memref<10112x128xf32, #tpu.memory_space<vmem_shared>> -> memref<128x128xf32, #tpu.memory_space<vmem_shared>>
      tpu.enqueue_dma source(%arg6 : memref<128x128xf32, #tpu.memory_space<vmem>>) target(%dma_start3A_142 : memref<128x128xf32, #tpu.memory_space<vmem_shared>>) target_semaphore(%run_scoped3A_139 : memref<!tpu.dma_semaphore, #tpu.memory_space<semaphore_mem>>)
      %dma_wait3A = arith.constant 0 : i32
      %dma_wait3A_143 = tpu.memref_slice %arg7[%add3A_12, %dma_wait3A] : memref<10112x128xf32, #tpu.memory_space<vmem_shared>> -> memref<128x128xf32, #tpu.memory_space<vmem_shared>>
      %dma_wait3A_144 = arith.constant 0 : i32
      %dma_wait3A_145 = tpu.memref_slice %arg7[%add3A_12, %dma_wait3A_144] : memref<10112x128xf32, #tpu.memory_space<vmem_shared>> -> memref<128x128xf32, #tpu.memory_space<vmem_shared>>
      tpu.wait_dma2 semaphore(%run_scoped3A_139 : memref<!tpu.dma_semaphore, #tpu.memory_space<semaphore_mem>>) src(%arg6 : memref<128x128xf32, #tpu.memory_space<vmem>>) dst(%dma_wait3A_145 : memref<128x128xf32, #tpu.memory_space<vmem_shared>>)
      tpu.yield
    }) : () -> ()
    %mul3A_13 = arith.constant 632 : i32
    %mul3A_14 = arith.muli %arg1, %mul3A_13 : i32
    %add3A_15 = arith.constant 256 : i32
    %add3A_16 = arith.addi %mul3A_14, %add3A_15 : i32
    "tpu.region"() ({
      %run_scoped3A_139 = tpu.sem_alloc : memref<!tpu.dma_semaphore, #tpu.memory_space<semaphore_mem>>
      %dma_start3A = arith.constant 0 : i32
      %dma_start3A_140 = tpu.memref_slice %arg7[%add3A_16, %dma_start3A] : memref<10112x128xf32, #tpu.memory_space<vmem_shared>> -> memref<128x128xf32, #tpu.memory_space<vmem_shared>>
      %dma_start3A_141 = arith.constant 0 : i32
      %dma_start3A_142 = tpu.memref_slice %arg7[%add3A_16, %dma_start3A_141] : memref<10112x128xf32, #tpu.memory_space<vmem_shared>> -> memref<128x128xf32, #tpu.memory_space<vmem_shared>>
      tpu.enqueue_dma source(%arg6 : memref<128x128xf32, #tpu.memory_space<vmem>>) target(%dma_start3A_142 : memref<128x128xf32, #tpu.memory_space<vmem_shared>>) target_semaphore(%run_scoped3A_139 : memref<!tpu.dma_semaphore, #tpu.memory_space<semaphore_mem>>)
      %dma_wait3A = arith.constant 0 : i32
      %dma_wait3A_143 = tpu.memref_slice %arg7[%add3A_16, %dma_wait3A] : memref<10112x128xf32, #tpu.memory_space<vmem_shared>> -> memref<128x128xf32, #tpu.memory_space<vmem_shared>>
      %dma_wait3A_144 = arith.constant 0 : i32
      %dma_wait3A_145 = tpu.memref_slice %arg7[%add3A_16, %dma_wait3A_144] : memref<10112x128xf32, #tpu.memory_space<vmem_shared>> -> memref<128x128xf32, #tpu.memory_space<vmem_shared>>
      tpu.wait_dma2 semaphore(%run_scoped3A_139 : memref<!tpu.dma_semaphore, #tpu.memory_space<semaphore_mem>>) src(%arg6 : memref<128x128xf32, #tpu.memory_space<vmem>>) dst(%dma_wait3A_145 : memref<128x128xf32, #tpu.memory_space<vmem_shared>>)
      tpu.yield
    }) : () -> ()
    %mul3A_17 = arith.constant 632 : i32
    %mul3A_18 = arith.muli %arg1, %mul3A_17 : i32
    %add3A_19 = arith.constant 384 : i32
    %add3A_20 = arith.addi %mul3A_18, %add3A_19 : i32
    "tpu.region"() ({
      %run_scoped3A_139 = tpu.sem_alloc : memref<!tpu.dma_semaphore, #tpu.memory_space<semaphore_mem>>
      %dma_start3A = arith.constant 0 : i32
      %dma_start3A_140 = tpu.memref_slice %arg7[%add3A_20, %dma_start3A] : memref<10112x128xf32, #tpu.memory_space<vmem_shared>> -> memref<128x128xf32, #tpu.memory_space<vmem_shared>>
      %dma_start3A_141 = arith.constant 0 : i32
      %dma_start3A_142 = tpu.memref_slice %arg7[%add3A_20, %dma_start3A_141] : memref<10112x128xf32, #tpu.memory_space<vmem_shared>> -> memref<128x128xf32, #tpu.memory_space<vmem_shared>>
      tpu.enqueue_dma source(%arg6 : memref<128x128xf32, #tpu.memory_space<vmem>>) target(%dma_start3A_142 : memref<128x128xf32, #tpu.memory_space<vmem_shared>>) target_semaphore(%run_scoped3A_139 : memref<!tpu.dma_semaphore, #tpu.memory_space<semaphore_mem>>)
      %dma_wait3A = arith.constant 0 : i32
      %dma_wait3A_143 = tpu.memref_slice %arg7[%add3A_20, %dma_wait3A] : memref<10112x128xf32, #tpu.memory_space<vmem_shared>> -> memref<128x128xf32, #tpu.memory_space<vmem_shared>>
      %dma_wait3A_144 = arith.constant 0 : i32
      %dma_wait3A_145 = tpu.memref_slice %arg7[%add3A_20, %dma_wait3A_144] : memref<10112x128xf32, #tpu.memory_space<vmem_shared>> -> memref<128x128xf32, #tpu.memory_space<vmem_shared>>
      tpu.wait_dma2 semaphore(%run_scoped3A_139 : memref<!tpu.dma_semaphore, #tpu.memory_space<semaphore_mem>>) src(%arg6 : memref<128x128xf32, #tpu.memory_space<vmem>>) dst(%dma_wait3A_145 : memref<128x128xf32, #tpu.memory_space<vmem_shared>>)
      tpu.yield
    }) : () -> ()
    %mul3A_21 = arith.constant 632 : i32
    %mul3A_22 = arith.muli %arg1, %mul3A_21 : i32
    %add3A_23 = arith.constant 512 : i32
    %add3A_24 = arith.addi %mul3A_22, %add3A_23 : i32
    "tpu.region"() ({
      %run_scoped3A_139 = tpu.sem_alloc : memref<!tpu.dma_semaphore, #tpu.memory_space<semaphore_mem>>
      %dma_start3A = arith.constant 0 : i32
      %dma_start3A_140 = arith.constant 0 : i32
      %dma_start3A_141 = tpu.memref_slice %arg6[%dma_start3A, %dma_start3A_140] : memref<128x128xf32, #tpu.memory_space<vmem>> -> memref<120x128xf32, #tpu.memory_space<vmem>>
      %dma_start3A_142 = arith.constant 0 : i32
      %dma_start3A_143 = tpu.memref_slice %arg7[%add3A_24, %dma_start3A_142] : memref<10112x128xf32, #tpu.memory_space<vmem_shared>> -> memref<120x128xf32, #tpu.memory_space<vmem_shared>>
      %dma_start3A_144 = arith.constant 0 : i32
      %dma_start3A_145 = tpu.memref_slice %arg7[%add3A_24, %dma_start3A_144] : memref<10112x128xf32, #tpu.memory_space<vmem_shared>> -> memref<120x128xf32, #tpu.memory_space<vmem_shared>>
      %dma_start3A_146 = arith.constant 0 : i32
      %dma_start3A_147 = arith.constant 0 : i32
      %dma_start3A_148 = tpu.memref_slice %arg6[%dma_start3A_146, %dma_start3A_147] : memref<128x128xf32, #tpu.memory_space<vmem>> -> memref<120x128xf32, #tpu.memory_space<vmem>>
      tpu.enqueue_dma source(%dma_start3A_148 : memref<120x128xf32, #tpu.memory_space<vmem>>) target(%dma_start3A_145 : memref<120x128xf32, #tpu.memory_space<vmem_shared>>) target_semaphore(%run_scoped3A_139 : memref<!tpu.dma_semaphore, #tpu.memory_space<semaphore_mem>>)
      %dma_wait3A = arith.constant 0 : i32
      %dma_wait3A_149 = arith.constant 0 : i32
      %dma_wait3A_150 = tpu.memref_slice %arg6[%dma_wait3A, %dma_wait3A_149] : memref<128x128xf32, #tpu.memory_space<vmem>> -> memref<120x128xf32, #tpu.memory_space<vmem>>
      %dma_wait3A_151 = arith.constant 0 : i32
      %dma_wait3A_152 = tpu.memref_slice %arg7[%add3A_24, %dma_wait3A_151] : memref<10112x128xf32, #tpu.memory_space<vmem_shared>> -> memref<120x128xf32, #tpu.memory_space<vmem_shared>>
      %dma_wait3A_153 = arith.constant 0 : i32
      %dma_wait3A_154 = tpu.memref_slice %arg7[%add3A_24, %dma_wait3A_153] : memref<10112x128xf32, #tpu.memory_space<vmem_shared>> -> memref<120x128xf32, #tpu.memory_space<vmem_shared>>
      %dma_wait3A_155 = arith.constant 0 : i32
      %dma_wait3A_156 = arith.constant 0 : i32
      %dma_wait3A_157 = tpu.memref_slice %arg6[%dma_wait3A_155, %dma_wait3A_156] : memref<128x128xf32, #tpu.memory_space<vmem>> -> memref<120x128xf32, #tpu.memory_space<vmem>>
      tpu.wait_dma2 semaphore(%run_scoped3A_139 : memref<!tpu.dma_semaphore, #tpu.memory_space<semaphore_mem>>) src(%dma_wait3A_157 : memref<120x128xf32, #tpu.memory_space<vmem>>) dst(%dma_wait3A_154 : memref<120x128xf32, #tpu.memory_space<vmem_shared>>)
      tpu.yield
    }) : () -> ()
    %run_scoped3A = arith.constant 0 : i32
    "tpu.region"() ({
      %run_scoped3A_139 = tpu.sem_alloc : memref<!tpu.dma_semaphore, #tpu.memory_space<semaphore_mem>>
      %dma_start3A = arith.constant 0 : i32
      %dma_start3A_140 = arith.constant 0 : i32
      %dma_start3A_141 = tpu.memref_slice %arg2[%run_scoped3A, %add3A, %dma_start3A, %dma_start3A_140] : memref<4x32x80x128xi32, #tpu.memory_space<hbm>> -> memref<1x1x80x128xi32, #tpu.memory_space<hbm>>
      %dma_start3A_142 = tpu.memref_squeeze %dma_start3A_141 : memref<1x1x80x128xi32, #tpu.memory_space<hbm>> -> memref<80x128xi32, #tpu.memory_space<hbm>>
      %dma_start3A_143 = arith.constant 0 : i32
      %dma_start3A_144 = arith.constant 0 : i32
      %dma_start3A_145 = tpu.memref_slice %arg2[%run_scoped3A, %add3A, %dma_start3A_143, %dma_start3A_144] : memref<4x32x80x128xi32, #tpu.memory_space<hbm>> -> memref<1x1x80x128xi32, #tpu.memory_space<hbm>>
      %dma_start3A_146 = tpu.memref_squeeze %dma_start3A_145 : memref<1x1x80x128xi32, #tpu.memory_space<hbm>> -> memref<80x128xi32, #tpu.memory_space<hbm>>
      tpu.enqueue_dma source(%dma_start3A_146 : memref<80x128xi32, #tpu.memory_space<hbm>>) target(%arg4 : memref<80x128xi32, #tpu.memory_space<vmem>>) target_semaphore(%run_scoped3A_139 : memref<!tpu.dma_semaphore, #tpu.memory_space<semaphore_mem>>)
      %dma_wait3A = arith.constant 0 : i32
      %dma_wait3A_147 = arith.constant 0 : i32
      %dma_wait3A_148 = tpu.memref_slice %arg2[%run_scoped3A, %add3A, %dma_wait3A, %dma_wait3A_147] : memref<4x32x80x128xi32, #tpu.memory_space<hbm>> -> memref<1x1x80x128xi32, #tpu.memory_space<hbm>>
      %dma_wait3A_149 = tpu.memref_squeeze %dma_wait3A_148 : memref<1x1x80x128xi32, #tpu.memory_space<hbm>> -> memref<80x128xi32, #tpu.memory_space<hbm>>
      %dma_wait3A_150 = arith.constant 0 : i32
      %dma_wait3A_151 = arith.constant 0 : i32
      %dma_wait3A_152 = tpu.memref_slice %arg2[%run_scoped3A, %add3A, %dma_wait3A_150, %dma_wait3A_151] : memref<4x32x80x128xi32, #tpu.memory_space<hbm>> -> memref<1x1x80x128xi32, #tpu.memory_space<hbm>>
      %dma_wait3A_153 = tpu.memref_squeeze %dma_wait3A_152 : memref<1x1x80x128xi32, #tpu.memory_space<hbm>> -> memref<80x128xi32, #tpu.memory_space<hbm>>
      tpu.wait_dma2 semaphore(%run_scoped3A_139 : memref<!tpu.dma_semaphore, #tpu.memory_space<semaphore_mem>>) src(%dma_wait3A_153 : memref<80x128xi32, #tpu.memory_space<hbm>>) dst(%arg4 : memref<80x128xi32, #tpu.memory_space<vmem>>)
      tpu.yield
    }) : () -> ()
    %barrier3A = arith.constant 0 : index
    tpu.barrier barrier_id(%barrier3A)
    %scan3A_25 = arith.constant 0 : i32
    %scan3A_26 = arith.constant 10 : i32
    %scan3A_27 = arith.addi %scan3A_25, %scan3A_26 : i32
    %scan3A_28 = arith.constant 1 : i32
    scf.for %scan3A_139 = %scan3A_25 to %scan3A_27 step %scan3A_28  : i32 {
      %mul3A_140 = arith.constant 1 : i32
      %mul3A_141 = arith.muli %scan3A_139, %mul3A_140 : i32
      %add3A_142 = arith.constant 0 : i32
      %add3A_143 = arith.addi %add3A_142, %mul3A_141 : i32
      %mul3A_144 = arith.constant 8 : i32
      %mul3A_145 = arith.muli %add3A_143, %mul3A_144 : i32
      %add3A_146 = arith.constant 0 : i32
      %add3A_147 = arith.addi %mul3A_145, %add3A_146 : i32
      %dma_start3A = arith.constant 0 : i32
      %dma_start3A_148 = tpu.memref_slice %arg4[%add3A_147, %dma_start3A] : memref<80x128xi32, #tpu.memory_space<vmem>> -> memref<1x128xi32, #tpu.memory_space<vmem>>
      %dma_start3A_149 = tpu.memref_squeeze %dma_start3A_148 : memref<1x128xi32, #tpu.memory_space<vmem>> -> memref<128xi32, #tpu.memory_space<vmem>>
      %dma_start3A_150 = arith.constant 0 : i32
      %dma_start3A_151 = arith.constant 0 : i32
      %dma_start3A_152 = tpu.memref_slice %arg7[%dma_start3A_150, %dma_start3A_151] : memref<10112x128xf32, #tpu.memory_space<vmem_shared>> -> memref<10112x128xf32, #tpu.memory_space<vmem_shared>>
      tpu.enqueue_indirect_dma source(%arg5 : memref<128x128xf32, #tpu.memory_space<vmem>>) target(%dma_start3A_152 : memref<10112x128xf32, #tpu.memory_space<vmem_shared>>) offsets(%dma_start3A_149 : memref<128xi32, #tpu.memory_space<vmem>>) semaphore(%arg8 : memref<!tpu.dma_semaphore, #tpu.memory_space<semaphore_mem>>) {add = true}
      %add3A_153 = arith.constant 1 : i32
      %add3A_154 = arith.addi %mul3A_145, %add3A_153 : i32
      %dma_start3A_155 = arith.constant 0 : i32
      %dma_start3A_156 = tpu.memref_slice %arg4[%add3A_154, %dma_start3A_155] : memref<80x128xi32, #tpu.memory_space<vmem>> -> memref<1x128xi32, #tpu.memory_space<vmem>>
      %dma_start3A_157 = tpu.memref_squeeze %dma_start3A_156 : memref<1x128xi32, #tpu.memory_space<vmem>> -> memref<128xi32, #tpu.memory_space<vmem>>
      %dma_start3A_158 = arith.constant 0 : i32
      %dma_start3A_159 = arith.constant 0 : i32
      %dma_start3A_160 = tpu.memref_slice %arg7[%dma_start3A_158, %dma_start3A_159] : memref<10112x128xf32, #tpu.memory_space<vmem_shared>> -> memref<10112x128xf32, #tpu.memory_space<vmem_shared>>
      tpu.enqueue_indirect_dma source(%arg5 : memref<128x128xf32, #tpu.memory_space<vmem>>) target(%dma_start3A_160 : memref<10112x128xf32, #tpu.memory_space<vmem_shared>>) offsets(%dma_start3A_157 : memref<128xi32, #tpu.memory_space<vmem>>) semaphore(%arg9 : memref<!tpu.dma_semaphore, #tpu.memory_space<semaphore_mem>>) {add = true}
      %add3A_161 = arith.constant 2 : i32
      %add3A_162 = arith.addi %mul3A_145, %add3A_161 : i32
      %dma_start3A_163 = arith.constant 0 : i32
      %dma_start3A_164 = tpu.memref_slice %arg4[%add3A_162, %dma_start3A_163] : memref<80x128xi32, #tpu.memory_space<vmem>> -> memref<1x128xi32, #tpu.memory_space<vmem>>
      %dma_start3A_165 = tpu.memref_squeeze %dma_start3A_164 : memref<1x128xi32, #tpu.memory_space<vmem>> -> memref<128xi32, #tpu.memory_space<vmem>>
      %dma_start3A_166 = arith.constant 0 : i32
      %dma_start3A_167 = arith.constant 0 : i32
      %dma_start3A_168 = tpu.memref_slice %arg7[%dma_start3A_166, %dma_start3A_167] : memref<10112x128xf32, #tpu.memory_space<vmem_shared>> -> memref<10112x128xf32, #tpu.memory_space<vmem_shared>>
      tpu.enqueue_indirect_dma source(%arg5 : memref<128x128xf32, #tpu.memory_space<vmem>>) target(%dma_start3A_168 : memref<10112x128xf32, #tpu.memory_space<vmem_shared>>) offsets(%dma_start3A_165 : memref<128xi32, #tpu.memory_space<vmem>>) semaphore(%arg10 : memref<!tpu.dma_semaphore, #tpu.memory_space<semaphore_mem>>) {add = true}
      %add3A_169 = arith.constant 3 : i32
      %add3A_170 = arith.addi %mul3A_145, %add3A_169 : i32
      %dma_start3A_171 = arith.constant 0 : i32
      %dma_start3A_172 = tpu.memref_slice %arg4[%add3A_170, %dma_start3A_171] : memref<80x128xi32, #tpu.memory_space<vmem>> -> memref<1x128xi32, #tpu.memory_space<vmem>>
      %dma_start3A_173 = tpu.memref_squeeze %dma_start3A_172 : memref<1x128xi32, #tpu.memory_space<vmem>> -> memref<128xi32, #tpu.memory_space<vmem>>
      %dma_start3A_174 = arith.constant 0 : i32
      %dma_start3A_175 = arith.constant 0 : i32
      %dma_start3A_176 = tpu.memref_slice %arg7[%dma_start3A_174, %dma_start3A_175] : memref<10112x128xf32, #tpu.memory_space<vmem_shared>> -> memref<10112x128xf32, #tpu.memory_space<vmem_shared>>
      tpu.enqueue_indirect_dma source(%arg5 : memref<128x128xf32, #tpu.memory_space<vmem>>) target(%dma_start3A_176 : memref<10112x128xf32, #tpu.memory_space<vmem_shared>>) offsets(%dma_start3A_173 : memref<128xi32, #tpu.memory_space<vmem>>) semaphore(%arg11 : memref<!tpu.dma_semaphore, #tpu.memory_space<semaphore_mem>>) {add = true}
      %add3A_177 = arith.constant 4 : i32
      %add3A_178 = arith.addi %mul3A_145, %add3A_177 : i32
      %dma_start3A_179 = arith.constant 0 : i32
      %dma_start3A_180 = tpu.memref_slice %arg4[%add3A_178, %dma_start3A_179] : memref<80x128xi32, #tpu.memory_space<vmem>> -> memref<1x128xi32, #tpu.memory_space<vmem>>
      %dma_start3A_181 = tpu.memref_squeeze %dma_start3A_180 : memref<1x128xi32, #tpu.memory_space<vmem>> -> memref<128xi32, #tpu.memory_space<vmem>>
      %dma_start3A_182 = arith.constant 0 : i32
      %dma_start3A_183 = arith.constant 0 : i32
      %dma_start3A_184 = tpu.memref_slice %arg7[%dma_start3A_182, %dma_start3A_183] : memref<10112x128xf32, #tpu.memory_space<vmem_shared>> -> memref<10112x128xf32, #tpu.memory_space<vmem_shared>>
      tpu.enqueue_indirect_dma source(%arg5 : memref<128x128xf32, #tpu.memory_space<vmem>>) target(%dma_start3A_184 : memref<10112x128xf32, #tpu.memory_space<vmem_shared>>) offsets(%dma_start3A_181 : memref<128xi32, #tpu.memory_space<vmem>>) semaphore(%arg12 : memref<!tpu.dma_semaphore, #tpu.memory_space<semaphore_mem>>) {add = true}
      %add3A_185 = arith.constant 5 : i32
      %add3A_186 = arith.addi %mul3A_145, %add3A_185 : i32
      %dma_start3A_187 = arith.constant 0 : i32
      %dma_start3A_188 = tpu.memref_slice %arg4[%add3A_186, %dma_start3A_187] : memref<80x128xi32, #tpu.memory_space<vmem>> -> memref<1x128xi32, #tpu.memory_space<vmem>>
      %dma_start3A_189 = tpu.memref_squeeze %dma_start3A_188 : memref<1x128xi32, #tpu.memory_space<vmem>> -> memref<128xi32, #tpu.memory_space<vmem>>
      %dma_start3A_190 = arith.constant 0 : i32
      %dma_start3A_191 = arith.constant 0 : i32
      %dma_start3A_192 = tpu.memref_slice %arg7[%dma_start3A_190, %dma_start3A_191] : memref<10112x128xf32, #tpu.memory_space<vmem_shared>> -> memref<10112x128xf32, #tpu.memory_space<vmem_shared>>
      tpu.enqueue_indirect_dma source(%arg5 : memref<128x128xf32, #tpu.memory_space<vmem>>) target(%dma_start3A_192 : memref<10112x128xf32, #tpu.memory_space<vmem_shared>>) offsets(%dma_start3A_189 : memref<128xi32, #tpu.memory_space<vmem>>) semaphore(%arg13 : memref<!tpu.dma_semaphore, #tpu.memory_space<semaphore_mem>>) {add = true}
      %add3A_193 = arith.constant 6 : i32
      %add3A_194 = arith.addi %mul3A_145, %add3A_193 : i32
      %dma_start3A_195 = arith.constant 0 : i32
      %dma_start3A_196 = tpu.memref_slice %arg4[%add3A_194, %dma_start3A_195] : memref<80x128xi32, #tpu.memory_space<vmem>> -> memref<1x128xi32, #tpu.memory_space<vmem>>
      %dma_start3A_197 = tpu.memref_squeeze %dma_start3A_196 : memref<1x128xi32, #tpu.memory_space<vmem>> -> memref<128xi32, #tpu.memory_space<vmem>>
      %dma_start3A_198 = arith.constant 0 : i32
      %dma_start3A_199 = arith.constant 0 : i32
      %dma_start3A_200 = tpu.memref_slice %arg7[%dma_start3A_198, %dma_start3A_199] : memref<10112x128xf32, #tpu.memory_space<vmem_shared>> -> memref<10112x128xf32, #tpu.memory_space<vmem_shared>>
      tpu.enqueue_indirect_dma source(%arg5 : memref<128x128xf32, #tpu.memory_space<vmem>>) target(%dma_start3A_200 : memref<10112x128xf32, #tpu.memory_space<vmem_shared>>) offsets(%dma_start3A_197 : memref<128xi32, #tpu.memory_space<vmem>>) semaphore(%arg14 : memref<!tpu.dma_semaphore, #tpu.memory_space<semaphore_mem>>) {add = true}
      %add3A_201 = arith.constant 7 : i32
      %add3A_202 = arith.addi %mul3A_145, %add3A_201 : i32
      %dma_start3A_203 = arith.constant 0 : i32
      %dma_start3A_204 = tpu.memref_slice %arg4[%add3A_202, %dma_start3A_203] : memref<80x128xi32, #tpu.memory_space<vmem>> -> memref<1x128xi32, #tpu.memory_space<vmem>>
      %dma_start3A_205 = tpu.memref_squeeze %dma_start3A_204 : memref<1x128xi32, #tpu.memory_space<vmem>> -> memref<128xi32, #tpu.memory_space<vmem>>
      %dma_start3A_206 = arith.constant 0 : i32
      %dma_start3A_207 = arith.constant 0 : i32
      %dma_start3A_208 = tpu.memref_slice %arg7[%dma_start3A_206, %dma_start3A_207] : memref<10112x128xf32, #tpu.memory_space<vmem_shared>> -> memref<10112x128xf32, #tpu.memory_space<vmem_shared>>
      tpu.enqueue_indirect_dma source(%arg5 : memref<128x128xf32, #tpu.memory_space<vmem>>) target(%dma_start3A_208 : memref<10112x128xf32, #tpu.memory_space<vmem_shared>>) offsets(%dma_start3A_205 : memref<128xi32, #tpu.memory_space<vmem>>) semaphore(%arg15 : memref<!tpu.dma_semaphore, #tpu.memory_space<semaphore_mem>>) {add = true}
      %dma_wait3A = arith.constant 0 : i32
      %dma_wait3A_209 = tpu.memref_slice %arg4[%add3A_147, %dma_wait3A] : memref<80x128xi32, #tpu.memory_space<vmem>> -> memref<1x128xi32, #tpu.memory_space<vmem>>
      %dma_wait3A_210 = tpu.memref_squeeze %dma_wait3A_209 : memref<1x128xi32, #tpu.memory_space<vmem>> -> memref<128xi32, #tpu.memory_space<vmem>>
      %dma_wait3A_211 = arith.constant 0 : i32
      %dma_wait3A_212 = arith.constant 0 : i32
      %dma_wait3A_213 = tpu.memref_slice %arg7[%dma_wait3A_211, %dma_wait3A_212] : memref<10112x128xf32, #tpu.memory_space<vmem_shared>> -> memref<10112x128xf32, #tpu.memory_space<vmem_shared>>
      tpu.wait_indirect_dma semaphore(%arg8 : memref<!tpu.dma_semaphore, #tpu.memory_space<semaphore_mem>>) src(%arg5 : memref<128x128xf32, #tpu.memory_space<vmem>>) dst(%dma_wait3A_213 : memref<10112x128xf32, #tpu.memory_space<vmem_shared>>)
      %dma_wait3A_214 = arith.constant 0 : i32
      %dma_wait3A_215 = tpu.memref_slice %arg4[%add3A_154, %dma_wait3A_214] : memref<80x128xi32, #tpu.memory_space<vmem>> -> memref<1x128xi32, #tpu.memory_space<vmem>>
      %dma_wait3A_216 = tpu.memref_squeeze %dma_wait3A_215 : memref<1x128xi32, #tpu.memory_space<vmem>> -> memref<128xi32, #tpu.memory_space<vmem>>
      %dma_wait3A_217 = arith.constant 0 : i32
      %dma_wait3A_218 = arith.constant 0 : i32
      %dma_wait3A_219 = tpu.memref_slice %arg7[%dma_wait3A_217, %dma_wait3A_218] : memref<10112x128xf32, #tpu.memory_space<vmem_shared>> -> memref<10112x128xf32, #tpu.memory_space<vmem_shared>>
      tpu.wait_indirect_dma semaphore(%arg9 : memref<!tpu.dma_semaphore, #tpu.memory_space<semaphore_mem>>) src(%arg5 : memref<128x128xf32, #tpu.memory_space<vmem>>) dst(%dma_wait3A_219 : memref<10112x128xf32, #tpu.memory_space<vmem_shared>>)
      %dma_wait3A_220 = arith.constant 0 : i32
      %dma_wait3A_221 = tpu.memref_slice %arg4[%add3A_162, %dma_wait3A_220] : memref<80x128xi32, #tpu.memory_space<vmem>> -> memref<1x128xi32, #tpu.memory_space<vmem>>
      %dma_wait3A_222 = tpu.memref_squeeze %dma_wait3A_221 : memref<1x128xi32, #tpu.memory_space<vmem>> -> memref<128xi32, #tpu.memory_space<vmem>>
      %dma_wait3A_223 = arith.constant 0 : i32
      %dma_wait3A_224 = arith.constant 0 : i32
      %dma_wait3A_225 = tpu.memref_slice %arg7[%dma_wait3A_223, %dma_wait3A_224] : memref<10112x128xf32, #tpu.memory_space<vmem_shared>> -> memref<10112x128xf32, #tpu.memory_space<vmem_shared>>
      tpu.wait_indirect_dma semaphore(%arg10 : memref<!tpu.dma_semaphore, #tpu.memory_space<semaphore_mem>>) src(%arg5 : memref<128x128xf32, #tpu.memory_space<vmem>>) dst(%dma_wait3A_225 : memref<10112x128xf32, #tpu.memory_space<vmem_shared>>)
      %dma_wait3A_226 = arith.constant 0 : i32
      %dma_wait3A_227 = tpu.memref_slice %arg4[%add3A_170, %dma_wait3A_226] : memref<80x128xi32, #tpu.memory_space<vmem>> -> memref<1x128xi32, #tpu.memory_space<vmem>>
      %dma_wait3A_228 = tpu.memref_squeeze %dma_wait3A_227 : memref<1x128xi32, #tpu.memory_space<vmem>> -> memref<128xi32, #tpu.memory_space<vmem>>
      %dma_wait3A_229 = arith.constant 0 : i32
      %dma_wait3A_230 = arith.constant 0 : i32
      %dma_wait3A_231 = tpu.memref_slice %arg7[%dma_wait3A_229, %dma_wait3A_230] : memref<10112x128xf32, #tpu.memory_space<vmem_shared>> -> memref<10112x128xf32, #tpu.memory_space<vmem_shared>>
      tpu.wait_indirect_dma semaphore(%arg11 : memref<!tpu.dma_semaphore, #tpu.memory_space<semaphore_mem>>) src(%arg5 : memref<128x128xf32, #tpu.memory_space<vmem>>) dst(%dma_wait3A_231 : memref<10112x128xf32, #tpu.memory_space<vmem_shared>>)
      %dma_wait3A_232 = arith.constant 0 : i32
      %dma_wait3A_233 = tpu.memref_slice %arg4[%add3A_178, %dma_wait3A_232] : memref<80x128xi32, #tpu.memory_space<vmem>> -> memref<1x128xi32, #tpu.memory_space<vmem>>
      %dma_wait3A_234 = tpu.memref_squeeze %dma_wait3A_233 : memref<1x128xi32, #tpu.memory_space<vmem>> -> memref<128xi32, #tpu.memory_space<vmem>>
      %dma_wait3A_235 = arith.constant 0 : i32
      %dma_wait3A_236 = arith.constant 0 : i32
      %dma_wait3A_237 = tpu.memref_slice %arg7[%dma_wait3A_235, %dma_wait3A_236] : memref<10112x128xf32, #tpu.memory_space<vmem_shared>> -> memref<10112x128xf32, #tpu.memory_space<vmem_shared>>
      tpu.wait_indirect_dma semaphore(%arg12 : memref<!tpu.dma_semaphore, #tpu.memory_space<semaphore_mem>>) src(%arg5 : memref<128x128xf32, #tpu.memory_space<vmem>>) dst(%dma_wait3A_237 : memref<10112x128xf32, #tpu.memory_space<vmem_shared>>)
      %dma_wait3A_238 = arith.constant 0 : i32
      %dma_wait3A_239 = tpu.memref_slice %arg4[%add3A_186, %dma_wait3A_238] : memref<80x128xi32, #tpu.memory_space<vmem>> -> memref<1x128xi32, #tpu.memory_space<vmem>>
      %dma_wait3A_240 = tpu.memref_squeeze %dma_wait3A_239 : memref<1x128xi32, #tpu.memory_space<vmem>> -> memref<128xi32, #tpu.memory_space<vmem>>
      %dma_wait3A_241 = arith.constant 0 : i32
      %dma_wait3A_242 = arith.constant 0 : i32
      %dma_wait3A_243 = tpu.memref_slice %arg7[%dma_wait3A_241, %dma_wait3A_242] : memref<10112x128xf32, #tpu.memory_space<vmem_shared>> -> memref<10112x128xf32, #tpu.memory_space<vmem_shared>>
      tpu.wait_indirect_dma semaphore(%arg13 : memref<!tpu.dma_semaphore, #tpu.memory_space<semaphore_mem>>) src(%arg5 : memref<128x128xf32, #tpu.memory_space<vmem>>) dst(%dma_wait3A_243 : memref<10112x128xf32, #tpu.memory_space<vmem_shared>>)
      %dma_wait3A_244 = arith.constant 0 : i32
      %dma_wait3A_245 = tpu.memref_slice %arg4[%add3A_194, %dma_wait3A_244] : memref<80x128xi32, #tpu.memory_space<vmem>> -> memref<1x128xi32, #tpu.memory_space<vmem>>
      %dma_wait3A_246 = tpu.memref_squeeze %dma_wait3A_245 : memref<1x128xi32, #tpu.memory_space<vmem>> -> memref<128xi32, #tpu.memory_space<vmem>>
      %dma_wait3A_247 = arith.constant 0 : i32
      %dma_wait3A_248 = arith.constant 0 : i32
      %dma_wait3A_249 = tpu.memref_slice %arg7[%dma_wait3A_247, %dma_wait3A_248] : memref<10112x128xf32, #tpu.memory_space<vmem_shared>> -> memref<10112x128xf32, #tpu.memory_space<vmem_shared>>
      tpu.wait_indirect_dma semaphore(%arg14 : memref<!tpu.dma_semaphore, #tpu.memory_space<semaphore_mem>>) src(%arg5 : memref<128x128xf32, #tpu.memory_space<vmem>>) dst(%dma_wait3A_249 : memref<10112x128xf32, #tpu.memory_space<vmem_shared>>)
      %dma_wait3A_250 = arith.constant 0 : i32
      %dma_wait3A_251 = tpu.memref_slice %arg4[%add3A_202, %dma_wait3A_250] : memref<80x128xi32, #tpu.memory_space<vmem>> -> memref<1x128xi32, #tpu.memory_space<vmem>>
      %dma_wait3A_252 = tpu.memref_squeeze %dma_wait3A_251 : memref<1x128xi32, #tpu.memory_space<vmem>> -> memref<128xi32, #tpu.memory_space<vmem>>
      %dma_wait3A_253 = arith.constant 0 : i32
      %dma_wait3A_254 = arith.constant 0 : i32
      %dma_wait3A_255 = tpu.memref_slice %arg7[%dma_wait3A_253, %dma_wait3A_254] : memref<10112x128xf32, #tpu.memory_space<vmem_shared>> -> memref<10112x128xf32, #tpu.memory_space<vmem_shared>>
      tpu.wait_indirect_dma semaphore(%arg15 : memref<!tpu.dma_semaphore, #tpu.memory_space<semaphore_mem>>) src(%arg5 : memref<128x128xf32, #tpu.memory_space<vmem>>) dst(%dma_wait3A_255 : memref<10112x128xf32, #tpu.memory_space<vmem_shared>>)
    }
    %scan3A_29 = arith.constant 10 : i32
    %barrier3A_30 = arith.constant 0 : index
    tpu.barrier barrier_id(%barrier3A_30)
    %mul3A_31 = arith.constant 632 : i32
    %mul3A_32 = arith.muli %arg1, %mul3A_31 : i32
    %mul3A_33 = arith.constant 632 : i32
    %mul3A_34 = arith.muli %arg1, %mul3A_33 : i32
    %run_scoped3A_35 = arith.constant 0 : i32
    "tpu.region"() ({
      %run_scoped3A_139 = tpu.sem_alloc : memref<!tpu.dma_semaphore, #tpu.memory_space<semaphore_mem>>
      %dma_start3A = arith.constant 0 : i32
      %dma_start3A_140 = tpu.memref_slice %arg3[%run_scoped3A_35, %arg0, %mul3A_34, %dma_start3A] : memref<4x2x10112x128xf32, #tpu.memory_space<hbm>> -> memref<1x1x632x128xf32, #tpu.memory_space<hbm>>
      %dma_start3A_141 = tpu.memref_squeeze %dma_start3A_140 : memref<1x1x632x128xf32, #tpu.memory_space<hbm>> -> memref<632x128xf32, #tpu.memory_space<hbm>>
      %dma_start3A_142 = arith.constant 0 : i32
      %dma_start3A_143 = tpu.memref_slice %arg7[%mul3A_32, %dma_start3A_142] : memref<10112x128xf32, #tpu.memory_space<vmem_shared>> -> memref<632x128xf32, #tpu.memory_space<vmem_shared>>
      tpu.enqueue_dma source(%dma_start3A_143 : memref<632x128xf32, #tpu.memory_space<vmem_shared>>) target(%dma_start3A_141 : memref<632x128xf32, #tpu.memory_space<hbm>>) target_semaphore(%run_scoped3A_139 : memref<!tpu.dma_semaphore, #tpu.memory_space<semaphore_mem>>)
      %dma_wait3A = arith.constant 0 : i32
      %dma_wait3A_144 = tpu.memref_slice %arg3[%run_scoped3A_35, %arg0, %mul3A_34, %dma_wait3A] : memref<4x2x10112x128xf32, #tpu.memory_space<hbm>> -> memref<1x1x632x128xf32, #tpu.memory_space<hbm>>
      %dma_wait3A_145 = tpu.memref_squeeze %dma_wait3A_144 : memref<1x1x632x128xf32, #tpu.memory_space<hbm>> -> memref<632x128xf32, #tpu.memory_space<hbm>>
      %dma_wait3A_146 = arith.constant 0 : i32
      %dma_wait3A_147 = tpu.memref_slice %arg7[%mul3A_32, %dma_wait3A_146] : memref<10112x128xf32, #tpu.memory_space<vmem_shared>> -> memref<632x128xf32, #tpu.memory_space<vmem_shared>>
      tpu.wait_dma2 semaphore(%run_scoped3A_139 : memref<!tpu.dma_semaphore, #tpu.memory_space<semaphore_mem>>) src(%dma_wait3A_147 : memref<632x128xf32, #tpu.memory_space<vmem_shared>>) dst(%dma_wait3A_145 : memref<632x128xf32, #tpu.memory_space<hbm>>)
      tpu.yield
    }) : () -> ()
    %barrier3A_36 = arith.constant 0 : index
    tpu.barrier barrier_id(%barrier3A_36)
    %mul3A_37 = arith.constant 632 : i32
    %mul3A_38 = arith.muli %arg1, %mul3A_37 : i32
    %add3A_39 = arith.constant 0 : i32
    %add3A_40 = arith.addi %mul3A_38, %add3A_39 : i32
    "tpu.region"() ({
      %run_scoped3A_139 = tpu.sem_alloc : memref<!tpu.dma_semaphore, #tpu.memory_space<semaphore_mem>>
      %dma_start3A = arith.constant 0 : i32
      %dma_start3A_140 = tpu.memref_slice %arg7[%add3A_40, %dma_start3A] : memref<10112x128xf32, #tpu.memory_space<vmem_shared>> -> memref<128x128xf32, #tpu.memory_space<vmem_shared>>
      %dma_start3A_141 = arith.constant 0 : i32
      %dma_start3A_142 = tpu.memref_slice %arg7[%add3A_40, %dma_start3A_141] : memref<10112x128xf32, #tpu.memory_space<vmem_shared>> -> memref<128x128xf32, #tpu.memory_space<vmem_shared>>
      tpu.enqueue_dma source(%arg6 : memref<128x128xf32, #tpu.memory_space<vmem>>) target(%dma_start3A_142 : memref<128x128xf32, #tpu.memory_space<vmem_shared>>) target_semaphore(%run_scoped3A_139 : memref<!tpu.dma_semaphore, #tpu.memory_space<semaphore_mem>>)
      %dma_wait3A = arith.constant 0 : i32
      %dma_wait3A_143 = tpu.memref_slice %arg7[%add3A_40, %dma_wait3A] : memref<10112x128xf32, #tpu.memory_space<vmem_shared>> -> memref<128x128xf32, #tpu.memory_space<vmem_shared>>
      %dma_wait3A_144 = arith.constant 0 : i32
      %dma_wait3A_145 = tpu.memref_slice %arg7[%add3A_40, %dma_wait3A_144] : memref<10112x128xf32, #tpu.memory_space<vmem_shared>> -> memref<128x128xf32, #tpu.memory_space<vmem_shared>>
      tpu.wait_dma2 semaphore(%run_scoped3A_139 : memref<!tpu.dma_semaphore, #tpu.memory_space<semaphore_mem>>) src(%arg6 : memref<128x128xf32, #tpu.memory_space<vmem>>) dst(%dma_wait3A_145 : memref<128x128xf32, #tpu.memory_space<vmem_shared>>)
      tpu.yield
    }) : () -> ()
    %mul3A_41 = arith.constant 632 : i32
    %mul3A_42 = arith.muli %arg1, %mul3A_41 : i32
    %add3A_43 = arith.constant 128 : i32
    %add3A_44 = arith.addi %mul3A_42, %add3A_43 : i32
    "tpu.region"() ({
      %run_scoped3A_139 = tpu.sem_alloc : memref<!tpu.dma_semaphore, #tpu.memory_space<semaphore_mem>>
      %dma_start3A = arith.constant 0 : i32
      %dma_start3A_140 = tpu.memref_slice %arg7[%add3A_44, %dma_start3A] : memref<10112x128xf32, #tpu.memory_space<vmem_shared>> -> memref<128x128xf32, #tpu.memory_space<vmem_shared>>
      %dma_start3A_141 = arith.constant 0 : i32
      %dma_start3A_142 = tpu.memref_slice %arg7[%add3A_44, %dma_start3A_141] : memref<10112x128xf32, #tpu.memory_space<vmem_shared>> -> memref<128x128xf32, #tpu.memory_space<vmem_shared>>
      tpu.enqueue_dma source(%arg6 : memref<128x128xf32, #tpu.memory_space<vmem>>) target(%dma_start3A_142 : memref<128x128xf32, #tpu.memory_space<vmem_shared>>) target_semaphore(%run_scoped3A_139 : memref<!tpu.dma_semaphore, #tpu.memory_space<semaphore_mem>>)
      %dma_wait3A = arith.constant 0 : i32
      %dma_wait3A_143 = tpu.memref_slice %arg7[%add3A_44, %dma_wait3A] : memref<10112x128xf32, #tpu.memory_space<vmem_shared>> -> memref<128x128xf32, #tpu.memory_space<vmem_shared>>
      %dma_wait3A_144 = arith.constant 0 : i32
      %dma_wait3A_145 = tpu.memref_slice %arg7[%add3A_44, %dma_wait3A_144] : memref<10112x128xf32, #tpu.memory_space<vmem_shared>> -> memref<128x128xf32, #tpu.memory_space<vmem_shared>>
      tpu.wait_dma2 semaphore(%run_scoped3A_139 : memref<!tpu.dma_semaphore, #tpu.memory_space<semaphore_mem>>) src(%arg6 : memref<128x128xf32, #tpu.memory_space<vmem>>) dst(%dma_wait3A_145 : memref<128x128xf32, #tpu.memory_space<vmem_shared>>)
      tpu.yield
    }) : () -> ()
    %mul3A_45 = arith.constant 632 : i32
    %mul3A_46 = arith.muli %arg1, %mul3A_45 : i32
    %add3A_47 = arith.constant 256 : i32
    %add3A_48 = arith.addi %mul3A_46, %add3A_47 : i32
    "tpu.region"() ({
      %run_scoped3A_139 = tpu.sem_alloc : memref<!tpu.dma_semaphore, #tpu.memory_space<semaphore_mem>>
      %dma_start3A = arith.constant 0 : i32
      %dma_start3A_140 = tpu.memref_slice %arg7[%add3A_48, %dma_start3A] : memref<10112x128xf32, #tpu.memory_space<vmem_shared>> -> memref<128x128xf32, #tpu.memory_space<vmem_shared>>
      %dma_start3A_141 = arith.constant 0 : i32
      %dma_start3A_142 = tpu.memref_slice %arg7[%add3A_48, %dma_start3A_141] : memref<10112x128xf32, #tpu.memory_space<vmem_shared>> -> memref<128x128xf32, #tpu.memory_space<vmem_shared>>
      tpu.enqueue_dma source(%arg6 : memref<128x128xf32, #tpu.memory_space<vmem>>) target(%dma_start3A_142 : memref<128x128xf32, #tpu.memory_space<vmem_shared>>) target_semaphore(%run_scoped3A_139 : memref<!tpu.dma_semaphore, #tpu.memory_space<semaphore_mem>>)
      %dma_wait3A = arith.constant 0 : i32
      %dma_wait3A_143 = tpu.memref_slice %arg7[%add3A_48, %dma_wait3A] : memref<10112x128xf32, #tpu.memory_space<vmem_shared>> -> memref<128x128xf32, #tpu.memory_space<vmem_shared>>
      %dma_wait3A_144 = arith.constant 0 : i32
      %dma_wait3A_145 = tpu.memref_slice %arg7[%add3A_48, %dma_wait3A_144] : memref<10112x128xf32, #tpu.memory_space<vmem_shared>> -> memref<128x128xf32, #tpu.memory_space<vmem_shared>>
      tpu.wait_dma2 semaphore(%run_scoped3A_139 : memref<!tpu.dma_semaphore, #tpu.memory_space<semaphore_mem>>) src(%arg6 : memref<128x128xf32, #tpu.memory_space<vmem>>) dst(%dma_wait3A_145 : memref<128x128xf32, #tpu.memory_space<vmem_shared>>)
      tpu.yield
    }) : () -> ()
    %mul3A_49 = arith.constant 632 : i32
    %mul3A_50 = arith.muli %arg1, %mul3A_49 : i32
    %add3A_51 = arith.constant 384 : i32
    %add3A_52 = arith.addi %mul3A_50, %add3A_51 : i32
    "tpu.region"() ({
      %run_scoped3A_139 = tpu.sem_alloc : memref<!tpu.dma_semaphore, #tpu.memory_space<semaphore_mem>>
      %dma_start3A = arith.constant 0 : i32
      %dma_start3A_140 = tpu.memref_slice %arg7[%add3A_52, %dma_start3A] : memref<10112x128xf32, #tpu.memory_space<vmem_shared>> -> memref<128x128xf32, #tpu.memory_space<vmem_shared>>
      %dma_start3A_141 = arith.constant 0 : i32
      %dma_start3A_142 = tpu.memref_slice %arg7[%add3A_52, %dma_start3A_141] : memref<10112x128xf32, #tpu.memory_space<vmem_shared>> -> memref<128x128xf32, #tpu.memory_space<vmem_shared>>
      tpu.enqueue_dma source(%arg6 : memref<128x128xf32, #tpu.memory_space<vmem>>) target(%dma_start3A_142 : memref<128x128xf32, #tpu.memory_space<vmem_shared>>) target_semaphore(%run_scoped3A_139 : memref<!tpu.dma_semaphore, #tpu.memory_space<semaphore_mem>>)
      %dma_wait3A = arith.constant 0 : i32
      %dma_wait3A_143 = tpu.memref_slice %arg7[%add3A_52, %dma_wait3A] : memref<10112x128xf32, #tpu.memory_space<vmem_shared>> -> memref<128x128xf32, #tpu.memory_space<vmem_shared>>
      %dma_wait3A_144 = arith.constant 0 : i32
      %dma_wait3A_145 = tpu.memref_slice %arg7[%add3A_52, %dma_wait3A_144] : memref<10112x128xf32, #tpu.memory_space<vmem_shared>> -> memref<128x128xf32, #tpu.memory_space<vmem_shared>>
      tpu.wait_dma2 semaphore(%run_scoped3A_139 : memref<!tpu.dma_semaphore, #tpu.memory_space<semaphore_mem>>) src(%arg6 : memref<128x128xf32, #tpu.memory_space<vmem>>) dst(%dma_wait3A_145 : memref<128x128xf32, #tpu.memory_space<vmem_shared>>)
      tpu.yield
    }) : () -> ()
    %mul3A_53 = arith.constant 632 : i32
    %mul3A_54 = arith.muli %arg1, %mul3A_53 : i32
    %add3A_55 = arith.constant 512 : i32
    %add3A_56 = arith.addi %mul3A_54, %add3A_55 : i32
    "tpu.region"() ({
      %run_scoped3A_139 = tpu.sem_alloc : memref<!tpu.dma_semaphore, #tpu.memory_space<semaphore_mem>>
      %dma_start3A = arith.constant 0 : i32
      %dma_start3A_140 = arith.constant 0 : i32
      %dma_start3A_141 = tpu.memref_slice %arg6[%dma_start3A, %dma_start3A_140] : memref<128x128xf32, #tpu.memory_space<vmem>> -> memref<120x128xf32, #tpu.memory_space<vmem>>
      %dma_start3A_142 = arith.constant 0 : i32
      %dma_start3A_143 = tpu.memref_slice %arg7[%add3A_56, %dma_start3A_142] : memref<10112x128xf32, #tpu.memory_space<vmem_shared>> -> memref<120x128xf32, #tpu.memory_space<vmem_shared>>
      %dma_start3A_144 = arith.constant 0 : i32
      %dma_start3A_145 = tpu.memref_slice %arg7[%add3A_56, %dma_start3A_144] : memref<10112x128xf32, #tpu.memory_space<vmem_shared>> -> memref<120x128xf32, #tpu.memory_space<vmem_shared>>
      %dma_start3A_146 = arith.constant 0 : i32
      %dma_start3A_147 = arith.constant 0 : i32
      %dma_start3A_148 = tpu.memref_slice %arg6[%dma_start3A_146, %dma_start3A_147] : memref<128x128xf32, #tpu.memory_space<vmem>> -> memref<120x128xf32, #tpu.memory_space<vmem>>
      tpu.enqueue_dma source(%dma_start3A_148 : memref<120x128xf32, #tpu.memory_space<vmem>>) target(%dma_start3A_145 : memref<120x128xf32, #tpu.memory_space<vmem_shared>>) target_semaphore(%run_scoped3A_139 : memref<!tpu.dma_semaphore, #tpu.memory_space<semaphore_mem>>)
      %dma_wait3A = arith.constant 0 : i32
      %dma_wait3A_149 = arith.constant 0 : i32
      %dma_wait3A_150 = tpu.memref_slice %arg6[%dma_wait3A, %dma_wait3A_149] : memref<128x128xf32, #tpu.memory_space<vmem>> -> memref<120x128xf32, #tpu.memory_space<vmem>>
      %dma_wait3A_151 = arith.constant 0 : i32
      %dma_wait3A_152 = tpu.memref_slice %arg7[%add3A_56, %dma_wait3A_151] : memref<10112x128xf32, #tpu.memory_space<vmem_shared>> -> memref<120x128xf32, #tpu.memory_space<vmem_shared>>
      %dma_wait3A_153 = arith.constant 0 : i32
      %dma_wait3A_154 = tpu.memref_slice %arg7[%add3A_56, %dma_wait3A_153] : memref<10112x128xf32, #tpu.memory_space<vmem_shared>> -> memref<120x128xf32, #tpu.memory_space<vmem_shared>>
      %dma_wait3A_155 = arith.constant 0 : i32
      %dma_wait3A_156 = arith.constant 0 : i32
      %dma_wait3A_157 = tpu.memref_slice %arg6[%dma_wait3A_155, %dma_wait3A_156] : memref<128x128xf32, #tpu.memory_space<vmem>> -> memref<120x128xf32, #tpu.memory_space<vmem>>
      tpu.wait_dma2 semaphore(%run_scoped3A_139 : memref<!tpu.dma_semaphore, #tpu.memory_space<semaphore_mem>>) src(%dma_wait3A_157 : memref<120x128xf32, #tpu.memory_space<vmem>>) dst(%dma_wait3A_154 : memref<120x128xf32, #tpu.memory_space<vmem_shared>>)
      tpu.yield
    }) : () -> ()
    %run_scoped3A_57 = arith.constant 1 : i32
    "tpu.region"() ({
      %run_scoped3A_139 = tpu.sem_alloc : memref<!tpu.dma_semaphore, #tpu.memory_space<semaphore_mem>>
      %dma_start3A = arith.constant 0 : i32
      %dma_start3A_140 = arith.constant 0 : i32
      %dma_start3A_141 = tpu.memref_slice %arg2[%run_scoped3A_57, %add3A, %dma_start3A, %dma_start3A_140] : memref<4x32x80x128xi32, #tpu.memory_space<hbm>> -> memref<1x1x80x128xi32, #tpu.memory_space<hbm>>
      %dma_start3A_142 = tpu.memref_squeeze %dma_start3A_141 : memref<1x1x80x128xi32, #tpu.memory_space<hbm>> -> memref<80x128xi32, #tpu.memory_space<hbm>>
      %dma_start3A_143 = arith.constant 0 : i32
      %dma_start3A_144 = arith.constant 0 : i32
      %dma_start3A_145 = tpu.memref_slice %arg2[%run_scoped3A_57, %add3A, %dma_start3A_143, %dma_start3A_144] : memref<4x32x80x128xi32, #tpu.memory_space<hbm>> -> memref<1x1x80x128xi32, #tpu.memory_space<hbm>>
      %dma_start3A_146 = tpu.memref_squeeze %dma_start3A_145 : memref<1x1x80x128xi32, #tpu.memory_space<hbm>> -> memref<80x128xi32, #tpu.memory_space<hbm>>
      tpu.enqueue_dma source(%dma_start3A_146 : memref<80x128xi32, #tpu.memory_space<hbm>>) target(%arg4 : memref<80x128xi32, #tpu.memory_space<vmem>>) target_semaphore(%run_scoped3A_139 : memref<!tpu.dma_semaphore, #tpu.memory_space<semaphore_mem>>)
      %dma_wait3A = arith.constant 0 : i32
      %dma_wait3A_147 = arith.constant 0 : i32
      %dma_wait3A_148 = tpu.memref_slice %arg2[%run_scoped3A_57, %add3A, %dma_wait3A, %dma_wait3A_147] : memref<4x32x80x128xi32, #tpu.memory_space<hbm>> -> memref<1x1x80x128xi32, #tpu.memory_space<hbm>>
      %dma_wait3A_149 = tpu.memref_squeeze %dma_wait3A_148 : memref<1x1x80x128xi32, #tpu.memory_space<hbm>> -> memref<80x128xi32, #tpu.memory_space<hbm>>
      %dma_wait3A_150 = arith.constant 0 : i32
      %dma_wait3A_151 = arith.constant 0 : i32
      %dma_wait3A_152 = tpu.memref_slice %arg2[%run_scoped3A_57, %add3A, %dma_wait3A_150, %dma_wait3A_151] : memref<4x32x80x128xi32, #tpu.memory_space<hbm>> -> memref<1x1x80x128xi32, #tpu.memory_space<hbm>>
      %dma_wait3A_153 = tpu.memref_squeeze %dma_wait3A_152 : memref<1x1x80x128xi32, #tpu.memory_space<hbm>> -> memref<80x128xi32, #tpu.memory_space<hbm>>
      tpu.wait_dma2 semaphore(%run_scoped3A_139 : memref<!tpu.dma_semaphore, #tpu.memory_space<semaphore_mem>>) src(%dma_wait3A_153 : memref<80x128xi32, #tpu.memory_space<hbm>>) dst(%arg4 : memref<80x128xi32, #tpu.memory_space<vmem>>)
      tpu.yield
    }) : () -> ()
    %barrier3A_58 = arith.constant 0 : index
    tpu.barrier barrier_id(%barrier3A_58)
    %scan3A_59 = arith.constant 0 : i32
    %scan3A_60 = arith.constant 10 : i32
    %scan3A_61 = arith.addi %scan3A_59, %scan3A_60 : i32
    %scan3A_62 = arith.constant 1 : i32
    scf.for %scan3A_139 = %scan3A_59 to %scan3A_61 step %scan3A_62  : i32 {
      %mul3A_140 = arith.constant 1 : i32
      %mul3A_141 = arith.muli %scan3A_139, %mul3A_140 : i32
      %add3A_142 = arith.constant 0 : i32
      %add3A_143 = arith.addi %add3A_142, %mul3A_141 : i32
      %mul3A_144 = arith.constant 8 : i32
      %mul3A_145 = arith.muli %add3A_143, %mul3A_144 : i32
      %add3A_146 = arith.constant 0 : i32
      %add3A_147 = arith.addi %mul3A_145, %add3A_146 : i32
      %dma_start3A = arith.constant 0 : i32
      %dma_start3A_148 = tpu.memref_slice %arg4[%add3A_147, %dma_start3A] : memref<80x128xi32, #tpu.memory_space<vmem>> -> memref<1x128xi32, #tpu.memory_space<vmem>>
      %dma_start3A_149 = tpu.memref_squeeze %dma_start3A_148 : memref<1x128xi32, #tpu.memory_space<vmem>> -> memref<128xi32, #tpu.memory_space<vmem>>
      %dma_start3A_150 = arith.constant 0 : i32
      %dma_start3A_151 = arith.constant 0 : i32
      %dma_start3A_152 = tpu.memref_slice %arg7[%dma_start3A_150, %dma_start3A_151] : memref<10112x128xf32, #tpu.memory_space<vmem_shared>> -> memref<10112x128xf32, #tpu.memory_space<vmem_shared>>
      tpu.enqueue_indirect_dma source(%arg5 : memref<128x128xf32, #tpu.memory_space<vmem>>) target(%dma_start3A_152 : memref<10112x128xf32, #tpu.memory_space<vmem_shared>>) offsets(%dma_start3A_149 : memref<128xi32, #tpu.memory_space<vmem>>) semaphore(%arg8 : memref<!tpu.dma_semaphore, #tpu.memory_space<semaphore_mem>>) {add = true}
      %add3A_153 = arith.constant 1 : i32
      %add3A_154 = arith.addi %mul3A_145, %add3A_153 : i32
      %dma_start3A_155 = arith.constant 0 : i32
      %dma_start3A_156 = tpu.memref_slice %arg4[%add3A_154, %dma_start3A_155] : memref<80x128xi32, #tpu.memory_space<vmem>> -> memref<1x128xi32, #tpu.memory_space<vmem>>
      %dma_start3A_157 = tpu.memref_squeeze %dma_start3A_156 : memref<1x128xi32, #tpu.memory_space<vmem>> -> memref<128xi32, #tpu.memory_space<vmem>>
      %dma_start3A_158 = arith.constant 0 : i32
      %dma_start3A_159 = arith.constant 0 : i32
      %dma_start3A_160 = tpu.memref_slice %arg7[%dma_start3A_158, %dma_start3A_159] : memref<10112x128xf32, #tpu.memory_space<vmem_shared>> -> memref<10112x128xf32, #tpu.memory_space<vmem_shared>>
      tpu.enqueue_indirect_dma source(%arg5 : memref<128x128xf32, #tpu.memory_space<vmem>>) target(%dma_start3A_160 : memref<10112x128xf32, #tpu.memory_space<vmem_shared>>) offsets(%dma_start3A_157 : memref<128xi32, #tpu.memory_space<vmem>>) semaphore(%arg9 : memref<!tpu.dma_semaphore, #tpu.memory_space<semaphore_mem>>) {add = true}
      %add3A_161 = arith.constant 2 : i32
      %add3A_162 = arith.addi %mul3A_145, %add3A_161 : i32
      %dma_start3A_163 = arith.constant 0 : i32
      %dma_start3A_164 = tpu.memref_slice %arg4[%add3A_162, %dma_start3A_163] : memref<80x128xi32, #tpu.memory_space<vmem>> -> memref<1x128xi32, #tpu.memory_space<vmem>>
      %dma_start3A_165 = tpu.memref_squeeze %dma_start3A_164 : memref<1x128xi32, #tpu.memory_space<vmem>> -> memref<128xi32, #tpu.memory_space<vmem>>
      %dma_start3A_166 = arith.constant 0 : i32
      %dma_start3A_167 = arith.constant 0 : i32
      %dma_start3A_168 = tpu.memref_slice %arg7[%dma_start3A_166, %dma_start3A_167] : memref<10112x128xf32, #tpu.memory_space<vmem_shared>> -> memref<10112x128xf32, #tpu.memory_space<vmem_shared>>
      tpu.enqueue_indirect_dma source(%arg5 : memref<128x128xf32, #tpu.memory_space<vmem>>) target(%dma_start3A_168 : memref<10112x128xf32, #tpu.memory_space<vmem_shared>>) offsets(%dma_start3A_165 : memref<128xi32, #tpu.memory_space<vmem>>) semaphore(%arg10 : memref<!tpu.dma_semaphore, #tpu.memory_space<semaphore_mem>>) {add = true}
      %add3A_169 = arith.constant 3 : i32
      %add3A_170 = arith.addi %mul3A_145, %add3A_169 : i32
      %dma_start3A_171 = arith.constant 0 : i32
      %dma_start3A_172 = tpu.memref_slice %arg4[%add3A_170, %dma_start3A_171] : memref<80x128xi32, #tpu.memory_space<vmem>> -> memref<1x128xi32, #tpu.memory_space<vmem>>
      %dma_start3A_173 = tpu.memref_squeeze %dma_start3A_172 : memref<1x128xi32, #tpu.memory_space<vmem>> -> memref<128xi32, #tpu.memory_space<vmem>>
      %dma_start3A_174 = arith.constant 0 : i32
      %dma_start3A_175 = arith.constant 0 : i32
      %dma_start3A_176 = tpu.memref_slice %arg7[%dma_start3A_174, %dma_start3A_175] : memref<10112x128xf32, #tpu.memory_space<vmem_shared>> -> memref<10112x128xf32, #tpu.memory_space<vmem_shared>>
      tpu.enqueue_indirect_dma source(%arg5 : memref<128x128xf32, #tpu.memory_space<vmem>>) target(%dma_start3A_176 : memref<10112x128xf32, #tpu.memory_space<vmem_shared>>) offsets(%dma_start3A_173 : memref<128xi32, #tpu.memory_space<vmem>>) semaphore(%arg11 : memref<!tpu.dma_semaphore, #tpu.memory_space<semaphore_mem>>) {add = true}
      %add3A_177 = arith.constant 4 : i32
      %add3A_178 = arith.addi %mul3A_145, %add3A_177 : i32
      %dma_start3A_179 = arith.constant 0 : i32
      %dma_start3A_180 = tpu.memref_slice %arg4[%add3A_178, %dma_start3A_179] : memref<80x128xi32, #tpu.memory_space<vmem>> -> memref<1x128xi32, #tpu.memory_space<vmem>>
      %dma_start3A_181 = tpu.memref_squeeze %dma_start3A_180 : memref<1x128xi32, #tpu.memory_space<vmem>> -> memref<128xi32, #tpu.memory_space<vmem>>
      %dma_start3A_182 = arith.constant 0 : i32
      %dma_start3A_183 = arith.constant 0 : i32
      %dma_start3A_184 = tpu.memref_slice %arg7[%dma_start3A_182, %dma_start3A_183] : memref<10112x128xf32, #tpu.memory_space<vmem_shared>> -> memref<10112x128xf32, #tpu.memory_space<vmem_shared>>
      tpu.enqueue_indirect_dma source(%arg5 : memref<128x128xf32, #tpu.memory_space<vmem>>) target(%dma_start3A_184 : memref<10112x128xf32, #tpu.memory_space<vmem_shared>>) offsets(%dma_start3A_181 : memref<128xi32, #tpu.memory_space<vmem>>) semaphore(%arg12 : memref<!tpu.dma_semaphore, #tpu.memory_space<semaphore_mem>>) {add = true}
      %add3A_185 = arith.constant 5 : i32
      %add3A_186 = arith.addi %mul3A_145, %add3A_185 : i32
      %dma_start3A_187 = arith.constant 0 : i32
      %dma_start3A_188 = tpu.memref_slice %arg4[%add3A_186, %dma_start3A_187] : memref<80x128xi32, #tpu.memory_space<vmem>> -> memref<1x128xi32, #tpu.memory_space<vmem>>
      %dma_start3A_189 = tpu.memref_squeeze %dma_start3A_188 : memref<1x128xi32, #tpu.memory_space<vmem>> -> memref<128xi32, #tpu.memory_space<vmem>>
      %dma_start3A_190 = arith.constant 0 : i32
      %dma_start3A_191 = arith.constant 0 : i32
      %dma_start3A_192 = tpu.memref_slice %arg7[%dma_start3A_190, %dma_start3A_191] : memref<10112x128xf32, #tpu.memory_space<vmem_shared>> -> memref<10112x128xf32, #tpu.memory_space<vmem_shared>>
      tpu.enqueue_indirect_dma source(%arg5 : memref<128x128xf32, #tpu.memory_space<vmem>>) target(%dma_start3A_192 : memref<10112x128xf32, #tpu.memory_space<vmem_shared>>) offsets(%dma_start3A_189 : memref<128xi32, #tpu.memory_space<vmem>>) semaphore(%arg13 : memref<!tpu.dma_semaphore, #tpu.memory_space<semaphore_mem>>) {add = true}
      %add3A_193 = arith.constant 6 : i32
      %add3A_194 = arith.addi %mul3A_145, %add3A_193 : i32
      %dma_start3A_195 = arith.constant 0 : i32
      %dma_start3A_196 = tpu.memref_slice %arg4[%add3A_194, %dma_start3A_195] : memref<80x128xi32, #tpu.memory_space<vmem>> -> memref<1x128xi32, #tpu.memory_space<vmem>>
      %dma_start3A_197 = tpu.memref_squeeze %dma_start3A_196 : memref<1x128xi32, #tpu.memory_space<vmem>> -> memref<128xi32, #tpu.memory_space<vmem>>
      %dma_start3A_198 = arith.constant 0 : i32
      %dma_start3A_199 = arith.constant 0 : i32
      %dma_start3A_200 = tpu.memref_slice %arg7[%dma_start3A_198, %dma_start3A_199] : memref<10112x128xf32, #tpu.memory_space<vmem_shared>> -> memref<10112x128xf32, #tpu.memory_space<vmem_shared>>
      tpu.enqueue_indirect_dma source(%arg5 : memref<128x128xf32, #tpu.memory_space<vmem>>) target(%dma_start3A_200 : memref<10112x128xf32, #tpu.memory_space<vmem_shared>>) offsets(%dma_start3A_197 : memref<128xi32, #tpu.memory_space<vmem>>) semaphore(%arg14 : memref<!tpu.dma_semaphore, #tpu.memory_space<semaphore_mem>>) {add = true}
      %add3A_201 = arith.constant 7 : i32
      %add3A_202 = arith.addi %mul3A_145, %add3A_201 : i32
      %dma_start3A_203 = arith.constant 0 : i32
      %dma_start3A_204 = tpu.memref_slice %arg4[%add3A_202, %dma_start3A_203] : memref<80x128xi32, #tpu.memory_space<vmem>> -> memref<1x128xi32, #tpu.memory_space<vmem>>
      %dma_start3A_205 = tpu.memref_squeeze %dma_start3A_204 : memref<1x128xi32, #tpu.memory_space<vmem>> -> memref<128xi32, #tpu.memory_space<vmem>>
      %dma_start3A_206 = arith.constant 0 : i32
      %dma_start3A_207 = arith.constant 0 : i32
      %dma_start3A_208 = tpu.memref_slice %arg7[%dma_start3A_206, %dma_start3A_207] : memref<10112x128xf32, #tpu.memory_space<vmem_shared>> -> memref<10112x128xf32, #tpu.memory_space<vmem_shared>>
      tpu.enqueue_indirect_dma source(%arg5 : memref<128x128xf32, #tpu.memory_space<vmem>>) target(%dma_start3A_208 : memref<10112x128xf32, #tpu.memory_space<vmem_shared>>) offsets(%dma_start3A_205 : memref<128xi32, #tpu.memory_space<vmem>>) semaphore(%arg15 : memref<!tpu.dma_semaphore, #tpu.memory_space<semaphore_mem>>) {add = true}
      %dma_wait3A = arith.constant 0 : i32
      %dma_wait3A_209 = tpu.memref_slice %arg4[%add3A_147, %dma_wait3A] : memref<80x128xi32, #tpu.memory_space<vmem>> -> memref<1x128xi32, #tpu.memory_space<vmem>>
      %dma_wait3A_210 = tpu.memref_squeeze %dma_wait3A_209 : memref<1x128xi32, #tpu.memory_space<vmem>> -> memref<128xi32, #tpu.memory_space<vmem>>
      %dma_wait3A_211 = arith.constant 0 : i32
      %dma_wait3A_212 = arith.constant 0 : i32
      %dma_wait3A_213 = tpu.memref_slice %arg7[%dma_wait3A_211, %dma_wait3A_212] : memref<10112x128xf32, #tpu.memory_space<vmem_shared>> -> memref<10112x128xf32, #tpu.memory_space<vmem_shared>>
      tpu.wait_indirect_dma semaphore(%arg8 : memref<!tpu.dma_semaphore, #tpu.memory_space<semaphore_mem>>) src(%arg5 : memref<128x128xf32, #tpu.memory_space<vmem>>) dst(%dma_wait3A_213 : memref<10112x128xf32, #tpu.memory_space<vmem_shared>>)
      %dma_wait3A_214 = arith.constant 0 : i32
      %dma_wait3A_215 = tpu.memref_slice %arg4[%add3A_154, %dma_wait3A_214] : memref<80x128xi32, #tpu.memory_space<vmem>> -> memref<1x128xi32, #tpu.memory_space<vmem>>
      %dma_wait3A_216 = tpu.memref_squeeze %dma_wait3A_215 : memref<1x128xi32, #tpu.memory_space<vmem>> -> memref<128xi32, #tpu.memory_space<vmem>>
      %dma_wait3A_217 = arith.constant 0 : i32
      %dma_wait3A_218 = arith.constant 0 : i32
      %dma_wait3A_219 = tpu.memref_slice %arg7[%dma_wait3A_217, %dma_wait3A_218] : memref<10112x128xf32, #tpu.memory_space<vmem_shared>> -> memref<10112x128xf32, #tpu.memory_space<vmem_shared>>
      tpu.wait_indirect_dma semaphore(%arg9 : memref<!tpu.dma_semaphore, #tpu.memory_space<semaphore_mem>>) src(%arg5 : memref<128x128xf32, #tpu.memory_space<vmem>>) dst(%dma_wait3A_219 : memref<10112x128xf32, #tpu.memory_space<vmem_shared>>)
      %dma_wait3A_220 = arith.constant 0 : i32
      %dma_wait3A_221 = tpu.memref_slice %arg4[%add3A_162, %dma_wait3A_220] : memref<80x128xi32, #tpu.memory_space<vmem>> -> memref<1x128xi32, #tpu.memory_space<vmem>>
      %dma_wait3A_222 = tpu.memref_squeeze %dma_wait3A_221 : memref<1x128xi32, #tpu.memory_space<vmem>> -> memref<128xi32, #tpu.memory_space<vmem>>
      %dma_wait3A_223 = arith.constant 0 : i32
      %dma_wait3A_224 = arith.constant 0 : i32
      %dma_wait3A_225 = tpu.memref_slice %arg7[%dma_wait3A_223, %dma_wait3A_224] : memref<10112x128xf32, #tpu.memory_space<vmem_shared>> -> memref<10112x128xf32, #tpu.memory_space<vmem_shared>>
      tpu.wait_indirect_dma semaphore(%arg10 : memref<!tpu.dma_semaphore, #tpu.memory_space<semaphore_mem>>) src(%arg5 : memref<128x128xf32, #tpu.memory_space<vmem>>) dst(%dma_wait3A_225 : memref<10112x128xf32, #tpu.memory_space<vmem_shared>>)
      %dma_wait3A_226 = arith.constant 0 : i32
      %dma_wait3A_227 = tpu.memref_slice %arg4[%add3A_170, %dma_wait3A_226] : memref<80x128xi32, #tpu.memory_space<vmem>> -> memref<1x128xi32, #tpu.memory_space<vmem>>
      %dma_wait3A_228 = tpu.memref_squeeze %dma_wait3A_227 : memref<1x128xi32, #tpu.memory_space<vmem>> -> memref<128xi32, #tpu.memory_space<vmem>>
      %dma_wait3A_229 = arith.constant 0 : i32
      %dma_wait3A_230 = arith.constant 0 : i32
      %dma_wait3A_231 = tpu.memref_slice %arg7[%dma_wait3A_229, %dma_wait3A_230] : memref<10112x128xf32, #tpu.memory_space<vmem_shared>> -> memref<10112x128xf32, #tpu.memory_space<vmem_shared>>
      tpu.wait_indirect_dma semaphore(%arg11 : memref<!tpu.dma_semaphore, #tpu.memory_space<semaphore_mem>>) src(%arg5 : memref<128x128xf32, #tpu.memory_space<vmem>>) dst(%dma_wait3A_231 : memref<10112x128xf32, #tpu.memory_space<vmem_shared>>)
      %dma_wait3A_232 = arith.constant 0 : i32
      %dma_wait3A_233 = tpu.memref_slice %arg4[%add3A_178, %dma_wait3A_232] : memref<80x128xi32, #tpu.memory_space<vmem>> -> memref<1x128xi32, #tpu.memory_space<vmem>>
      %dma_wait3A_234 = tpu.memref_squeeze %dma_wait3A_233 : memref<1x128xi32, #tpu.memory_space<vmem>> -> memref<128xi32, #tpu.memory_space<vmem>>
      %dma_wait3A_235 = arith.constant 0 : i32
      %dma_wait3A_236 = arith.constant 0 : i32
      %dma_wait3A_237 = tpu.memref_slice %arg7[%dma_wait3A_235, %dma_wait3A_236] : memref<10112x128xf32, #tpu.memory_space<vmem_shared>> -> memref<10112x128xf32, #tpu.memory_space<vmem_shared>>
      tpu.wait_indirect_dma semaphore(%arg12 : memref<!tpu.dma_semaphore, #tpu.memory_space<semaphore_mem>>) src(%arg5 : memref<128x128xf32, #tpu.memory_space<vmem>>) dst(%dma_wait3A_237 : memref<10112x128xf32, #tpu.memory_space<vmem_shared>>)
      %dma_wait3A_238 = arith.constant 0 : i32
      %dma_wait3A_239 = tpu.memref_slice %arg4[%add3A_186, %dma_wait3A_238] : memref<80x128xi32, #tpu.memory_space<vmem>> -> memref<1x128xi32, #tpu.memory_space<vmem>>
      %dma_wait3A_240 = tpu.memref_squeeze %dma_wait3A_239 : memref<1x128xi32, #tpu.memory_space<vmem>> -> memref<128xi32, #tpu.memory_space<vmem>>
      %dma_wait3A_241 = arith.constant 0 : i32
      %dma_wait3A_242 = arith.constant 0 : i32
      %dma_wait3A_243 = tpu.memref_slice %arg7[%dma_wait3A_241, %dma_wait3A_242] : memref<10112x128xf32, #tpu.memory_space<vmem_shared>> -> memref<10112x128xf32, #tpu.memory_space<vmem_shared>>
      tpu.wait_indirect_dma semaphore(%arg13 : memref<!tpu.dma_semaphore, #tpu.memory_space<semaphore_mem>>) src(%arg5 : memref<128x128xf32, #tpu.memory_space<vmem>>) dst(%dma_wait3A_243 : memref<10112x128xf32, #tpu.memory_space<vmem_shared>>)
      %dma_wait3A_244 = arith.constant 0 : i32
      %dma_wait3A_245 = tpu.memref_slice %arg4[%add3A_194, %dma_wait3A_244] : memref<80x128xi32, #tpu.memory_space<vmem>> -> memref<1x128xi32, #tpu.memory_space<vmem>>
      %dma_wait3A_246 = tpu.memref_squeeze %dma_wait3A_245 : memref<1x128xi32, #tpu.memory_space<vmem>> -> memref<128xi32, #tpu.memory_space<vmem>>
      %dma_wait3A_247 = arith.constant 0 : i32
      %dma_wait3A_248 = arith.constant 0 : i32
      %dma_wait3A_249 = tpu.memref_slice %arg7[%dma_wait3A_247, %dma_wait3A_248] : memref<10112x128xf32, #tpu.memory_space<vmem_shared>> -> memref<10112x128xf32, #tpu.memory_space<vmem_shared>>
      tpu.wait_indirect_dma semaphore(%arg14 : memref<!tpu.dma_semaphore, #tpu.memory_space<semaphore_mem>>) src(%arg5 : memref<128x128xf32, #tpu.memory_space<vmem>>) dst(%dma_wait3A_249 : memref<10112x128xf32, #tpu.memory_space<vmem_shared>>)
      %dma_wait3A_250 = arith.constant 0 : i32
      %dma_wait3A_251 = tpu.memref_slice %arg4[%add3A_202, %dma_wait3A_250] : memref<80x128xi32, #tpu.memory_space<vmem>> -> memref<1x128xi32, #tpu.memory_space<vmem>>
      %dma_wait3A_252 = tpu.memref_squeeze %dma_wait3A_251 : memref<1x128xi32, #tpu.memory_space<vmem>> -> memref<128xi32, #tpu.memory_space<vmem>>
      %dma_wait3A_253 = arith.constant 0 : i32
      %dma_wait3A_254 = arith.constant 0 : i32
      %dma_wait3A_255 = tpu.memref_slice %arg7[%dma_wait3A_253, %dma_wait3A_254] : memref<10112x128xf32, #tpu.memory_space<vmem_shared>> -> memref<10112x128xf32, #tpu.memory_space<vmem_shared>>
      tpu.wait_indirect_dma semaphore(%arg15 : memref<!tpu.dma_semaphore, #tpu.memory_space<semaphore_mem>>) src(%arg5 : memref<128x128xf32, #tpu.memory_space<vmem>>) dst(%dma_wait3A_255 : memref<10112x128xf32, #tpu.memory_space<vmem_shared>>)
    }
    %scan3A_63 = arith.constant 10 : i32
    %barrier3A_64 = arith.constant 0 : index
    tpu.barrier barrier_id(%barrier3A_64)
    %mul3A_65 = arith.constant 632 : i32
    %mul3A_66 = arith.muli %arg1, %mul3A_65 : i32
    %mul3A_67 = arith.constant 632 : i32
    %mul3A_68 = arith.muli %arg1, %mul3A_67 : i32
    %run_scoped3A_69 = arith.constant 1 : i32
    "tpu.region"() ({
      %run_scoped3A_139 = tpu.sem_alloc : memref<!tpu.dma_semaphore, #tpu.memory_space<semaphore_mem>>
      %dma_start3A = arith.constant 0 : i32
      %dma_start3A_140 = tpu.memref_slice %arg3[%run_scoped3A_69, %arg0, %mul3A_68, %dma_start3A] : memref<4x2x10112x128xf32, #tpu.memory_space<hbm>> -> memref<1x1x632x128xf32, #tpu.memory_space<hbm>>
      %dma_start3A_141 = tpu.memref_squeeze %dma_start3A_140 : memref<1x1x632x128xf32, #tpu.memory_space<hbm>> -> memref<632x128xf32, #tpu.memory_space<hbm>>
      %dma_start3A_142 = arith.constant 0 : i32
      %dma_start3A_143 = tpu.memref_slice %arg7[%mul3A_66, %dma_start3A_142] : memref<10112x128xf32, #tpu.memory_space<vmem_shared>> -> memref<632x128xf32, #tpu.memory_space<vmem_shared>>
      tpu.enqueue_dma source(%dma_start3A_143 : memref<632x128xf32, #tpu.memory_space<vmem_shared>>) target(%dma_start3A_141 : memref<632x128xf32, #tpu.memory_space<hbm>>) target_semaphore(%run_scoped3A_139 : memref<!tpu.dma_semaphore, #tpu.memory_space<semaphore_mem>>)
      %dma_wait3A = arith.constant 0 : i32
      %dma_wait3A_144 = tpu.memref_slice %arg3[%run_scoped3A_69, %arg0, %mul3A_68, %dma_wait3A] : memref<4x2x10112x128xf32, #tpu.memory_space<hbm>> -> memref<1x1x632x128xf32, #tpu.memory_space<hbm>>
      %dma_wait3A_145 = tpu.memref_squeeze %dma_wait3A_144 : memref<1x1x632x128xf32, #tpu.memory_space<hbm>> -> memref<632x128xf32, #tpu.memory_space<hbm>>
      %dma_wait3A_146 = arith.constant 0 : i32
      %dma_wait3A_147 = tpu.memref_slice %arg7[%mul3A_66, %dma_wait3A_146] : memref<10112x128xf32, #tpu.memory_space<vmem_shared>> -> memref<632x128xf32, #tpu.memory_space<vmem_shared>>
      tpu.wait_dma2 semaphore(%run_scoped3A_139 : memref<!tpu.dma_semaphore, #tpu.memory_space<semaphore_mem>>) src(%dma_wait3A_147 : memref<632x128xf32, #tpu.memory_space<vmem_shared>>) dst(%dma_wait3A_145 : memref<632x128xf32, #tpu.memory_space<hbm>>)
      tpu.yield
    }) : () -> ()
    %barrier3A_70 = arith.constant 0 : index
    tpu.barrier barrier_id(%barrier3A_70)
    %mul3A_71 = arith.constant 632 : i32
    %mul3A_72 = arith.muli %arg1, %mul3A_71 : i32
    %add3A_73 = arith.constant 0 : i32
    %add3A_74 = arith.addi %mul3A_72, %add3A_73 : i32
    "tpu.region"() ({
      %run_scoped3A_139 = tpu.sem_alloc : memref<!tpu.dma_semaphore, #tpu.memory_space<semaphore_mem>>
      %dma_start3A = arith.constant 0 : i32
      %dma_start3A_140 = tpu.memref_slice %arg7[%add3A_74, %dma_start3A] : memref<10112x128xf32, #tpu.memory_space<vmem_shared>> -> memref<128x128xf32, #tpu.memory_space<vmem_shared>>
      %dma_start3A_141 = arith.constant 0 : i32
      %dma_start3A_142 = tpu.memref_slice %arg7[%add3A_74, %dma_start3A_141] : memref<10112x128xf32, #tpu.memory_space<vmem_shared>> -> memref<128x128xf32, #tpu.memory_space<vmem_shared>>
      tpu.enqueue_dma source(%arg6 : memref<128x128xf32, #tpu.memory_space<vmem>>) target(%dma_start3A_142 : memref<128x128xf32, #tpu.memory_space<vmem_shared>>) target_semaphore(%run_scoped3A_139 : memref<!tpu.dma_semaphore, #tpu.memory_space<semaphore_mem>>)
      %dma_wait3A = arith.constant 0 : i32
      %dma_wait3A_143 = tpu.memref_slice %arg7[%add3A_74, %dma_wait3A] : memref<10112x128xf32, #tpu.memory_space<vmem_shared>> -> memref<128x128xf32, #tpu.memory_space<vmem_shared>>
      %dma_wait3A_144 = arith.constant 0 : i32
      %dma_wait3A_145 = tpu.memref_slice %arg7[%add3A_74, %dma_wait3A_144] : memref<10112x128xf32, #tpu.memory_space<vmem_shared>> -> memref<128x128xf32, #tpu.memory_space<vmem_shared>>
      tpu.wait_dma2 semaphore(%run_scoped3A_139 : memref<!tpu.dma_semaphore, #tpu.memory_space<semaphore_mem>>) src(%arg6 : memref<128x128xf32, #tpu.memory_space<vmem>>) dst(%dma_wait3A_145 : memref<128x128xf32, #tpu.memory_space<vmem_shared>>)
      tpu.yield
    }) : () -> ()
    %mul3A_75 = arith.constant 632 : i32
    %mul3A_76 = arith.muli %arg1, %mul3A_75 : i32
    %add3A_77 = arith.constant 128 : i32
    %add3A_78 = arith.addi %mul3A_76, %add3A_77 : i32
    "tpu.region"() ({
      %run_scoped3A_139 = tpu.sem_alloc : memref<!tpu.dma_semaphore, #tpu.memory_space<semaphore_mem>>
      %dma_start3A = arith.constant 0 : i32
      %dma_start3A_140 = tpu.memref_slice %arg7[%add3A_78, %dma_start3A] : memref<10112x128xf32, #tpu.memory_space<vmem_shared>> -> memref<128x128xf32, #tpu.memory_space<vmem_shared>>
      %dma_start3A_141 = arith.constant 0 : i32
      %dma_start3A_142 = tpu.memref_slice %arg7[%add3A_78, %dma_start3A_141] : memref<10112x128xf32, #tpu.memory_space<vmem_shared>> -> memref<128x128xf32, #tpu.memory_space<vmem_shared>>
      tpu.enqueue_dma source(%arg6 : memref<128x128xf32, #tpu.memory_space<vmem>>) target(%dma_start3A_142 : memref<128x128xf32, #tpu.memory_space<vmem_shared>>) target_semaphore(%run_scoped3A_139 : memref<!tpu.dma_semaphore, #tpu.memory_space<semaphore_mem>>)
      %dma_wait3A = arith.constant 0 : i32
      %dma_wait3A_143 = tpu.memref_slice %arg7[%add3A_78, %dma_wait3A] : memref<10112x128xf32, #tpu.memory_space<vmem_shared>> -> memref<128x128xf32, #tpu.memory_space<vmem_shared>>
      %dma_wait3A_144 = arith.constant 0 : i32
      %dma_wait3A_145 = tpu.memref_slice %arg7[%add3A_78, %dma_wait3A_144] : memref<10112x128xf32, #tpu.memory_space<vmem_shared>> -> memref<128x128xf32, #tpu.memory_space<vmem_shared>>
      tpu.wait_dma2 semaphore(%run_scoped3A_139 : memref<!tpu.dma_semaphore, #tpu.memory_space<semaphore_mem>>) src(%arg6 : memref<128x128xf32, #tpu.memory_space<vmem>>) dst(%dma_wait3A_145 : memref<128x128xf32, #tpu.memory_space<vmem_shared>>)
      tpu.yield
    }) : () -> ()
    %mul3A_79 = arith.constant 632 : i32
    %mul3A_80 = arith.muli %arg1, %mul3A_79 : i32
    %add3A_81 = arith.constant 256 : i32
    %add3A_82 = arith.addi %mul3A_80, %add3A_81 : i32
    "tpu.region"() ({
      %run_scoped3A_139 = tpu.sem_alloc : memref<!tpu.dma_semaphore, #tpu.memory_space<semaphore_mem>>
      %dma_start3A = arith.constant 0 : i32
      %dma_start3A_140 = tpu.memref_slice %arg7[%add3A_82, %dma_start3A] : memref<10112x128xf32, #tpu.memory_space<vmem_shared>> -> memref<128x128xf32, #tpu.memory_space<vmem_shared>>
      %dma_start3A_141 = arith.constant 0 : i32
      %dma_start3A_142 = tpu.memref_slice %arg7[%add3A_82, %dma_start3A_141] : memref<10112x128xf32, #tpu.memory_space<vmem_shared>> -> memref<128x128xf32, #tpu.memory_space<vmem_shared>>
      tpu.enqueue_dma source(%arg6 : memref<128x128xf32, #tpu.memory_space<vmem>>) target(%dma_start3A_142 : memref<128x128xf32, #tpu.memory_space<vmem_shared>>) target_semaphore(%run_scoped3A_139 : memref<!tpu.dma_semaphore, #tpu.memory_space<semaphore_mem>>)
      %dma_wait3A = arith.constant 0 : i32
      %dma_wait3A_143 = tpu.memref_slice %arg7[%add3A_82, %dma_wait3A] : memref<10112x128xf32, #tpu.memory_space<vmem_shared>> -> memref<128x128xf32, #tpu.memory_space<vmem_shared>>
      %dma_wait3A_144 = arith.constant 0 : i32
      %dma_wait3A_145 = tpu.memref_slice %arg7[%add3A_82, %dma_wait3A_144] : memref<10112x128xf32, #tpu.memory_space<vmem_shared>> -> memref<128x128xf32, #tpu.memory_space<vmem_shared>>
      tpu.wait_dma2 semaphore(%run_scoped3A_139 : memref<!tpu.dma_semaphore, #tpu.memory_space<semaphore_mem>>) src(%arg6 : memref<128x128xf32, #tpu.memory_space<vmem>>) dst(%dma_wait3A_145 : memref<128x128xf32, #tpu.memory_space<vmem_shared>>)
      tpu.yield
    }) : () -> ()
    %mul3A_83 = arith.constant 632 : i32
    %mul3A_84 = arith.muli %arg1, %mul3A_83 : i32
    %add3A_85 = arith.constant 384 : i32
    %add3A_86 = arith.addi %mul3A_84, %add3A_85 : i32
    "tpu.region"() ({
      %run_scoped3A_139 = tpu.sem_alloc : memref<!tpu.dma_semaphore, #tpu.memory_space<semaphore_mem>>
      %dma_start3A = arith.constant 0 : i32
      %dma_start3A_140 = tpu.memref_slice %arg7[%add3A_86, %dma_start3A] : memref<10112x128xf32, #tpu.memory_space<vmem_shared>> -> memref<128x128xf32, #tpu.memory_space<vmem_shared>>
      %dma_start3A_141 = arith.constant 0 : i32
      %dma_start3A_142 = tpu.memref_slice %arg7[%add3A_86, %dma_start3A_141] : memref<10112x128xf32, #tpu.memory_space<vmem_shared>> -> memref<128x128xf32, #tpu.memory_space<vmem_shared>>
      tpu.enqueue_dma source(%arg6 : memref<128x128xf32, #tpu.memory_space<vmem>>) target(%dma_start3A_142 : memref<128x128xf32, #tpu.memory_space<vmem_shared>>) target_semaphore(%run_scoped3A_139 : memref<!tpu.dma_semaphore, #tpu.memory_space<semaphore_mem>>)
      %dma_wait3A = arith.constant 0 : i32
      %dma_wait3A_143 = tpu.memref_slice %arg7[%add3A_86, %dma_wait3A] : memref<10112x128xf32, #tpu.memory_space<vmem_shared>> -> memref<128x128xf32, #tpu.memory_space<vmem_shared>>
      %dma_wait3A_144 = arith.constant 0 : i32
      %dma_wait3A_145 = tpu.memref_slice %arg7[%add3A_86, %dma_wait3A_144] : memref<10112x128xf32, #tpu.memory_space<vmem_shared>> -> memref<128x128xf32, #tpu.memory_space<vmem_shared>>
      tpu.wait_dma2 semaphore(%run_scoped3A_139 : memref<!tpu.dma_semaphore, #tpu.memory_space<semaphore_mem>>) src(%arg6 : memref<128x128xf32, #tpu.memory_space<vmem>>) dst(%dma_wait3A_145 : memref<128x128xf32, #tpu.memory_space<vmem_shared>>)
      tpu.yield
    }) : () -> ()
    %mul3A_87 = arith.constant 632 : i32
    %mul3A_88 = arith.muli %arg1, %mul3A_87 : i32
    %add3A_89 = arith.constant 512 : i32
    %add3A_90 = arith.addi %mul3A_88, %add3A_89 : i32
    "tpu.region"() ({
      %run_scoped3A_139 = tpu.sem_alloc : memref<!tpu.dma_semaphore, #tpu.memory_space<semaphore_mem>>
      %dma_start3A = arith.constant 0 : i32
      %dma_start3A_140 = arith.constant 0 : i32
      %dma_start3A_141 = tpu.memref_slice %arg6[%dma_start3A, %dma_start3A_140] : memref<128x128xf32, #tpu.memory_space<vmem>> -> memref<120x128xf32, #tpu.memory_space<vmem>>
      %dma_start3A_142 = arith.constant 0 : i32
      %dma_start3A_143 = tpu.memref_slice %arg7[%add3A_90, %dma_start3A_142] : memref<10112x128xf32, #tpu.memory_space<vmem_shared>> -> memref<120x128xf32, #tpu.memory_space<vmem_shared>>
      %dma_start3A_144 = arith.constant 0 : i32
      %dma_start3A_145 = tpu.memref_slice %arg7[%add3A_90, %dma_start3A_144] : memref<10112x128xf32, #tpu.memory_space<vmem_shared>> -> memref<120x128xf32, #tpu.memory_space<vmem_shared>>
      %dma_start3A_146 = arith.constant 0 : i32
      %dma_start3A_147 = arith.constant 0 : i32
      %dma_start3A_148 = tpu.memref_slice %arg6[%dma_start3A_146, %dma_start3A_147] : memref<128x128xf32, #tpu.memory_space<vmem>> -> memref<120x128xf32, #tpu.memory_space<vmem>>
      tpu.enqueue_dma source(%dma_start3A_148 : memref<120x128xf32, #tpu.memory_space<vmem>>) target(%dma_start3A_145 : memref<120x128xf32, #tpu.memory_space<vmem_shared>>) target_semaphore(%run_scoped3A_139 : memref<!tpu.dma_semaphore, #tpu.memory_space<semaphore_mem>>)
      %dma_wait3A = arith.constant 0 : i32
      %dma_wait3A_149 = arith.constant 0 : i32
      %dma_wait3A_150 = tpu.memref_slice %arg6[%dma_wait3A, %dma_wait3A_149] : memref<128x128xf32, #tpu.memory_space<vmem>> -> memref<120x128xf32, #tpu.memory_space<vmem>>
      %dma_wait3A_151 = arith.constant 0 : i32
      %dma_wait3A_152 = tpu.memref_slice %arg7[%add3A_90, %dma_wait3A_151] : memref<10112x128xf32, #tpu.memory_space<vmem_shared>> -> memref<120x128xf32, #tpu.memory_space<vmem_shared>>
      %dma_wait3A_153 = arith.constant 0 : i32
      %dma_wait3A_154 = tpu.memref_slice %arg7[%add3A_90, %dma_wait3A_153] : memref<10112x128xf32, #tpu.memory_space<vmem_shared>> -> memref<120x128xf32, #tpu.memory_space<vmem_shared>>
      %dma_wait3A_155 = arith.constant 0 : i32
      %dma_wait3A_156 = arith.constant 0 : i32
      %dma_wait3A_157 = tpu.memref_slice %arg6[%dma_wait3A_155, %dma_wait3A_156] : memref<128x128xf32, #tpu.memory_space<vmem>> -> memref<120x128xf32, #tpu.memory_space<vmem>>
      tpu.wait_dma2 semaphore(%run_scoped3A_139 : memref<!tpu.dma_semaphore, #tpu.memory_space<semaphore_mem>>) src(%dma_wait3A_157 : memref<120x128xf32, #tpu.memory_space<vmem>>) dst(%dma_wait3A_154 : memref<120x128xf32, #tpu.memory_space<vmem_shared>>)
      tpu.yield
    }) : () -> ()
    %run_scoped3A_91 = arith.constant 2 : i32
    "tpu.region"() ({
      %run_scoped3A_139 = tpu.sem_alloc : memref<!tpu.dma_semaphore, #tpu.memory_space<semaphore_mem>>
      %dma_start3A = arith.constant 0 : i32
      %dma_start3A_140 = arith.constant 0 : i32
      %dma_start3A_141 = tpu.memref_slice %arg2[%run_scoped3A_91, %add3A, %dma_start3A, %dma_start3A_140] : memref<4x32x80x128xi32, #tpu.memory_space<hbm>> -> memref<1x1x80x128xi32, #tpu.memory_space<hbm>>
      %dma_start3A_142 = tpu.memref_squeeze %dma_start3A_141 : memref<1x1x80x128xi32, #tpu.memory_space<hbm>> -> memref<80x128xi32, #tpu.memory_space<hbm>>
      %dma_start3A_143 = arith.constant 0 : i32
      %dma_start3A_144 = arith.constant 0 : i32
      %dma_start3A_145 = tpu.memref_slice %arg2[%run_scoped3A_91, %add3A, %dma_start3A_143, %dma_start3A_144] : memref<4x32x80x128xi32, #tpu.memory_space<hbm>> -> memref<1x1x80x128xi32, #tpu.memory_space<hbm>>
      %dma_start3A_146 = tpu.memref_squeeze %dma_start3A_145 : memref<1x1x80x128xi32, #tpu.memory_space<hbm>> -> memref<80x128xi32, #tpu.memory_space<hbm>>
      tpu.enqueue_dma source(%dma_start3A_146 : memref<80x128xi32, #tpu.memory_space<hbm>>) target(%arg4 : memref<80x128xi32, #tpu.memory_space<vmem>>) target_semaphore(%run_scoped3A_139 : memref<!tpu.dma_semaphore, #tpu.memory_space<semaphore_mem>>)
      %dma_wait3A = arith.constant 0 : i32
      %dma_wait3A_147 = arith.constant 0 : i32
      %dma_wait3A_148 = tpu.memref_slice %arg2[%run_scoped3A_91, %add3A, %dma_wait3A, %dma_wait3A_147] : memref<4x32x80x128xi32, #tpu.memory_space<hbm>> -> memref<1x1x80x128xi32, #tpu.memory_space<hbm>>
      %dma_wait3A_149 = tpu.memref_squeeze %dma_wait3A_148 : memref<1x1x80x128xi32, #tpu.memory_space<hbm>> -> memref<80x128xi32, #tpu.memory_space<hbm>>
      %dma_wait3A_150 = arith.constant 0 : i32
      %dma_wait3A_151 = arith.constant 0 : i32
      %dma_wait3A_152 = tpu.memref_slice %arg2[%run_scoped3A_91, %add3A, %dma_wait3A_150, %dma_wait3A_151] : memref<4x32x80x128xi32, #tpu.memory_space<hbm>> -> memref<1x1x80x128xi32, #tpu.memory_space<hbm>>
      %dma_wait3A_153 = tpu.memref_squeeze %dma_wait3A_152 : memref<1x1x80x128xi32, #tpu.memory_space<hbm>> -> memref<80x128xi32, #tpu.memory_space<hbm>>
      tpu.wait_dma2 semaphore(%run_scoped3A_139 : memref<!tpu.dma_semaphore, #tpu.memory_space<semaphore_mem>>) src(%dma_wait3A_153 : memref<80x128xi32, #tpu.memory_space<hbm>>) dst(%arg4 : memref<80x128xi32, #tpu.memory_space<vmem>>)
      tpu.yield
    }) : () -> ()
    %barrier3A_92 = arith.constant 0 : index
    tpu.barrier barrier_id(%barrier3A_92)
    %scan3A_93 = arith.constant 0 : i32
    %scan3A_94 = arith.constant 10 : i32
    %scan3A_95 = arith.addi %scan3A_93, %scan3A_94 : i32
    %scan3A_96 = arith.constant 1 : i32
    scf.for %scan3A_139 = %scan3A_93 to %scan3A_95 step %scan3A_96  : i32 {
      %mul3A_140 = arith.constant 1 : i32
      %mul3A_141 = arith.muli %scan3A_139, %mul3A_140 : i32
      %add3A_142 = arith.constant 0 : i32
      %add3A_143 = arith.addi %add3A_142, %mul3A_141 : i32
      %mul3A_144 = arith.constant 8 : i32
      %mul3A_145 = arith.muli %add3A_143, %mul3A_144 : i32
      %add3A_146 = arith.constant 0 : i32
      %add3A_147 = arith.addi %mul3A_145, %add3A_146 : i32
      %dma_start3A = arith.constant 0 : i32
      %dma_start3A_148 = tpu.memref_slice %arg4[%add3A_147, %dma_start3A] : memref<80x128xi32, #tpu.memory_space<vmem>> -> memref<1x128xi32, #tpu.memory_space<vmem>>
      %dma_start3A_149 = tpu.memref_squeeze %dma_start3A_148 : memref<1x128xi32, #tpu.memory_space<vmem>> -> memref<128xi32, #tpu.memory_space<vmem>>
      %dma_start3A_150 = arith.constant 0 : i32
      %dma_start3A_151 = arith.constant 0 : i32
      %dma_start3A_152 = tpu.memref_slice %arg7[%dma_start3A_150, %dma_start3A_151] : memref<10112x128xf32, #tpu.memory_space<vmem_shared>> -> memref<10112x128xf32, #tpu.memory_space<vmem_shared>>
      tpu.enqueue_indirect_dma source(%arg5 : memref<128x128xf32, #tpu.memory_space<vmem>>) target(%dma_start3A_152 : memref<10112x128xf32, #tpu.memory_space<vmem_shared>>) offsets(%dma_start3A_149 : memref<128xi32, #tpu.memory_space<vmem>>) semaphore(%arg8 : memref<!tpu.dma_semaphore, #tpu.memory_space<semaphore_mem>>) {add = true}
      %add3A_153 = arith.constant 1 : i32
      %add3A_154 = arith.addi %mul3A_145, %add3A_153 : i32
      %dma_start3A_155 = arith.constant 0 : i32
      %dma_start3A_156 = tpu.memref_slice %arg4[%add3A_154, %dma_start3A_155] : memref<80x128xi32, #tpu.memory_space<vmem>> -> memref<1x128xi32, #tpu.memory_space<vmem>>
      %dma_start3A_157 = tpu.memref_squeeze %dma_start3A_156 : memref<1x128xi32, #tpu.memory_space<vmem>> -> memref<128xi32, #tpu.memory_space<vmem>>
      %dma_start3A_158 = arith.constant 0 : i32
      %dma_start3A_159 = arith.constant 0 : i32
      %dma_start3A_160 = tpu.memref_slice %arg7[%dma_start3A_158, %dma_start3A_159] : memref<10112x128xf32, #tpu.memory_space<vmem_shared>> -> memref<10112x128xf32, #tpu.memory_space<vmem_shared>>
      tpu.enqueue_indirect_dma source(%arg5 : memref<128x128xf32, #tpu.memory_space<vmem>>) target(%dma_start3A_160 : memref<10112x128xf32, #tpu.memory_space<vmem_shared>>) offsets(%dma_start3A_157 : memref<128xi32, #tpu.memory_space<vmem>>) semaphore(%arg9 : memref<!tpu.dma_semaphore, #tpu.memory_space<semaphore_mem>>) {add = true}
      %add3A_161 = arith.constant 2 : i32
      %add3A_162 = arith.addi %mul3A_145, %add3A_161 : i32
      %dma_start3A_163 = arith.constant 0 : i32
      %dma_start3A_164 = tpu.memref_slice %arg4[%add3A_162, %dma_start3A_163] : memref<80x128xi32, #tpu.memory_space<vmem>> -> memref<1x128xi32, #tpu.memory_space<vmem>>
      %dma_start3A_165 = tpu.memref_squeeze %dma_start3A_164 : memref<1x128xi32, #tpu.memory_space<vmem>> -> memref<128xi32, #tpu.memory_space<vmem>>
      %dma_start3A_166 = arith.constant 0 : i32
      %dma_start3A_167 = arith.constant 0 : i32
      %dma_start3A_168 = tpu.memref_slice %arg7[%dma_start3A_166, %dma_start3A_167] : memref<10112x128xf32, #tpu.memory_space<vmem_shared>> -> memref<10112x128xf32, #tpu.memory_space<vmem_shared>>
      tpu.enqueue_indirect_dma source(%arg5 : memref<128x128xf32, #tpu.memory_space<vmem>>) target(%dma_start3A_168 : memref<10112x128xf32, #tpu.memory_space<vmem_shared>>) offsets(%dma_start3A_165 : memref<128xi32, #tpu.memory_space<vmem>>) semaphore(%arg10 : memref<!tpu.dma_semaphore, #tpu.memory_space<semaphore_mem>>) {add = true}
      %add3A_169 = arith.constant 3 : i32
      %add3A_170 = arith.addi %mul3A_145, %add3A_169 : i32
      %dma_start3A_171 = arith.constant 0 : i32
      %dma_start3A_172 = tpu.memref_slice %arg4[%add3A_170, %dma_start3A_171] : memref<80x128xi32, #tpu.memory_space<vmem>> -> memref<1x128xi32, #tpu.memory_space<vmem>>
      %dma_start3A_173 = tpu.memref_squeeze %dma_start3A_172 : memref<1x128xi32, #tpu.memory_space<vmem>> -> memref<128xi32, #tpu.memory_space<vmem>>
      %dma_start3A_174 = arith.constant 0 : i32
      %dma_start3A_175 = arith.constant 0 : i32
      %dma_start3A_176 = tpu.memref_slice %arg7[%dma_start3A_174, %dma_start3A_175] : memref<10112x128xf32, #tpu.memory_space<vmem_shared>> -> memref<10112x128xf32, #tpu.memory_space<vmem_shared>>
      tpu.enqueue_indirect_dma source(%arg5 : memref<128x128xf32, #tpu.memory_space<vmem>>) target(%dma_start3A_176 : memref<10112x128xf32, #tpu.memory_space<vmem_shared>>) offsets(%dma_start3A_173 : memref<128xi32, #tpu.memory_space<vmem>>) semaphore(%arg11 : memref<!tpu.dma_semaphore, #tpu.memory_space<semaphore_mem>>) {add = true}
      %add3A_177 = arith.constant 4 : i32
      %add3A_178 = arith.addi %mul3A_145, %add3A_177 : i32
      %dma_start3A_179 = arith.constant 0 : i32
      %dma_start3A_180 = tpu.memref_slice %arg4[%add3A_178, %dma_start3A_179] : memref<80x128xi32, #tpu.memory_space<vmem>> -> memref<1x128xi32, #tpu.memory_space<vmem>>
      %dma_start3A_181 = tpu.memref_squeeze %dma_start3A_180 : memref<1x128xi32, #tpu.memory_space<vmem>> -> memref<128xi32, #tpu.memory_space<vmem>>
      %dma_start3A_182 = arith.constant 0 : i32
      %dma_start3A_183 = arith.constant 0 : i32
      %dma_start3A_184 = tpu.memref_slice %arg7[%dma_start3A_182, %dma_start3A_183] : memref<10112x128xf32, #tpu.memory_space<vmem_shared>> -> memref<10112x128xf32, #tpu.memory_space<vmem_shared>>
      tpu.enqueue_indirect_dma source(%arg5 : memref<128x128xf32, #tpu.memory_space<vmem>>) target(%dma_start3A_184 : memref<10112x128xf32, #tpu.memory_space<vmem_shared>>) offsets(%dma_start3A_181 : memref<128xi32, #tpu.memory_space<vmem>>) semaphore(%arg12 : memref<!tpu.dma_semaphore, #tpu.memory_space<semaphore_mem>>) {add = true}
      %add3A_185 = arith.constant 5 : i32
      %add3A_186 = arith.addi %mul3A_145, %add3A_185 : i32
      %dma_start3A_187 = arith.constant 0 : i32
      %dma_start3A_188 = tpu.memref_slice %arg4[%add3A_186, %dma_start3A_187] : memref<80x128xi32, #tpu.memory_space<vmem>> -> memref<1x128xi32, #tpu.memory_space<vmem>>
      %dma_start3A_189 = tpu.memref_squeeze %dma_start3A_188 : memref<1x128xi32, #tpu.memory_space<vmem>> -> memref<128xi32, #tpu.memory_space<vmem>>
      %dma_start3A_190 = arith.constant 0 : i32
      %dma_start3A_191 = arith.constant 0 : i32
      %dma_start3A_192 = tpu.memref_slice %arg7[%dma_start3A_190, %dma_start3A_191] : memref<10112x128xf32, #tpu.memory_space<vmem_shared>> -> memref<10112x128xf32, #tpu.memory_space<vmem_shared>>
      tpu.enqueue_indirect_dma source(%arg5 : memref<128x128xf32, #tpu.memory_space<vmem>>) target(%dma_start3A_192 : memref<10112x128xf32, #tpu.memory_space<vmem_shared>>) offsets(%dma_start3A_189 : memref<128xi32, #tpu.memory_space<vmem>>) semaphore(%arg13 : memref<!tpu.dma_semaphore, #tpu.memory_space<semaphore_mem>>) {add = true}
      %add3A_193 = arith.constant 6 : i32
      %add3A_194 = arith.addi %mul3A_145, %add3A_193 : i32
      %dma_start3A_195 = arith.constant 0 : i32
      %dma_start3A_196 = tpu.memref_slice %arg4[%add3A_194, %dma_start3A_195] : memref<80x128xi32, #tpu.memory_space<vmem>> -> memref<1x128xi32, #tpu.memory_space<vmem>>
      %dma_start3A_197 = tpu.memref_squeeze %dma_start3A_196 : memref<1x128xi32, #tpu.memory_space<vmem>> -> memref<128xi32, #tpu.memory_space<vmem>>
      %dma_start3A_198 = arith.constant 0 : i32
      %dma_start3A_199 = arith.constant 0 : i32
      %dma_start3A_200 = tpu.memref_slice %arg7[%dma_start3A_198, %dma_start3A_199] : memref<10112x128xf32, #tpu.memory_space<vmem_shared>> -> memref<10112x128xf32, #tpu.memory_space<vmem_shared>>
      tpu.enqueue_indirect_dma source(%arg5 : memref<128x128xf32, #tpu.memory_space<vmem>>) target(%dma_start3A_200 : memref<10112x128xf32, #tpu.memory_space<vmem_shared>>) offsets(%dma_start3A_197 : memref<128xi32, #tpu.memory_space<vmem>>) semaphore(%arg14 : memref<!tpu.dma_semaphore, #tpu.memory_space<semaphore_mem>>) {add = true}
      %add3A_201 = arith.constant 7 : i32
      %add3A_202 = arith.addi %mul3A_145, %add3A_201 : i32
      %dma_start3A_203 = arith.constant 0 : i32
      %dma_start3A_204 = tpu.memref_slice %arg4[%add3A_202, %dma_start3A_203] : memref<80x128xi32, #tpu.memory_space<vmem>> -> memref<1x128xi32, #tpu.memory_space<vmem>>
      %dma_start3A_205 = tpu.memref_squeeze %dma_start3A_204 : memref<1x128xi32, #tpu.memory_space<vmem>> -> memref<128xi32, #tpu.memory_space<vmem>>
      %dma_start3A_206 = arith.constant 0 : i32
      %dma_start3A_207 = arith.constant 0 : i32
      %dma_start3A_208 = tpu.memref_slice %arg7[%dma_start3A_206, %dma_start3A_207] : memref<10112x128xf32, #tpu.memory_space<vmem_shared>> -> memref<10112x128xf32, #tpu.memory_space<vmem_shared>>
      tpu.enqueue_indirect_dma source(%arg5 : memref<128x128xf32, #tpu.memory_space<vmem>>) target(%dma_start3A_208 : memref<10112x128xf32, #tpu.memory_space<vmem_shared>>) offsets(%dma_start3A_205 : memref<128xi32, #tpu.memory_space<vmem>>) semaphore(%arg15 : memref<!tpu.dma_semaphore, #tpu.memory_space<semaphore_mem>>) {add = true}
      %dma_wait3A = arith.constant 0 : i32
      %dma_wait3A_209 = tpu.memref_slice %arg4[%add3A_147, %dma_wait3A] : memref<80x128xi32, #tpu.memory_space<vmem>> -> memref<1x128xi32, #tpu.memory_space<vmem>>
      %dma_wait3A_210 = tpu.memref_squeeze %dma_wait3A_209 : memref<1x128xi32, #tpu.memory_space<vmem>> -> memref<128xi32, #tpu.memory_space<vmem>>
      %dma_wait3A_211 = arith.constant 0 : i32
      %dma_wait3A_212 = arith.constant 0 : i32
      %dma_wait3A_213 = tpu.memref_slice %arg7[%dma_wait3A_211, %dma_wait3A_212] : memref<10112x128xf32, #tpu.memory_space<vmem_shared>> -> memref<10112x128xf32, #tpu.memory_space<vmem_shared>>
      tpu.wait_indirect_dma semaphore(%arg8 : memref<!tpu.dma_semaphore, #tpu.memory_space<semaphore_mem>>) src(%arg5 : memref<128x128xf32, #tpu.memory_space<vmem>>) dst(%dma_wait3A_213 : memref<10112x128xf32, #tpu.memory_space<vmem_shared>>)
      %dma_wait3A_214 = arith.constant 0 : i32
      %dma_wait3A_215 = tpu.memref_slice %arg4[%add3A_154, %dma_wait3A_214] : memref<80x128xi32, #tpu.memory_space<vmem>> -> memref<1x128xi32, #tpu.memory_space<vmem>>
      %dma_wait3A_216 = tpu.memref_squeeze %dma_wait3A_215 : memref<1x128xi32, #tpu.memory_space<vmem>> -> memref<128xi32, #tpu.memory_space<vmem>>
      %dma_wait3A_217 = arith.constant 0 : i32
      %dma_wait3A_218 = arith.constant 0 : i32
      %dma_wait3A_219 = tpu.memref_slice %arg7[%dma_wait3A_217, %dma_wait3A_218] : memref<10112x128xf32, #tpu.memory_space<vmem_shared>> -> memref<10112x128xf32, #tpu.memory_space<vmem_shared>>
      tpu.wait_indirect_dma semaphore(%arg9 : memref<!tpu.dma_semaphore, #tpu.memory_space<semaphore_mem>>) src(%arg5 : memref<128x128xf32, #tpu.memory_space<vmem>>) dst(%dma_wait3A_219 : memref<10112x128xf32, #tpu.memory_space<vmem_shared>>)
      %dma_wait3A_220 = arith.constant 0 : i32
      %dma_wait3A_221 = tpu.memref_slice %arg4[%add3A_162, %dma_wait3A_220] : memref<80x128xi32, #tpu.memory_space<vmem>> -> memref<1x128xi32, #tpu.memory_space<vmem>>
      %dma_wait3A_222 = tpu.memref_squeeze %dma_wait3A_221 : memref<1x128xi32, #tpu.memory_space<vmem>> -> memref<128xi32, #tpu.memory_space<vmem>>
      %dma_wait3A_223 = arith.constant 0 : i32
      %dma_wait3A_224 = arith.constant 0 : i32
      %dma_wait3A_225 = tpu.memref_slice %arg7[%dma_wait3A_223, %dma_wait3A_224] : memref<10112x128xf32, #tpu.memory_space<vmem_shared>> -> memref<10112x128xf32, #tpu.memory_space<vmem_shared>>
      tpu.wait_indirect_dma semaphore(%arg10 : memref<!tpu.dma_semaphore, #tpu.memory_space<semaphore_mem>>) src(%arg5 : memref<128x128xf32, #tpu.memory_space<vmem>>) dst(%dma_wait3A_225 : memref<10112x128xf32, #tpu.memory_space<vmem_shared>>)
      %dma_wait3A_226 = arith.constant 0 : i32
      %dma_wait3A_227 = tpu.memref_slice %arg4[%add3A_170, %dma_wait3A_226] : memref<80x128xi32, #tpu.memory_space<vmem>> -> memref<1x128xi32, #tpu.memory_space<vmem>>
      %dma_wait3A_228 = tpu.memref_squeeze %dma_wait3A_227 : memref<1x128xi32, #tpu.memory_space<vmem>> -> memref<128xi32, #tpu.memory_space<vmem>>
      %dma_wait3A_229 = arith.constant 0 : i32
      %dma_wait3A_230 = arith.constant 0 : i32
      %dma_wait3A_231 = tpu.memref_slice %arg7[%dma_wait3A_229, %dma_wait3A_230] : memref<10112x128xf32, #tpu.memory_space<vmem_shared>> -> memref<10112x128xf32, #tpu.memory_space<vmem_shared>>
      tpu.wait_indirect_dma semaphore(%arg11 : memref<!tpu.dma_semaphore, #tpu.memory_space<semaphore_mem>>) src(%arg5 : memref<128x128xf32, #tpu.memory_space<vmem>>) dst(%dma_wait3A_231 : memref<10112x128xf32, #tpu.memory_space<vmem_shared>>)
      %dma_wait3A_232 = arith.constant 0 : i32
      %dma_wait3A_233 = tpu.memref_slice %arg4[%add3A_178, %dma_wait3A_232] : memref<80x128xi32, #tpu.memory_space<vmem>> -> memref<1x128xi32, #tpu.memory_space<vmem>>
      %dma_wait3A_234 = tpu.memref_squeeze %dma_wait3A_233 : memref<1x128xi32, #tpu.memory_space<vmem>> -> memref<128xi32, #tpu.memory_space<vmem>>
      %dma_wait3A_235 = arith.constant 0 : i32
      %dma_wait3A_236 = arith.constant 0 : i32
      %dma_wait3A_237 = tpu.memref_slice %arg7[%dma_wait3A_235, %dma_wait3A_236] : memref<10112x128xf32, #tpu.memory_space<vmem_shared>> -> memref<10112x128xf32, #tpu.memory_space<vmem_shared>>
      tpu.wait_indirect_dma semaphore(%arg12 : memref<!tpu.dma_semaphore, #tpu.memory_space<semaphore_mem>>) src(%arg5 : memref<128x128xf32, #tpu.memory_space<vmem>>) dst(%dma_wait3A_237 : memref<10112x128xf32, #tpu.memory_space<vmem_shared>>)
      %dma_wait3A_238 = arith.constant 0 : i32
      %dma_wait3A_239 = tpu.memref_slice %arg4[%add3A_186, %dma_wait3A_238] : memref<80x128xi32, #tpu.memory_space<vmem>> -> memref<1x128xi32, #tpu.memory_space<vmem>>
      %dma_wait3A_240 = tpu.memref_squeeze %dma_wait3A_239 : memref<1x128xi32, #tpu.memory_space<vmem>> -> memref<128xi32, #tpu.memory_space<vmem>>
      %dma_wait3A_241 = arith.constant 0 : i32
      %dma_wait3A_242 = arith.constant 0 : i32
      %dma_wait3A_243 = tpu.memref_slice %arg7[%dma_wait3A_241, %dma_wait3A_242] : memref<10112x128xf32, #tpu.memory_space<vmem_shared>> -> memref<10112x128xf32, #tpu.memory_space<vmem_shared>>
      tpu.wait_indirect_dma semaphore(%arg13 : memref<!tpu.dma_semaphore, #tpu.memory_space<semaphore_mem>>) src(%arg5 : memref<128x128xf32, #tpu.memory_space<vmem>>) dst(%dma_wait3A_243 : memref<10112x128xf32, #tpu.memory_space<vmem_shared>>)
      %dma_wait3A_244 = arith.constant 0 : i32
      %dma_wait3A_245 = tpu.memref_slice %arg4[%add3A_194, %dma_wait3A_244] : memref<80x128xi32, #tpu.memory_space<vmem>> -> memref<1x128xi32, #tpu.memory_space<vmem>>
      %dma_wait3A_246 = tpu.memref_squeeze %dma_wait3A_245 : memref<1x128xi32, #tpu.memory_space<vmem>> -> memref<128xi32, #tpu.memory_space<vmem>>
      %dma_wait3A_247 = arith.constant 0 : i32
      %dma_wait3A_248 = arith.constant 0 : i32
      %dma_wait3A_249 = tpu.memref_slice %arg7[%dma_wait3A_247, %dma_wait3A_248] : memref<10112x128xf32, #tpu.memory_space<vmem_shared>> -> memref<10112x128xf32, #tpu.memory_space<vmem_shared>>
      tpu.wait_indirect_dma semaphore(%arg14 : memref<!tpu.dma_semaphore, #tpu.memory_space<semaphore_mem>>) src(%arg5 : memref<128x128xf32, #tpu.memory_space<vmem>>) dst(%dma_wait3A_249 : memref<10112x128xf32, #tpu.memory_space<vmem_shared>>)
      %dma_wait3A_250 = arith.constant 0 : i32
      %dma_wait3A_251 = tpu.memref_slice %arg4[%add3A_202, %dma_wait3A_250] : memref<80x128xi32, #tpu.memory_space<vmem>> -> memref<1x128xi32, #tpu.memory_space<vmem>>
      %dma_wait3A_252 = tpu.memref_squeeze %dma_wait3A_251 : memref<1x128xi32, #tpu.memory_space<vmem>> -> memref<128xi32, #tpu.memory_space<vmem>>
      %dma_wait3A_253 = arith.constant 0 : i32
      %dma_wait3A_254 = arith.constant 0 : i32
      %dma_wait3A_255 = tpu.memref_slice %arg7[%dma_wait3A_253, %dma_wait3A_254] : memref<10112x128xf32, #tpu.memory_space<vmem_shared>> -> memref<10112x128xf32, #tpu.memory_space<vmem_shared>>
      tpu.wait_indirect_dma semaphore(%arg15 : memref<!tpu.dma_semaphore, #tpu.memory_space<semaphore_mem>>) src(%arg5 : memref<128x128xf32, #tpu.memory_space<vmem>>) dst(%dma_wait3A_255 : memref<10112x128xf32, #tpu.memory_space<vmem_shared>>)
    }
    %scan3A_97 = arith.constant 10 : i32
    %barrier3A_98 = arith.constant 0 : index
    tpu.barrier barrier_id(%barrier3A_98)
    %mul3A_99 = arith.constant 632 : i32
    %mul3A_100 = arith.muli %arg1, %mul3A_99 : i32
    %mul3A_101 = arith.constant 632 : i32
    %mul3A_102 = arith.muli %arg1, %mul3A_101 : i32
    %run_scoped3A_103 = arith.constant 2 : i32
    "tpu.region"() ({
      %run_scoped3A_139 = tpu.sem_alloc : memref<!tpu.dma_semaphore, #tpu.memory_space<semaphore_mem>>
      %dma_start3A = arith.constant 0 : i32
      %dma_start3A_140 = tpu.memref_slice %arg3[%run_scoped3A_103, %arg0, %mul3A_102, %dma_start3A] : memref<4x2x10112x128xf32, #tpu.memory_space<hbm>> -> memref<1x1x632x128xf32, #tpu.memory_space<hbm>>
      %dma_start3A_141 = tpu.memref_squeeze %dma_start3A_140 : memref<1x1x632x128xf32, #tpu.memory_space<hbm>> -> memref<632x128xf32, #tpu.memory_space<hbm>>
      %dma_start3A_142 = arith.constant 0 : i32
      %dma_start3A_143 = tpu.memref_slice %arg7[%mul3A_100, %dma_start3A_142] : memref<10112x128xf32, #tpu.memory_space<vmem_shared>> -> memref<632x128xf32, #tpu.memory_space<vmem_shared>>
      tpu.enqueue_dma source(%dma_start3A_143 : memref<632x128xf32, #tpu.memory_space<vmem_shared>>) target(%dma_start3A_141 : memref<632x128xf32, #tpu.memory_space<hbm>>) target_semaphore(%run_scoped3A_139 : memref<!tpu.dma_semaphore, #tpu.memory_space<semaphore_mem>>)
      %dma_wait3A = arith.constant 0 : i32
      %dma_wait3A_144 = tpu.memref_slice %arg3[%run_scoped3A_103, %arg0, %mul3A_102, %dma_wait3A] : memref<4x2x10112x128xf32, #tpu.memory_space<hbm>> -> memref<1x1x632x128xf32, #tpu.memory_space<hbm>>
      %dma_wait3A_145 = tpu.memref_squeeze %dma_wait3A_144 : memref<1x1x632x128xf32, #tpu.memory_space<hbm>> -> memref<632x128xf32, #tpu.memory_space<hbm>>
      %dma_wait3A_146 = arith.constant 0 : i32
      %dma_wait3A_147 = tpu.memref_slice %arg7[%mul3A_100, %dma_wait3A_146] : memref<10112x128xf32, #tpu.memory_space<vmem_shared>> -> memref<632x128xf32, #tpu.memory_space<vmem_shared>>
      tpu.wait_dma2 semaphore(%run_scoped3A_139 : memref<!tpu.dma_semaphore, #tpu.memory_space<semaphore_mem>>) src(%dma_wait3A_147 : memref<632x128xf32, #tpu.memory_space<vmem_shared>>) dst(%dma_wait3A_145 : memref<632x128xf32, #tpu.memory_space<hbm>>)
      tpu.yield
    }) : () -> ()
    %barrier3A_104 = arith.constant 0 : index
    tpu.barrier barrier_id(%barrier3A_104)
    %mul3A_105 = arith.constant 632 : i32
    %mul3A_106 = arith.muli %arg1, %mul3A_105 : i32
    %add3A_107 = arith.constant 0 : i32
    %add3A_108 = arith.addi %mul3A_106, %add3A_107 : i32
    "tpu.region"() ({
      %run_scoped3A_139 = tpu.sem_alloc : memref<!tpu.dma_semaphore, #tpu.memory_space<semaphore_mem>>
      %dma_start3A = arith.constant 0 : i32
      %dma_start3A_140 = tpu.memref_slice %arg7[%add3A_108, %dma_start3A] : memref<10112x128xf32, #tpu.memory_space<vmem_shared>> -> memref<128x128xf32, #tpu.memory_space<vmem_shared>>
      %dma_start3A_141 = arith.constant 0 : i32
      %dma_start3A_142 = tpu.memref_slice %arg7[%add3A_108, %dma_start3A_141] : memref<10112x128xf32, #tpu.memory_space<vmem_shared>> -> memref<128x128xf32, #tpu.memory_space<vmem_shared>>
      tpu.enqueue_dma source(%arg6 : memref<128x128xf32, #tpu.memory_space<vmem>>) target(%dma_start3A_142 : memref<128x128xf32, #tpu.memory_space<vmem_shared>>) target_semaphore(%run_scoped3A_139 : memref<!tpu.dma_semaphore, #tpu.memory_space<semaphore_mem>>)
      %dma_wait3A = arith.constant 0 : i32
      %dma_wait3A_143 = tpu.memref_slice %arg7[%add3A_108, %dma_wait3A] : memref<10112x128xf32, #tpu.memory_space<vmem_shared>> -> memref<128x128xf32, #tpu.memory_space<vmem_shared>>
      %dma_wait3A_144 = arith.constant 0 : i32
      %dma_wait3A_145 = tpu.memref_slice %arg7[%add3A_108, %dma_wait3A_144] : memref<10112x128xf32, #tpu.memory_space<vmem_shared>> -> memref<128x128xf32, #tpu.memory_space<vmem_shared>>
      tpu.wait_dma2 semaphore(%run_scoped3A_139 : memref<!tpu.dma_semaphore, #tpu.memory_space<semaphore_mem>>) src(%arg6 : memref<128x128xf32, #tpu.memory_space<vmem>>) dst(%dma_wait3A_145 : memref<128x128xf32, #tpu.memory_space<vmem_shared>>)
      tpu.yield
    }) : () -> ()
    %mul3A_109 = arith.constant 632 : i32
    %mul3A_110 = arith.muli %arg1, %mul3A_109 : i32
    %add3A_111 = arith.constant 128 : i32
    %add3A_112 = arith.addi %mul3A_110, %add3A_111 : i32
    "tpu.region"() ({
      %run_scoped3A_139 = tpu.sem_alloc : memref<!tpu.dma_semaphore, #tpu.memory_space<semaphore_mem>>
      %dma_start3A = arith.constant 0 : i32
      %dma_start3A_140 = tpu.memref_slice %arg7[%add3A_112, %dma_start3A] : memref<10112x128xf32, #tpu.memory_space<vmem_shared>> -> memref<128x128xf32, #tpu.memory_space<vmem_shared>>
      %dma_start3A_141 = arith.constant 0 : i32
      %dma_start3A_142 = tpu.memref_slice %arg7[%add3A_112, %dma_start3A_141] : memref<10112x128xf32, #tpu.memory_space<vmem_shared>> -> memref<128x128xf32, #tpu.memory_space<vmem_shared>>
      tpu.enqueue_dma source(%arg6 : memref<128x128xf32, #tpu.memory_space<vmem>>) target(%dma_start3A_142 : memref<128x128xf32, #tpu.memory_space<vmem_shared>>) target_semaphore(%run_scoped3A_139 : memref<!tpu.dma_semaphore, #tpu.memory_space<semaphore_mem>>)
      %dma_wait3A = arith.constant 0 : i32
      %dma_wait3A_143 = tpu.memref_slice %arg7[%add3A_112, %dma_wait3A] : memref<10112x128xf32, #tpu.memory_space<vmem_shared>> -> memref<128x128xf32, #tpu.memory_space<vmem_shared>>
      %dma_wait3A_144 = arith.constant 0 : i32
      %dma_wait3A_145 = tpu.memref_slice %arg7[%add3A_112, %dma_wait3A_144] : memref<10112x128xf32, #tpu.memory_space<vmem_shared>> -> memref<128x128xf32, #tpu.memory_space<vmem_shared>>
      tpu.wait_dma2 semaphore(%run_scoped3A_139 : memref<!tpu.dma_semaphore, #tpu.memory_space<semaphore_mem>>) src(%arg6 : memref<128x128xf32, #tpu.memory_space<vmem>>) dst(%dma_wait3A_145 : memref<128x128xf32, #tpu.memory_space<vmem_shared>>)
      tpu.yield
    }) : () -> ()
    %mul3A_113 = arith.constant 632 : i32
    %mul3A_114 = arith.muli %arg1, %mul3A_113 : i32
    %add3A_115 = arith.constant 256 : i32
    %add3A_116 = arith.addi %mul3A_114, %add3A_115 : i32
    "tpu.region"() ({
      %run_scoped3A_139 = tpu.sem_alloc : memref<!tpu.dma_semaphore, #tpu.memory_space<semaphore_mem>>
      %dma_start3A = arith.constant 0 : i32
      %dma_start3A_140 = tpu.memref_slice %arg7[%add3A_116, %dma_start3A] : memref<10112x128xf32, #tpu.memory_space<vmem_shared>> -> memref<128x128xf32, #tpu.memory_space<vmem_shared>>
      %dma_start3A_141 = arith.constant 0 : i32
      %dma_start3A_142 = tpu.memref_slice %arg7[%add3A_116, %dma_start3A_141] : memref<10112x128xf32, #tpu.memory_space<vmem_shared>> -> memref<128x128xf32, #tpu.memory_space<vmem_shared>>
      tpu.enqueue_dma source(%arg6 : memref<128x128xf32, #tpu.memory_space<vmem>>) target(%dma_start3A_142 : memref<128x128xf32, #tpu.memory_space<vmem_shared>>) target_semaphore(%run_scoped3A_139 : memref<!tpu.dma_semaphore, #tpu.memory_space<semaphore_mem>>)
      %dma_wait3A = arith.constant 0 : i32
      %dma_wait3A_143 = tpu.memref_slice %arg7[%add3A_116, %dma_wait3A] : memref<10112x128xf32, #tpu.memory_space<vmem_shared>> -> memref<128x128xf32, #tpu.memory_space<vmem_shared>>
      %dma_wait3A_144 = arith.constant 0 : i32
      %dma_wait3A_145 = tpu.memref_slice %arg7[%add3A_116, %dma_wait3A_144] : memref<10112x128xf32, #tpu.memory_space<vmem_shared>> -> memref<128x128xf32, #tpu.memory_space<vmem_shared>>
      tpu.wait_dma2 semaphore(%run_scoped3A_139 : memref<!tpu.dma_semaphore, #tpu.memory_space<semaphore_mem>>) src(%arg6 : memref<128x128xf32, #tpu.memory_space<vmem>>) dst(%dma_wait3A_145 : memref<128x128xf32, #tpu.memory_space<vmem_shared>>)
      tpu.yield
    }) : () -> ()
    %mul3A_117 = arith.constant 632 : i32
    %mul3A_118 = arith.muli %arg1, %mul3A_117 : i32
    %add3A_119 = arith.constant 384 : i32
    %add3A_120 = arith.addi %mul3A_118, %add3A_119 : i32
    "tpu.region"() ({
      %run_scoped3A_139 = tpu.sem_alloc : memref<!tpu.dma_semaphore, #tpu.memory_space<semaphore_mem>>
      %dma_start3A = arith.constant 0 : i32
      %dma_start3A_140 = tpu.memref_slice %arg7[%add3A_120, %dma_start3A] : memref<10112x128xf32, #tpu.memory_space<vmem_shared>> -> memref<128x128xf32, #tpu.memory_space<vmem_shared>>
      %dma_start3A_141 = arith.constant 0 : i32
      %dma_start3A_142 = tpu.memref_slice %arg7[%add3A_120, %dma_start3A_141] : memref<10112x128xf32, #tpu.memory_space<vmem_shared>> -> memref<128x128xf32, #tpu.memory_space<vmem_shared>>
      tpu.enqueue_dma source(%arg6 : memref<128x128xf32, #tpu.memory_space<vmem>>) target(%dma_start3A_142 : memref<128x128xf32, #tpu.memory_space<vmem_shared>>) target_semaphore(%run_scoped3A_139 : memref<!tpu.dma_semaphore, #tpu.memory_space<semaphore_mem>>)
      %dma_wait3A = arith.constant 0 : i32
      %dma_wait3A_143 = tpu.memref_slice %arg7[%add3A_120, %dma_wait3A] : memref<10112x128xf32, #tpu.memory_space<vmem_shared>> -> memref<128x128xf32, #tpu.memory_space<vmem_shared>>
      %dma_wait3A_144 = arith.constant 0 : i32
      %dma_wait3A_145 = tpu.memref_slice %arg7[%add3A_120, %dma_wait3A_144] : memref<10112x128xf32, #tpu.memory_space<vmem_shared>> -> memref<128x128xf32, #tpu.memory_space<vmem_shared>>
      tpu.wait_dma2 semaphore(%run_scoped3A_139 : memref<!tpu.dma_semaphore, #tpu.memory_space<semaphore_mem>>) src(%arg6 : memref<128x128xf32, #tpu.memory_space<vmem>>) dst(%dma_wait3A_145 : memref<128x128xf32, #tpu.memory_space<vmem_shared>>)
      tpu.yield
    }) : () -> ()
    %mul3A_121 = arith.constant 632 : i32
    %mul3A_122 = arith.muli %arg1, %mul3A_121 : i32
    %add3A_123 = arith.constant 512 : i32
    %add3A_124 = arith.addi %mul3A_122, %add3A_123 : i32
    "tpu.region"() ({
      %run_scoped3A_139 = tpu.sem_alloc : memref<!tpu.dma_semaphore, #tpu.memory_space<semaphore_mem>>
      %dma_start3A = arith.constant 0 : i32
      %dma_start3A_140 = arith.constant 0 : i32
      %dma_start3A_141 = tpu.memref_slice %arg6[%dma_start3A, %dma_start3A_140] : memref<128x128xf32, #tpu.memory_space<vmem>> -> memref<120x128xf32, #tpu.memory_space<vmem>>
      %dma_start3A_142 = arith.constant 0 : i32
      %dma_start3A_143 = tpu.memref_slice %arg7[%add3A_124, %dma_start3A_142] : memref<10112x128xf32, #tpu.memory_space<vmem_shared>> -> memref<120x128xf32, #tpu.memory_space<vmem_shared>>
      %dma_start3A_144 = arith.constant 0 : i32
      %dma_start3A_145 = tpu.memref_slice %arg7[%add3A_124, %dma_start3A_144] : memref<10112x128xf32, #tpu.memory_space<vmem_shared>> -> memref<120x128xf32, #tpu.memory_space<vmem_shared>>
      %dma_start3A_146 = arith.constant 0 : i32
      %dma_start3A_147 = arith.constant 0 : i32
      %dma_start3A_148 = tpu.memref_slice %arg6[%dma_start3A_146, %dma_start3A_147] : memref<128x128xf32, #tpu.memory_space<vmem>> -> memref<120x128xf32, #tpu.memory_space<vmem>>
      tpu.enqueue_dma source(%dma_start3A_148 : memref<120x128xf32, #tpu.memory_space<vmem>>) target(%dma_start3A_145 : memref<120x128xf32, #tpu.memory_space<vmem_shared>>) target_semaphore(%run_scoped3A_139 : memref<!tpu.dma_semaphore, #tpu.memory_space<semaphore_mem>>)
      %dma_wait3A = arith.constant 0 : i32
      %dma_wait3A_149 = arith.constant 0 : i32
      %dma_wait3A_150 = tpu.memref_slice %arg6[%dma_wait3A, %dma_wait3A_149] : memref<128x128xf32, #tpu.memory_space<vmem>> -> memref<120x128xf32, #tpu.memory_space<vmem>>
      %dma_wait3A_151 = arith.constant 0 : i32
      %dma_wait3A_152 = tpu.memref_slice %arg7[%add3A_124, %dma_wait3A_151] : memref<10112x128xf32, #tpu.memory_space<vmem_shared>> -> memref<120x128xf32, #tpu.memory_space<vmem_shared>>
      %dma_wait3A_153 = arith.constant 0 : i32
      %dma_wait3A_154 = tpu.memref_slice %arg7[%add3A_124, %dma_wait3A_153] : memref<10112x128xf32, #tpu.memory_space<vmem_shared>> -> memref<120x128xf32, #tpu.memory_space<vmem_shared>>
      %dma_wait3A_155 = arith.constant 0 : i32
      %dma_wait3A_156 = arith.constant 0 : i32
      %dma_wait3A_157 = tpu.memref_slice %arg6[%dma_wait3A_155, %dma_wait3A_156] : memref<128x128xf32, #tpu.memory_space<vmem>> -> memref<120x128xf32, #tpu.memory_space<vmem>>
      tpu.wait_dma2 semaphore(%run_scoped3A_139 : memref<!tpu.dma_semaphore, #tpu.memory_space<semaphore_mem>>) src(%dma_wait3A_157 : memref<120x128xf32, #tpu.memory_space<vmem>>) dst(%dma_wait3A_154 : memref<120x128xf32, #tpu.memory_space<vmem_shared>>)
      tpu.yield
    }) : () -> ()
    %run_scoped3A_125 = arith.constant 3 : i32
    "tpu.region"() ({
      %run_scoped3A_139 = tpu.sem_alloc : memref<!tpu.dma_semaphore, #tpu.memory_space<semaphore_mem>>
      %dma_start3A = arith.constant 0 : i32
      %dma_start3A_140 = arith.constant 0 : i32
      %dma_start3A_141 = tpu.memref_slice %arg2[%run_scoped3A_125, %add3A, %dma_start3A, %dma_start3A_140] : memref<4x32x80x128xi32, #tpu.memory_space<hbm>> -> memref<1x1x80x128xi32, #tpu.memory_space<hbm>>
      %dma_start3A_142 = tpu.memref_squeeze %dma_start3A_141 : memref<1x1x80x128xi32, #tpu.memory_space<hbm>> -> memref<80x128xi32, #tpu.memory_space<hbm>>
      %dma_start3A_143 = arith.constant 0 : i32
      %dma_start3A_144 = arith.constant 0 : i32
      %dma_start3A_145 = tpu.memref_slice %arg2[%run_scoped3A_125, %add3A, %dma_start3A_143, %dma_start3A_144] : memref<4x32x80x128xi32, #tpu.memory_space<hbm>> -> memref<1x1x80x128xi32, #tpu.memory_space<hbm>>
      %dma_start3A_146 = tpu.memref_squeeze %dma_start3A_145 : memref<1x1x80x128xi32, #tpu.memory_space<hbm>> -> memref<80x128xi32, #tpu.memory_space<hbm>>
      tpu.enqueue_dma source(%dma_start3A_146 : memref<80x128xi32, #tpu.memory_space<hbm>>) target(%arg4 : memref<80x128xi32, #tpu.memory_space<vmem>>) target_semaphore(%run_scoped3A_139 : memref<!tpu.dma_semaphore, #tpu.memory_space<semaphore_mem>>)
      %dma_wait3A = arith.constant 0 : i32
      %dma_wait3A_147 = arith.constant 0 : i32
      %dma_wait3A_148 = tpu.memref_slice %arg2[%run_scoped3A_125, %add3A, %dma_wait3A, %dma_wait3A_147] : memref<4x32x80x128xi32, #tpu.memory_space<hbm>> -> memref<1x1x80x128xi32, #tpu.memory_space<hbm>>
      %dma_wait3A_149 = tpu.memref_squeeze %dma_wait3A_148 : memref<1x1x80x128xi32, #tpu.memory_space<hbm>> -> memref<80x128xi32, #tpu.memory_space<hbm>>
      %dma_wait3A_150 = arith.constant 0 : i32
      %dma_wait3A_151 = arith.constant 0 : i32
      %dma_wait3A_152 = tpu.memref_slice %arg2[%run_scoped3A_125, %add3A, %dma_wait3A_150, %dma_wait3A_151] : memref<4x32x80x128xi32, #tpu.memory_space<hbm>> -> memref<1x1x80x128xi32, #tpu.memory_space<hbm>>
      %dma_wait3A_153 = tpu.memref_squeeze %dma_wait3A_152 : memref<1x1x80x128xi32, #tpu.memory_space<hbm>> -> memref<80x128xi32, #tpu.memory_space<hbm>>
      tpu.wait_dma2 semaphore(%run_scoped3A_139 : memref<!tpu.dma_semaphore, #tpu.memory_space<semaphore_mem>>) src(%dma_wait3A_153 : memref<80x128xi32, #tpu.memory_space<hbm>>) dst(%arg4 : memref<80x128xi32, #tpu.memory_space<vmem>>)
      tpu.yield
    }) : () -> ()
    %barrier3A_126 = arith.constant 0 : index
    tpu.barrier barrier_id(%barrier3A_126)
    %scan3A_127 = arith.constant 0 : i32
    %scan3A_128 = arith.constant 10 : i32
    %scan3A_129 = arith.addi %scan3A_127, %scan3A_128 : i32
    %scan3A_130 = arith.constant 1 : i32
    scf.for %scan3A_139 = %scan3A_127 to %scan3A_129 step %scan3A_130  : i32 {
      %mul3A_140 = arith.constant 1 : i32
      %mul3A_141 = arith.muli %scan3A_139, %mul3A_140 : i32
      %add3A_142 = arith.constant 0 : i32
      %add3A_143 = arith.addi %add3A_142, %mul3A_141 : i32
      %mul3A_144 = arith.constant 8 : i32
      %mul3A_145 = arith.muli %add3A_143, %mul3A_144 : i32
      %add3A_146 = arith.constant 0 : i32
      %add3A_147 = arith.addi %mul3A_145, %add3A_146 : i32
      %dma_start3A = arith.constant 0 : i32
      %dma_start3A_148 = tpu.memref_slice %arg4[%add3A_147, %dma_start3A] : memref<80x128xi32, #tpu.memory_space<vmem>> -> memref<1x128xi32, #tpu.memory_space<vmem>>
      %dma_start3A_149 = tpu.memref_squeeze %dma_start3A_148 : memref<1x128xi32, #tpu.memory_space<vmem>> -> memref<128xi32, #tpu.memory_space<vmem>>
      %dma_start3A_150 = arith.constant 0 : i32
      %dma_start3A_151 = arith.constant 0 : i32
      %dma_start3A_152 = tpu.memref_slice %arg7[%dma_start3A_150, %dma_start3A_151] : memref<10112x128xf32, #tpu.memory_space<vmem_shared>> -> memref<10112x128xf32, #tpu.memory_space<vmem_shared>>
      tpu.enqueue_indirect_dma source(%arg5 : memref<128x128xf32, #tpu.memory_space<vmem>>) target(%dma_start3A_152 : memref<10112x128xf32, #tpu.memory_space<vmem_shared>>) offsets(%dma_start3A_149 : memref<128xi32, #tpu.memory_space<vmem>>) semaphore(%arg8 : memref<!tpu.dma_semaphore, #tpu.memory_space<semaphore_mem>>) {add = true}
      %add3A_153 = arith.constant 1 : i32
      %add3A_154 = arith.addi %mul3A_145, %add3A_153 : i32
      %dma_start3A_155 = arith.constant 0 : i32
      %dma_start3A_156 = tpu.memref_slice %arg4[%add3A_154, %dma_start3A_155] : memref<80x128xi32, #tpu.memory_space<vmem>> -> memref<1x128xi32, #tpu.memory_space<vmem>>
      %dma_start3A_157 = tpu.memref_squeeze %dma_start3A_156 : memref<1x128xi32, #tpu.memory_space<vmem>> -> memref<128xi32, #tpu.memory_space<vmem>>
      %dma_start3A_158 = arith.constant 0 : i32
      %dma_start3A_159 = arith.constant 0 : i32
      %dma_start3A_160 = tpu.memref_slice %arg7[%dma_start3A_158, %dma_start3A_159] : memref<10112x128xf32, #tpu.memory_space<vmem_shared>> -> memref<10112x128xf32, #tpu.memory_space<vmem_shared>>
      tpu.enqueue_indirect_dma source(%arg5 : memref<128x128xf32, #tpu.memory_space<vmem>>) target(%dma_start3A_160 : memref<10112x128xf32, #tpu.memory_space<vmem_shared>>) offsets(%dma_start3A_157 : memref<128xi32, #tpu.memory_space<vmem>>) semaphore(%arg9 : memref<!tpu.dma_semaphore, #tpu.memory_space<semaphore_mem>>) {add = true}
      %add3A_161 = arith.constant 2 : i32
      %add3A_162 = arith.addi %mul3A_145, %add3A_161 : i32
      %dma_start3A_163 = arith.constant 0 : i32
      %dma_start3A_164 = tpu.memref_slice %arg4[%add3A_162, %dma_start3A_163] : memref<80x128xi32, #tpu.memory_space<vmem>> -> memref<1x128xi32, #tpu.memory_space<vmem>>
      %dma_start3A_165 = tpu.memref_squeeze %dma_start3A_164 : memref<1x128xi32, #tpu.memory_space<vmem>> -> memref<128xi32, #tpu.memory_space<vmem>>
      %dma_start3A_166 = arith.constant 0 : i32
      %dma_start3A_167 = arith.constant 0 : i32
      %dma_start3A_168 = tpu.memref_slice %arg7[%dma_start3A_166, %dma_start3A_167] : memref<10112x128xf32, #tpu.memory_space<vmem_shared>> -> memref<10112x128xf32, #tpu.memory_space<vmem_shared>>
      tpu.enqueue_indirect_dma source(%arg5 : memref<128x128xf32, #tpu.memory_space<vmem>>) target(%dma_start3A_168 : memref<10112x128xf32, #tpu.memory_space<vmem_shared>>) offsets(%dma_start3A_165 : memref<128xi32, #tpu.memory_space<vmem>>) semaphore(%arg10 : memref<!tpu.dma_semaphore, #tpu.memory_space<semaphore_mem>>) {add = true}
      %add3A_169 = arith.constant 3 : i32
      %add3A_170 = arith.addi %mul3A_145, %add3A_169 : i32
      %dma_start3A_171 = arith.constant 0 : i32
      %dma_start3A_172 = tpu.memref_slice %arg4[%add3A_170, %dma_start3A_171] : memref<80x128xi32, #tpu.memory_space<vmem>> -> memref<1x128xi32, #tpu.memory_space<vmem>>
      %dma_start3A_173 = tpu.memref_squeeze %dma_start3A_172 : memref<1x128xi32, #tpu.memory_space<vmem>> -> memref<128xi32, #tpu.memory_space<vmem>>
      %dma_start3A_174 = arith.constant 0 : i32
      %dma_start3A_175 = arith.constant 0 : i32
      %dma_start3A_176 = tpu.memref_slice %arg7[%dma_start3A_174, %dma_start3A_175] : memref<10112x128xf32, #tpu.memory_space<vmem_shared>> -> memref<10112x128xf32, #tpu.memory_space<vmem_shared>>
      tpu.enqueue_indirect_dma source(%arg5 : memref<128x128xf32, #tpu.memory_space<vmem>>) target(%dma_start3A_176 : memref<10112x128xf32, #tpu.memory_space<vmem_shared>>) offsets(%dma_start3A_173 : memref<128xi32, #tpu.memory_space<vmem>>) semaphore(%arg11 : memref<!tpu.dma_semaphore, #tpu.memory_space<semaphore_mem>>) {add = true}
      %add3A_177 = arith.constant 4 : i32
      %add3A_178 = arith.addi %mul3A_145, %add3A_177 : i32
      %dma_start3A_179 = arith.constant 0 : i32
      %dma_start3A_180 = tpu.memref_slice %arg4[%add3A_178, %dma_start3A_179] : memref<80x128xi32, #tpu.memory_space<vmem>> -> memref<1x128xi32, #tpu.memory_space<vmem>>
      %dma_start3A_181 = tpu.memref_squeeze %dma_start3A_180 : memref<1x128xi32, #tpu.memory_space<vmem>> -> memref<128xi32, #tpu.memory_space<vmem>>
      %dma_start3A_182 = arith.constant 0 : i32
      %dma_start3A_183 = arith.constant 0 : i32
      %dma_start3A_184 = tpu.memref_slice %arg7[%dma_start3A_182, %dma_start3A_183] : memref<10112x128xf32, #tpu.memory_space<vmem_shared>> -> memref<10112x128xf32, #tpu.memory_space<vmem_shared>>
      tpu.enqueue_indirect_dma source(%arg5 : memref<128x128xf32, #tpu.memory_space<vmem>>) target(%dma_start3A_184 : memref<10112x128xf32, #tpu.memory_space<vmem_shared>>) offsets(%dma_start3A_181 : memref<128xi32, #tpu.memory_space<vmem>>) semaphore(%arg12 : memref<!tpu.dma_semaphore, #tpu.memory_space<semaphore_mem>>) {add = true}
      %add3A_185 = arith.constant 5 : i32
      %add3A_186 = arith.addi %mul3A_145, %add3A_185 : i32
      %dma_start3A_187 = arith.constant 0 : i32
      %dma_start3A_188 = tpu.memref_slice %arg4[%add3A_186, %dma_start3A_187] : memref<80x128xi32, #tpu.memory_space<vmem>> -> memref<1x128xi32, #tpu.memory_space<vmem>>
      %dma_start3A_189 = tpu.memref_squeeze %dma_start3A_188 : memref<1x128xi32, #tpu.memory_space<vmem>> -> memref<128xi32, #tpu.memory_space<vmem>>
      %dma_start3A_190 = arith.constant 0 : i32
      %dma_start3A_191 = arith.constant 0 : i32
      %dma_start3A_192 = tpu.memref_slice %arg7[%dma_start3A_190, %dma_start3A_191] : memref<10112x128xf32, #tpu.memory_space<vmem_shared>> -> memref<10112x128xf32, #tpu.memory_space<vmem_shared>>
      tpu.enqueue_indirect_dma source(%arg5 : memref<128x128xf32, #tpu.memory_space<vmem>>) target(%dma_start3A_192 : memref<10112x128xf32, #tpu.memory_space<vmem_shared>>) offsets(%dma_start3A_189 : memref<128xi32, #tpu.memory_space<vmem>>) semaphore(%arg13 : memref<!tpu.dma_semaphore, #tpu.memory_space<semaphore_mem>>) {add = true}
      %add3A_193 = arith.constant 6 : i32
      %add3A_194 = arith.addi %mul3A_145, %add3A_193 : i32
      %dma_start3A_195 = arith.constant 0 : i32
      %dma_start3A_196 = tpu.memref_slice %arg4[%add3A_194, %dma_start3A_195] : memref<80x128xi32, #tpu.memory_space<vmem>> -> memref<1x128xi32, #tpu.memory_space<vmem>>
      %dma_start3A_197 = tpu.memref_squeeze %dma_start3A_196 : memref<1x128xi32, #tpu.memory_space<vmem>> -> memref<128xi32, #tpu.memory_space<vmem>>
      %dma_start3A_198 = arith.constant 0 : i32
      %dma_start3A_199 = arith.constant 0 : i32
      %dma_start3A_200 = tpu.memref_slice %arg7[%dma_start3A_198, %dma_start3A_199] : memref<10112x128xf32, #tpu.memory_space<vmem_shared>> -> memref<10112x128xf32, #tpu.memory_space<vmem_shared>>
      tpu.enqueue_indirect_dma source(%arg5 : memref<128x128xf32, #tpu.memory_space<vmem>>) target(%dma_start3A_200 : memref<10112x128xf32, #tpu.memory_space<vmem_shared>>) offsets(%dma_start3A_197 : memref<128xi32, #tpu.memory_space<vmem>>) semaphore(%arg14 : memref<!tpu.dma_semaphore, #tpu.memory_space<semaphore_mem>>) {add = true}
      %add3A_201 = arith.constant 7 : i32
      %add3A_202 = arith.addi %mul3A_145, %add3A_201 : i32
      %dma_start3A_203 = arith.constant 0 : i32
      %dma_start3A_204 = tpu.memref_slice %arg4[%add3A_202, %dma_start3A_203] : memref<80x128xi32, #tpu.memory_space<vmem>> -> memref<1x128xi32, #tpu.memory_space<vmem>>
      %dma_start3A_205 = tpu.memref_squeeze %dma_start3A_204 : memref<1x128xi32, #tpu.memory_space<vmem>> -> memref<128xi32, #tpu.memory_space<vmem>>
      %dma_start3A_206 = arith.constant 0 : i32
      %dma_start3A_207 = arith.constant 0 : i32
      %dma_start3A_208 = tpu.memref_slice %arg7[%dma_start3A_206, %dma_start3A_207] : memref<10112x128xf32, #tpu.memory_space<vmem_shared>> -> memref<10112x128xf32, #tpu.memory_space<vmem_shared>>
      tpu.enqueue_indirect_dma source(%arg5 : memref<128x128xf32, #tpu.memory_space<vmem>>) target(%dma_start3A_208 : memref<10112x128xf32, #tpu.memory_space<vmem_shared>>) offsets(%dma_start3A_205 : memref<128xi32, #tpu.memory_space<vmem>>) semaphore(%arg15 : memref<!tpu.dma_semaphore, #tpu.memory_space<semaphore_mem>>) {add = true}
      %dma_wait3A = arith.constant 0 : i32
      %dma_wait3A_209 = tpu.memref_slice %arg4[%add3A_147, %dma_wait3A] : memref<80x128xi32, #tpu.memory_space<vmem>> -> memref<1x128xi32, #tpu.memory_space<vmem>>
      %dma_wait3A_210 = tpu.memref_squeeze %dma_wait3A_209 : memref<1x128xi32, #tpu.memory_space<vmem>> -> memref<128xi32, #tpu.memory_space<vmem>>
      %dma_wait3A_211 = arith.constant 0 : i32
      %dma_wait3A_212 = arith.constant 0 : i32
      %dma_wait3A_213 = tpu.memref_slice %arg7[%dma_wait3A_211, %dma_wait3A_212] : memref<10112x128xf32, #tpu.memory_space<vmem_shared>> -> memref<10112x128xf32, #tpu.memory_space<vmem_shared>>
      tpu.wait_indirect_dma semaphore(%arg8 : memref<!tpu.dma_semaphore, #tpu.memory_space<semaphore_mem>>) src(%arg5 : memref<128x128xf32, #tpu.memory_space<vmem>>) dst(%dma_wait3A_213 : memref<10112x128xf32, #tpu.memory_space<vmem_shared>>)
      %dma_wait3A_214 = arith.constant 0 : i32
      %dma_wait3A_215 = tpu.memref_slice %arg4[%add3A_154, %dma_wait3A_214] : memref<80x128xi32, #tpu.memory_space<vmem>> -> memref<1x128xi32, #tpu.memory_space<vmem>>
      %dma_wait3A_216 = tpu.memref_squeeze %dma_wait3A_215 : memref<1x128xi32, #tpu.memory_space<vmem>> -> memref<128xi32, #tpu.memory_space<vmem>>
      %dma_wait3A_217 = arith.constant 0 : i32
      %dma_wait3A_218 = arith.constant 0 : i32
      %dma_wait3A_219 = tpu.memref_slice %arg7[%dma_wait3A_217, %dma_wait3A_218] : memref<10112x128xf32, #tpu.memory_space<vmem_shared>> -> memref<10112x128xf32, #tpu.memory_space<vmem_shared>>
      tpu.wait_indirect_dma semaphore(%arg9 : memref<!tpu.dma_semaphore, #tpu.memory_space<semaphore_mem>>) src(%arg5 : memref<128x128xf32, #tpu.memory_space<vmem>>) dst(%dma_wait3A_219 : memref<10112x128xf32, #tpu.memory_space<vmem_shared>>)
      %dma_wait3A_220 = arith.constant 0 : i32
      %dma_wait3A_221 = tpu.memref_slice %arg4[%add3A_162, %dma_wait3A_220] : memref<80x128xi32, #tpu.memory_space<vmem>> -> memref<1x128xi32, #tpu.memory_space<vmem>>
      %dma_wait3A_222 = tpu.memref_squeeze %dma_wait3A_221 : memref<1x128xi32, #tpu.memory_space<vmem>> -> memref<128xi32, #tpu.memory_space<vmem>>
      %dma_wait3A_223 = arith.constant 0 : i32
      %dma_wait3A_224 = arith.constant 0 : i32
      %dma_wait3A_225 = tpu.memref_slice %arg7[%dma_wait3A_223, %dma_wait3A_224] : memref<10112x128xf32, #tpu.memory_space<vmem_shared>> -> memref<10112x128xf32, #tpu.memory_space<vmem_shared>>
      tpu.wait_indirect_dma semaphore(%arg10 : memref<!tpu.dma_semaphore, #tpu.memory_space<semaphore_mem>>) src(%arg5 : memref<128x128xf32, #tpu.memory_space<vmem>>) dst(%dma_wait3A_225 : memref<10112x128xf32, #tpu.memory_space<vmem_shared>>)
      %dma_wait3A_226 = arith.constant 0 : i32
      %dma_wait3A_227 = tpu.memref_slice %arg4[%add3A_170, %dma_wait3A_226] : memref<80x128xi32, #tpu.memory_space<vmem>> -> memref<1x128xi32, #tpu.memory_space<vmem>>
      %dma_wait3A_228 = tpu.memref_squeeze %dma_wait3A_227 : memref<1x128xi32, #tpu.memory_space<vmem>> -> memref<128xi32, #tpu.memory_space<vmem>>
      %dma_wait3A_229 = arith.constant 0 : i32
      %dma_wait3A_230 = arith.constant 0 : i32
      %dma_wait3A_231 = tpu.memref_slice %arg7[%dma_wait3A_229, %dma_wait3A_230] : memref<10112x128xf32, #tpu.memory_space<vmem_shared>> -> memref<10112x128xf32, #tpu.memory_space<vmem_shared>>
      tpu.wait_indirect_dma semaphore(%arg11 : memref<!tpu.dma_semaphore, #tpu.memory_space<semaphore_mem>>) src(%arg5 : memref<128x128xf32, #tpu.memory_space<vmem>>) dst(%dma_wait3A_231 : memref<10112x128xf32, #tpu.memory_space<vmem_shared>>)
      %dma_wait3A_232 = arith.constant 0 : i32
      %dma_wait3A_233 = tpu.memref_slice %arg4[%add3A_178, %dma_wait3A_232] : memref<80x128xi32, #tpu.memory_space<vmem>> -> memref<1x128xi32, #tpu.memory_space<vmem>>
      %dma_wait3A_234 = tpu.memref_squeeze %dma_wait3A_233 : memref<1x128xi32, #tpu.memory_space<vmem>> -> memref<128xi32, #tpu.memory_space<vmem>>
      %dma_wait3A_235 = arith.constant 0 : i32
      %dma_wait3A_236 = arith.constant 0 : i32
      %dma_wait3A_237 = tpu.memref_slice %arg7[%dma_wait3A_235, %dma_wait3A_236] : memref<10112x128xf32, #tpu.memory_space<vmem_shared>> -> memref<10112x128xf32, #tpu.memory_space<vmem_shared>>
      tpu.wait_indirect_dma semaphore(%arg12 : memref<!tpu.dma_semaphore, #tpu.memory_space<semaphore_mem>>) src(%arg5 : memref<128x128xf32, #tpu.memory_space<vmem>>) dst(%dma_wait3A_237 : memref<10112x128xf32, #tpu.memory_space<vmem_shared>>)
      %dma_wait3A_238 = arith.constant 0 : i32
      %dma_wait3A_239 = tpu.memref_slice %arg4[%add3A_186, %dma_wait3A_238] : memref<80x128xi32, #tpu.memory_space<vmem>> -> memref<1x128xi32, #tpu.memory_space<vmem>>
      %dma_wait3A_240 = tpu.memref_squeeze %dma_wait3A_239 : memref<1x128xi32, #tpu.memory_space<vmem>> -> memref<128xi32, #tpu.memory_space<vmem>>
      %dma_wait3A_241 = arith.constant 0 : i32
      %dma_wait3A_242 = arith.constant 0 : i32
      %dma_wait3A_243 = tpu.memref_slice %arg7[%dma_wait3A_241, %dma_wait3A_242] : memref<10112x128xf32, #tpu.memory_space<vmem_shared>> -> memref<10112x128xf32, #tpu.memory_space<vmem_shared>>
      tpu.wait_indirect_dma semaphore(%arg13 : memref<!tpu.dma_semaphore, #tpu.memory_space<semaphore_mem>>) src(%arg5 : memref<128x128xf32, #tpu.memory_space<vmem>>) dst(%dma_wait3A_243 : memref<10112x128xf32, #tpu.memory_space<vmem_shared>>)
      %dma_wait3A_244 = arith.constant 0 : i32
      %dma_wait3A_245 = tpu.memref_slice %arg4[%add3A_194, %dma_wait3A_244] : memref<80x128xi32, #tpu.memory_space<vmem>> -> memref<1x128xi32, #tpu.memory_space<vmem>>
      %dma_wait3A_246 = tpu.memref_squeeze %dma_wait3A_245 : memref<1x128xi32, #tpu.memory_space<vmem>> -> memref<128xi32, #tpu.memory_space<vmem>>
      %dma_wait3A_247 = arith.constant 0 : i32
      %dma_wait3A_248 = arith.constant 0 : i32
      %dma_wait3A_249 = tpu.memref_slice %arg7[%dma_wait3A_247, %dma_wait3A_248] : memref<10112x128xf32, #tpu.memory_space<vmem_shared>> -> memref<10112x128xf32, #tpu.memory_space<vmem_shared>>
      tpu.wait_indirect_dma semaphore(%arg14 : memref<!tpu.dma_semaphore, #tpu.memory_space<semaphore_mem>>) src(%arg5 : memref<128x128xf32, #tpu.memory_space<vmem>>) dst(%dma_wait3A_249 : memref<10112x128xf32, #tpu.memory_space<vmem_shared>>)
      %dma_wait3A_250 = arith.constant 0 : i32
      %dma_wait3A_251 = tpu.memref_slice %arg4[%add3A_202, %dma_wait3A_250] : memref<80x128xi32, #tpu.memory_space<vmem>> -> memref<1x128xi32, #tpu.memory_space<vmem>>
      %dma_wait3A_252 = tpu.memref_squeeze %dma_wait3A_251 : memref<1x128xi32, #tpu.memory_space<vmem>> -> memref<128xi32, #tpu.memory_space<vmem>>
      %dma_wait3A_253 = arith.constant 0 : i32
      %dma_wait3A_254 = arith.constant 0 : i32
      %dma_wait3A_255 = tpu.memref_slice %arg7[%dma_wait3A_253, %dma_wait3A_254] : memref<10112x128xf32, #tpu.memory_space<vmem_shared>> -> memref<10112x128xf32, #tpu.memory_space<vmem_shared>>
      tpu.wait_indirect_dma semaphore(%arg15 : memref<!tpu.dma_semaphore, #tpu.memory_space<semaphore_mem>>) src(%arg5 : memref<128x128xf32, #tpu.memory_space<vmem>>) dst(%dma_wait3A_255 : memref<10112x128xf32, #tpu.memory_space<vmem_shared>>)
    }
    %scan3A_131 = arith.constant 10 : i32
    %barrier3A_132 = arith.constant 0 : index
    tpu.barrier barrier_id(%barrier3A_132)
    %mul3A_133 = arith.constant 632 : i32
    %mul3A_134 = arith.muli %arg1, %mul3A_133 : i32
    %mul3A_135 = arith.constant 632 : i32
    %mul3A_136 = arith.muli %arg1, %mul3A_135 : i32
    %run_scoped3A_137 = arith.constant 3 : i32
    "tpu.region"() ({
      %run_scoped3A_139 = tpu.sem_alloc : memref<!tpu.dma_semaphore, #tpu.memory_space<semaphore_mem>>
      %dma_start3A = arith.constant 0 : i32
      %dma_start3A_140 = tpu.memref_slice %arg3[%run_scoped3A_137, %arg0, %mul3A_136, %dma_start3A] : memref<4x2x10112x128xf32, #tpu.memory_space<hbm>> -> memref<1x1x632x128xf32, #tpu.memory_space<hbm>>
      %dma_start3A_141 = tpu.memref_squeeze %dma_start3A_140 : memref<1x1x632x128xf32, #tpu.memory_space<hbm>> -> memref<632x128xf32, #tpu.memory_space<hbm>>
      %dma_start3A_142 = arith.constant 0 : i32
      %dma_start3A_143 = tpu.memref_slice %arg7[%mul3A_134, %dma_start3A_142] : memref<10112x128xf32, #tpu.memory_space<vmem_shared>> -> memref<632x128xf32, #tpu.memory_space<vmem_shared>>
      tpu.enqueue_dma source(%dma_start3A_143 : memref<632x128xf32, #tpu.memory_space<vmem_shared>>) target(%dma_start3A_141 : memref<632x128xf32, #tpu.memory_space<hbm>>) target_semaphore(%run_scoped3A_139 : memref<!tpu.dma_semaphore, #tpu.memory_space<semaphore_mem>>)
      %dma_wait3A = arith.constant 0 : i32
      %dma_wait3A_144 = tpu.memref_slice %arg3[%run_scoped3A_137, %arg0, %mul3A_136, %dma_wait3A] : memref<4x2x10112x128xf32, #tpu.memory_space<hbm>> -> memref<1x1x632x128xf32, #tpu.memory_space<hbm>>
      %dma_wait3A_145 = tpu.memref_squeeze %dma_wait3A_144 : memref<1x1x632x128xf32, #tpu.memory_space<hbm>> -> memref<632x128xf32, #tpu.memory_space<hbm>>
      %dma_wait3A_146 = arith.constant 0 : i32
      %dma_wait3A_147 = tpu.memref_slice %arg7[%mul3A_134, %dma_wait3A_146] : memref<10112x128xf32, #tpu.memory_space<vmem_shared>> -> memref<632x128xf32, #tpu.memory_space<vmem_shared>>
      tpu.wait_dma2 semaphore(%run_scoped3A_139 : memref<!tpu.dma_semaphore, #tpu.memory_space<semaphore_mem>>) src(%dma_wait3A_147 : memref<632x128xf32, #tpu.memory_space<vmem_shared>>) dst(%dma_wait3A_145 : memref<632x128xf32, #tpu.memory_space<hbm>>)
      tpu.yield
    }) : () -> ()
    %barrier3A_138 = arith.constant 0 : index
    tpu.barrier barrier_id(%barrier3A_138)
    return
  }
}

#map = affine_map<(d0, d1) -> (0, 0)>
#map1 = affine_map<(d0, d1) -> (0, 0, 0)>
module attributes {stable_mosaic.version = 14 : i64} {
  func.func @_sc_conv2_body(%arg0: i32, %arg1: i32, %arg2: memref<10000x128xf32, #tpu.memory_space<hbm>>, %arg3: memref<10000x128xf32, #tpu.memory_space<hbm>>, %arg4: memref<32x80x128xi32, #tpu.memory_space<hbm>>, %arg5: memref<32x80x128xi32, #tpu.memory_space<hbm>>, %arg6: memref<32x80x128xi32, #tpu.memory_space<hbm>>, %arg7: memref<32x80x128xi32, #tpu.memory_space<hbm>>, %arg8: memref<2x10112x128xf32, #tpu.memory_space<hbm>>, %arg9: memref<2x10112x128xf32, #tpu.memory_space<hbm>>, %arg10: memref<208x128xi32, #tpu.memory_space<vmem>>, %arg11: memref<128x128xf32, #tpu.memory_space<vmem>>, %arg12: memref<!tpu.dma_semaphore, #tpu.memory_space<semaphore_mem>>, %arg13: memref<10112x128xf32, #tpu.memory_space<vmem_shared>>) attributes {dimension_semantics = [#tpu.dimension_semantics<core_parallel>, #tpu.dimension_semantics<subcore_parallel>], iteration_bounds = array<i64: 2, 16>, scalar_prefetch = 0 : i64, scratch_operands = 4 : i64, tpu.core_type = #tpu.core_type<sc_vector_subcore>, window_params = [{transform_indices = #map}, {transform_indices = #map}, {transform_indices = #map1}, {transform_indices = #map1}, {transform_indices = #map1}, {transform_indices = #map1}, {transform_indices = #map1}, {transform_indices = #map1}]} {
    %mul3A = arith.constant 2 : i32
    %mul3A_0 = arith.muli %arg1, %mul3A : i32
    %add3A = arith.addi %mul3A_0, %arg0 : i32
    %scan3A = arith.constant 0 : i32
    %scan3A_1 = arith.constant 128 : i32
    %scan3A_2 = arith.addi %scan3A, %scan3A_1 : i32
    %scan3A_3 = arith.constant 1 : i32
    scf.for %scan3A_73 = %scan3A to %scan3A_2 step %scan3A_3  : i32 {
      %mul3A_74 = arith.constant 1 : i32
      %mul3A_75 = arith.muli %scan3A_73, %mul3A_74 : i32
      %add3A_76 = arith.constant 0 : i32
      %add3A_77 = arith.addi %add3A_76, %mul3A_75 : i32
      %broadcast_in_dim3A = arith.constant 0.000000e+00 : f32
      %broadcast_in_dim3A_78 = vector.broadcast %broadcast_in_dim3A : f32 to vector<16xf32>
      %swap3A = arith.index_cast %add3A_77 : i32 to index
      %swap3A_79 = arith.constant 0 : index
      %swap3A_80 = tpu.vector_load %arg11[%swap3A, %swap3A_79] {strides = array<i32>} : memref<128x128xf32, #tpu.memory_space<vmem>>, vector<1x16xf32>,
      %swap3A_81 = vector.shape_cast %swap3A_80 : vector<1x16xf32> to vector<16xf32>
      %swap3A_82 = vector.shape_cast %broadcast_in_dim3A_78 : vector<16xf32> to vector<1x16xf32>
      tpu.vector_store %arg11[%swap3A, %swap3A_79], %swap3A_82 {strides = array<i32>} : memref<128x128xf32, #tpu.memory_space<vmem>>, vector<1x16xf32>,
      %broadcast_in_dim3A_83 = arith.constant 0.000000e+00 : f32
      %broadcast_in_dim3A_84 = vector.broadcast %broadcast_in_dim3A_83 : f32 to vector<16xf32>
      %swap3A_85 = arith.index_cast %add3A_77 : i32 to index
      %swap3A_86 = arith.constant 16 : index
      %swap3A_87 = tpu.vector_load %arg11[%swap3A_85, %swap3A_86] {strides = array<i32>} : memref<128x128xf32, #tpu.memory_space<vmem>>, vector<1x16xf32>,
      %swap3A_88 = vector.shape_cast %swap3A_87 : vector<1x16xf32> to vector<16xf32>
      %swap3A_89 = vector.shape_cast %broadcast_in_dim3A_84 : vector<16xf32> to vector<1x16xf32>
      tpu.vector_store %arg11[%swap3A_85, %swap3A_86], %swap3A_89 {strides = array<i32>} : memref<128x128xf32, #tpu.memory_space<vmem>>, vector<1x16xf32>,
      %broadcast_in_dim3A_90 = arith.constant 0.000000e+00 : f32
      %broadcast_in_dim3A_91 = vector.broadcast %broadcast_in_dim3A_90 : f32 to vector<16xf32>
      %swap3A_92 = arith.index_cast %add3A_77 : i32 to index
      %swap3A_93 = arith.constant 32 : index
      %swap3A_94 = tpu.vector_load %arg11[%swap3A_92, %swap3A_93] {strides = array<i32>} : memref<128x128xf32, #tpu.memory_space<vmem>>, vector<1x16xf32>,
      %swap3A_95 = vector.shape_cast %swap3A_94 : vector<1x16xf32> to vector<16xf32>
      %swap3A_96 = vector.shape_cast %broadcast_in_dim3A_91 : vector<16xf32> to vector<1x16xf32>
      tpu.vector_store %arg11[%swap3A_92, %swap3A_93], %swap3A_96 {strides = array<i32>} : memref<128x128xf32, #tpu.memory_space<vmem>>, vector<1x16xf32>,
      %broadcast_in_dim3A_97 = arith.constant 0.000000e+00 : f32
      %broadcast_in_dim3A_98 = vector.broadcast %broadcast_in_dim3A_97 : f32 to vector<16xf32>
      %swap3A_99 = arith.index_cast %add3A_77 : i32 to index
      %swap3A_100 = arith.constant 48 : index
      %swap3A_101 = tpu.vector_load %arg11[%swap3A_99, %swap3A_100] {strides = array<i32>} : memref<128x128xf32, #tpu.memory_space<vmem>>, vector<1x16xf32>,
      %swap3A_102 = vector.shape_cast %swap3A_101 : vector<1x16xf32> to vector<16xf32>
      %swap3A_103 = vector.shape_cast %broadcast_in_dim3A_98 : vector<16xf32> to vector<1x16xf32>
      tpu.vector_store %arg11[%swap3A_99, %swap3A_100], %swap3A_103 {strides = array<i32>} : memref<128x128xf32, #tpu.memory_space<vmem>>, vector<1x16xf32>,
      %broadcast_in_dim3A_104 = arith.constant 0.000000e+00 : f32
      %broadcast_in_dim3A_105 = vector.broadcast %broadcast_in_dim3A_104 : f32 to vector<16xf32>
      %swap3A_106 = arith.index_cast %add3A_77 : i32 to index
      %swap3A_107 = arith.constant 64 : index
      %swap3A_108 = tpu.vector_load %arg11[%swap3A_106, %swap3A_107] {strides = array<i32>} : memref<128x128xf32, #tpu.memory_space<vmem>>, vector<1x16xf32>,
      %swap3A_109 = vector.shape_cast %swap3A_108 : vector<1x16xf32> to vector<16xf32>
      %swap3A_110 = vector.shape_cast %broadcast_in_dim3A_105 : vector<16xf32> to vector<1x16xf32>
      tpu.vector_store %arg11[%swap3A_106, %swap3A_107], %swap3A_110 {strides = array<i32>} : memref<128x128xf32, #tpu.memory_space<vmem>>, vector<1x16xf32>,
      %broadcast_in_dim3A_111 = arith.constant 0.000000e+00 : f32
      %broadcast_in_dim3A_112 = vector.broadcast %broadcast_in_dim3A_111 : f32 to vector<16xf32>
      %swap3A_113 = arith.index_cast %add3A_77 : i32 to index
      %swap3A_114 = arith.constant 80 : index
      %swap3A_115 = tpu.vector_load %arg11[%swap3A_113, %swap3A_114] {strides = array<i32>} : memref<128x128xf32, #tpu.memory_space<vmem>>, vector<1x16xf32>,
      %swap3A_116 = vector.shape_cast %swap3A_115 : vector<1x16xf32> to vector<16xf32>
      %swap3A_117 = vector.shape_cast %broadcast_in_dim3A_112 : vector<16xf32> to vector<1x16xf32>
      tpu.vector_store %arg11[%swap3A_113, %swap3A_114], %swap3A_117 {strides = array<i32>} : memref<128x128xf32, #tpu.memory_space<vmem>>, vector<1x16xf32>,
      %broadcast_in_dim3A_118 = arith.constant 0.000000e+00 : f32
      %broadcast_in_dim3A_119 = vector.broadcast %broadcast_in_dim3A_118 : f32 to vector<16xf32>
      %swap3A_120 = arith.index_cast %add3A_77 : i32 to index
      %swap3A_121 = arith.constant 96 : index
      %swap3A_122 = tpu.vector_load %arg11[%swap3A_120, %swap3A_121] {strides = array<i32>} : memref<128x128xf32, #tpu.memory_space<vmem>>, vector<1x16xf32>,
      %swap3A_123 = vector.shape_cast %swap3A_122 : vector<1x16xf32> to vector<16xf32>
      %swap3A_124 = vector.shape_cast %broadcast_in_dim3A_119 : vector<16xf32> to vector<1x16xf32>
      tpu.vector_store %arg11[%swap3A_120, %swap3A_121], %swap3A_124 {strides = array<i32>} : memref<128x128xf32, #tpu.memory_space<vmem>>, vector<1x16xf32>,
      %broadcast_in_dim3A_125 = arith.constant 0.000000e+00 : f32
      %broadcast_in_dim3A_126 = vector.broadcast %broadcast_in_dim3A_125 : f32 to vector<16xf32>
      %swap3A_127 = arith.index_cast %add3A_77 : i32 to index
      %swap3A_128 = arith.constant 112 : index
      %swap3A_129 = tpu.vector_load %arg11[%swap3A_127, %swap3A_128] {strides = array<i32>} : memref<128x128xf32, #tpu.memory_space<vmem>>, vector<1x16xf32>,
      %swap3A_130 = vector.shape_cast %swap3A_129 : vector<1x16xf32> to vector<16xf32>
      %swap3A_131 = vector.shape_cast %broadcast_in_dim3A_126 : vector<16xf32> to vector<1x16xf32>
      tpu.vector_store %arg11[%swap3A_127, %swap3A_128], %swap3A_131 {strides = array<i32>} : memref<128x128xf32, #tpu.memory_space<vmem>>, vector<1x16xf32>,
    }
    %scan3A_4 = arith.constant 128 : i32
    "tpu.region"() ({
      %run_scoped3A = tpu.sem_alloc : memref<!tpu.dma_semaphore, #tpu.memory_space<semaphore_mem>>
      %dma_start3A = arith.constant 0 : i32
      %dma_start3A_73 = arith.constant 0 : i32
      %dma_start3A_74 = tpu.memref_slice %arg10[%dma_start3A, %dma_start3A_73] : memref<208x128xi32, #tpu.memory_space<vmem>> -> memref<80x128xi32, #tpu.memory_space<vmem>>
      %dma_start3A_75 = arith.constant 0 : i32
      %dma_start3A_76 = arith.constant 0 : i32
      %dma_start3A_77 = tpu.memref_slice %arg4[%add3A, %dma_start3A_75, %dma_start3A_76] : memref<32x80x128xi32, #tpu.memory_space<hbm>> -> memref<1x80x128xi32, #tpu.memory_space<hbm>>
      %dma_start3A_78 = tpu.memref_squeeze %dma_start3A_77 : memref<1x80x128xi32, #tpu.memory_space<hbm>> -> memref<80x128xi32, #tpu.memory_space<hbm>>
      %dma_start3A_79 = arith.constant 0 : i32
      %dma_start3A_80 = arith.constant 0 : i32
      %dma_start3A_81 = tpu.memref_slice %arg10[%dma_start3A_79, %dma_start3A_80] : memref<208x128xi32, #tpu.memory_space<vmem>> -> memref<80x128xi32, #tpu.memory_space<vmem>>
      %dma_start3A_82 = arith.constant 0 : i32
      %dma_start3A_83 = arith.constant 0 : i32
      %dma_start3A_84 = tpu.memref_slice %arg4[%add3A, %dma_start3A_82, %dma_start3A_83] : memref<32x80x128xi32, #tpu.memory_space<hbm>> -> memref<1x80x128xi32, #tpu.memory_space<hbm>>
      %dma_start3A_85 = tpu.memref_squeeze %dma_start3A_84 : memref<1x80x128xi32, #tpu.memory_space<hbm>> -> memref<80x128xi32, #tpu.memory_space<hbm>>
      tpu.enqueue_dma source(%dma_start3A_85 : memref<80x128xi32, #tpu.memory_space<hbm>>) target(%dma_start3A_81 : memref<80x128xi32, #tpu.memory_space<vmem>>) target_semaphore(%run_scoped3A : memref<!tpu.dma_semaphore, #tpu.memory_space<semaphore_mem>>)
      %dma_wait3A = arith.constant 0 : i32
      %dma_wait3A_86 = arith.constant 0 : i32
      %dma_wait3A_87 = tpu.memref_slice %arg10[%dma_wait3A, %dma_wait3A_86] : memref<208x128xi32, #tpu.memory_space<vmem>> -> memref<80x128xi32, #tpu.memory_space<vmem>>
      %dma_wait3A_88 = arith.constant 0 : i32
      %dma_wait3A_89 = arith.constant 0 : i32
      %dma_wait3A_90 = tpu.memref_slice %arg4[%add3A, %dma_wait3A_88, %dma_wait3A_89] : memref<32x80x128xi32, #tpu.memory_space<hbm>> -> memref<1x80x128xi32, #tpu.memory_space<hbm>>
      %dma_wait3A_91 = tpu.memref_squeeze %dma_wait3A_90 : memref<1x80x128xi32, #tpu.memory_space<hbm>> -> memref<80x128xi32, #tpu.memory_space<hbm>>
      %dma_wait3A_92 = arith.constant 0 : i32
      %dma_wait3A_93 = arith.constant 0 : i32
      %dma_wait3A_94 = tpu.memref_slice %arg10[%dma_wait3A_92, %dma_wait3A_93] : memref<208x128xi32, #tpu.memory_space<vmem>> -> memref<80x128xi32, #tpu.memory_space<vmem>>
      %dma_wait3A_95 = arith.constant 0 : i32
      %dma_wait3A_96 = arith.constant 0 : i32
      %dma_wait3A_97 = tpu.memref_slice %arg4[%add3A, %dma_wait3A_95, %dma_wait3A_96] : memref<32x80x128xi32, #tpu.memory_space<hbm>> -> memref<1x80x128xi32, #tpu.memory_space<hbm>>
      %dma_wait3A_98 = tpu.memref_squeeze %dma_wait3A_97 : memref<1x80x128xi32, #tpu.memory_space<hbm>> -> memref<80x128xi32, #tpu.memory_space<hbm>>
      tpu.wait_dma2 semaphore(%run_scoped3A : memref<!tpu.dma_semaphore, #tpu.memory_space<semaphore_mem>>) src(%dma_wait3A_98 : memref<80x128xi32, #tpu.memory_space<hbm>>) dst(%dma_wait3A_94 : memref<80x128xi32, #tpu.memory_space<vmem>>)
      tpu.yield
    }) : () -> ()
    "tpu.region"() ({
      %run_scoped3A = tpu.sem_alloc : memref<!tpu.dma_semaphore, #tpu.memory_space<semaphore_mem>>
      %dma_start3A = arith.constant 128 : i32
      %dma_start3A_73 = arith.constant 0 : i32
      %dma_start3A_74 = tpu.memref_slice %arg10[%dma_start3A, %dma_start3A_73] : memref<208x128xi32, #tpu.memory_space<vmem>> -> memref<80x128xi32, #tpu.memory_space<vmem>>
      %dma_start3A_75 = arith.constant 0 : i32
      %dma_start3A_76 = arith.constant 0 : i32
      %dma_start3A_77 = tpu.memref_slice %arg5[%add3A, %dma_start3A_75, %dma_start3A_76] : memref<32x80x128xi32, #tpu.memory_space<hbm>> -> memref<1x80x128xi32, #tpu.memory_space<hbm>>
      %dma_start3A_78 = tpu.memref_squeeze %dma_start3A_77 : memref<1x80x128xi32, #tpu.memory_space<hbm>> -> memref<80x128xi32, #tpu.memory_space<hbm>>
      %dma_start3A_79 = arith.constant 128 : i32
      %dma_start3A_80 = arith.constant 0 : i32
      %dma_start3A_81 = tpu.memref_slice %arg10[%dma_start3A_79, %dma_start3A_80] : memref<208x128xi32, #tpu.memory_space<vmem>> -> memref<80x128xi32, #tpu.memory_space<vmem>>
      %dma_start3A_82 = arith.constant 0 : i32
      %dma_start3A_83 = arith.constant 0 : i32
      %dma_start3A_84 = tpu.memref_slice %arg5[%add3A, %dma_start3A_82, %dma_start3A_83] : memref<32x80x128xi32, #tpu.memory_space<hbm>> -> memref<1x80x128xi32, #tpu.memory_space<hbm>>
      %dma_start3A_85 = tpu.memref_squeeze %dma_start3A_84 : memref<1x80x128xi32, #tpu.memory_space<hbm>> -> memref<80x128xi32, #tpu.memory_space<hbm>>
      tpu.enqueue_dma source(%dma_start3A_85 : memref<80x128xi32, #tpu.memory_space<hbm>>) target(%dma_start3A_81 : memref<80x128xi32, #tpu.memory_space<vmem>>) target_semaphore(%run_scoped3A : memref<!tpu.dma_semaphore, #tpu.memory_space<semaphore_mem>>)
      %dma_wait3A = arith.constant 128 : i32
      %dma_wait3A_86 = arith.constant 0 : i32
      %dma_wait3A_87 = tpu.memref_slice %arg10[%dma_wait3A, %dma_wait3A_86] : memref<208x128xi32, #tpu.memory_space<vmem>> -> memref<80x128xi32, #tpu.memory_space<vmem>>
      %dma_wait3A_88 = arith.constant 0 : i32
      %dma_wait3A_89 = arith.constant 0 : i32
      %dma_wait3A_90 = tpu.memref_slice %arg5[%add3A, %dma_wait3A_88, %dma_wait3A_89] : memref<32x80x128xi32, #tpu.memory_space<hbm>> -> memref<1x80x128xi32, #tpu.memory_space<hbm>>
      %dma_wait3A_91 = tpu.memref_squeeze %dma_wait3A_90 : memref<1x80x128xi32, #tpu.memory_space<hbm>> -> memref<80x128xi32, #tpu.memory_space<hbm>>
      %dma_wait3A_92 = arith.constant 128 : i32
      %dma_wait3A_93 = arith.constant 0 : i32
      %dma_wait3A_94 = tpu.memref_slice %arg10[%dma_wait3A_92, %dma_wait3A_93] : memref<208x128xi32, #tpu.memory_space<vmem>> -> memref<80x128xi32, #tpu.memory_space<vmem>>
      %dma_wait3A_95 = arith.constant 0 : i32
      %dma_wait3A_96 = arith.constant 0 : i32
      %dma_wait3A_97 = tpu.memref_slice %arg5[%add3A, %dma_wait3A_95, %dma_wait3A_96] : memref<32x80x128xi32, #tpu.memory_space<hbm>> -> memref<1x80x128xi32, #tpu.memory_space<hbm>>
      %dma_wait3A_98 = tpu.memref_squeeze %dma_wait3A_97 : memref<1x80x128xi32, #tpu.memory_space<hbm>> -> memref<80x128xi32, #tpu.memory_space<hbm>>
      tpu.wait_dma2 semaphore(%run_scoped3A : memref<!tpu.dma_semaphore, #tpu.memory_space<semaphore_mem>>) src(%dma_wait3A_98 : memref<80x128xi32, #tpu.memory_space<hbm>>) dst(%dma_wait3A_94 : memref<80x128xi32, #tpu.memory_space<vmem>>)
      tpu.yield
    }) : () -> ()
    %mul3A_5 = arith.constant 632 : i32
    %mul3A_6 = arith.muli %arg1, %mul3A_5 : i32
    %add3A_7 = arith.constant 0 : i32
    %add3A_8 = arith.addi %mul3A_6, %add3A_7 : i32
    "tpu.region"() ({
      %run_scoped3A = tpu.sem_alloc : memref<!tpu.dma_semaphore, #tpu.memory_space<semaphore_mem>>
      %dma_start3A = arith.constant 0 : i32
      %dma_start3A_73 = tpu.memref_slice %arg13[%add3A_8, %dma_start3A] : memref<10112x128xf32, #tpu.memory_space<vmem_shared>> -> memref<128x128xf32, #tpu.memory_space<vmem_shared>>
      %dma_start3A_74 = arith.constant 0 : i32
      %dma_start3A_75 = tpu.memref_slice %arg13[%add3A_8, %dma_start3A_74] : memref<10112x128xf32, #tpu.memory_space<vmem_shared>> -> memref<128x128xf32, #tpu.memory_space<vmem_shared>>
      tpu.enqueue_dma source(%arg11 : memref<128x128xf32, #tpu.memory_space<vmem>>) target(%dma_start3A_75 : memref<128x128xf32, #tpu.memory_space<vmem_shared>>) target_semaphore(%run_scoped3A : memref<!tpu.dma_semaphore, #tpu.memory_space<semaphore_mem>>)
      %dma_wait3A = arith.constant 0 : i32
      %dma_wait3A_76 = tpu.memref_slice %arg13[%add3A_8, %dma_wait3A] : memref<10112x128xf32, #tpu.memory_space<vmem_shared>> -> memref<128x128xf32, #tpu.memory_space<vmem_shared>>
      %dma_wait3A_77 = arith.constant 0 : i32
      %dma_wait3A_78 = tpu.memref_slice %arg13[%add3A_8, %dma_wait3A_77] : memref<10112x128xf32, #tpu.memory_space<vmem_shared>> -> memref<128x128xf32, #tpu.memory_space<vmem_shared>>
      tpu.wait_dma2 semaphore(%run_scoped3A : memref<!tpu.dma_semaphore, #tpu.memory_space<semaphore_mem>>) src(%arg11 : memref<128x128xf32, #tpu.memory_space<vmem>>) dst(%dma_wait3A_78 : memref<128x128xf32, #tpu.memory_space<vmem_shared>>)
      tpu.yield
    }) : () -> ()
    %mul3A_9 = arith.constant 632 : i32
    %mul3A_10 = arith.muli %arg1, %mul3A_9 : i32
    %add3A_11 = arith.constant 128 : i32
    %add3A_12 = arith.addi %mul3A_10, %add3A_11 : i32
    "tpu.region"() ({
      %run_scoped3A = tpu.sem_alloc : memref<!tpu.dma_semaphore, #tpu.memory_space<semaphore_mem>>
      %dma_start3A = arith.constant 0 : i32
      %dma_start3A_73 = tpu.memref_slice %arg13[%add3A_12, %dma_start3A] : memref<10112x128xf32, #tpu.memory_space<vmem_shared>> -> memref<128x128xf32, #tpu.memory_space<vmem_shared>>
      %dma_start3A_74 = arith.constant 0 : i32
      %dma_start3A_75 = tpu.memref_slice %arg13[%add3A_12, %dma_start3A_74] : memref<10112x128xf32, #tpu.memory_space<vmem_shared>> -> memref<128x128xf32, #tpu.memory_space<vmem_shared>>
      tpu.enqueue_dma source(%arg11 : memref<128x128xf32, #tpu.memory_space<vmem>>) target(%dma_start3A_75 : memref<128x128xf32, #tpu.memory_space<vmem_shared>>) target_semaphore(%run_scoped3A : memref<!tpu.dma_semaphore, #tpu.memory_space<semaphore_mem>>)
      %dma_wait3A = arith.constant 0 : i32
      %dma_wait3A_76 = tpu.memref_slice %arg13[%add3A_12, %dma_wait3A] : memref<10112x128xf32, #tpu.memory_space<vmem_shared>> -> memref<128x128xf32, #tpu.memory_space<vmem_shared>>
      %dma_wait3A_77 = arith.constant 0 : i32
      %dma_wait3A_78 = tpu.memref_slice %arg13[%add3A_12, %dma_wait3A_77] : memref<10112x128xf32, #tpu.memory_space<vmem_shared>> -> memref<128x128xf32, #tpu.memory_space<vmem_shared>>
      tpu.wait_dma2 semaphore(%run_scoped3A : memref<!tpu.dma_semaphore, #tpu.memory_space<semaphore_mem>>) src(%arg11 : memref<128x128xf32, #tpu.memory_space<vmem>>) dst(%dma_wait3A_78 : memref<128x128xf32, #tpu.memory_space<vmem_shared>>)
      tpu.yield
    }) : () -> ()
    %mul3A_13 = arith.constant 632 : i32
    %mul3A_14 = arith.muli %arg1, %mul3A_13 : i32
    %add3A_15 = arith.constant 256 : i32
    %add3A_16 = arith.addi %mul3A_14, %add3A_15 : i32
    "tpu.region"() ({
      %run_scoped3A = tpu.sem_alloc : memref<!tpu.dma_semaphore, #tpu.memory_space<semaphore_mem>>
      %dma_start3A = arith.constant 0 : i32
      %dma_start3A_73 = tpu.memref_slice %arg13[%add3A_16, %dma_start3A] : memref<10112x128xf32, #tpu.memory_space<vmem_shared>> -> memref<128x128xf32, #tpu.memory_space<vmem_shared>>
      %dma_start3A_74 = arith.constant 0 : i32
      %dma_start3A_75 = tpu.memref_slice %arg13[%add3A_16, %dma_start3A_74] : memref<10112x128xf32, #tpu.memory_space<vmem_shared>> -> memref<128x128xf32, #tpu.memory_space<vmem_shared>>
      tpu.enqueue_dma source(%arg11 : memref<128x128xf32, #tpu.memory_space<vmem>>) target(%dma_start3A_75 : memref<128x128xf32, #tpu.memory_space<vmem_shared>>) target_semaphore(%run_scoped3A : memref<!tpu.dma_semaphore, #tpu.memory_space<semaphore_mem>>)
      %dma_wait3A = arith.constant 0 : i32
      %dma_wait3A_76 = tpu.memref_slice %arg13[%add3A_16, %dma_wait3A] : memref<10112x128xf32, #tpu.memory_space<vmem_shared>> -> memref<128x128xf32, #tpu.memory_space<vmem_shared>>
      %dma_wait3A_77 = arith.constant 0 : i32
      %dma_wait3A_78 = tpu.memref_slice %arg13[%add3A_16, %dma_wait3A_77] : memref<10112x128xf32, #tpu.memory_space<vmem_shared>> -> memref<128x128xf32, #tpu.memory_space<vmem_shared>>
      tpu.wait_dma2 semaphore(%run_scoped3A : memref<!tpu.dma_semaphore, #tpu.memory_space<semaphore_mem>>) src(%arg11 : memref<128x128xf32, #tpu.memory_space<vmem>>) dst(%dma_wait3A_78 : memref<128x128xf32, #tpu.memory_space<vmem_shared>>)
      tpu.yield
    }) : () -> ()
    %mul3A_17 = arith.constant 632 : i32
    %mul3A_18 = arith.muli %arg1, %mul3A_17 : i32
    %add3A_19 = arith.constant 384 : i32
    %add3A_20 = arith.addi %mul3A_18, %add3A_19 : i32
    "tpu.region"() ({
      %run_scoped3A = tpu.sem_alloc : memref<!tpu.dma_semaphore, #tpu.memory_space<semaphore_mem>>
      %dma_start3A = arith.constant 0 : i32
      %dma_start3A_73 = tpu.memref_slice %arg13[%add3A_20, %dma_start3A] : memref<10112x128xf32, #tpu.memory_space<vmem_shared>> -> memref<128x128xf32, #tpu.memory_space<vmem_shared>>
      %dma_start3A_74 = arith.constant 0 : i32
      %dma_start3A_75 = tpu.memref_slice %arg13[%add3A_20, %dma_start3A_74] : memref<10112x128xf32, #tpu.memory_space<vmem_shared>> -> memref<128x128xf32, #tpu.memory_space<vmem_shared>>
      tpu.enqueue_dma source(%arg11 : memref<128x128xf32, #tpu.memory_space<vmem>>) target(%dma_start3A_75 : memref<128x128xf32, #tpu.memory_space<vmem_shared>>) target_semaphore(%run_scoped3A : memref<!tpu.dma_semaphore, #tpu.memory_space<semaphore_mem>>)
      %dma_wait3A = arith.constant 0 : i32
      %dma_wait3A_76 = tpu.memref_slice %arg13[%add3A_20, %dma_wait3A] : memref<10112x128xf32, #tpu.memory_space<vmem_shared>> -> memref<128x128xf32, #tpu.memory_space<vmem_shared>>
      %dma_wait3A_77 = arith.constant 0 : i32
      %dma_wait3A_78 = tpu.memref_slice %arg13[%add3A_20, %dma_wait3A_77] : memref<10112x128xf32, #tpu.memory_space<vmem_shared>> -> memref<128x128xf32, #tpu.memory_space<vmem_shared>>
      tpu.wait_dma2 semaphore(%run_scoped3A : memref<!tpu.dma_semaphore, #tpu.memory_space<semaphore_mem>>) src(%arg11 : memref<128x128xf32, #tpu.memory_space<vmem>>) dst(%dma_wait3A_78 : memref<128x128xf32, #tpu.memory_space<vmem_shared>>)
      tpu.yield
    }) : () -> ()
    %mul3A_21 = arith.constant 632 : i32
    %mul3A_22 = arith.muli %arg1, %mul3A_21 : i32
    %add3A_23 = arith.constant 512 : i32
    %add3A_24 = arith.addi %mul3A_22, %add3A_23 : i32
    "tpu.region"() ({
      %run_scoped3A = tpu.sem_alloc : memref<!tpu.dma_semaphore, #tpu.memory_space<semaphore_mem>>
      %dma_start3A = arith.constant 0 : i32
      %dma_start3A_73 = arith.constant 0 : i32
      %dma_start3A_74 = tpu.memref_slice %arg11[%dma_start3A, %dma_start3A_73] : memref<128x128xf32, #tpu.memory_space<vmem>> -> memref<120x128xf32, #tpu.memory_space<vmem>>
      %dma_start3A_75 = arith.constant 0 : i32
      %dma_start3A_76 = tpu.memref_slice %arg13[%add3A_24, %dma_start3A_75] : memref<10112x128xf32, #tpu.memory_space<vmem_shared>> -> memref<120x128xf32, #tpu.memory_space<vmem_shared>>
      %dma_start3A_77 = arith.constant 0 : i32
      %dma_start3A_78 = tpu.memref_slice %arg13[%add3A_24, %dma_start3A_77] : memref<10112x128xf32, #tpu.memory_space<vmem_shared>> -> memref<120x128xf32, #tpu.memory_space<vmem_shared>>
      %dma_start3A_79 = arith.constant 0 : i32
      %dma_start3A_80 = arith.constant 0 : i32
      %dma_start3A_81 = tpu.memref_slice %arg11[%dma_start3A_79, %dma_start3A_80] : memref<128x128xf32, #tpu.memory_space<vmem>> -> memref<120x128xf32, #tpu.memory_space<vmem>>
      tpu.enqueue_dma source(%dma_start3A_81 : memref<120x128xf32, #tpu.memory_space<vmem>>) target(%dma_start3A_78 : memref<120x128xf32, #tpu.memory_space<vmem_shared>>) target_semaphore(%run_scoped3A : memref<!tpu.dma_semaphore, #tpu.memory_space<semaphore_mem>>)
      %dma_wait3A = arith.constant 0 : i32
      %dma_wait3A_82 = arith.constant 0 : i32
      %dma_wait3A_83 = tpu.memref_slice %arg11[%dma_wait3A, %dma_wait3A_82] : memref<128x128xf32, #tpu.memory_space<vmem>> -> memref<120x128xf32, #tpu.memory_space<vmem>>
      %dma_wait3A_84 = arith.constant 0 : i32
      %dma_wait3A_85 = tpu.memref_slice %arg13[%add3A_24, %dma_wait3A_84] : memref<10112x128xf32, #tpu.memory_space<vmem_shared>> -> memref<120x128xf32, #tpu.memory_space<vmem_shared>>
      %dma_wait3A_86 = arith.constant 0 : i32
      %dma_wait3A_87 = tpu.memref_slice %arg13[%add3A_24, %dma_wait3A_86] : memref<10112x128xf32, #tpu.memory_space<vmem_shared>> -> memref<120x128xf32, #tpu.memory_space<vmem_shared>>
      %dma_wait3A_88 = arith.constant 0 : i32
      %dma_wait3A_89 = arith.constant 0 : i32
      %dma_wait3A_90 = tpu.memref_slice %arg11[%dma_wait3A_88, %dma_wait3A_89] : memref<128x128xf32, #tpu.memory_space<vmem>> -> memref<120x128xf32, #tpu.memory_space<vmem>>
      tpu.wait_dma2 semaphore(%run_scoped3A : memref<!tpu.dma_semaphore, #tpu.memory_space<semaphore_mem>>) src(%dma_wait3A_90 : memref<120x128xf32, #tpu.memory_space<vmem>>) dst(%dma_wait3A_87 : memref<120x128xf32, #tpu.memory_space<vmem_shared>>)
      tpu.yield
    }) : () -> ()
    %barrier3A = arith.constant 0 : index
    tpu.barrier barrier_id(%barrier3A)
    %scan3A_25 = arith.constant 0 : i32
    %scan3A_26 = arith.constant 80 : i32
    %scan3A_27 = arith.addi %scan3A_25, %scan3A_26 : i32
    %scan3A_28 = arith.constant 1 : i32
    scf.for %scan3A_73 = %scan3A_25 to %scan3A_27 step %scan3A_28  : i32 {
      %mul3A_74 = arith.constant 1 : i32
      %mul3A_75 = arith.muli %scan3A_73, %mul3A_74 : i32
      %add3A_76 = arith.constant 0 : i32
      %add3A_77 = arith.addi %add3A_76, %mul3A_75 : i32
      %dma_start3A = arith.constant 0 : i32
      %dma_start3A_78 = tpu.memref_slice %arg10[%add3A_77, %dma_start3A] : memref<208x128xi32, #tpu.memory_space<vmem>> -> memref<1x128xi32, #tpu.memory_space<vmem>>
      %dma_start3A_79 = tpu.memref_squeeze %dma_start3A_78 : memref<1x128xi32, #tpu.memory_space<vmem>> -> memref<128xi32, #tpu.memory_space<vmem>>
      %dma_start3A_80 = arith.constant 0 : i32
      %dma_start3A_81 = arith.constant 0 : i32
      %dma_start3A_82 = tpu.memref_slice %arg2[%dma_start3A_80, %dma_start3A_81] : memref<10000x128xf32, #tpu.memory_space<hbm>> -> memref<10000x128xf32, #tpu.memory_space<hbm>>
      tpu.enqueue_indirect_dma source(%dma_start3A_82 : memref<10000x128xf32, #tpu.memory_space<hbm>>) target(%arg11 : memref<128x128xf32, #tpu.memory_space<vmem>>) offsets(%dma_start3A_79 : memref<128xi32, #tpu.memory_space<vmem>>) semaphore(%arg12 : memref<!tpu.dma_semaphore, #tpu.memory_space<semaphore_mem>>)
      %dma_wait3A = arith.constant 0 : i32
      %dma_wait3A_83 = tpu.memref_slice %arg10[%add3A_77, %dma_wait3A] : memref<208x128xi32, #tpu.memory_space<vmem>> -> memref<1x128xi32, #tpu.memory_space<vmem>>
      %dma_wait3A_84 = tpu.memref_squeeze %dma_wait3A_83 : memref<1x128xi32, #tpu.memory_space<vmem>> -> memref<128xi32, #tpu.memory_space<vmem>>
      %dma_wait3A_85 = arith.constant 0 : i32
      %dma_wait3A_86 = arith.constant 0 : i32
      %dma_wait3A_87 = tpu.memref_slice %arg2[%dma_wait3A_85, %dma_wait3A_86] : memref<10000x128xf32, #tpu.memory_space<hbm>> -> memref<10000x128xf32, #tpu.memory_space<hbm>>
      tpu.wait_indirect_dma semaphore(%arg12 : memref<!tpu.dma_semaphore, #tpu.memory_space<semaphore_mem>>) src(%dma_wait3A_87 : memref<10000x128xf32, #tpu.memory_space<hbm>>) dst(%arg11 : memref<128x128xf32, #tpu.memory_space<vmem>>)
      %add3A_88 = arith.constant 128 : i32
      %add3A_89 = arith.addi %add3A_88, %add3A_77 : i32
      "tpu.region"() ({
        %run_scoped3A = tpu.sem_alloc : memref<!tpu.dma_semaphore, #tpu.memory_space<semaphore_mem>>
        %dma_start3A_90 = arith.constant 0 : i32
        %dma_start3A_91 = tpu.memref_slice %arg10[%add3A_89, %dma_start3A_90] : memref<208x128xi32, #tpu.memory_space<vmem>> -> memref<1x128xi32, #tpu.memory_space<vmem>>
        %dma_start3A_92 = tpu.memref_squeeze %dma_start3A_91 : memref<1x128xi32, #tpu.memory_space<vmem>> -> memref<128xi32, #tpu.memory_space<vmem>>
        %dma_start3A_93 = arith.constant 0 : i32
        %dma_start3A_94 = arith.constant 0 : i32
        %dma_start3A_95 = tpu.memref_slice %arg13[%dma_start3A_93, %dma_start3A_94] : memref<10112x128xf32, #tpu.memory_space<vmem_shared>> -> memref<10112x128xf32, #tpu.memory_space<vmem_shared>>
        tpu.enqueue_indirect_dma source(%arg11 : memref<128x128xf32, #tpu.memory_space<vmem>>) target(%dma_start3A_95 : memref<10112x128xf32, #tpu.memory_space<vmem_shared>>) offsets(%dma_start3A_92 : memref<128xi32, #tpu.memory_space<vmem>>) semaphore(%run_scoped3A : memref<!tpu.dma_semaphore, #tpu.memory_space<semaphore_mem>>) {add = true}
        %dma_wait3A_96 = arith.constant 0 : i32
        %dma_wait3A_97 = tpu.memref_slice %arg10[%add3A_89, %dma_wait3A_96] : memref<208x128xi32, #tpu.memory_space<vmem>> -> memref<1x128xi32, #tpu.memory_space<vmem>>
        %dma_wait3A_98 = tpu.memref_squeeze %dma_wait3A_97 : memref<1x128xi32, #tpu.memory_space<vmem>> -> memref<128xi32, #tpu.memory_space<vmem>>
        %dma_wait3A_99 = arith.constant 0 : i32
        %dma_wait3A_100 = arith.constant 0 : i32
        %dma_wait3A_101 = tpu.memref_slice %arg13[%dma_wait3A_99, %dma_wait3A_100] : memref<10112x128xf32, #tpu.memory_space<vmem_shared>> -> memref<10112x128xf32, #tpu.memory_space<vmem_shared>>
        tpu.wait_indirect_dma semaphore(%run_scoped3A : memref<!tpu.dma_semaphore, #tpu.memory_space<semaphore_mem>>) src(%arg11 : memref<128x128xf32, #tpu.memory_space<vmem>>) dst(%dma_wait3A_101 : memref<10112x128xf32, #tpu.memory_space<vmem_shared>>)
        tpu.yield
      }) : () -> ()
    }
    %scan3A_29 = arith.constant 80 : i32
    %barrier3A_30 = arith.constant 0 : index
    tpu.barrier barrier_id(%barrier3A_30)
    %mul3A_31 = arith.constant 632 : i32
    %mul3A_32 = arith.muli %arg1, %mul3A_31 : i32
    %mul3A_33 = arith.constant 632 : i32
    %mul3A_34 = arith.muli %arg1, %mul3A_33 : i32
    "tpu.region"() ({
      %run_scoped3A = tpu.sem_alloc : memref<!tpu.dma_semaphore, #tpu.memory_space<semaphore_mem>>
      %dma_start3A = arith.constant 0 : i32
      %dma_start3A_73 = tpu.memref_slice %arg8[%arg0, %mul3A_34, %dma_start3A] : memref<2x10112x128xf32, #tpu.memory_space<hbm>> -> memref<1x632x128xf32, #tpu.memory_space<hbm>>
      %dma_start3A_74 = tpu.memref_squeeze %dma_start3A_73 : memref<1x632x128xf32, #tpu.memory_space<hbm>> -> memref<632x128xf32, #tpu.memory_space<hbm>>
      %dma_start3A_75 = arith.constant 0 : i32
      %dma_start3A_76 = tpu.memref_slice %arg13[%mul3A_32, %dma_start3A_75] : memref<10112x128xf32, #tpu.memory_space<vmem_shared>> -> memref<632x128xf32, #tpu.memory_space<vmem_shared>>
      tpu.enqueue_dma source(%dma_start3A_76 : memref<632x128xf32, #tpu.memory_space<vmem_shared>>) target(%dma_start3A_74 : memref<632x128xf32, #tpu.memory_space<hbm>>) target_semaphore(%run_scoped3A : memref<!tpu.dma_semaphore, #tpu.memory_space<semaphore_mem>>)
      %dma_wait3A = arith.constant 0 : i32
      %dma_wait3A_77 = tpu.memref_slice %arg8[%arg0, %mul3A_34, %dma_wait3A] : memref<2x10112x128xf32, #tpu.memory_space<hbm>> -> memref<1x632x128xf32, #tpu.memory_space<hbm>>
      %dma_wait3A_78 = tpu.memref_squeeze %dma_wait3A_77 : memref<1x632x128xf32, #tpu.memory_space<hbm>> -> memref<632x128xf32, #tpu.memory_space<hbm>>
      %dma_wait3A_79 = arith.constant 0 : i32
      %dma_wait3A_80 = tpu.memref_slice %arg13[%mul3A_32, %dma_wait3A_79] : memref<10112x128xf32, #tpu.memory_space<vmem_shared>> -> memref<632x128xf32, #tpu.memory_space<vmem_shared>>
      tpu.wait_dma2 semaphore(%run_scoped3A : memref<!tpu.dma_semaphore, #tpu.memory_space<semaphore_mem>>) src(%dma_wait3A_80 : memref<632x128xf32, #tpu.memory_space<vmem_shared>>) dst(%dma_wait3A_78 : memref<632x128xf32, #tpu.memory_space<hbm>>)
      tpu.yield
    }) : () -> ()
    %barrier3A_35 = arith.constant 0 : index
    tpu.barrier barrier_id(%barrier3A_35)
    %scan3A_36 = arith.constant 0 : i32
    %scan3A_37 = arith.constant 128 : i32
    %scan3A_38 = arith.addi %scan3A_36, %scan3A_37 : i32
    %scan3A_39 = arith.constant 1 : i32
    scf.for %scan3A_73 = %scan3A_36 to %scan3A_38 step %scan3A_39  : i32 {
      %mul3A_74 = arith.constant 1 : i32
      %mul3A_75 = arith.muli %scan3A_73, %mul3A_74 : i32
      %add3A_76 = arith.constant 0 : i32
      %add3A_77 = arith.addi %add3A_76, %mul3A_75 : i32
      %broadcast_in_dim3A = arith.constant 0.000000e+00 : f32
      %broadcast_in_dim3A_78 = vector.broadcast %broadcast_in_dim3A : f32 to vector<16xf32>
      %swap3A = arith.index_cast %add3A_77 : i32 to index
      %swap3A_79 = arith.constant 0 : index
      %swap3A_80 = tpu.vector_load %arg11[%swap3A, %swap3A_79] {strides = array<i32>} : memref<128x128xf32, #tpu.memory_space<vmem>>, vector<1x16xf32>,
      %swap3A_81 = vector.shape_cast %swap3A_80 : vector<1x16xf32> to vector<16xf32>
      %swap3A_82 = vector.shape_cast %broadcast_in_dim3A_78 : vector<16xf32> to vector<1x16xf32>
      tpu.vector_store %arg11[%swap3A, %swap3A_79], %swap3A_82 {strides = array<i32>} : memref<128x128xf32, #tpu.memory_space<vmem>>, vector<1x16xf32>,
      %broadcast_in_dim3A_83 = arith.constant 0.000000e+00 : f32
      %broadcast_in_dim3A_84 = vector.broadcast %broadcast_in_dim3A_83 : f32 to vector<16xf32>
      %swap3A_85 = arith.index_cast %add3A_77 : i32 to index
      %swap3A_86 = arith.constant 16 : index
      %swap3A_87 = tpu.vector_load %arg11[%swap3A_85, %swap3A_86] {strides = array<i32>} : memref<128x128xf32, #tpu.memory_space<vmem>>, vector<1x16xf32>,
      %swap3A_88 = vector.shape_cast %swap3A_87 : vector<1x16xf32> to vector<16xf32>
      %swap3A_89 = vector.shape_cast %broadcast_in_dim3A_84 : vector<16xf32> to vector<1x16xf32>
      tpu.vector_store %arg11[%swap3A_85, %swap3A_86], %swap3A_89 {strides = array<i32>} : memref<128x128xf32, #tpu.memory_space<vmem>>, vector<1x16xf32>,
      %broadcast_in_dim3A_90 = arith.constant 0.000000e+00 : f32
      %broadcast_in_dim3A_91 = vector.broadcast %broadcast_in_dim3A_90 : f32 to vector<16xf32>
      %swap3A_92 = arith.index_cast %add3A_77 : i32 to index
      %swap3A_93 = arith.constant 32 : index
      %swap3A_94 = tpu.vector_load %arg11[%swap3A_92, %swap3A_93] {strides = array<i32>} : memref<128x128xf32, #tpu.memory_space<vmem>>, vector<1x16xf32>,
      %swap3A_95 = vector.shape_cast %swap3A_94 : vector<1x16xf32> to vector<16xf32>
      %swap3A_96 = vector.shape_cast %broadcast_in_dim3A_91 : vector<16xf32> to vector<1x16xf32>
      tpu.vector_store %arg11[%swap3A_92, %swap3A_93], %swap3A_96 {strides = array<i32>} : memref<128x128xf32, #tpu.memory_space<vmem>>, vector<1x16xf32>,
      %broadcast_in_dim3A_97 = arith.constant 0.000000e+00 : f32
      %broadcast_in_dim3A_98 = vector.broadcast %broadcast_in_dim3A_97 : f32 to vector<16xf32>
      %swap3A_99 = arith.index_cast %add3A_77 : i32 to index
      %swap3A_100 = arith.constant 48 : index
      %swap3A_101 = tpu.vector_load %arg11[%swap3A_99, %swap3A_100] {strides = array<i32>} : memref<128x128xf32, #tpu.memory_space<vmem>>, vector<1x16xf32>,
      %swap3A_102 = vector.shape_cast %swap3A_101 : vector<1x16xf32> to vector<16xf32>
      %swap3A_103 = vector.shape_cast %broadcast_in_dim3A_98 : vector<16xf32> to vector<1x16xf32>
      tpu.vector_store %arg11[%swap3A_99, %swap3A_100], %swap3A_103 {strides = array<i32>} : memref<128x128xf32, #tpu.memory_space<vmem>>, vector<1x16xf32>,
      %broadcast_in_dim3A_104 = arith.constant 0.000000e+00 : f32
      %broadcast_in_dim3A_105 = vector.broadcast %broadcast_in_dim3A_104 : f32 to vector<16xf32>
      %swap3A_106 = arith.index_cast %add3A_77 : i32 to index
      %swap3A_107 = arith.constant 64 : index
      %swap3A_108 = tpu.vector_load %arg11[%swap3A_106, %swap3A_107] {strides = array<i32>} : memref<128x128xf32, #tpu.memory_space<vmem>>, vector<1x16xf32>,
      %swap3A_109 = vector.shape_cast %swap3A_108 : vector<1x16xf32> to vector<16xf32>
      %swap3A_110 = vector.shape_cast %broadcast_in_dim3A_105 : vector<16xf32> to vector<1x16xf32>
      tpu.vector_store %arg11[%swap3A_106, %swap3A_107], %swap3A_110 {strides = array<i32>} : memref<128x128xf32, #tpu.memory_space<vmem>>, vector<1x16xf32>,
      %broadcast_in_dim3A_111 = arith.constant 0.000000e+00 : f32
      %broadcast_in_dim3A_112 = vector.broadcast %broadcast_in_dim3A_111 : f32 to vector<16xf32>
      %swap3A_113 = arith.index_cast %add3A_77 : i32 to index
      %swap3A_114 = arith.constant 80 : index
      %swap3A_115 = tpu.vector_load %arg11[%swap3A_113, %swap3A_114] {strides = array<i32>} : memref<128x128xf32, #tpu.memory_space<vmem>>, vector<1x16xf32>,
      %swap3A_116 = vector.shape_cast %swap3A_115 : vector<1x16xf32> to vector<16xf32>
      %swap3A_117 = vector.shape_cast %broadcast_in_dim3A_112 : vector<16xf32> to vector<1x16xf32>
      tpu.vector_store %arg11[%swap3A_113, %swap3A_114], %swap3A_117 {strides = array<i32>} : memref<128x128xf32, #tpu.memory_space<vmem>>, vector<1x16xf32>,
      %broadcast_in_dim3A_118 = arith.constant 0.000000e+00 : f32
      %broadcast_in_dim3A_119 = vector.broadcast %broadcast_in_dim3A_118 : f32 to vector<16xf32>
      %swap3A_120 = arith.index_cast %add3A_77 : i32 to index
      %swap3A_121 = arith.constant 96 : index
      %swap3A_122 = tpu.vector_load %arg11[%swap3A_120, %swap3A_121] {strides = array<i32>} : memref<128x128xf32, #tpu.memory_space<vmem>>, vector<1x16xf32>,
      %swap3A_123 = vector.shape_cast %swap3A_122 : vector<1x16xf32> to vector<16xf32>
      %swap3A_124 = vector.shape_cast %broadcast_in_dim3A_119 : vector<16xf32> to vector<1x16xf32>
      tpu.vector_store %arg11[%swap3A_120, %swap3A_121], %swap3A_124 {strides = array<i32>} : memref<128x128xf32, #tpu.memory_space<vmem>>, vector<1x16xf32>,
      %broadcast_in_dim3A_125 = arith.constant 0.000000e+00 : f32
      %broadcast_in_dim3A_126 = vector.broadcast %broadcast_in_dim3A_125 : f32 to vector<16xf32>
      %swap3A_127 = arith.index_cast %add3A_77 : i32 to index
      %swap3A_128 = arith.constant 112 : index
      %swap3A_129 = tpu.vector_load %arg11[%swap3A_127, %swap3A_128] {strides = array<i32>} : memref<128x128xf32, #tpu.memory_space<vmem>>, vector<1x16xf32>,
      %swap3A_130 = vector.shape_cast %swap3A_129 : vector<1x16xf32> to vector<16xf32>
      %swap3A_131 = vector.shape_cast %broadcast_in_dim3A_126 : vector<16xf32> to vector<1x16xf32>
      tpu.vector_store %arg11[%swap3A_127, %swap3A_128], %swap3A_131 {strides = array<i32>} : memref<128x128xf32, #tpu.memory_space<vmem>>, vector<1x16xf32>,
    }
    %scan3A_40 = arith.constant 128 : i32
    "tpu.region"() ({
      %run_scoped3A = tpu.sem_alloc : memref<!tpu.dma_semaphore, #tpu.memory_space<semaphore_mem>>
      %dma_start3A = arith.constant 0 : i32
      %dma_start3A_73 = arith.constant 0 : i32
      %dma_start3A_74 = tpu.memref_slice %arg10[%dma_start3A, %dma_start3A_73] : memref<208x128xi32, #tpu.memory_space<vmem>> -> memref<80x128xi32, #tpu.memory_space<vmem>>
      %dma_start3A_75 = arith.constant 0 : i32
      %dma_start3A_76 = arith.constant 0 : i32
      %dma_start3A_77 = tpu.memref_slice %arg6[%add3A, %dma_start3A_75, %dma_start3A_76] : memref<32x80x128xi32, #tpu.memory_space<hbm>> -> memref<1x80x128xi32, #tpu.memory_space<hbm>>
      %dma_start3A_78 = tpu.memref_squeeze %dma_start3A_77 : memref<1x80x128xi32, #tpu.memory_space<hbm>> -> memref<80x128xi32, #tpu.memory_space<hbm>>
      %dma_start3A_79 = arith.constant 0 : i32
      %dma_start3A_80 = arith.constant 0 : i32
      %dma_start3A_81 = tpu.memref_slice %arg10[%dma_start3A_79, %dma_start3A_80] : memref<208x128xi32, #tpu.memory_space<vmem>> -> memref<80x128xi32, #tpu.memory_space<vmem>>
      %dma_start3A_82 = arith.constant 0 : i32
      %dma_start3A_83 = arith.constant 0 : i32
      %dma_start3A_84 = tpu.memref_slice %arg6[%add3A, %dma_start3A_82, %dma_start3A_83] : memref<32x80x128xi32, #tpu.memory_space<hbm>> -> memref<1x80x128xi32, #tpu.memory_space<hbm>>
      %dma_start3A_85 = tpu.memref_squeeze %dma_start3A_84 : memref<1x80x128xi32, #tpu.memory_space<hbm>> -> memref<80x128xi32, #tpu.memory_space<hbm>>
      tpu.enqueue_dma source(%dma_start3A_85 : memref<80x128xi32, #tpu.memory_space<hbm>>) target(%dma_start3A_81 : memref<80x128xi32, #tpu.memory_space<vmem>>) target_semaphore(%run_scoped3A : memref<!tpu.dma_semaphore, #tpu.memory_space<semaphore_mem>>)
      %dma_wait3A = arith.constant 0 : i32
      %dma_wait3A_86 = arith.constant 0 : i32
      %dma_wait3A_87 = tpu.memref_slice %arg10[%dma_wait3A, %dma_wait3A_86] : memref<208x128xi32, #tpu.memory_space<vmem>> -> memref<80x128xi32, #tpu.memory_space<vmem>>
      %dma_wait3A_88 = arith.constant 0 : i32
      %dma_wait3A_89 = arith.constant 0 : i32
      %dma_wait3A_90 = tpu.memref_slice %arg6[%add3A, %dma_wait3A_88, %dma_wait3A_89] : memref<32x80x128xi32, #tpu.memory_space<hbm>> -> memref<1x80x128xi32, #tpu.memory_space<hbm>>
      %dma_wait3A_91 = tpu.memref_squeeze %dma_wait3A_90 : memref<1x80x128xi32, #tpu.memory_space<hbm>> -> memref<80x128xi32, #tpu.memory_space<hbm>>
      %dma_wait3A_92 = arith.constant 0 : i32
      %dma_wait3A_93 = arith.constant 0 : i32
      %dma_wait3A_94 = tpu.memref_slice %arg10[%dma_wait3A_92, %dma_wait3A_93] : memref<208x128xi32, #tpu.memory_space<vmem>> -> memref<80x128xi32, #tpu.memory_space<vmem>>
      %dma_wait3A_95 = arith.constant 0 : i32
      %dma_wait3A_96 = arith.constant 0 : i32
      %dma_wait3A_97 = tpu.memref_slice %arg6[%add3A, %dma_wait3A_95, %dma_wait3A_96] : memref<32x80x128xi32, #tpu.memory_space<hbm>> -> memref<1x80x128xi32, #tpu.memory_space<hbm>>
      %dma_wait3A_98 = tpu.memref_squeeze %dma_wait3A_97 : memref<1x80x128xi32, #tpu.memory_space<hbm>> -> memref<80x128xi32, #tpu.memory_space<hbm>>
      tpu.wait_dma2 semaphore(%run_scoped3A : memref<!tpu.dma_semaphore, #tpu.memory_space<semaphore_mem>>) src(%dma_wait3A_98 : memref<80x128xi32, #tpu.memory_space<hbm>>) dst(%dma_wait3A_94 : memref<80x128xi32, #tpu.memory_space<vmem>>)
      tpu.yield
    }) : () -> ()
    "tpu.region"() ({
      %run_scoped3A = tpu.sem_alloc : memref<!tpu.dma_semaphore, #tpu.memory_space<semaphore_mem>>
      %dma_start3A = arith.constant 128 : i32
      %dma_start3A_73 = arith.constant 0 : i32
      %dma_start3A_74 = tpu.memref_slice %arg10[%dma_start3A, %dma_start3A_73] : memref<208x128xi32, #tpu.memory_space<vmem>> -> memref<80x128xi32, #tpu.memory_space<vmem>>
      %dma_start3A_75 = arith.constant 0 : i32
      %dma_start3A_76 = arith.constant 0 : i32
      %dma_start3A_77 = tpu.memref_slice %arg7[%add3A, %dma_start3A_75, %dma_start3A_76] : memref<32x80x128xi32, #tpu.memory_space<hbm>> -> memref<1x80x128xi32, #tpu.memory_space<hbm>>
      %dma_start3A_78 = tpu.memref_squeeze %dma_start3A_77 : memref<1x80x128xi32, #tpu.memory_space<hbm>> -> memref<80x128xi32, #tpu.memory_space<hbm>>
      %dma_start3A_79 = arith.constant 128 : i32
      %dma_start3A_80 = arith.constant 0 : i32
      %dma_start3A_81 = tpu.memref_slice %arg10[%dma_start3A_79, %dma_start3A_80] : memref<208x128xi32, #tpu.memory_space<vmem>> -> memref<80x128xi32, #tpu.memory_space<vmem>>
      %dma_start3A_82 = arith.constant 0 : i32
      %dma_start3A_83 = arith.constant 0 : i32
      %dma_start3A_84 = tpu.memref_slice %arg7[%add3A, %dma_start3A_82, %dma_start3A_83] : memref<32x80x128xi32, #tpu.memory_space<hbm>> -> memref<1x80x128xi32, #tpu.memory_space<hbm>>
      %dma_start3A_85 = tpu.memref_squeeze %dma_start3A_84 : memref<1x80x128xi32, #tpu.memory_space<hbm>> -> memref<80x128xi32, #tpu.memory_space<hbm>>
      tpu.enqueue_dma source(%dma_start3A_85 : memref<80x128xi32, #tpu.memory_space<hbm>>) target(%dma_start3A_81 : memref<80x128xi32, #tpu.memory_space<vmem>>) target_semaphore(%run_scoped3A : memref<!tpu.dma_semaphore, #tpu.memory_space<semaphore_mem>>)
      %dma_wait3A = arith.constant 128 : i32
      %dma_wait3A_86 = arith.constant 0 : i32
      %dma_wait3A_87 = tpu.memref_slice %arg10[%dma_wait3A, %dma_wait3A_86] : memref<208x128xi32, #tpu.memory_space<vmem>> -> memref<80x128xi32, #tpu.memory_space<vmem>>
      %dma_wait3A_88 = arith.constant 0 : i32
      %dma_wait3A_89 = arith.constant 0 : i32
      %dma_wait3A_90 = tpu.memref_slice %arg7[%add3A, %dma_wait3A_88, %dma_wait3A_89] : memref<32x80x128xi32, #tpu.memory_space<hbm>> -> memref<1x80x128xi32, #tpu.memory_space<hbm>>
      %dma_wait3A_91 = tpu.memref_squeeze %dma_wait3A_90 : memref<1x80x128xi32, #tpu.memory_space<hbm>> -> memref<80x128xi32, #tpu.memory_space<hbm>>
      %dma_wait3A_92 = arith.constant 128 : i32
      %dma_wait3A_93 = arith.constant 0 : i32
      %dma_wait3A_94 = tpu.memref_slice %arg10[%dma_wait3A_92, %dma_wait3A_93] : memref<208x128xi32, #tpu.memory_space<vmem>> -> memref<80x128xi32, #tpu.memory_space<vmem>>
      %dma_wait3A_95 = arith.constant 0 : i32
      %dma_wait3A_96 = arith.constant 0 : i32
      %dma_wait3A_97 = tpu.memref_slice %arg7[%add3A, %dma_wait3A_95, %dma_wait3A_96] : memref<32x80x128xi32, #tpu.memory_space<hbm>> -> memref<1x80x128xi32, #tpu.memory_space<hbm>>
      %dma_wait3A_98 = tpu.memref_squeeze %dma_wait3A_97 : memref<1x80x128xi32, #tpu.memory_space<hbm>> -> memref<80x128xi32, #tpu.memory_space<hbm>>
      tpu.wait_dma2 semaphore(%run_scoped3A : memref<!tpu.dma_semaphore, #tpu.memory_space<semaphore_mem>>) src(%dma_wait3A_98 : memref<80x128xi32, #tpu.memory_space<hbm>>) dst(%dma_wait3A_94 : memref<80x128xi32, #tpu.memory_space<vmem>>)
      tpu.yield
    }) : () -> ()
    %mul3A_41 = arith.constant 632 : i32
    %mul3A_42 = arith.muli %arg1, %mul3A_41 : i32
    %add3A_43 = arith.constant 0 : i32
    %add3A_44 = arith.addi %mul3A_42, %add3A_43 : i32
    "tpu.region"() ({
      %run_scoped3A = tpu.sem_alloc : memref<!tpu.dma_semaphore, #tpu.memory_space<semaphore_mem>>
      %dma_start3A = arith.constant 0 : i32
      %dma_start3A_73 = tpu.memref_slice %arg13[%add3A_44, %dma_start3A] : memref<10112x128xf32, #tpu.memory_space<vmem_shared>> -> memref<128x128xf32, #tpu.memory_space<vmem_shared>>
      %dma_start3A_74 = arith.constant 0 : i32
      %dma_start3A_75 = tpu.memref_slice %arg13[%add3A_44, %dma_start3A_74] : memref<10112x128xf32, #tpu.memory_space<vmem_shared>> -> memref<128x128xf32, #tpu.memory_space<vmem_shared>>
      tpu.enqueue_dma source(%arg11 : memref<128x128xf32, #tpu.memory_space<vmem>>) target(%dma_start3A_75 : memref<128x128xf32, #tpu.memory_space<vmem_shared>>) target_semaphore(%run_scoped3A : memref<!tpu.dma_semaphore, #tpu.memory_space<semaphore_mem>>)
      %dma_wait3A = arith.constant 0 : i32
      %dma_wait3A_76 = tpu.memref_slice %arg13[%add3A_44, %dma_wait3A] : memref<10112x128xf32, #tpu.memory_space<vmem_shared>> -> memref<128x128xf32, #tpu.memory_space<vmem_shared>>
      %dma_wait3A_77 = arith.constant 0 : i32
      %dma_wait3A_78 = tpu.memref_slice %arg13[%add3A_44, %dma_wait3A_77] : memref<10112x128xf32, #tpu.memory_space<vmem_shared>> -> memref<128x128xf32, #tpu.memory_space<vmem_shared>>
      tpu.wait_dma2 semaphore(%run_scoped3A : memref<!tpu.dma_semaphore, #tpu.memory_space<semaphore_mem>>) src(%arg11 : memref<128x128xf32, #tpu.memory_space<vmem>>) dst(%dma_wait3A_78 : memref<128x128xf32, #tpu.memory_space<vmem_shared>>)
      tpu.yield
    }) : () -> ()
    %mul3A_45 = arith.constant 632 : i32
    %mul3A_46 = arith.muli %arg1, %mul3A_45 : i32
    %add3A_47 = arith.constant 128 : i32
    %add3A_48 = arith.addi %mul3A_46, %add3A_47 : i32
    "tpu.region"() ({
      %run_scoped3A = tpu.sem_alloc : memref<!tpu.dma_semaphore, #tpu.memory_space<semaphore_mem>>
      %dma_start3A = arith.constant 0 : i32
      %dma_start3A_73 = tpu.memref_slice %arg13[%add3A_48, %dma_start3A] : memref<10112x128xf32, #tpu.memory_space<vmem_shared>> -> memref<128x128xf32, #tpu.memory_space<vmem_shared>>
      %dma_start3A_74 = arith.constant 0 : i32
      %dma_start3A_75 = tpu.memref_slice %arg13[%add3A_48, %dma_start3A_74] : memref<10112x128xf32, #tpu.memory_space<vmem_shared>> -> memref<128x128xf32, #tpu.memory_space<vmem_shared>>
      tpu.enqueue_dma source(%arg11 : memref<128x128xf32, #tpu.memory_space<vmem>>) target(%dma_start3A_75 : memref<128x128xf32, #tpu.memory_space<vmem_shared>>) target_semaphore(%run_scoped3A : memref<!tpu.dma_semaphore, #tpu.memory_space<semaphore_mem>>)
      %dma_wait3A = arith.constant 0 : i32
      %dma_wait3A_76 = tpu.memref_slice %arg13[%add3A_48, %dma_wait3A] : memref<10112x128xf32, #tpu.memory_space<vmem_shared>> -> memref<128x128xf32, #tpu.memory_space<vmem_shared>>
      %dma_wait3A_77 = arith.constant 0 : i32
      %dma_wait3A_78 = tpu.memref_slice %arg13[%add3A_48, %dma_wait3A_77] : memref<10112x128xf32, #tpu.memory_space<vmem_shared>> -> memref<128x128xf32, #tpu.memory_space<vmem_shared>>
      tpu.wait_dma2 semaphore(%run_scoped3A : memref<!tpu.dma_semaphore, #tpu.memory_space<semaphore_mem>>) src(%arg11 : memref<128x128xf32, #tpu.memory_space<vmem>>) dst(%dma_wait3A_78 : memref<128x128xf32, #tpu.memory_space<vmem_shared>>)
      tpu.yield
    }) : () -> ()
    %mul3A_49 = arith.constant 632 : i32
    %mul3A_50 = arith.muli %arg1, %mul3A_49 : i32
    %add3A_51 = arith.constant 256 : i32
    %add3A_52 = arith.addi %mul3A_50, %add3A_51 : i32
    "tpu.region"() ({
      %run_scoped3A = tpu.sem_alloc : memref<!tpu.dma_semaphore, #tpu.memory_space<semaphore_mem>>
      %dma_start3A = arith.constant 0 : i32
      %dma_start3A_73 = tpu.memref_slice %arg13[%add3A_52, %dma_start3A] : memref<10112x128xf32, #tpu.memory_space<vmem_shared>> -> memref<128x128xf32, #tpu.memory_space<vmem_shared>>
      %dma_start3A_74 = arith.constant 0 : i32
      %dma_start3A_75 = tpu.memref_slice %arg13[%add3A_52, %dma_start3A_74] : memref<10112x128xf32, #tpu.memory_space<vmem_shared>> -> memref<128x128xf32, #tpu.memory_space<vmem_shared>>
      tpu.enqueue_dma source(%arg11 : memref<128x128xf32, #tpu.memory_space<vmem>>) target(%dma_start3A_75 : memref<128x128xf32, #tpu.memory_space<vmem_shared>>) target_semaphore(%run_scoped3A : memref<!tpu.dma_semaphore, #tpu.memory_space<semaphore_mem>>)
      %dma_wait3A = arith.constant 0 : i32
      %dma_wait3A_76 = tpu.memref_slice %arg13[%add3A_52, %dma_wait3A] : memref<10112x128xf32, #tpu.memory_space<vmem_shared>> -> memref<128x128xf32, #tpu.memory_space<vmem_shared>>
      %dma_wait3A_77 = arith.constant 0 : i32
      %dma_wait3A_78 = tpu.memref_slice %arg13[%add3A_52, %dma_wait3A_77] : memref<10112x128xf32, #tpu.memory_space<vmem_shared>> -> memref<128x128xf32, #tpu.memory_space<vmem_shared>>
      tpu.wait_dma2 semaphore(%run_scoped3A : memref<!tpu.dma_semaphore, #tpu.memory_space<semaphore_mem>>) src(%arg11 : memref<128x128xf32, #tpu.memory_space<vmem>>) dst(%dma_wait3A_78 : memref<128x128xf32, #tpu.memory_space<vmem_shared>>)
      tpu.yield
    }) : () -> ()
    %mul3A_53 = arith.constant 632 : i32
    %mul3A_54 = arith.muli %arg1, %mul3A_53 : i32
    %add3A_55 = arith.constant 384 : i32
    %add3A_56 = arith.addi %mul3A_54, %add3A_55 : i32
    "tpu.region"() ({
      %run_scoped3A = tpu.sem_alloc : memref<!tpu.dma_semaphore, #tpu.memory_space<semaphore_mem>>
      %dma_start3A = arith.constant 0 : i32
      %dma_start3A_73 = tpu.memref_slice %arg13[%add3A_56, %dma_start3A] : memref<10112x128xf32, #tpu.memory_space<vmem_shared>> -> memref<128x128xf32, #tpu.memory_space<vmem_shared>>
      %dma_start3A_74 = arith.constant 0 : i32
      %dma_start3A_75 = tpu.memref_slice %arg13[%add3A_56, %dma_start3A_74] : memref<10112x128xf32, #tpu.memory_space<vmem_shared>> -> memref<128x128xf32, #tpu.memory_space<vmem_shared>>
      tpu.enqueue_dma source(%arg11 : memref<128x128xf32, #tpu.memory_space<vmem>>) target(%dma_start3A_75 : memref<128x128xf32, #tpu.memory_space<vmem_shared>>) target_semaphore(%run_scoped3A : memref<!tpu.dma_semaphore, #tpu.memory_space<semaphore_mem>>)
      %dma_wait3A = arith.constant 0 : i32
      %dma_wait3A_76 = tpu.memref_slice %arg13[%add3A_56, %dma_wait3A] : memref<10112x128xf32, #tpu.memory_space<vmem_shared>> -> memref<128x128xf32, #tpu.memory_space<vmem_shared>>
      %dma_wait3A_77 = arith.constant 0 : i32
      %dma_wait3A_78 = tpu.memref_slice %arg13[%add3A_56, %dma_wait3A_77] : memref<10112x128xf32, #tpu.memory_space<vmem_shared>> -> memref<128x128xf32, #tpu.memory_space<vmem_shared>>
      tpu.wait_dma2 semaphore(%run_scoped3A : memref<!tpu.dma_semaphore, #tpu.memory_space<semaphore_mem>>) src(%arg11 : memref<128x128xf32, #tpu.memory_space<vmem>>) dst(%dma_wait3A_78 : memref<128x128xf32, #tpu.memory_space<vmem_shared>>)
      tpu.yield
    }) : () -> ()
    %mul3A_57 = arith.constant 632 : i32
    %mul3A_58 = arith.muli %arg1, %mul3A_57 : i32
    %add3A_59 = arith.constant 512 : i32
    %add3A_60 = arith.addi %mul3A_58, %add3A_59 : i32
    "tpu.region"() ({
      %run_scoped3A = tpu.sem_alloc : memref<!tpu.dma_semaphore, #tpu.memory_space<semaphore_mem>>
      %dma_start3A = arith.constant 0 : i32
      %dma_start3A_73 = arith.constant 0 : i32
      %dma_start3A_74 = tpu.memref_slice %arg11[%dma_start3A, %dma_start3A_73] : memref<128x128xf32, #tpu.memory_space<vmem>> -> memref<120x128xf32, #tpu.memory_space<vmem>>
      %dma_start3A_75 = arith.constant 0 : i32
      %dma_start3A_76 = tpu.memref_slice %arg13[%add3A_60, %dma_start3A_75] : memref<10112x128xf32, #tpu.memory_space<vmem_shared>> -> memref<120x128xf32, #tpu.memory_space<vmem_shared>>
      %dma_start3A_77 = arith.constant 0 : i32
      %dma_start3A_78 = tpu.memref_slice %arg13[%add3A_60, %dma_start3A_77] : memref<10112x128xf32, #tpu.memory_space<vmem_shared>> -> memref<120x128xf32, #tpu.memory_space<vmem_shared>>
      %dma_start3A_79 = arith.constant 0 : i32
      %dma_start3A_80 = arith.constant 0 : i32
      %dma_start3A_81 = tpu.memref_slice %arg11[%dma_start3A_79, %dma_start3A_80] : memref<128x128xf32, #tpu.memory_space<vmem>> -> memref<120x128xf32, #tpu.memory_space<vmem>>
      tpu.enqueue_dma source(%dma_start3A_81 : memref<120x128xf32, #tpu.memory_space<vmem>>) target(%dma_start3A_78 : memref<120x128xf32, #tpu.memory_space<vmem_shared>>) target_semaphore(%run_scoped3A : memref<!tpu.dma_semaphore, #tpu.memory_space<semaphore_mem>>)
      %dma_wait3A = arith.constant 0 : i32
      %dma_wait3A_82 = arith.constant 0 : i32
      %dma_wait3A_83 = tpu.memref_slice %arg11[%dma_wait3A, %dma_wait3A_82] : memref<128x128xf32, #tpu.memory_space<vmem>> -> memref<120x128xf32, #tpu.memory_space<vmem>>
      %dma_wait3A_84 = arith.constant 0 : i32
      %dma_wait3A_85 = tpu.memref_slice %arg13[%add3A_60, %dma_wait3A_84] : memref<10112x128xf32, #tpu.memory_space<vmem_shared>> -> memref<120x128xf32, #tpu.memory_space<vmem_shared>>
      %dma_wait3A_86 = arith.constant 0 : i32
      %dma_wait3A_87 = tpu.memref_slice %arg13[%add3A_60, %dma_wait3A_86] : memref<10112x128xf32, #tpu.memory_space<vmem_shared>> -> memref<120x128xf32, #tpu.memory_space<vmem_shared>>
      %dma_wait3A_88 = arith.constant 0 : i32
      %dma_wait3A_89 = arith.constant 0 : i32
      %dma_wait3A_90 = tpu.memref_slice %arg11[%dma_wait3A_88, %dma_wait3A_89] : memref<128x128xf32, #tpu.memory_space<vmem>> -> memref<120x128xf32, #tpu.memory_space<vmem>>
      tpu.wait_dma2 semaphore(%run_scoped3A : memref<!tpu.dma_semaphore, #tpu.memory_space<semaphore_mem>>) src(%dma_wait3A_90 : memref<120x128xf32, #tpu.memory_space<vmem>>) dst(%dma_wait3A_87 : memref<120x128xf32, #tpu.memory_space<vmem_shared>>)
      tpu.yield
    }) : () -> ()
    %barrier3A_61 = arith.constant 0 : index
    tpu.barrier barrier_id(%barrier3A_61)
    %scan3A_62 = arith.constant 0 : i32
    %scan3A_63 = arith.constant 80 : i32
    %scan3A_64 = arith.addi %scan3A_62, %scan3A_63 : i32
    %scan3A_65 = arith.constant 1 : i32
    scf.for %scan3A_73 = %scan3A_62 to %scan3A_64 step %scan3A_65  : i32 {
      %mul3A_74 = arith.constant 1 : i32
      %mul3A_75 = arith.muli %scan3A_73, %mul3A_74 : i32
      %add3A_76 = arith.constant 0 : i32
      %add3A_77 = arith.addi %add3A_76, %mul3A_75 : i32
      %dma_start3A = arith.constant 0 : i32
      %dma_start3A_78 = tpu.memref_slice %arg10[%add3A_77, %dma_start3A] : memref<208x128xi32, #tpu.memory_space<vmem>> -> memref<1x128xi32, #tpu.memory_space<vmem>>
      %dma_start3A_79 = tpu.memref_squeeze %dma_start3A_78 : memref<1x128xi32, #tpu.memory_space<vmem>> -> memref<128xi32, #tpu.memory_space<vmem>>
      %dma_start3A_80 = arith.constant 0 : i32
      %dma_start3A_81 = arith.constant 0 : i32
      %dma_start3A_82 = tpu.memref_slice %arg3[%dma_start3A_80, %dma_start3A_81] : memref<10000x128xf32, #tpu.memory_space<hbm>> -> memref<10000x128xf32, #tpu.memory_space<hbm>>
      tpu.enqueue_indirect_dma source(%dma_start3A_82 : memref<10000x128xf32, #tpu.memory_space<hbm>>) target(%arg11 : memref<128x128xf32, #tpu.memory_space<vmem>>) offsets(%dma_start3A_79 : memref<128xi32, #tpu.memory_space<vmem>>) semaphore(%arg12 : memref<!tpu.dma_semaphore, #tpu.memory_space<semaphore_mem>>)
      %dma_wait3A = arith.constant 0 : i32
      %dma_wait3A_83 = tpu.memref_slice %arg10[%add3A_77, %dma_wait3A] : memref<208x128xi32, #tpu.memory_space<vmem>> -> memref<1x128xi32, #tpu.memory_space<vmem>>
      %dma_wait3A_84 = tpu.memref_squeeze %dma_wait3A_83 : memref<1x128xi32, #tpu.memory_space<vmem>> -> memref<128xi32, #tpu.memory_space<vmem>>
      %dma_wait3A_85 = arith.constant 0 : i32
      %dma_wait3A_86 = arith.constant 0 : i32
      %dma_wait3A_87 = tpu.memref_slice %arg3[%dma_wait3A_85, %dma_wait3A_86] : memref<10000x128xf32, #tpu.memory_space<hbm>> -> memref<10000x128xf32, #tpu.memory_space<hbm>>
      tpu.wait_indirect_dma semaphore(%arg12 : memref<!tpu.dma_semaphore, #tpu.memory_space<semaphore_mem>>) src(%dma_wait3A_87 : memref<10000x128xf32, #tpu.memory_space<hbm>>) dst(%arg11 : memref<128x128xf32, #tpu.memory_space<vmem>>)
      %add3A_88 = arith.constant 128 : i32
      %add3A_89 = arith.addi %add3A_88, %add3A_77 : i32
      "tpu.region"() ({
        %run_scoped3A = tpu.sem_alloc : memref<!tpu.dma_semaphore, #tpu.memory_space<semaphore_mem>>
        %dma_start3A_90 = arith.constant 0 : i32
        %dma_start3A_91 = tpu.memref_slice %arg10[%add3A_89, %dma_start3A_90] : memref<208x128xi32, #tpu.memory_space<vmem>> -> memref<1x128xi32, #tpu.memory_space<vmem>>
        %dma_start3A_92 = tpu.memref_squeeze %dma_start3A_91 : memref<1x128xi32, #tpu.memory_space<vmem>> -> memref<128xi32, #tpu.memory_space<vmem>>
        %dma_start3A_93 = arith.constant 0 : i32
        %dma_start3A_94 = arith.constant 0 : i32
        %dma_start3A_95 = tpu.memref_slice %arg13[%dma_start3A_93, %dma_start3A_94] : memref<10112x128xf32, #tpu.memory_space<vmem_shared>> -> memref<10112x128xf32, #tpu.memory_space<vmem_shared>>
        tpu.enqueue_indirect_dma source(%arg11 : memref<128x128xf32, #tpu.memory_space<vmem>>) target(%dma_start3A_95 : memref<10112x128xf32, #tpu.memory_space<vmem_shared>>) offsets(%dma_start3A_92 : memref<128xi32, #tpu.memory_space<vmem>>) semaphore(%run_scoped3A : memref<!tpu.dma_semaphore, #tpu.memory_space<semaphore_mem>>) {add = true}
        %dma_wait3A_96 = arith.constant 0 : i32
        %dma_wait3A_97 = tpu.memref_slice %arg10[%add3A_89, %dma_wait3A_96] : memref<208x128xi32, #tpu.memory_space<vmem>> -> memref<1x128xi32, #tpu.memory_space<vmem>>
        %dma_wait3A_98 = tpu.memref_squeeze %dma_wait3A_97 : memref<1x128xi32, #tpu.memory_space<vmem>> -> memref<128xi32, #tpu.memory_space<vmem>>
        %dma_wait3A_99 = arith.constant 0 : i32
        %dma_wait3A_100 = arith.constant 0 : i32
        %dma_wait3A_101 = tpu.memref_slice %arg13[%dma_wait3A_99, %dma_wait3A_100] : memref<10112x128xf32, #tpu.memory_space<vmem_shared>> -> memref<10112x128xf32, #tpu.memory_space<vmem_shared>>
        tpu.wait_indirect_dma semaphore(%run_scoped3A : memref<!tpu.dma_semaphore, #tpu.memory_space<semaphore_mem>>) src(%arg11 : memref<128x128xf32, #tpu.memory_space<vmem>>) dst(%dma_wait3A_101 : memref<10112x128xf32, #tpu.memory_space<vmem_shared>>)
        tpu.yield
      }) : () -> ()
    }
    %scan3A_66 = arith.constant 80 : i32
    %barrier3A_67 = arith.constant 0 : index
    tpu.barrier barrier_id(%barrier3A_67)
    %mul3A_68 = arith.constant 632 : i32
    %mul3A_69 = arith.muli %arg1, %mul3A_68 : i32
    %mul3A_70 = arith.constant 632 : i32
    %mul3A_71 = arith.muli %arg1, %mul3A_70 : i32
    "tpu.region"() ({
      %run_scoped3A = tpu.sem_alloc : memref<!tpu.dma_semaphore, #tpu.memory_space<semaphore_mem>>
      %dma_start3A = arith.constant 0 : i32
      %dma_start3A_73 = tpu.memref_slice %arg9[%arg0, %mul3A_71, %dma_start3A] : memref<2x10112x128xf32, #tpu.memory_space<hbm>> -> memref<1x632x128xf32, #tpu.memory_space<hbm>>
      %dma_start3A_74 = tpu.memref_squeeze %dma_start3A_73 : memref<1x632x128xf32, #tpu.memory_space<hbm>> -> memref<632x128xf32, #tpu.memory_space<hbm>>
      %dma_start3A_75 = arith.constant 0 : i32
      %dma_start3A_76 = tpu.memref_slice %arg13[%mul3A_69, %dma_start3A_75] : memref<10112x128xf32, #tpu.memory_space<vmem_shared>> -> memref<632x128xf32, #tpu.memory_space<vmem_shared>>
      tpu.enqueue_dma source(%dma_start3A_76 : memref<632x128xf32, #tpu.memory_space<vmem_shared>>) target(%dma_start3A_74 : memref<632x128xf32, #tpu.memory_space<hbm>>) target_semaphore(%run_scoped3A : memref<!tpu.dma_semaphore, #tpu.memory_space<semaphore_mem>>)
      %dma_wait3A = arith.constant 0 : i32
      %dma_wait3A_77 = tpu.memref_slice %arg9[%arg0, %mul3A_71, %dma_wait3A] : memref<2x10112x128xf32, #tpu.memory_space<hbm>> -> memref<1x632x128xf32, #tpu.memory_space<hbm>>
      %dma_wait3A_78 = tpu.memref_squeeze %dma_wait3A_77 : memref<1x632x128xf32, #tpu.memory_space<hbm>> -> memref<632x128xf32, #tpu.memory_space<hbm>>
      %dma_wait3A_79 = arith.constant 0 : i32
      %dma_wait3A_80 = tpu.memref_slice %arg13[%mul3A_69, %dma_wait3A_79] : memref<10112x128xf32, #tpu.memory_space<vmem_shared>> -> memref<632x128xf32, #tpu.memory_space<vmem_shared>>
      tpu.wait_dma2 semaphore(%run_scoped3A : memref<!tpu.dma_semaphore, #tpu.memory_space<semaphore_mem>>) src(%dma_wait3A_80 : memref<632x128xf32, #tpu.memory_space<vmem_shared>>) dst(%dma_wait3A_78 : memref<632x128xf32, #tpu.memory_space<hbm>>)
      tpu.yield
    }) : () -> ()
    %barrier3A_72 = arith.constant 0 : index
    tpu.barrier barrier_id(%barrier3A_72)
    return
  }
}

#map = affine_map<(d0, d1) -> (0, 0)>
#map1 = affine_map<(d0, d1) -> (0, 0, 0)>
module attributes {stable_mosaic.version = 14 : i64} {
  func.func @_sc_conv2_body(%arg0: i32, %arg1: i32, %arg2: memref<10000x128xf32, #tpu.memory_space<hbm>>, %arg3: memref<10000x128xf32, #tpu.memory_space<hbm>>, %arg4: memref<32x80x128xi32, #tpu.memory_space<hbm>>, %arg5: memref<32x80x128xi32, #tpu.memory_space<hbm>>, %arg6: memref<32x80x128xi32, #tpu.memory_space<hbm>>, %arg7: memref<32x80x128xi32, #tpu.memory_space<hbm>>, %arg8: memref<2x10112x128xf32, #tpu.memory_space<hbm>>, %arg9: memref<2x10112x128xf32, #tpu.memory_space<hbm>>, %arg10: memref<208x128xi32, #tpu.memory_space<vmem>>, %arg11: memref<128x128xf32, #tpu.memory_space<vmem>>, %arg12: memref<!tpu.dma_semaphore, #tpu.memory_space<semaphore_mem>>, %arg13: memref<10112x128xf32, #tpu.memory_space<vmem_shared>>) attributes {dimension_semantics = [#tpu.dimension_semantics<core_parallel>, #tpu.dimension_semantics<subcore_parallel>], iteration_bounds = array<i64: 2, 16>, scalar_prefetch = 0 : i64, scratch_operands = 4 : i64, tpu.core_type = #tpu.core_type<sc_vector_subcore>, window_params = [{transform_indices = #map}, {transform_indices = #map}, {transform_indices = #map1}, {transform_indices = #map1}, {transform_indices = #map1}, {transform_indices = #map1}, {transform_indices = #map1}, {transform_indices = #map1}]} {
    %mul3A = arith.constant 2 : i32
    %mul3A_0 = arith.muli %arg1, %mul3A : i32
    %add3A = arith.addi %mul3A_0, %arg0 : i32
    %scan3A = arith.constant 0 : i32
    %scan3A_1 = arith.constant 128 : i32
    %scan3A_2 = arith.addi %scan3A, %scan3A_1 : i32
    %scan3A_3 = arith.constant 1 : i32
    scf.for %scan3A_73 = %scan3A to %scan3A_2 step %scan3A_3  : i32 {
      %mul3A_74 = arith.constant 1 : i32
      %mul3A_75 = arith.muli %scan3A_73, %mul3A_74 : i32
      %add3A_76 = arith.constant 0 : i32
      %add3A_77 = arith.addi %add3A_76, %mul3A_75 : i32
      %broadcast_in_dim3A = arith.constant 0.000000e+00 : f32
      %broadcast_in_dim3A_78 = vector.broadcast %broadcast_in_dim3A : f32 to vector<16xf32>
      %swap3A = arith.index_cast %add3A_77 : i32 to index
      %swap3A_79 = arith.constant 0 : index
      %swap3A_80 = tpu.vector_load %arg11[%swap3A, %swap3A_79] {strides = array<i32>} : memref<128x128xf32, #tpu.memory_space<vmem>>, vector<1x16xf32>,
      %swap3A_81 = vector.shape_cast %swap3A_80 : vector<1x16xf32> to vector<16xf32>
      %swap3A_82 = vector.shape_cast %broadcast_in_dim3A_78 : vector<16xf32> to vector<1x16xf32>
      tpu.vector_store %arg11[%swap3A, %swap3A_79], %swap3A_82 {strides = array<i32>} : memref<128x128xf32, #tpu.memory_space<vmem>>, vector<1x16xf32>,
      %broadcast_in_dim3A_83 = arith.constant 0.000000e+00 : f32
      %broadcast_in_dim3A_84 = vector.broadcast %broadcast_in_dim3A_83 : f32 to vector<16xf32>
      %swap3A_85 = arith.index_cast %add3A_77 : i32 to index
      %swap3A_86 = arith.constant 16 : index
      %swap3A_87 = tpu.vector_load %arg11[%swap3A_85, %swap3A_86] {strides = array<i32>} : memref<128x128xf32, #tpu.memory_space<vmem>>, vector<1x16xf32>,
      %swap3A_88 = vector.shape_cast %swap3A_87 : vector<1x16xf32> to vector<16xf32>
      %swap3A_89 = vector.shape_cast %broadcast_in_dim3A_84 : vector<16xf32> to vector<1x16xf32>
      tpu.vector_store %arg11[%swap3A_85, %swap3A_86], %swap3A_89 {strides = array<i32>} : memref<128x128xf32, #tpu.memory_space<vmem>>, vector<1x16xf32>,
      %broadcast_in_dim3A_90 = arith.constant 0.000000e+00 : f32
      %broadcast_in_dim3A_91 = vector.broadcast %broadcast_in_dim3A_90 : f32 to vector<16xf32>
      %swap3A_92 = arith.index_cast %add3A_77 : i32 to index
      %swap3A_93 = arith.constant 32 : index
      %swap3A_94 = tpu.vector_load %arg11[%swap3A_92, %swap3A_93] {strides = array<i32>} : memref<128x128xf32, #tpu.memory_space<vmem>>, vector<1x16xf32>,
      %swap3A_95 = vector.shape_cast %swap3A_94 : vector<1x16xf32> to vector<16xf32>
      %swap3A_96 = vector.shape_cast %broadcast_in_dim3A_91 : vector<16xf32> to vector<1x16xf32>
      tpu.vector_store %arg11[%swap3A_92, %swap3A_93], %swap3A_96 {strides = array<i32>} : memref<128x128xf32, #tpu.memory_space<vmem>>, vector<1x16xf32>,
      %broadcast_in_dim3A_97 = arith.constant 0.000000e+00 : f32
      %broadcast_in_dim3A_98 = vector.broadcast %broadcast_in_dim3A_97 : f32 to vector<16xf32>
      %swap3A_99 = arith.index_cast %add3A_77 : i32 to index
      %swap3A_100 = arith.constant 48 : index
      %swap3A_101 = tpu.vector_load %arg11[%swap3A_99, %swap3A_100] {strides = array<i32>} : memref<128x128xf32, #tpu.memory_space<vmem>>, vector<1x16xf32>,
      %swap3A_102 = vector.shape_cast %swap3A_101 : vector<1x16xf32> to vector<16xf32>
      %swap3A_103 = vector.shape_cast %broadcast_in_dim3A_98 : vector<16xf32> to vector<1x16xf32>
      tpu.vector_store %arg11[%swap3A_99, %swap3A_100], %swap3A_103 {strides = array<i32>} : memref<128x128xf32, #tpu.memory_space<vmem>>, vector<1x16xf32>,
      %broadcast_in_dim3A_104 = arith.constant 0.000000e+00 : f32
      %broadcast_in_dim3A_105 = vector.broadcast %broadcast_in_dim3A_104 : f32 to vector<16xf32>
      %swap3A_106 = arith.index_cast %add3A_77 : i32 to index
      %swap3A_107 = arith.constant 64 : index
      %swap3A_108 = tpu.vector_load %arg11[%swap3A_106, %swap3A_107] {strides = array<i32>} : memref<128x128xf32, #tpu.memory_space<vmem>>, vector<1x16xf32>,
      %swap3A_109 = vector.shape_cast %swap3A_108 : vector<1x16xf32> to vector<16xf32>
      %swap3A_110 = vector.shape_cast %broadcast_in_dim3A_105 : vector<16xf32> to vector<1x16xf32>
      tpu.vector_store %arg11[%swap3A_106, %swap3A_107], %swap3A_110 {strides = array<i32>} : memref<128x128xf32, #tpu.memory_space<vmem>>, vector<1x16xf32>,
      %broadcast_in_dim3A_111 = arith.constant 0.000000e+00 : f32
      %broadcast_in_dim3A_112 = vector.broadcast %broadcast_in_dim3A_111 : f32 to vector<16xf32>
      %swap3A_113 = arith.index_cast %add3A_77 : i32 to index
      %swap3A_114 = arith.constant 80 : index
      %swap3A_115 = tpu.vector_load %arg11[%swap3A_113, %swap3A_114] {strides = array<i32>} : memref<128x128xf32, #tpu.memory_space<vmem>>, vector<1x16xf32>,
      %swap3A_116 = vector.shape_cast %swap3A_115 : vector<1x16xf32> to vector<16xf32>
      %swap3A_117 = vector.shape_cast %broadcast_in_dim3A_112 : vector<16xf32> to vector<1x16xf32>
      tpu.vector_store %arg11[%swap3A_113, %swap3A_114], %swap3A_117 {strides = array<i32>} : memref<128x128xf32, #tpu.memory_space<vmem>>, vector<1x16xf32>,
      %broadcast_in_dim3A_118 = arith.constant 0.000000e+00 : f32
      %broadcast_in_dim3A_119 = vector.broadcast %broadcast_in_dim3A_118 : f32 to vector<16xf32>
      %swap3A_120 = arith.index_cast %add3A_77 : i32 to index
      %swap3A_121 = arith.constant 96 : index
      %swap3A_122 = tpu.vector_load %arg11[%swap3A_120, %swap3A_121] {strides = array<i32>} : memref<128x128xf32, #tpu.memory_space<vmem>>, vector<1x16xf32>,
      %swap3A_123 = vector.shape_cast %swap3A_122 : vector<1x16xf32> to vector<16xf32>
      %swap3A_124 = vector.shape_cast %broadcast_in_dim3A_119 : vector<16xf32> to vector<1x16xf32>
      tpu.vector_store %arg11[%swap3A_120, %swap3A_121], %swap3A_124 {strides = array<i32>} : memref<128x128xf32, #tpu.memory_space<vmem>>, vector<1x16xf32>,
      %broadcast_in_dim3A_125 = arith.constant 0.000000e+00 : f32
      %broadcast_in_dim3A_126 = vector.broadcast %broadcast_in_dim3A_125 : f32 to vector<16xf32>
      %swap3A_127 = arith.index_cast %add3A_77 : i32 to index
      %swap3A_128 = arith.constant 112 : index
      %swap3A_129 = tpu.vector_load %arg11[%swap3A_127, %swap3A_128] {strides = array<i32>} : memref<128x128xf32, #tpu.memory_space<vmem>>, vector<1x16xf32>,
      %swap3A_130 = vector.shape_cast %swap3A_129 : vector<1x16xf32> to vector<16xf32>
      %swap3A_131 = vector.shape_cast %broadcast_in_dim3A_126 : vector<16xf32> to vector<1x16xf32>
      tpu.vector_store %arg11[%swap3A_127, %swap3A_128], %swap3A_131 {strides = array<i32>} : memref<128x128xf32, #tpu.memory_space<vmem>>, vector<1x16xf32>,
    }
    %scan3A_4 = arith.constant 128 : i32
    "tpu.region"() ({
      %run_scoped3A = tpu.sem_alloc : memref<!tpu.dma_semaphore, #tpu.memory_space<semaphore_mem>>
      %dma_start3A = arith.constant 0 : i32
      %dma_start3A_73 = arith.constant 0 : i32
      %dma_start3A_74 = tpu.memref_slice %arg10[%dma_start3A, %dma_start3A_73] : memref<208x128xi32, #tpu.memory_space<vmem>> -> memref<80x128xi32, #tpu.memory_space<vmem>>
      %dma_start3A_75 = arith.constant 0 : i32
      %dma_start3A_76 = arith.constant 0 : i32
      %dma_start3A_77 = tpu.memref_slice %arg4[%add3A, %dma_start3A_75, %dma_start3A_76] : memref<32x80x128xi32, #tpu.memory_space<hbm>> -> memref<1x80x128xi32, #tpu.memory_space<hbm>>
      %dma_start3A_78 = tpu.memref_squeeze %dma_start3A_77 : memref<1x80x128xi32, #tpu.memory_space<hbm>> -> memref<80x128xi32, #tpu.memory_space<hbm>>
      %dma_start3A_79 = arith.constant 0 : i32
      %dma_start3A_80 = arith.constant 0 : i32
      %dma_start3A_81 = tpu.memref_slice %arg10[%dma_start3A_79, %dma_start3A_80] : memref<208x128xi32, #tpu.memory_space<vmem>> -> memref<80x128xi32, #tpu.memory_space<vmem>>
      %dma_start3A_82 = arith.constant 0 : i32
      %dma_start3A_83 = arith.constant 0 : i32
      %dma_start3A_84 = tpu.memref_slice %arg4[%add3A, %dma_start3A_82, %dma_start3A_83] : memref<32x80x128xi32, #tpu.memory_space<hbm>> -> memref<1x80x128xi32, #tpu.memory_space<hbm>>
      %dma_start3A_85 = tpu.memref_squeeze %dma_start3A_84 : memref<1x80x128xi32, #tpu.memory_space<hbm>> -> memref<80x128xi32, #tpu.memory_space<hbm>>
      tpu.enqueue_dma source(%dma_start3A_85 : memref<80x128xi32, #tpu.memory_space<hbm>>) target(%dma_start3A_81 : memref<80x128xi32, #tpu.memory_space<vmem>>) target_semaphore(%run_scoped3A : memref<!tpu.dma_semaphore, #tpu.memory_space<semaphore_mem>>)
      %dma_wait3A = arith.constant 0 : i32
      %dma_wait3A_86 = arith.constant 0 : i32
      %dma_wait3A_87 = tpu.memref_slice %arg10[%dma_wait3A, %dma_wait3A_86] : memref<208x128xi32, #tpu.memory_space<vmem>> -> memref<80x128xi32, #tpu.memory_space<vmem>>
      %dma_wait3A_88 = arith.constant 0 : i32
      %dma_wait3A_89 = arith.constant 0 : i32
      %dma_wait3A_90 = tpu.memref_slice %arg4[%add3A, %dma_wait3A_88, %dma_wait3A_89] : memref<32x80x128xi32, #tpu.memory_space<hbm>> -> memref<1x80x128xi32, #tpu.memory_space<hbm>>
      %dma_wait3A_91 = tpu.memref_squeeze %dma_wait3A_90 : memref<1x80x128xi32, #tpu.memory_space<hbm>> -> memref<80x128xi32, #tpu.memory_space<hbm>>
      %dma_wait3A_92 = arith.constant 0 : i32
      %dma_wait3A_93 = arith.constant 0 : i32
      %dma_wait3A_94 = tpu.memref_slice %arg10[%dma_wait3A_92, %dma_wait3A_93] : memref<208x128xi32, #tpu.memory_space<vmem>> -> memref<80x128xi32, #tpu.memory_space<vmem>>
      %dma_wait3A_95 = arith.constant 0 : i32
      %dma_wait3A_96 = arith.constant 0 : i32
      %dma_wait3A_97 = tpu.memref_slice %arg4[%add3A, %dma_wait3A_95, %dma_wait3A_96] : memref<32x80x128xi32, #tpu.memory_space<hbm>> -> memref<1x80x128xi32, #tpu.memory_space<hbm>>
      %dma_wait3A_98 = tpu.memref_squeeze %dma_wait3A_97 : memref<1x80x128xi32, #tpu.memory_space<hbm>> -> memref<80x128xi32, #tpu.memory_space<hbm>>
      tpu.wait_dma2 semaphore(%run_scoped3A : memref<!tpu.dma_semaphore, #tpu.memory_space<semaphore_mem>>) src(%dma_wait3A_98 : memref<80x128xi32, #tpu.memory_space<hbm>>) dst(%dma_wait3A_94 : memref<80x128xi32, #tpu.memory_space<vmem>>)
      tpu.yield
    }) : () -> ()
    "tpu.region"() ({
      %run_scoped3A = tpu.sem_alloc : memref<!tpu.dma_semaphore, #tpu.memory_space<semaphore_mem>>
      %dma_start3A = arith.constant 128 : i32
      %dma_start3A_73 = arith.constant 0 : i32
      %dma_start3A_74 = tpu.memref_slice %arg10[%dma_start3A, %dma_start3A_73] : memref<208x128xi32, #tpu.memory_space<vmem>> -> memref<80x128xi32, #tpu.memory_space<vmem>>
      %dma_start3A_75 = arith.constant 0 : i32
      %dma_start3A_76 = arith.constant 0 : i32
      %dma_start3A_77 = tpu.memref_slice %arg5[%add3A, %dma_start3A_75, %dma_start3A_76] : memref<32x80x128xi32, #tpu.memory_space<hbm>> -> memref<1x80x128xi32, #tpu.memory_space<hbm>>
      %dma_start3A_78 = tpu.memref_squeeze %dma_start3A_77 : memref<1x80x128xi32, #tpu.memory_space<hbm>> -> memref<80x128xi32, #tpu.memory_space<hbm>>
      %dma_start3A_79 = arith.constant 128 : i32
      %dma_start3A_80 = arith.constant 0 : i32
      %dma_start3A_81 = tpu.memref_slice %arg10[%dma_start3A_79, %dma_start3A_80] : memref<208x128xi32, #tpu.memory_space<vmem>> -> memref<80x128xi32, #tpu.memory_space<vmem>>
      %dma_start3A_82 = arith.constant 0 : i32
      %dma_start3A_83 = arith.constant 0 : i32
      %dma_start3A_84 = tpu.memref_slice %arg5[%add3A, %dma_start3A_82, %dma_start3A_83] : memref<32x80x128xi32, #tpu.memory_space<hbm>> -> memref<1x80x128xi32, #tpu.memory_space<hbm>>
      %dma_start3A_85 = tpu.memref_squeeze %dma_start3A_84 : memref<1x80x128xi32, #tpu.memory_space<hbm>> -> memref<80x128xi32, #tpu.memory_space<hbm>>
      tpu.enqueue_dma source(%dma_start3A_85 : memref<80x128xi32, #tpu.memory_space<hbm>>) target(%dma_start3A_81 : memref<80x128xi32, #tpu.memory_space<vmem>>) target_semaphore(%run_scoped3A : memref<!tpu.dma_semaphore, #tpu.memory_space<semaphore_mem>>)
      %dma_wait3A = arith.constant 128 : i32
      %dma_wait3A_86 = arith.constant 0 : i32
      %dma_wait3A_87 = tpu.memref_slice %arg10[%dma_wait3A, %dma_wait3A_86] : memref<208x128xi32, #tpu.memory_space<vmem>> -> memref<80x128xi32, #tpu.memory_space<vmem>>
      %dma_wait3A_88 = arith.constant 0 : i32
      %dma_wait3A_89 = arith.constant 0 : i32
      %dma_wait3A_90 = tpu.memref_slice %arg5[%add3A, %dma_wait3A_88, %dma_wait3A_89] : memref<32x80x128xi32, #tpu.memory_space<hbm>> -> memref<1x80x128xi32, #tpu.memory_space<hbm>>
      %dma_wait3A_91 = tpu.memref_squeeze %dma_wait3A_90 : memref<1x80x128xi32, #tpu.memory_space<hbm>> -> memref<80x128xi32, #tpu.memory_space<hbm>>
      %dma_wait3A_92 = arith.constant 128 : i32
      %dma_wait3A_93 = arith.constant 0 : i32
      %dma_wait3A_94 = tpu.memref_slice %arg10[%dma_wait3A_92, %dma_wait3A_93] : memref<208x128xi32, #tpu.memory_space<vmem>> -> memref<80x128xi32, #tpu.memory_space<vmem>>
      %dma_wait3A_95 = arith.constant 0 : i32
      %dma_wait3A_96 = arith.constant 0 : i32
      %dma_wait3A_97 = tpu.memref_slice %arg5[%add3A, %dma_wait3A_95, %dma_wait3A_96] : memref<32x80x128xi32, #tpu.memory_space<hbm>> -> memref<1x80x128xi32, #tpu.memory_space<hbm>>
      %dma_wait3A_98 = tpu.memref_squeeze %dma_wait3A_97 : memref<1x80x128xi32, #tpu.memory_space<hbm>> -> memref<80x128xi32, #tpu.memory_space<hbm>>
      tpu.wait_dma2 semaphore(%run_scoped3A : memref<!tpu.dma_semaphore, #tpu.memory_space<semaphore_mem>>) src(%dma_wait3A_98 : memref<80x128xi32, #tpu.memory_space<hbm>>) dst(%dma_wait3A_94 : memref<80x128xi32, #tpu.memory_space<vmem>>)
      tpu.yield
    }) : () -> ()
    %mul3A_5 = arith.constant 632 : i32
    %mul3A_6 = arith.muli %arg1, %mul3A_5 : i32
    %add3A_7 = arith.constant 0 : i32
    %add3A_8 = arith.addi %mul3A_6, %add3A_7 : i32
    "tpu.region"() ({
      %run_scoped3A = tpu.sem_alloc : memref<!tpu.dma_semaphore, #tpu.memory_space<semaphore_mem>>
      %dma_start3A = arith.constant 0 : i32
      %dma_start3A_73 = tpu.memref_slice %arg13[%add3A_8, %dma_start3A] : memref<10112x128xf32, #tpu.memory_space<vmem_shared>> -> memref<128x128xf32, #tpu.memory_space<vmem_shared>>
      %dma_start3A_74 = arith.constant 0 : i32
      %dma_start3A_75 = tpu.memref_slice %arg13[%add3A_8, %dma_start3A_74] : memref<10112x128xf32, #tpu.memory_space<vmem_shared>> -> memref<128x128xf32, #tpu.memory_space<vmem_shared>>
      tpu.enqueue_dma source(%arg11 : memref<128x128xf32, #tpu.memory_space<vmem>>) target(%dma_start3A_75 : memref<128x128xf32, #tpu.memory_space<vmem_shared>>) target_semaphore(%run_scoped3A : memref<!tpu.dma_semaphore, #tpu.memory_space<semaphore_mem>>)
      %dma_wait3A = arith.constant 0 : i32
      %dma_wait3A_76 = tpu.memref_slice %arg13[%add3A_8, %dma_wait3A] : memref<10112x128xf32, #tpu.memory_space<vmem_shared>> -> memref<128x128xf32, #tpu.memory_space<vmem_shared>>
      %dma_wait3A_77 = arith.constant 0 : i32
      %dma_wait3A_78 = tpu.memref_slice %arg13[%add3A_8, %dma_wait3A_77] : memref<10112x128xf32, #tpu.memory_space<vmem_shared>> -> memref<128x128xf32, #tpu.memory_space<vmem_shared>>
      tpu.wait_dma2 semaphore(%run_scoped3A : memref<!tpu.dma_semaphore, #tpu.memory_space<semaphore_mem>>) src(%arg11 : memref<128x128xf32, #tpu.memory_space<vmem>>) dst(%dma_wait3A_78 : memref<128x128xf32, #tpu.memory_space<vmem_shared>>)
      tpu.yield
    }) : () -> ()
    %mul3A_9 = arith.constant 632 : i32
    %mul3A_10 = arith.muli %arg1, %mul3A_9 : i32
    %add3A_11 = arith.constant 128 : i32
    %add3A_12 = arith.addi %mul3A_10, %add3A_11 : i32
    "tpu.region"() ({
      %run_scoped3A = tpu.sem_alloc : memref<!tpu.dma_semaphore, #tpu.memory_space<semaphore_mem>>
      %dma_start3A = arith.constant 0 : i32
      %dma_start3A_73 = tpu.memref_slice %arg13[%add3A_12, %dma_start3A] : memref<10112x128xf32, #tpu.memory_space<vmem_shared>> -> memref<128x128xf32, #tpu.memory_space<vmem_shared>>
      %dma_start3A_74 = arith.constant 0 : i32
      %dma_start3A_75 = tpu.memref_slice %arg13[%add3A_12, %dma_start3A_74] : memref<10112x128xf32, #tpu.memory_space<vmem_shared>> -> memref<128x128xf32, #tpu.memory_space<vmem_shared>>
      tpu.enqueue_dma source(%arg11 : memref<128x128xf32, #tpu.memory_space<vmem>>) target(%dma_start3A_75 : memref<128x128xf32, #tpu.memory_space<vmem_shared>>) target_semaphore(%run_scoped3A : memref<!tpu.dma_semaphore, #tpu.memory_space<semaphore_mem>>)
      %dma_wait3A = arith.constant 0 : i32
      %dma_wait3A_76 = tpu.memref_slice %arg13[%add3A_12, %dma_wait3A] : memref<10112x128xf32, #tpu.memory_space<vmem_shared>> -> memref<128x128xf32, #tpu.memory_space<vmem_shared>>
      %dma_wait3A_77 = arith.constant 0 : i32
      %dma_wait3A_78 = tpu.memref_slice %arg13[%add3A_12, %dma_wait3A_77] : memref<10112x128xf32, #tpu.memory_space<vmem_shared>> -> memref<128x128xf32, #tpu.memory_space<vmem_shared>>
      tpu.wait_dma2 semaphore(%run_scoped3A : memref<!tpu.dma_semaphore, #tpu.memory_space<semaphore_mem>>) src(%arg11 : memref<128x128xf32, #tpu.memory_space<vmem>>) dst(%dma_wait3A_78 : memref<128x128xf32, #tpu.memory_space<vmem_shared>>)
      tpu.yield
    }) : () -> ()
    %mul3A_13 = arith.constant 632 : i32
    %mul3A_14 = arith.muli %arg1, %mul3A_13 : i32
    %add3A_15 = arith.constant 256 : i32
    %add3A_16 = arith.addi %mul3A_14, %add3A_15 : i32
    "tpu.region"() ({
      %run_scoped3A = tpu.sem_alloc : memref<!tpu.dma_semaphore, #tpu.memory_space<semaphore_mem>>
      %dma_start3A = arith.constant 0 : i32
      %dma_start3A_73 = tpu.memref_slice %arg13[%add3A_16, %dma_start3A] : memref<10112x128xf32, #tpu.memory_space<vmem_shared>> -> memref<128x128xf32, #tpu.memory_space<vmem_shared>>
      %dma_start3A_74 = arith.constant 0 : i32
      %dma_start3A_75 = tpu.memref_slice %arg13[%add3A_16, %dma_start3A_74] : memref<10112x128xf32, #tpu.memory_space<vmem_shared>> -> memref<128x128xf32, #tpu.memory_space<vmem_shared>>
      tpu.enqueue_dma source(%arg11 : memref<128x128xf32, #tpu.memory_space<vmem>>) target(%dma_start3A_75 : memref<128x128xf32, #tpu.memory_space<vmem_shared>>) target_semaphore(%run_scoped3A : memref<!tpu.dma_semaphore, #tpu.memory_space<semaphore_mem>>)
      %dma_wait3A = arith.constant 0 : i32
      %dma_wait3A_76 = tpu.memref_slice %arg13[%add3A_16, %dma_wait3A] : memref<10112x128xf32, #tpu.memory_space<vmem_shared>> -> memref<128x128xf32, #tpu.memory_space<vmem_shared>>
      %dma_wait3A_77 = arith.constant 0 : i32
      %dma_wait3A_78 = tpu.memref_slice %arg13[%add3A_16, %dma_wait3A_77] : memref<10112x128xf32, #tpu.memory_space<vmem_shared>> -> memref<128x128xf32, #tpu.memory_space<vmem_shared>>
      tpu.wait_dma2 semaphore(%run_scoped3A : memref<!tpu.dma_semaphore, #tpu.memory_space<semaphore_mem>>) src(%arg11 : memref<128x128xf32, #tpu.memory_space<vmem>>) dst(%dma_wait3A_78 : memref<128x128xf32, #tpu.memory_space<vmem_shared>>)
      tpu.yield
    }) : () -> ()
    %mul3A_17 = arith.constant 632 : i32
    %mul3A_18 = arith.muli %arg1, %mul3A_17 : i32
    %add3A_19 = arith.constant 384 : i32
    %add3A_20 = arith.addi %mul3A_18, %add3A_19 : i32
    "tpu.region"() ({
      %run_scoped3A = tpu.sem_alloc : memref<!tpu.dma_semaphore, #tpu.memory_space<semaphore_mem>>
      %dma_start3A = arith.constant 0 : i32
      %dma_start3A_73 = tpu.memref_slice %arg13[%add3A_20, %dma_start3A] : memref<10112x128xf32, #tpu.memory_space<vmem_shared>> -> memref<128x128xf32, #tpu.memory_space<vmem_shared>>
      %dma_start3A_74 = arith.constant 0 : i32
      %dma_start3A_75 = tpu.memref_slice %arg13[%add3A_20, %dma_start3A_74] : memref<10112x128xf32, #tpu.memory_space<vmem_shared>> -> memref<128x128xf32, #tpu.memory_space<vmem_shared>>
      tpu.enqueue_dma source(%arg11 : memref<128x128xf32, #tpu.memory_space<vmem>>) target(%dma_start3A_75 : memref<128x128xf32, #tpu.memory_space<vmem_shared>>) target_semaphore(%run_scoped3A : memref<!tpu.dma_semaphore, #tpu.memory_space<semaphore_mem>>)
      %dma_wait3A = arith.constant 0 : i32
      %dma_wait3A_76 = tpu.memref_slice %arg13[%add3A_20, %dma_wait3A] : memref<10112x128xf32, #tpu.memory_space<vmem_shared>> -> memref<128x128xf32, #tpu.memory_space<vmem_shared>>
      %dma_wait3A_77 = arith.constant 0 : i32
      %dma_wait3A_78 = tpu.memref_slice %arg13[%add3A_20, %dma_wait3A_77] : memref<10112x128xf32, #tpu.memory_space<vmem_shared>> -> memref<128x128xf32, #tpu.memory_space<vmem_shared>>
      tpu.wait_dma2 semaphore(%run_scoped3A : memref<!tpu.dma_semaphore, #tpu.memory_space<semaphore_mem>>) src(%arg11 : memref<128x128xf32, #tpu.memory_space<vmem>>) dst(%dma_wait3A_78 : memref<128x128xf32, #tpu.memory_space<vmem_shared>>)
      tpu.yield
    }) : () -> ()
    %mul3A_21 = arith.constant 632 : i32
    %mul3A_22 = arith.muli %arg1, %mul3A_21 : i32
    %add3A_23 = arith.constant 512 : i32
    %add3A_24 = arith.addi %mul3A_22, %add3A_23 : i32
    "tpu.region"() ({
      %run_scoped3A = tpu.sem_alloc : memref<!tpu.dma_semaphore, #tpu.memory_space<semaphore_mem>>
      %dma_start3A = arith.constant 0 : i32
      %dma_start3A_73 = arith.constant 0 : i32
      %dma_start3A_74 = tpu.memref_slice %arg11[%dma_start3A, %dma_start3A_73] : memref<128x128xf32, #tpu.memory_space<vmem>> -> memref<120x128xf32, #tpu.memory_space<vmem>>
      %dma_start3A_75 = arith.constant 0 : i32
      %dma_start3A_76 = tpu.memref_slice %arg13[%add3A_24, %dma_start3A_75] : memref<10112x128xf32, #tpu.memory_space<vmem_shared>> -> memref<120x128xf32, #tpu.memory_space<vmem_shared>>
      %dma_start3A_77 = arith.constant 0 : i32
      %dma_start3A_78 = tpu.memref_slice %arg13[%add3A_24, %dma_start3A_77] : memref<10112x128xf32, #tpu.memory_space<vmem_shared>> -> memref<120x128xf32, #tpu.memory_space<vmem_shared>>
      %dma_start3A_79 = arith.constant 0 : i32
      %dma_start3A_80 = arith.constant 0 : i32
      %dma_start3A_81 = tpu.memref_slice %arg11[%dma_start3A_79, %dma_start3A_80] : memref<128x128xf32, #tpu.memory_space<vmem>> -> memref<120x128xf32, #tpu.memory_space<vmem>>
      tpu.enqueue_dma source(%dma_start3A_81 : memref<120x128xf32, #tpu.memory_space<vmem>>) target(%dma_start3A_78 : memref<120x128xf32, #tpu.memory_space<vmem_shared>>) target_semaphore(%run_scoped3A : memref<!tpu.dma_semaphore, #tpu.memory_space<semaphore_mem>>)
      %dma_wait3A = arith.constant 0 : i32
      %dma_wait3A_82 = arith.constant 0 : i32
      %dma_wait3A_83 = tpu.memref_slice %arg11[%dma_wait3A, %dma_wait3A_82] : memref<128x128xf32, #tpu.memory_space<vmem>> -> memref<120x128xf32, #tpu.memory_space<vmem>>
      %dma_wait3A_84 = arith.constant 0 : i32
      %dma_wait3A_85 = tpu.memref_slice %arg13[%add3A_24, %dma_wait3A_84] : memref<10112x128xf32, #tpu.memory_space<vmem_shared>> -> memref<120x128xf32, #tpu.memory_space<vmem_shared>>
      %dma_wait3A_86 = arith.constant 0 : i32
      %dma_wait3A_87 = tpu.memref_slice %arg13[%add3A_24, %dma_wait3A_86] : memref<10112x128xf32, #tpu.memory_space<vmem_shared>> -> memref<120x128xf32, #tpu.memory_space<vmem_shared>>
      %dma_wait3A_88 = arith.constant 0 : i32
      %dma_wait3A_89 = arith.constant 0 : i32
      %dma_wait3A_90 = tpu.memref_slice %arg11[%dma_wait3A_88, %dma_wait3A_89] : memref<128x128xf32, #tpu.memory_space<vmem>> -> memref<120x128xf32, #tpu.memory_space<vmem>>
      tpu.wait_dma2 semaphore(%run_scoped3A : memref<!tpu.dma_semaphore, #tpu.memory_space<semaphore_mem>>) src(%dma_wait3A_90 : memref<120x128xf32, #tpu.memory_space<vmem>>) dst(%dma_wait3A_87 : memref<120x128xf32, #tpu.memory_space<vmem_shared>>)
      tpu.yield
    }) : () -> ()
    %barrier3A = arith.constant 0 : index
    tpu.barrier barrier_id(%barrier3A)
    %scan3A_25 = arith.constant 0 : i32
    %scan3A_26 = arith.constant 80 : i32
    %scan3A_27 = arith.addi %scan3A_25, %scan3A_26 : i32
    %scan3A_28 = arith.constant 1 : i32
    scf.for %scan3A_73 = %scan3A_25 to %scan3A_27 step %scan3A_28  : i32 {
      %mul3A_74 = arith.constant 1 : i32
      %mul3A_75 = arith.muli %scan3A_73, %mul3A_74 : i32
      %add3A_76 = arith.constant 0 : i32
      %add3A_77 = arith.addi %add3A_76, %mul3A_75 : i32
      %dma_start3A = arith.constant 0 : i32
      %dma_start3A_78 = tpu.memref_slice %arg10[%add3A_77, %dma_start3A] : memref<208x128xi32, #tpu.memory_space<vmem>> -> memref<1x128xi32, #tpu.memory_space<vmem>>
      %dma_start3A_79 = tpu.memref_squeeze %dma_start3A_78 : memref<1x128xi32, #tpu.memory_space<vmem>> -> memref<128xi32, #tpu.memory_space<vmem>>
      %dma_start3A_80 = arith.constant 0 : i32
      %dma_start3A_81 = arith.constant 0 : i32
      %dma_start3A_82 = tpu.memref_slice %arg2[%dma_start3A_80, %dma_start3A_81] : memref<10000x128xf32, #tpu.memory_space<hbm>> -> memref<10000x128xf32, #tpu.memory_space<hbm>>
      tpu.enqueue_indirect_dma source(%dma_start3A_82 : memref<10000x128xf32, #tpu.memory_space<hbm>>) target(%arg11 : memref<128x128xf32, #tpu.memory_space<vmem>>) offsets(%dma_start3A_79 : memref<128xi32, #tpu.memory_space<vmem>>) semaphore(%arg12 : memref<!tpu.dma_semaphore, #tpu.memory_space<semaphore_mem>>)
      %dma_wait3A = arith.constant 0 : i32
      %dma_wait3A_83 = tpu.memref_slice %arg10[%add3A_77, %dma_wait3A] : memref<208x128xi32, #tpu.memory_space<vmem>> -> memref<1x128xi32, #tpu.memory_space<vmem>>
      %dma_wait3A_84 = tpu.memref_squeeze %dma_wait3A_83 : memref<1x128xi32, #tpu.memory_space<vmem>> -> memref<128xi32, #tpu.memory_space<vmem>>
      %dma_wait3A_85 = arith.constant 0 : i32
      %dma_wait3A_86 = arith.constant 0 : i32
      %dma_wait3A_87 = tpu.memref_slice %arg2[%dma_wait3A_85, %dma_wait3A_86] : memref<10000x128xf32, #tpu.memory_space<hbm>> -> memref<10000x128xf32, #tpu.memory_space<hbm>>
      tpu.wait_indirect_dma semaphore(%arg12 : memref<!tpu.dma_semaphore, #tpu.memory_space<semaphore_mem>>) src(%dma_wait3A_87 : memref<10000x128xf32, #tpu.memory_space<hbm>>) dst(%arg11 : memref<128x128xf32, #tpu.memory_space<vmem>>)
      %add3A_88 = arith.constant 128 : i32
      %add3A_89 = arith.addi %add3A_88, %add3A_77 : i32
      "tpu.region"() ({
        %run_scoped3A = tpu.sem_alloc : memref<!tpu.dma_semaphore, #tpu.memory_space<semaphore_mem>>
        %dma_start3A_90 = arith.constant 0 : i32
        %dma_start3A_91 = tpu.memref_slice %arg10[%add3A_89, %dma_start3A_90] : memref<208x128xi32, #tpu.memory_space<vmem>> -> memref<1x128xi32, #tpu.memory_space<vmem>>
        %dma_start3A_92 = tpu.memref_squeeze %dma_start3A_91 : memref<1x128xi32, #tpu.memory_space<vmem>> -> memref<128xi32, #tpu.memory_space<vmem>>
        %dma_start3A_93 = arith.constant 0 : i32
        %dma_start3A_94 = arith.constant 0 : i32
        %dma_start3A_95 = tpu.memref_slice %arg13[%dma_start3A_93, %dma_start3A_94] : memref<10112x128xf32, #tpu.memory_space<vmem_shared>> -> memref<10112x128xf32, #tpu.memory_space<vmem_shared>>
        tpu.enqueue_indirect_dma source(%arg11 : memref<128x128xf32, #tpu.memory_space<vmem>>) target(%dma_start3A_95 : memref<10112x128xf32, #tpu.memory_space<vmem_shared>>) offsets(%dma_start3A_92 : memref<128xi32, #tpu.memory_space<vmem>>) semaphore(%run_scoped3A : memref<!tpu.dma_semaphore, #tpu.memory_space<semaphore_mem>>) {add = true}
        %dma_wait3A_96 = arith.constant 0 : i32
        %dma_wait3A_97 = tpu.memref_slice %arg10[%add3A_89, %dma_wait3A_96] : memref<208x128xi32, #tpu.memory_space<vmem>> -> memref<1x128xi32, #tpu.memory_space<vmem>>
        %dma_wait3A_98 = tpu.memref_squeeze %dma_wait3A_97 : memref<1x128xi32, #tpu.memory_space<vmem>> -> memref<128xi32, #tpu.memory_space<vmem>>
        %dma_wait3A_99 = arith.constant 0 : i32
        %dma_wait3A_100 = arith.constant 0 : i32
        %dma_wait3A_101 = tpu.memref_slice %arg13[%dma_wait3A_99, %dma_wait3A_100] : memref<10112x128xf32, #tpu.memory_space<vmem_shared>> -> memref<10112x128xf32, #tpu.memory_space<vmem_shared>>
        tpu.wait_indirect_dma semaphore(%run_scoped3A : memref<!tpu.dma_semaphore, #tpu.memory_space<semaphore_mem>>) src(%arg11 : memref<128x128xf32, #tpu.memory_space<vmem>>) dst(%dma_wait3A_101 : memref<10112x128xf32, #tpu.memory_space<vmem_shared>>)
        tpu.yield
      }) : () -> ()
    }
    %scan3A_29 = arith.constant 80 : i32
    %barrier3A_30 = arith.constant 0 : index
    tpu.barrier barrier_id(%barrier3A_30)
    %mul3A_31 = arith.constant 632 : i32
    %mul3A_32 = arith.muli %arg1, %mul3A_31 : i32
    %mul3A_33 = arith.constant 632 : i32
    %mul3A_34 = arith.muli %arg1, %mul3A_33 : i32
    "tpu.region"() ({
      %run_scoped3A = tpu.sem_alloc : memref<!tpu.dma_semaphore, #tpu.memory_space<semaphore_mem>>
      %dma_start3A = arith.constant 0 : i32
      %dma_start3A_73 = tpu.memref_slice %arg8[%arg0, %mul3A_34, %dma_start3A] : memref<2x10112x128xf32, #tpu.memory_space<hbm>> -> memref<1x632x128xf32, #tpu.memory_space<hbm>>
      %dma_start3A_74 = tpu.memref_squeeze %dma_start3A_73 : memref<1x632x128xf32, #tpu.memory_space<hbm>> -> memref<632x128xf32, #tpu.memory_space<hbm>>
      %dma_start3A_75 = arith.constant 0 : i32
      %dma_start3A_76 = tpu.memref_slice %arg13[%mul3A_32, %dma_start3A_75] : memref<10112x128xf32, #tpu.memory_space<vmem_shared>> -> memref<632x128xf32, #tpu.memory_space<vmem_shared>>
      tpu.enqueue_dma source(%dma_start3A_76 : memref<632x128xf32, #tpu.memory_space<vmem_shared>>) target(%dma_start3A_74 : memref<632x128xf32, #tpu.memory_space<hbm>>) target_semaphore(%run_scoped3A : memref<!tpu.dma_semaphore, #tpu.memory_space<semaphore_mem>>)
      %dma_wait3A = arith.constant 0 : i32
      %dma_wait3A_77 = tpu.memref_slice %arg8[%arg0, %mul3A_34, %dma_wait3A] : memref<2x10112x128xf32, #tpu.memory_space<hbm>> -> memref<1x632x128xf32, #tpu.memory_space<hbm>>
      %dma_wait3A_78 = tpu.memref_squeeze %dma_wait3A_77 : memref<1x632x128xf32, #tpu.memory_space<hbm>> -> memref<632x128xf32, #tpu.memory_space<hbm>>
      %dma_wait3A_79 = arith.constant 0 : i32
      %dma_wait3A_80 = tpu.memref_slice %arg13[%mul3A_32, %dma_wait3A_79] : memref<10112x128xf32, #tpu.memory_space<vmem_shared>> -> memref<632x128xf32, #tpu.memory_space<vmem_shared>>
      tpu.wait_dma2 semaphore(%run_scoped3A : memref<!tpu.dma_semaphore, #tpu.memory_space<semaphore_mem>>) src(%dma_wait3A_80 : memref<632x128xf32, #tpu.memory_space<vmem_shared>>) dst(%dma_wait3A_78 : memref<632x128xf32, #tpu.memory_space<hbm>>)
      tpu.yield
    }) : () -> ()
    %barrier3A_35 = arith.constant 0 : index
    tpu.barrier barrier_id(%barrier3A_35)
    %scan3A_36 = arith.constant 0 : i32
    %scan3A_37 = arith.constant 128 : i32
    %scan3A_38 = arith.addi %scan3A_36, %scan3A_37 : i32
    %scan3A_39 = arith.constant 1 : i32
    scf.for %scan3A_73 = %scan3A_36 to %scan3A_38 step %scan3A_39  : i32 {
      %mul3A_74 = arith.constant 1 : i32
      %mul3A_75 = arith.muli %scan3A_73, %mul3A_74 : i32
      %add3A_76 = arith.constant 0 : i32
      %add3A_77 = arith.addi %add3A_76, %mul3A_75 : i32
      %broadcast_in_dim3A = arith.constant 0.000000e+00 : f32
      %broadcast_in_dim3A_78 = vector.broadcast %broadcast_in_dim3A : f32 to vector<16xf32>
      %swap3A = arith.index_cast %add3A_77 : i32 to index
      %swap3A_79 = arith.constant 0 : index
      %swap3A_80 = tpu.vector_load %arg11[%swap3A, %swap3A_79] {strides = array<i32>} : memref<128x128xf32, #tpu.memory_space<vmem>>, vector<1x16xf32>,
      %swap3A_81 = vector.shape_cast %swap3A_80 : vector<1x16xf32> to vector<16xf32>
      %swap3A_82 = vector.shape_cast %broadcast_in_dim3A_78 : vector<16xf32> to vector<1x16xf32>
      tpu.vector_store %arg11[%swap3A, %swap3A_79], %swap3A_82 {strides = array<i32>} : memref<128x128xf32, #tpu.memory_space<vmem>>, vector<1x16xf32>,
      %broadcast_in_dim3A_83 = arith.constant 0.000000e+00 : f32
      %broadcast_in_dim3A_84 = vector.broadcast %broadcast_in_dim3A_83 : f32 to vector<16xf32>
      %swap3A_85 = arith.index_cast %add3A_77 : i32 to index
      %swap3A_86 = arith.constant 16 : index
      %swap3A_87 = tpu.vector_load %arg11[%swap3A_85, %swap3A_86] {strides = array<i32>} : memref<128x128xf32, #tpu.memory_space<vmem>>, vector<1x16xf32>,
      %swap3A_88 = vector.shape_cast %swap3A_87 : vector<1x16xf32> to vector<16xf32>
      %swap3A_89 = vector.shape_cast %broadcast_in_dim3A_84 : vector<16xf32> to vector<1x16xf32>
      tpu.vector_store %arg11[%swap3A_85, %swap3A_86], %swap3A_89 {strides = array<i32>} : memref<128x128xf32, #tpu.memory_space<vmem>>, vector<1x16xf32>,
      %broadcast_in_dim3A_90 = arith.constant 0.000000e+00 : f32
      %broadcast_in_dim3A_91 = vector.broadcast %broadcast_in_dim3A_90 : f32 to vector<16xf32>
      %swap3A_92 = arith.index_cast %add3A_77 : i32 to index
      %swap3A_93 = arith.constant 32 : index
      %swap3A_94 = tpu.vector_load %arg11[%swap3A_92, %swap3A_93] {strides = array<i32>} : memref<128x128xf32, #tpu.memory_space<vmem>>, vector<1x16xf32>,
      %swap3A_95 = vector.shape_cast %swap3A_94 : vector<1x16xf32> to vector<16xf32>
      %swap3A_96 = vector.shape_cast %broadcast_in_dim3A_91 : vector<16xf32> to vector<1x16xf32>
      tpu.vector_store %arg11[%swap3A_92, %swap3A_93], %swap3A_96 {strides = array<i32>} : memref<128x128xf32, #tpu.memory_space<vmem>>, vector<1x16xf32>,
      %broadcast_in_dim3A_97 = arith.constant 0.000000e+00 : f32
      %broadcast_in_dim3A_98 = vector.broadcast %broadcast_in_dim3A_97 : f32 to vector<16xf32>
      %swap3A_99 = arith.index_cast %add3A_77 : i32 to index
      %swap3A_100 = arith.constant 48 : index
      %swap3A_101 = tpu.vector_load %arg11[%swap3A_99, %swap3A_100] {strides = array<i32>} : memref<128x128xf32, #tpu.memory_space<vmem>>, vector<1x16xf32>,
      %swap3A_102 = vector.shape_cast %swap3A_101 : vector<1x16xf32> to vector<16xf32>
      %swap3A_103 = vector.shape_cast %broadcast_in_dim3A_98 : vector<16xf32> to vector<1x16xf32>
      tpu.vector_store %arg11[%swap3A_99, %swap3A_100], %swap3A_103 {strides = array<i32>} : memref<128x128xf32, #tpu.memory_space<vmem>>, vector<1x16xf32>,
      %broadcast_in_dim3A_104 = arith.constant 0.000000e+00 : f32
      %broadcast_in_dim3A_105 = vector.broadcast %broadcast_in_dim3A_104 : f32 to vector<16xf32>
      %swap3A_106 = arith.index_cast %add3A_77 : i32 to index
      %swap3A_107 = arith.constant 64 : index
      %swap3A_108 = tpu.vector_load %arg11[%swap3A_106, %swap3A_107] {strides = array<i32>} : memref<128x128xf32, #tpu.memory_space<vmem>>, vector<1x16xf32>,
      %swap3A_109 = vector.shape_cast %swap3A_108 : vector<1x16xf32> to vector<16xf32>
      %swap3A_110 = vector.shape_cast %broadcast_in_dim3A_105 : vector<16xf32> to vector<1x16xf32>
      tpu.vector_store %arg11[%swap3A_106, %swap3A_107], %swap3A_110 {strides = array<i32>} : memref<128x128xf32, #tpu.memory_space<vmem>>, vector<1x16xf32>,
      %broadcast_in_dim3A_111 = arith.constant 0.000000e+00 : f32
      %broadcast_in_dim3A_112 = vector.broadcast %broadcast_in_dim3A_111 : f32 to vector<16xf32>
      %swap3A_113 = arith.index_cast %add3A_77 : i32 to index
      %swap3A_114 = arith.constant 80 : index
      %swap3A_115 = tpu.vector_load %arg11[%swap3A_113, %swap3A_114] {strides = array<i32>} : memref<128x128xf32, #tpu.memory_space<vmem>>, vector<1x16xf32>,
      %swap3A_116 = vector.shape_cast %swap3A_115 : vector<1x16xf32> to vector<16xf32>
      %swap3A_117 = vector.shape_cast %broadcast_in_dim3A_112 : vector<16xf32> to vector<1x16xf32>
      tpu.vector_store %arg11[%swap3A_113, %swap3A_114], %swap3A_117 {strides = array<i32>} : memref<128x128xf32, #tpu.memory_space<vmem>>, vector<1x16xf32>,
      %broadcast_in_dim3A_118 = arith.constant 0.000000e+00 : f32
      %broadcast_in_dim3A_119 = vector.broadcast %broadcast_in_dim3A_118 : f32 to vector<16xf32>
      %swap3A_120 = arith.index_cast %add3A_77 : i32 to index
      %swap3A_121 = arith.constant 96 : index
      %swap3A_122 = tpu.vector_load %arg11[%swap3A_120, %swap3A_121] {strides = array<i32>} : memref<128x128xf32, #tpu.memory_space<vmem>>, vector<1x16xf32>,
      %swap3A_123 = vector.shape_cast %swap3A_122 : vector<1x16xf32> to vector<16xf32>
      %swap3A_124 = vector.shape_cast %broadcast_in_dim3A_119 : vector<16xf32> to vector<1x16xf32>
      tpu.vector_store %arg11[%swap3A_120, %swap3A_121], %swap3A_124 {strides = array<i32>} : memref<128x128xf32, #tpu.memory_space<vmem>>, vector<1x16xf32>,
      %broadcast_in_dim3A_125 = arith.constant 0.000000e+00 : f32
      %broadcast_in_dim3A_126 = vector.broadcast %broadcast_in_dim3A_125 : f32 to vector<16xf32>
      %swap3A_127 = arith.index_cast %add3A_77 : i32 to index
      %swap3A_128 = arith.constant 112 : index
      %swap3A_129 = tpu.vector_load %arg11[%swap3A_127, %swap3A_128] {strides = array<i32>} : memref<128x128xf32, #tpu.memory_space<vmem>>, vector<1x16xf32>,
      %swap3A_130 = vector.shape_cast %swap3A_129 : vector<1x16xf32> to vector<16xf32>
      %swap3A_131 = vector.shape_cast %broadcast_in_dim3A_126 : vector<16xf32> to vector<1x16xf32>
      tpu.vector_store %arg11[%swap3A_127, %swap3A_128], %swap3A_131 {strides = array<i32>} : memref<128x128xf32, #tpu.memory_space<vmem>>, vector<1x16xf32>,
    }
    %scan3A_40 = arith.constant 128 : i32
    "tpu.region"() ({
      %run_scoped3A = tpu.sem_alloc : memref<!tpu.dma_semaphore, #tpu.memory_space<semaphore_mem>>
      %dma_start3A = arith.constant 0 : i32
      %dma_start3A_73 = arith.constant 0 : i32
      %dma_start3A_74 = tpu.memref_slice %arg10[%dma_start3A, %dma_start3A_73] : memref<208x128xi32, #tpu.memory_space<vmem>> -> memref<80x128xi32, #tpu.memory_space<vmem>>
      %dma_start3A_75 = arith.constant 0 : i32
      %dma_start3A_76 = arith.constant 0 : i32
      %dma_start3A_77 = tpu.memref_slice %arg6[%add3A, %dma_start3A_75, %dma_start3A_76] : memref<32x80x128xi32, #tpu.memory_space<hbm>> -> memref<1x80x128xi32, #tpu.memory_space<hbm>>
      %dma_start3A_78 = tpu.memref_squeeze %dma_start3A_77 : memref<1x80x128xi32, #tpu.memory_space<hbm>> -> memref<80x128xi32, #tpu.memory_space<hbm>>
      %dma_start3A_79 = arith.constant 0 : i32
      %dma_start3A_80 = arith.constant 0 : i32
      %dma_start3A_81 = tpu.memref_slice %arg10[%dma_start3A_79, %dma_start3A_80] : memref<208x128xi32, #tpu.memory_space<vmem>> -> memref<80x128xi32, #tpu.memory_space<vmem>>
      %dma_start3A_82 = arith.constant 0 : i32
      %dma_start3A_83 = arith.constant 0 : i32
      %dma_start3A_84 = tpu.memref_slice %arg6[%add3A, %dma_start3A_82, %dma_start3A_83] : memref<32x80x128xi32, #tpu.memory_space<hbm>> -> memref<1x80x128xi32, #tpu.memory_space<hbm>>
      %dma_start3A_85 = tpu.memref_squeeze %dma_start3A_84 : memref<1x80x128xi32, #tpu.memory_space<hbm>> -> memref<80x128xi32, #tpu.memory_space<hbm>>
      tpu.enqueue_dma source(%dma_start3A_85 : memref<80x128xi32, #tpu.memory_space<hbm>>) target(%dma_start3A_81 : memref<80x128xi32, #tpu.memory_space<vmem>>) target_semaphore(%run_scoped3A : memref<!tpu.dma_semaphore, #tpu.memory_space<semaphore_mem>>)
      %dma_wait3A = arith.constant 0 : i32
      %dma_wait3A_86 = arith.constant 0 : i32
      %dma_wait3A_87 = tpu.memref_slice %arg10[%dma_wait3A, %dma_wait3A_86] : memref<208x128xi32, #tpu.memory_space<vmem>> -> memref<80x128xi32, #tpu.memory_space<vmem>>
      %dma_wait3A_88 = arith.constant 0 : i32
      %dma_wait3A_89 = arith.constant 0 : i32
      %dma_wait3A_90 = tpu.memref_slice %arg6[%add3A, %dma_wait3A_88, %dma_wait3A_89] : memref<32x80x128xi32, #tpu.memory_space<hbm>> -> memref<1x80x128xi32, #tpu.memory_space<hbm>>
      %dma_wait3A_91 = tpu.memref_squeeze %dma_wait3A_90 : memref<1x80x128xi32, #tpu.memory_space<hbm>> -> memref<80x128xi32, #tpu.memory_space<hbm>>
      %dma_wait3A_92 = arith.constant 0 : i32
      %dma_wait3A_93 = arith.constant 0 : i32
      %dma_wait3A_94 = tpu.memref_slice %arg10[%dma_wait3A_92, %dma_wait3A_93] : memref<208x128xi32, #tpu.memory_space<vmem>> -> memref<80x128xi32, #tpu.memory_space<vmem>>
      %dma_wait3A_95 = arith.constant 0 : i32
      %dma_wait3A_96 = arith.constant 0 : i32
      %dma_wait3A_97 = tpu.memref_slice %arg6[%add3A, %dma_wait3A_95, %dma_wait3A_96] : memref<32x80x128xi32, #tpu.memory_space<hbm>> -> memref<1x80x128xi32, #tpu.memory_space<hbm>>
      %dma_wait3A_98 = tpu.memref_squeeze %dma_wait3A_97 : memref<1x80x128xi32, #tpu.memory_space<hbm>> -> memref<80x128xi32, #tpu.memory_space<hbm>>
      tpu.wait_dma2 semaphore(%run_scoped3A : memref<!tpu.dma_semaphore, #tpu.memory_space<semaphore_mem>>) src(%dma_wait3A_98 : memref<80x128xi32, #tpu.memory_space<hbm>>) dst(%dma_wait3A_94 : memref<80x128xi32, #tpu.memory_space<vmem>>)
      tpu.yield
    }) : () -> ()
    "tpu.region"() ({
      %run_scoped3A = tpu.sem_alloc : memref<!tpu.dma_semaphore, #tpu.memory_space<semaphore_mem>>
      %dma_start3A = arith.constant 128 : i32
      %dma_start3A_73 = arith.constant 0 : i32
      %dma_start3A_74 = tpu.memref_slice %arg10[%dma_start3A, %dma_start3A_73] : memref<208x128xi32, #tpu.memory_space<vmem>> -> memref<80x128xi32, #tpu.memory_space<vmem>>
      %dma_start3A_75 = arith.constant 0 : i32
      %dma_start3A_76 = arith.constant 0 : i32
      %dma_start3A_77 = tpu.memref_slice %arg7[%add3A, %dma_start3A_75, %dma_start3A_76] : memref<32x80x128xi32, #tpu.memory_space<hbm>> -> memref<1x80x128xi32, #tpu.memory_space<hbm>>
      %dma_start3A_78 = tpu.memref_squeeze %dma_start3A_77 : memref<1x80x128xi32, #tpu.memory_space<hbm>> -> memref<80x128xi32, #tpu.memory_space<hbm>>
      %dma_start3A_79 = arith.constant 128 : i32
      %dma_start3A_80 = arith.constant 0 : i32
      %dma_start3A_81 = tpu.memref_slice %arg10[%dma_start3A_79, %dma_start3A_80] : memref<208x128xi32, #tpu.memory_space<vmem>> -> memref<80x128xi32, #tpu.memory_space<vmem>>
      %dma_start3A_82 = arith.constant 0 : i32
      %dma_start3A_83 = arith.constant 0 : i32
      %dma_start3A_84 = tpu.memref_slice %arg7[%add3A, %dma_start3A_82, %dma_start3A_83] : memref<32x80x128xi32, #tpu.memory_space<hbm>> -> memref<1x80x128xi32, #tpu.memory_space<hbm>>
      %dma_start3A_85 = tpu.memref_squeeze %dma_start3A_84 : memref<1x80x128xi32, #tpu.memory_space<hbm>> -> memref<80x128xi32, #tpu.memory_space<hbm>>
      tpu.enqueue_dma source(%dma_start3A_85 : memref<80x128xi32, #tpu.memory_space<hbm>>) target(%dma_start3A_81 : memref<80x128xi32, #tpu.memory_space<vmem>>) target_semaphore(%run_scoped3A : memref<!tpu.dma_semaphore, #tpu.memory_space<semaphore_mem>>)
      %dma_wait3A = arith.constant 128 : i32
      %dma_wait3A_86 = arith.constant 0 : i32
      %dma_wait3A_87 = tpu.memref_slice %arg10[%dma_wait3A, %dma_wait3A_86] : memref<208x128xi32, #tpu.memory_space<vmem>> -> memref<80x128xi32, #tpu.memory_space<vmem>>
      %dma_wait3A_88 = arith.constant 0 : i32
      %dma_wait3A_89 = arith.constant 0 : i32
      %dma_wait3A_90 = tpu.memref_slice %arg7[%add3A, %dma_wait3A_88, %dma_wait3A_89] : memref<32x80x128xi32, #tpu.memory_space<hbm>> -> memref<1x80x128xi32, #tpu.memory_space<hbm>>
      %dma_wait3A_91 = tpu.memref_squeeze %dma_wait3A_90 : memref<1x80x128xi32, #tpu.memory_space<hbm>> -> memref<80x128xi32, #tpu.memory_space<hbm>>
      %dma_wait3A_92 = arith.constant 128 : i32
      %dma_wait3A_93 = arith.constant 0 : i32
      %dma_wait3A_94 = tpu.memref_slice %arg10[%dma_wait3A_92, %dma_wait3A_93] : memref<208x128xi32, #tpu.memory_space<vmem>> -> memref<80x128xi32, #tpu.memory_space<vmem>>
      %dma_wait3A_95 = arith.constant 0 : i32
      %dma_wait3A_96 = arith.constant 0 : i32
      %dma_wait3A_97 = tpu.memref_slice %arg7[%add3A, %dma_wait3A_95, %dma_wait3A_96] : memref<32x80x128xi32, #tpu.memory_space<hbm>> -> memref<1x80x128xi32, #tpu.memory_space<hbm>>
      %dma_wait3A_98 = tpu.memref_squeeze %dma_wait3A_97 : memref<1x80x128xi32, #tpu.memory_space<hbm>> -> memref<80x128xi32, #tpu.memory_space<hbm>>
      tpu.wait_dma2 semaphore(%run_scoped3A : memref<!tpu.dma_semaphore, #tpu.memory_space<semaphore_mem>>) src(%dma_wait3A_98 : memref<80x128xi32, #tpu.memory_space<hbm>>) dst(%dma_wait3A_94 : memref<80x128xi32, #tpu.memory_space<vmem>>)
      tpu.yield
    }) : () -> ()
    %mul3A_41 = arith.constant 632 : i32
    %mul3A_42 = arith.muli %arg1, %mul3A_41 : i32
    %add3A_43 = arith.constant 0 : i32
    %add3A_44 = arith.addi %mul3A_42, %add3A_43 : i32
    "tpu.region"() ({
      %run_scoped3A = tpu.sem_alloc : memref<!tpu.dma_semaphore, #tpu.memory_space<semaphore_mem>>
      %dma_start3A = arith.constant 0 : i32
      %dma_start3A_73 = tpu.memref_slice %arg13[%add3A_44, %dma_start3A] : memref<10112x128xf32, #tpu.memory_space<vmem_shared>> -> memref<128x128xf32, #tpu.memory_space<vmem_shared>>
      %dma_start3A_74 = arith.constant 0 : i32
      %dma_start3A_75 = tpu.memref_slice %arg13[%add3A_44, %dma_start3A_74] : memref<10112x128xf32, #tpu.memory_space<vmem_shared>> -> memref<128x128xf32, #tpu.memory_space<vmem_shared>>
      tpu.enqueue_dma source(%arg11 : memref<128x128xf32, #tpu.memory_space<vmem>>) target(%dma_start3A_75 : memref<128x128xf32, #tpu.memory_space<vmem_shared>>) target_semaphore(%run_scoped3A : memref<!tpu.dma_semaphore, #tpu.memory_space<semaphore_mem>>)
      %dma_wait3A = arith.constant 0 : i32
      %dma_wait3A_76 = tpu.memref_slice %arg13[%add3A_44, %dma_wait3A] : memref<10112x128xf32, #tpu.memory_space<vmem_shared>> -> memref<128x128xf32, #tpu.memory_space<vmem_shared>>
      %dma_wait3A_77 = arith.constant 0 : i32
      %dma_wait3A_78 = tpu.memref_slice %arg13[%add3A_44, %dma_wait3A_77] : memref<10112x128xf32, #tpu.memory_space<vmem_shared>> -> memref<128x128xf32, #tpu.memory_space<vmem_shared>>
      tpu.wait_dma2 semaphore(%run_scoped3A : memref<!tpu.dma_semaphore, #tpu.memory_space<semaphore_mem>>) src(%arg11 : memref<128x128xf32, #tpu.memory_space<vmem>>) dst(%dma_wait3A_78 : memref<128x128xf32, #tpu.memory_space<vmem_shared>>)
      tpu.yield
    }) : () -> ()
    %mul3A_45 = arith.constant 632 : i32
    %mul3A_46 = arith.muli %arg1, %mul3A_45 : i32
    %add3A_47 = arith.constant 128 : i32
    %add3A_48 = arith.addi %mul3A_46, %add3A_47 : i32
    "tpu.region"() ({
      %run_scoped3A = tpu.sem_alloc : memref<!tpu.dma_semaphore, #tpu.memory_space<semaphore_mem>>
      %dma_start3A = arith.constant 0 : i32
      %dma_start3A_73 = tpu.memref_slice %arg13[%add3A_48, %dma_start3A] : memref<10112x128xf32, #tpu.memory_space<vmem_shared>> -> memref<128x128xf32, #tpu.memory_space<vmem_shared>>
      %dma_start3A_74 = arith.constant 0 : i32
      %dma_start3A_75 = tpu.memref_slice %arg13[%add3A_48, %dma_start3A_74] : memref<10112x128xf32, #tpu.memory_space<vmem_shared>> -> memref<128x128xf32, #tpu.memory_space<vmem_shared>>
      tpu.enqueue_dma source(%arg11 : memref<128x128xf32, #tpu.memory_space<vmem>>) target(%dma_start3A_75 : memref<128x128xf32, #tpu.memory_space<vmem_shared>>) target_semaphore(%run_scoped3A : memref<!tpu.dma_semaphore, #tpu.memory_space<semaphore_mem>>)
      %dma_wait3A = arith.constant 0 : i32
      %dma_wait3A_76 = tpu.memref_slice %arg13[%add3A_48, %dma_wait3A] : memref<10112x128xf32, #tpu.memory_space<vmem_shared>> -> memref<128x128xf32, #tpu.memory_space<vmem_shared>>
      %dma_wait3A_77 = arith.constant 0 : i32
      %dma_wait3A_78 = tpu.memref_slice %arg13[%add3A_48, %dma_wait3A_77] : memref<10112x128xf32, #tpu.memory_space<vmem_shared>> -> memref<128x128xf32, #tpu.memory_space<vmem_shared>>
      tpu.wait_dma2 semaphore(%run_scoped3A : memref<!tpu.dma_semaphore, #tpu.memory_space<semaphore_mem>>) src(%arg11 : memref<128x128xf32, #tpu.memory_space<vmem>>) dst(%dma_wait3A_78 : memref<128x128xf32, #tpu.memory_space<vmem_shared>>)
      tpu.yield
    }) : () -> ()
    %mul3A_49 = arith.constant 632 : i32
    %mul3A_50 = arith.muli %arg1, %mul3A_49 : i32
    %add3A_51 = arith.constant 256 : i32
    %add3A_52 = arith.addi %mul3A_50, %add3A_51 : i32
    "tpu.region"() ({
      %run_scoped3A = tpu.sem_alloc : memref<!tpu.dma_semaphore, #tpu.memory_space<semaphore_mem>>
      %dma_start3A = arith.constant 0 : i32
      %dma_start3A_73 = tpu.memref_slice %arg13[%add3A_52, %dma_start3A] : memref<10112x128xf32, #tpu.memory_space<vmem_shared>> -> memref<128x128xf32, #tpu.memory_space<vmem_shared>>
      %dma_start3A_74 = arith.constant 0 : i32
      %dma_start3A_75 = tpu.memref_slice %arg13[%add3A_52, %dma_start3A_74] : memref<10112x128xf32, #tpu.memory_space<vmem_shared>> -> memref<128x128xf32, #tpu.memory_space<vmem_shared>>
      tpu.enqueue_dma source(%arg11 : memref<128x128xf32, #tpu.memory_space<vmem>>) target(%dma_start3A_75 : memref<128x128xf32, #tpu.memory_space<vmem_shared>>) target_semaphore(%run_scoped3A : memref<!tpu.dma_semaphore, #tpu.memory_space<semaphore_mem>>)
      %dma_wait3A = arith.constant 0 : i32
      %dma_wait3A_76 = tpu.memref_slice %arg13[%add3A_52, %dma_wait3A] : memref<10112x128xf32, #tpu.memory_space<vmem_shared>> -> memref<128x128xf32, #tpu.memory_space<vmem_shared>>
      %dma_wait3A_77 = arith.constant 0 : i32
      %dma_wait3A_78 = tpu.memref_slice %arg13[%add3A_52, %dma_wait3A_77] : memref<10112x128xf32, #tpu.memory_space<vmem_shared>> -> memref<128x128xf32, #tpu.memory_space<vmem_shared>>
      tpu.wait_dma2 semaphore(%run_scoped3A : memref<!tpu.dma_semaphore, #tpu.memory_space<semaphore_mem>>) src(%arg11 : memref<128x128xf32, #tpu.memory_space<vmem>>) dst(%dma_wait3A_78 : memref<128x128xf32, #tpu.memory_space<vmem_shared>>)
      tpu.yield
    }) : () -> ()
    %mul3A_53 = arith.constant 632 : i32
    %mul3A_54 = arith.muli %arg1, %mul3A_53 : i32
    %add3A_55 = arith.constant 384 : i32
    %add3A_56 = arith.addi %mul3A_54, %add3A_55 : i32
    "tpu.region"() ({
      %run_scoped3A = tpu.sem_alloc : memref<!tpu.dma_semaphore, #tpu.memory_space<semaphore_mem>>
      %dma_start3A = arith.constant 0 : i32
      %dma_start3A_73 = tpu.memref_slice %arg13[%add3A_56, %dma_start3A] : memref<10112x128xf32, #tpu.memory_space<vmem_shared>> -> memref<128x128xf32, #tpu.memory_space<vmem_shared>>
      %dma_start3A_74 = arith.constant 0 : i32
      %dma_start3A_75 = tpu.memref_slice %arg13[%add3A_56, %dma_start3A_74] : memref<10112x128xf32, #tpu.memory_space<vmem_shared>> -> memref<128x128xf32, #tpu.memory_space<vmem_shared>>
      tpu.enqueue_dma source(%arg11 : memref<128x128xf32, #tpu.memory_space<vmem>>) target(%dma_start3A_75 : memref<128x128xf32, #tpu.memory_space<vmem_shared>>) target_semaphore(%run_scoped3A : memref<!tpu.dma_semaphore, #tpu.memory_space<semaphore_mem>>)
      %dma_wait3A = arith.constant 0 : i32
      %dma_wait3A_76 = tpu.memref_slice %arg13[%add3A_56, %dma_wait3A] : memref<10112x128xf32, #tpu.memory_space<vmem_shared>> -> memref<128x128xf32, #tpu.memory_space<vmem_shared>>
      %dma_wait3A_77 = arith.constant 0 : i32
      %dma_wait3A_78 = tpu.memref_slice %arg13[%add3A_56, %dma_wait3A_77] : memref<10112x128xf32, #tpu.memory_space<vmem_shared>> -> memref<128x128xf32, #tpu.memory_space<vmem_shared>>
      tpu.wait_dma2 semaphore(%run_scoped3A : memref<!tpu.dma_semaphore, #tpu.memory_space<semaphore_mem>>) src(%arg11 : memref<128x128xf32, #tpu.memory_space<vmem>>) dst(%dma_wait3A_78 : memref<128x128xf32, #tpu.memory_space<vmem_shared>>)
      tpu.yield
    }) : () -> ()
    %mul3A_57 = arith.constant 632 : i32
    %mul3A_58 = arith.muli %arg1, %mul3A_57 : i32
    %add3A_59 = arith.constant 512 : i32
    %add3A_60 = arith.addi %mul3A_58, %add3A_59 : i32
    "tpu.region"() ({
      %run_scoped3A = tpu.sem_alloc : memref<!tpu.dma_semaphore, #tpu.memory_space<semaphore_mem>>
      %dma_start3A = arith.constant 0 : i32
      %dma_start3A_73 = arith.constant 0 : i32
      %dma_start3A_74 = tpu.memref_slice %arg11[%dma_start3A, %dma_start3A_73] : memref<128x128xf32, #tpu.memory_space<vmem>> -> memref<120x128xf32, #tpu.memory_space<vmem>>
      %dma_start3A_75 = arith.constant 0 : i32
      %dma_start3A_76 = tpu.memref_slice %arg13[%add3A_60, %dma_start3A_75] : memref<10112x128xf32, #tpu.memory_space<vmem_shared>> -> memref<120x128xf32, #tpu.memory_space<vmem_shared>>
      %dma_start3A_77 = arith.constant 0 : i32
      %dma_start3A_78 = tpu.memref_slice %arg13[%add3A_60, %dma_start3A_77] : memref<10112x128xf32, #tpu.memory_space<vmem_shared>> -> memref<120x128xf32, #tpu.memory_space<vmem_shared>>
      %dma_start3A_79 = arith.constant 0 : i32
      %dma_start3A_80 = arith.constant 0 : i32
      %dma_start3A_81 = tpu.memref_slice %arg11[%dma_start3A_79, %dma_start3A_80] : memref<128x128xf32, #tpu.memory_space<vmem>> -> memref<120x128xf32, #tpu.memory_space<vmem>>
      tpu.enqueue_dma source(%dma_start3A_81 : memref<120x128xf32, #tpu.memory_space<vmem>>) target(%dma_start3A_78 : memref<120x128xf32, #tpu.memory_space<vmem_shared>>) target_semaphore(%run_scoped3A : memref<!tpu.dma_semaphore, #tpu.memory_space<semaphore_mem>>)
      %dma_wait3A = arith.constant 0 : i32
      %dma_wait3A_82 = arith.constant 0 : i32
      %dma_wait3A_83 = tpu.memref_slice %arg11[%dma_wait3A, %dma_wait3A_82] : memref<128x128xf32, #tpu.memory_space<vmem>> -> memref<120x128xf32, #tpu.memory_space<vmem>>
      %dma_wait3A_84 = arith.constant 0 : i32
      %dma_wait3A_85 = tpu.memref_slice %arg13[%add3A_60, %dma_wait3A_84] : memref<10112x128xf32, #tpu.memory_space<vmem_shared>> -> memref<120x128xf32, #tpu.memory_space<vmem_shared>>
      %dma_wait3A_86 = arith.constant 0 : i32
      %dma_wait3A_87 = tpu.memref_slice %arg13[%add3A_60, %dma_wait3A_86] : memref<10112x128xf32, #tpu.memory_space<vmem_shared>> -> memref<120x128xf32, #tpu.memory_space<vmem_shared>>
      %dma_wait3A_88 = arith.constant 0 : i32
      %dma_wait3A_89 = arith.constant 0 : i32
      %dma_wait3A_90 = tpu.memref_slice %arg11[%dma_wait3A_88, %dma_wait3A_89] : memref<128x128xf32, #tpu.memory_space<vmem>> -> memref<120x128xf32, #tpu.memory_space<vmem>>
      tpu.wait_dma2 semaphore(%run_scoped3A : memref<!tpu.dma_semaphore, #tpu.memory_space<semaphore_mem>>) src(%dma_wait3A_90 : memref<120x128xf32, #tpu.memory_space<vmem>>) dst(%dma_wait3A_87 : memref<120x128xf32, #tpu.memory_space<vmem_shared>>)
      tpu.yield
    }) : () -> ()
    %barrier3A_61 = arith.constant 0 : index
    tpu.barrier barrier_id(%barrier3A_61)
    %scan3A_62 = arith.constant 0 : i32
    %scan3A_63 = arith.constant 80 : i32
    %scan3A_64 = arith.addi %scan3A_62, %scan3A_63 : i32
    %scan3A_65 = arith.constant 1 : i32
    scf.for %scan3A_73 = %scan3A_62 to %scan3A_64 step %scan3A_65  : i32 {
      %mul3A_74 = arith.constant 1 : i32
      %mul3A_75 = arith.muli %scan3A_73, %mul3A_74 : i32
      %add3A_76 = arith.constant 0 : i32
      %add3A_77 = arith.addi %add3A_76, %mul3A_75 : i32
      %dma_start3A = arith.constant 0 : i32
      %dma_start3A_78 = tpu.memref_slice %arg10[%add3A_77, %dma_start3A] : memref<208x128xi32, #tpu.memory_space<vmem>> -> memref<1x128xi32, #tpu.memory_space<vmem>>
      %dma_start3A_79 = tpu.memref_squeeze %dma_start3A_78 : memref<1x128xi32, #tpu.memory_space<vmem>> -> memref<128xi32, #tpu.memory_space<vmem>>
      %dma_start3A_80 = arith.constant 0 : i32
      %dma_start3A_81 = arith.constant 0 : i32
      %dma_start3A_82 = tpu.memref_slice %arg3[%dma_start3A_80, %dma_start3A_81] : memref<10000x128xf32, #tpu.memory_space<hbm>> -> memref<10000x128xf32, #tpu.memory_space<hbm>>
      tpu.enqueue_indirect_dma source(%dma_start3A_82 : memref<10000x128xf32, #tpu.memory_space<hbm>>) target(%arg11 : memref<128x128xf32, #tpu.memory_space<vmem>>) offsets(%dma_start3A_79 : memref<128xi32, #tpu.memory_space<vmem>>) semaphore(%arg12 : memref<!tpu.dma_semaphore, #tpu.memory_space<semaphore_mem>>)
      %dma_wait3A = arith.constant 0 : i32
      %dma_wait3A_83 = tpu.memref_slice %arg10[%add3A_77, %dma_wait3A] : memref<208x128xi32, #tpu.memory_space<vmem>> -> memref<1x128xi32, #tpu.memory_space<vmem>>
      %dma_wait3A_84 = tpu.memref_squeeze %dma_wait3A_83 : memref<1x128xi32, #tpu.memory_space<vmem>> -> memref<128xi32, #tpu.memory_space<vmem>>
      %dma_wait3A_85 = arith.constant 0 : i32
      %dma_wait3A_86 = arith.constant 0 : i32
      %dma_wait3A_87 = tpu.memref_slice %arg3[%dma_wait3A_85, %dma_wait3A_86] : memref<10000x128xf32, #tpu.memory_space<hbm>> -> memref<10000x128xf32, #tpu.memory_space<hbm>>
      tpu.wait_indirect_dma semaphore(%arg12 : memref<!tpu.dma_semaphore, #tpu.memory_space<semaphore_mem>>) src(%dma_wait3A_87 : memref<10000x128xf32, #tpu.memory_space<hbm>>) dst(%arg11 : memref<128x128xf32, #tpu.memory_space<vmem>>)
      %add3A_88 = arith.constant 128 : i32
      %add3A_89 = arith.addi %add3A_88, %add3A_77 : i32
      "tpu.region"() ({
        %run_scoped3A = tpu.sem_alloc : memref<!tpu.dma_semaphore, #tpu.memory_space<semaphore_mem>>
        %dma_start3A_90 = arith.constant 0 : i32
        %dma_start3A_91 = tpu.memref_slice %arg10[%add3A_89, %dma_start3A_90] : memref<208x128xi32, #tpu.memory_space<vmem>> -> memref<1x128xi32, #tpu.memory_space<vmem>>
        %dma_start3A_92 = tpu.memref_squeeze %dma_start3A_91 : memref<1x128xi32, #tpu.memory_space<vmem>> -> memref<128xi32, #tpu.memory_space<vmem>>
        %dma_start3A_93 = arith.constant 0 : i32
        %dma_start3A_94 = arith.constant 0 : i32
        %dma_start3A_95 = tpu.memref_slice %arg13[%dma_start3A_93, %dma_start3A_94] : memref<10112x128xf32, #tpu.memory_space<vmem_shared>> -> memref<10112x128xf32, #tpu.memory_space<vmem_shared>>
        tpu.enqueue_indirect_dma source(%arg11 : memref<128x128xf32, #tpu.memory_space<vmem>>) target(%dma_start3A_95 : memref<10112x128xf32, #tpu.memory_space<vmem_shared>>) offsets(%dma_start3A_92 : memref<128xi32, #tpu.memory_space<vmem>>) semaphore(%run_scoped3A : memref<!tpu.dma_semaphore, #tpu.memory_space<semaphore_mem>>) {add = true}
        %dma_wait3A_96 = arith.constant 0 : i32
        %dma_wait3A_97 = tpu.memref_slice %arg10[%add3A_89, %dma_wait3A_96] : memref<208x128xi32, #tpu.memory_space<vmem>> -> memref<1x128xi32, #tpu.memory_space<vmem>>
        %dma_wait3A_98 = tpu.memref_squeeze %dma_wait3A_97 : memref<1x128xi32, #tpu.memory_space<vmem>> -> memref<128xi32, #tpu.memory_space<vmem>>
        %dma_wait3A_99 = arith.constant 0 : i32
        %dma_wait3A_100 = arith.constant 0 : i32
        %dma_wait3A_101 = tpu.memref_slice %arg13[%dma_wait3A_99, %dma_wait3A_100] : memref<10112x128xf32, #tpu.memory_space<vmem_shared>> -> memref<10112x128xf32, #tpu.memory_space<vmem_shared>>
        tpu.wait_indirect_dma semaphore(%run_scoped3A : memref<!tpu.dma_semaphore, #tpu.memory_space<semaphore_mem>>) src(%arg11 : memref<128x128xf32, #tpu.memory_space<vmem>>) dst(%dma_wait3A_101 : memref<10112x128xf32, #tpu.memory_space<vmem_shared>>)
        tpu.yield
      }) : () -> ()
    }
    %scan3A_66 = arith.constant 80 : i32
    %barrier3A_67 = arith.constant 0 : index
    tpu.barrier barrier_id(%barrier3A_67)
    %mul3A_68 = arith.constant 632 : i32
    %mul3A_69 = arith.muli %arg1, %mul3A_68 : i32
    %mul3A_70 = arith.constant 632 : i32
    %mul3A_71 = arith.muli %arg1, %mul3A_70 : i32
    "tpu.region"() ({
      %run_scoped3A = tpu.sem_alloc : memref<!tpu.dma_semaphore, #tpu.memory_space<semaphore_mem>>
      %dma_start3A = arith.constant 0 : i32
      %dma_start3A_73 = tpu.memref_slice %arg9[%arg0, %mul3A_71, %dma_start3A] : memref<2x10112x128xf32, #tpu.memory_space<hbm>> -> memref<1x632x128xf32, #tpu.memory_space<hbm>>
      %dma_start3A_74 = tpu.memref_squeeze %dma_start3A_73 : memref<1x632x128xf32, #tpu.memory_space<hbm>> -> memref<632x128xf32, #tpu.memory_space<hbm>>
      %dma_start3A_75 = arith.constant 0 : i32
      %dma_start3A_76 = tpu.memref_slice %arg13[%mul3A_69, %dma_start3A_75] : memref<10112x128xf32, #tpu.memory_space<vmem_shared>> -> memref<632x128xf32, #tpu.memory_space<vmem_shared>>
      tpu.enqueue_dma source(%dma_start3A_76 : memref<632x128xf32, #tpu.memory_space<vmem_shared>>) target(%dma_start3A_74 : memref<632x128xf32, #tpu.memory_space<hbm>>) target_semaphore(%run_scoped3A : memref<!tpu.dma_semaphore, #tpu.memory_space<semaphore_mem>>)
      %dma_wait3A = arith.constant 0 : i32
      %dma_wait3A_77 = tpu.memref_slice %arg9[%arg0, %mul3A_71, %dma_wait3A] : memref<2x10112x128xf32, #tpu.memory_space<hbm>> -> memref<1x632x128xf32, #tpu.memory_space<hbm>>
      %dma_wait3A_78 = tpu.memref_squeeze %dma_wait3A_77 : memref<1x632x128xf32, #tpu.memory_space<hbm>> -> memref<632x128xf32, #tpu.memory_space<hbm>>
      %dma_wait3A_79 = arith.constant 0 : i32
      %dma_wait3A_80 = tpu.memref_slice %arg13[%mul3A_69, %dma_wait3A_79] : memref<10112x128xf32, #tpu.memory_space<vmem_shared>> -> memref<632x128xf32, #tpu.memory_space<vmem_shared>>
      tpu.wait_dma2 semaphore(%run_scoped3A : memref<!tpu.dma_semaphore, #tpu.memory_space<semaphore_mem>>) src(%dma_wait3A_80 : memref<632x128xf32, #tpu.memory_space<vmem_shared>>) dst(%dma_wait3A_78 : memref<632x128xf32, #tpu.memory_space<hbm>>)
      tpu.yield
    }) : () -> ()
    %barrier3A_72 = arith.constant 0 : index
    tpu.barrier barrier_id(%barrier3A_72)
    return
  }
}

module attributes {stable_mosaic.version = 14 : i64} {
  func.func @_mm_body(%arg0: i32, %arg1: memref<2000x200xf32, #tpu.memory_space<vmem>>, %arg2: memref<2x2000x8xf32, #tpu.memory_space<vmem>>, %arg3: memref<200x128xf32, #tpu.memory_space<vmem>>, %arg4: memref<2000x128xf32, #tpu.memory_space<vmem>>) attributes {dimension_semantics = [#tpu.dimension_semantics<arbitrary>], iteration_bounds = array<i64: 5>, scalar_prefetch = 0 : i64, scratch_operands = 0 : i64, tpu.core_type = #tpu.core_type<tc>, window_params = [{transform_indices = @transform_0, window_bounds = array<i64: 2000, 200>}, {transform_indices = @transform_1, window_bounds = array<i64: 2, 2000, 8>}, {pipeline_mode = #tpu.pipeline_mode<synchronous>, transform_indices = @transform_2, window_bounds = array<i64: 200, 128>}, {transform_indices = @transform_3, window_bounds = array<i64: 2000, 128>}]} {
    %get3A = arith.constant 0 : index
    %get3A_0 = arith.constant 0 : index
    %get3A_1 = arith.constant 0 : index
    %get3A_2 = vector.load %arg2[%get3A, %get3A_0, %get3A_1] : memref<2x2000x8xf32, #tpu.memory_space<vmem>>, vector<1x2000x1xf32>
    %get3A_3 = vector.shape_cast %get3A_2 : vector<1x2000x1xf32> to vector<2000x1xf32>
    %get3A_4 = arith.constant 1 : index
    %get3A_5 = arith.constant 0 : index
    %get3A_6 = arith.constant 0 : index
    %get3A_7 = vector.load %arg2[%get3A_4, %get3A_5, %get3A_6] : memref<2x2000x8xf32, #tpu.memory_space<vmem>>, vector<1x2000x1xf32>
    %get3A_8 = vector.shape_cast %get3A_7 : vector<1x2000x1xf32> to vector<2000x1xf32>
    %add3A = arith.addf %get3A_3, %get3A_8 : vector<2000x1xf32>
    %max3A = arith.constant 1.000000e+00 : f32
    %max3A_9 = vector.broadcast %max3A : f32 to vector<2000x1xf32>
    %max3A_10 = arith.maximumf %add3A, %max3A_9 : vector<2000x1xf32>
    %sqrt3A = math.sqrt %max3A_10 : vector<2000x1xf32>
    %div3A = arith.constant 1.000000e+00 : f32
    %div3A_11 = vector.broadcast %div3A : f32 to vector<2000x1xf32>
    %div3A_12 = arith.divf %div3A_11, %sqrt3A : vector<2000x1xf32>
    %get3A_13 = arith.constant 0 : index
    %get3A_14 = arith.constant 0 : index
    %get3A_15 = vector.load %arg1[%get3A_13, %get3A_14] : memref<2000x200xf32, #tpu.memory_space<vmem>>, vector<2000x200xf32>
    %mul3A = vector.broadcast %div3A_12 : vector<2000x1xf32> to vector<2000x200xf32>
    %mul3A_16 = arith.mulf %get3A_15, %mul3A : vector<2000x200xf32>
    %get3A_17 = arith.constant 0 : index
    %get3A_18 = arith.constant 0 : index
    %get3A_19 = vector.load %arg3[%get3A_17, %get3A_18] : memref<200x128xf32, #tpu.memory_space<vmem>>, vector<200x128xf32>
    %dot_general3A = arith.constant dense<0.000000e+00> : vector<2000x128xf32>
    %dot_general3A_20 = tpu.matmul %mul3A_16, %get3A_19, %dot_general3A {dimension_numbers = #tpu.dot_dimension_numbers<[1], [0], [0], [1], [0, 0, 1, 1], [], []>, transpose_lhs_hint = false} : vector<2000x200xf32>, vector<200x128xf32>, vector<2000x128xf32> -> vector<2000x128xf32>
    %swap3A = arith.constant 0 : index
    %swap3A_21 = arith.constant 0 : index
    %swap3A_22 = vector.load %arg4[%swap3A, %swap3A_21] : memref<2000x128xf32, #tpu.memory_space<vmem>>, vector<2000x128xf32>
    tpu.vector_store %arg4[%swap3A, %swap3A_21], %dot_general3A_20 {strides = array<i32>} : memref<2000x128xf32, #tpu.memory_space<vmem>>, vector<2000x128xf32>,
    return
  }
  func.func @transform_0(%arg0: i32) -> (i32, i32) {
    %c0_i32 = arith.constant 0 : i32
    %c0_i32_0 = arith.constant 0 : i32
    return %arg0, %c0_i32 : i32, i32
  }
  func.func @transform_1(%arg0: i32) -> (i32, i32, i32) {
    %c0_i32 = arith.constant 0 : i32
    %c0_i32_0 = arith.constant 0 : i32
    %c0_i32_1 = arith.constant 0 : i32
    return %c0_i32, %arg0, %c0_i32_0 : i32, i32, i32
  }
  func.func @transform_2(%arg0: i32) -> (i32, i32) {
    %c0_i32 = arith.constant 0 : i32
    %c0_i32_0 = arith.constant 0 : i32
    %c0_i32_1 = arith.constant 0 : i32
    return %c0_i32, %c0_i32_0 : i32, i32
  }
  func.func @transform_3(%arg0: i32) -> (i32, i32) {
    %c0_i32 = arith.constant 0 : i32
    %c0_i32_0 = arith.constant 0 : i32
    return %arg0, %c0_i32 : i32, i32
  }
}

module attributes {stable_mosaic.version = 14 : i64} {
  func.func @_mm_body(%arg0: i32, %arg1: memref<2000x300xf32, #tpu.memory_space<vmem>>, %arg2: memref<2x2000x8xf32, #tpu.memory_space<vmem>>, %arg3: memref<300x128xf32, #tpu.memory_space<vmem>>, %arg4: memref<2000x128xf32, #tpu.memory_space<vmem>>) attributes {dimension_semantics = [#tpu.dimension_semantics<arbitrary>], iteration_bounds = array<i64: 5>, scalar_prefetch = 0 : i64, scratch_operands = 0 : i64, tpu.core_type = #tpu.core_type<tc>, window_params = [{transform_indices = @transform_0, window_bounds = array<i64: 2000, 300>}, {transform_indices = @transform_1, window_bounds = array<i64: 2, 2000, 8>}, {pipeline_mode = #tpu.pipeline_mode<synchronous>, transform_indices = @transform_2, window_bounds = array<i64: 300, 128>}, {transform_indices = @transform_3, window_bounds = array<i64: 2000, 128>}]} {
    %get3A = arith.constant 0 : index
    %get3A_0 = arith.constant 0 : index
    %get3A_1 = arith.constant 0 : index
    %get3A_2 = vector.load %arg2[%get3A, %get3A_0, %get3A_1] : memref<2x2000x8xf32, #tpu.memory_space<vmem>>, vector<1x2000x1xf32>
    %get3A_3 = vector.shape_cast %get3A_2 : vector<1x2000x1xf32> to vector<2000x1xf32>
    %get3A_4 = arith.constant 1 : index
    %get3A_5 = arith.constant 0 : index
    %get3A_6 = arith.constant 0 : index
    %get3A_7 = vector.load %arg2[%get3A_4, %get3A_5, %get3A_6] : memref<2x2000x8xf32, #tpu.memory_space<vmem>>, vector<1x2000x1xf32>
    %get3A_8 = vector.shape_cast %get3A_7 : vector<1x2000x1xf32> to vector<2000x1xf32>
    %add3A = arith.addf %get3A_3, %get3A_8 : vector<2000x1xf32>
    %max3A = arith.constant 1.000000e+00 : f32
    %max3A_9 = vector.broadcast %max3A : f32 to vector<2000x1xf32>
    %max3A_10 = arith.maximumf %add3A, %max3A_9 : vector<2000x1xf32>
    %sqrt3A = math.sqrt %max3A_10 : vector<2000x1xf32>
    %div3A = arith.constant 1.000000e+00 : f32
    %div3A_11 = vector.broadcast %div3A : f32 to vector<2000x1xf32>
    %div3A_12 = arith.divf %div3A_11, %sqrt3A : vector<2000x1xf32>
    %get3A_13 = arith.constant 0 : index
    %get3A_14 = arith.constant 0 : index
    %get3A_15 = vector.load %arg1[%get3A_13, %get3A_14] : memref<2000x300xf32, #tpu.memory_space<vmem>>, vector<2000x300xf32>
    %mul3A = vector.broadcast %div3A_12 : vector<2000x1xf32> to vector<2000x300xf32>
    %mul3A_16 = arith.mulf %get3A_15, %mul3A : vector<2000x300xf32>
    %get3A_17 = arith.constant 0 : index
    %get3A_18 = arith.constant 0 : index
    %get3A_19 = vector.load %arg3[%get3A_17, %get3A_18] : memref<300x128xf32, #tpu.memory_space<vmem>>, vector<300x128xf32>
    %dot_general3A = arith.constant dense<0.000000e+00> : vector<2000x128xf32>
    %dot_general3A_20 = tpu.matmul %mul3A_16, %get3A_19, %dot_general3A {dimension_numbers = #tpu.dot_dimension_numbers<[1], [0], [0], [1], [0, 0, 1, 1], [], []>, transpose_lhs_hint = false} : vector<2000x300xf32>, vector<300x128xf32>, vector<2000x128xf32> -> vector<2000x128xf32>
    %swap3A = arith.constant 0 : index
    %swap3A_21 = arith.constant 0 : index
    %swap3A_22 = vector.load %arg4[%swap3A, %swap3A_21] : memref<2000x128xf32, #tpu.memory_space<vmem>>, vector<2000x128xf32>
    tpu.vector_store %arg4[%swap3A, %swap3A_21], %dot_general3A_20 {strides = array<i32>} : memref<2000x128xf32, #tpu.memory_space<vmem>>, vector<2000x128xf32>,
    return
  }
  func.func @transform_0(%arg0: i32) -> (i32, i32) {
    %c0_i32 = arith.constant 0 : i32
    %c0_i32_0 = arith.constant 0 : i32
    return %arg0, %c0_i32 : i32, i32
  }
  func.func @transform_1(%arg0: i32) -> (i32, i32, i32) {
    %c0_i32 = arith.constant 0 : i32
    %c0_i32_0 = arith.constant 0 : i32
    %c0_i32_1 = arith.constant 0 : i32
    return %c0_i32, %arg0, %c0_i32_0 : i32, i32, i32
  }
  func.func @transform_2(%arg0: i32) -> (i32, i32) {
    %c0_i32 = arith.constant 0 : i32
    %c0_i32_0 = arith.constant 0 : i32
    %c0_i32_1 = arith.constant 0 : i32
    return %c0_i32, %c0_i32_0 : i32, i32
  }
  func.func @transform_3(%arg0: i32) -> (i32, i32) {
    %c0_i32 = arith.constant 0 : i32
    %c0_i32_0 = arith.constant 0 : i32
    return %arg0, %c0_i32 : i32, i32
  }
}

module attributes {stable_mosaic.version = 14 : i64} {
  func.func @_post_body(%arg0: i32, %arg1: memref<2x2000x128xf32, #tpu.memory_space<vmem>>, %arg2: memref<2x2000x8xf32, #tpu.memory_space<vmem>>, %arg3: memref<1x128xf32, #tpu.memory_space<vmem>>, %arg4: memref<1x128xf32, #tpu.memory_space<vmem>>, %arg5: memref<1x128xf32, #tpu.memory_space<vmem>>, %arg6: memref<2000x128xf32, #tpu.memory_space<vmem>>) attributes {dimension_semantics = [#tpu.dimension_semantics<arbitrary>], iteration_bounds = array<i64: 5>, scalar_prefetch = 0 : i64, scratch_operands = 0 : i64, tpu.core_type = #tpu.core_type<tc>, window_params = [{transform_indices = @transform_0, window_bounds = array<i64: 2, 2000, 128>}, {transform_indices = @transform_1, window_bounds = array<i64: 2, 2000, 8>}, {pipeline_mode = #tpu.pipeline_mode<synchronous>, transform_indices = @transform_2, window_bounds = array<i64: 1, 128>}, {pipeline_mode = #tpu.pipeline_mode<synchronous>, transform_indices = @transform_3, window_bounds = array<i64: 1, 128>}, {pipeline_mode = #tpu.pipeline_mode<synchronous>, transform_indices = @transform_4, window_bounds = array<i64: 1, 128>}, {transform_indices = @transform_5, window_bounds = array<i64: 2000, 128>}]} {
    %get3A = arith.constant 0 : index
    %get3A_0 = arith.constant 0 : index
    %get3A_1 = arith.constant 0 : index
    %get3A_2 = vector.load %arg1[%get3A, %get3A_0, %get3A_1] : memref<2x2000x128xf32, #tpu.memory_space<vmem>>, vector<1x2000x128xf32>
    %get3A_3 = vector.shape_cast %get3A_2 : vector<1x2000x128xf32> to vector<2000x128xf32>
    %get3A_4 = arith.constant 1 : index
    %get3A_5 = arith.constant 0 : index
    %get3A_6 = arith.constant 0 : index
    %get3A_7 = vector.load %arg1[%get3A_4, %get3A_5, %get3A_6] : memref<2x2000x128xf32, #tpu.memory_space<vmem>>, vector<1x2000x128xf32>
    %get3A_8 = vector.shape_cast %get3A_7 : vector<1x2000x128xf32> to vector<2000x128xf32>
    %add3A = arith.addf %get3A_3, %get3A_8 : vector<2000x128xf32>
    %get3A_9 = arith.constant 0 : index
    %get3A_10 = arith.constant 0 : index
    %get3A_11 = arith.constant 0 : index
    %get3A_12 = vector.load %arg2[%get3A_9, %get3A_10, %get3A_11] : memref<2x2000x8xf32, #tpu.memory_space<vmem>>, vector<1x2000x1xf32>
    %get3A_13 = vector.shape_cast %get3A_12 : vector<1x2000x1xf32> to vector<2000x1xf32>
    %get3A_14 = arith.constant 1 : index
    %get3A_15 = arith.constant 0 : index
    %get3A_16 = arith.constant 0 : index
    %get3A_17 = vector.load %arg2[%get3A_14, %get3A_15, %get3A_16] : memref<2x2000x8xf32, #tpu.memory_space<vmem>>, vector<1x2000x1xf32>
    %get3A_18 = vector.shape_cast %get3A_17 : vector<1x2000x1xf32> to vector<2000x1xf32>
    %add3A_19 = arith.addf %get3A_13, %get3A_18 : vector<2000x1xf32>
    %max3A = arith.constant 1.000000e+00 : f32
    %max3A_20 = vector.broadcast %max3A : f32 to vector<2000x1xf32>
    %max3A_21 = arith.maximumf %add3A_19, %max3A_20 : vector<2000x1xf32>
    %sqrt3A = math.sqrt %max3A_21 : vector<2000x1xf32>
    %div3A = vector.broadcast %sqrt3A : vector<2000x1xf32> to vector<2000x128xf32>
    %div3A_22 = arith.divf %add3A, %div3A : vector<2000x128xf32>
    %get3A_23 = arith.constant 0 : index
    %get3A_24 = arith.constant 0 : index
    %get3A_25 = vector.load %arg3[%get3A_23, %get3A_24] : memref<1x128xf32, #tpu.memory_space<vmem>>, vector<1x128xf32>
    %add3A_26 = vector.broadcast %get3A_25 : vector<1x128xf32> to vector<2000x128xf32>
    %add3A_27 = arith.addf %div3A_22, %add3A_26 : vector<2000x128xf32>
    %reduce_sum3A = arith.constant dense<0.000000e+00> : vector<2000xf32>
    %reduce_sum3A_28 = vector.multi_reduction <add>, %add3A_27, %reduce_sum3A [1] : vector<2000x128xf32> to vector<2000xf32>
    %broadcast_in_dim3A = vector.shape_cast %reduce_sum3A_28 : vector<2000xf32> to vector<2000x1xf32>
    %div3A_29 = arith.constant 1.280000e+02 : f32
    %div3A_30 = vector.broadcast %div3A_29 : f32 to vector<2000x1xf32>
    %div3A_31 = arith.divf %broadcast_in_dim3A, %div3A_30 : vector<2000x1xf32>
    %sub3A = vector.broadcast %div3A_31 : vector<2000x1xf32> to vector<2000x128xf32>
    %sub3A_32 = arith.subf %add3A_27, %sub3A : vector<2000x128xf32>
    %integer_pow3A = arith.mulf %sub3A_32, %sub3A_32 : vector<2000x128xf32>
    %reduce_sum3A_33 = arith.constant dense<0.000000e+00> : vector<2000xf32>
    %reduce_sum3A_34 = vector.multi_reduction <add>, %integer_pow3A, %reduce_sum3A_33 [1] : vector<2000x128xf32> to vector<2000xf32>
    %broadcast_in_dim3A_35 = vector.shape_cast %reduce_sum3A_34 : vector<2000xf32> to vector<2000x1xf32>
    %div3A_36 = arith.constant 1.280000e+02 : f32
    %div3A_37 = vector.broadcast %div3A_36 : f32 to vector<2000x1xf32>
    %div3A_38 = arith.divf %broadcast_in_dim3A_35, %div3A_37 : vector<2000x1xf32>
    %sub3A_39 = vector.broadcast %div3A_31 : vector<2000x1xf32> to vector<2000x128xf32>
    %sub3A_40 = arith.subf %add3A_27, %sub3A_39 : vector<2000x128xf32>
    %add3A_41 = arith.constant 9.99999974E-6 : f32
    %add3A_42 = vector.broadcast %add3A_41 : f32 to vector<2000x1xf32>
    %add3A_43 = arith.addf %div3A_38, %add3A_42 : vector<2000x1xf32>
    %sqrt3A_44 = math.sqrt %add3A_43 : vector<2000x1xf32>
    %div3A_45 = vector.broadcast %sqrt3A_44 : vector<2000x1xf32> to vector<2000x128xf32>
    %div3A_46 = arith.divf %sub3A_40, %div3A_45 : vector<2000x128xf32>
    %get3A_47 = arith.constant 0 : index
    %get3A_48 = arith.constant 0 : index
    %get3A_49 = vector.load %arg4[%get3A_47, %get3A_48] : memref<1x128xf32, #tpu.memory_space<vmem>>, vector<1x128xf32>
    %mul3A = vector.broadcast %get3A_49 : vector<1x128xf32> to vector<2000x128xf32>
    %mul3A_50 = arith.mulf %div3A_46, %mul3A : vector<2000x128xf32>
    %get3A_51 = arith.constant 0 : index
    %get3A_52 = arith.constant 0 : index
    %get3A_53 = vector.load %arg5[%get3A_51, %get3A_52] : memref<1x128xf32, #tpu.memory_space<vmem>>, vector<1x128xf32>
    %add3A_54 = vector.broadcast %get3A_53 : vector<1x128xf32> to vector<2000x128xf32>
    %add3A_55 = arith.addf %mul3A_50, %add3A_54 : vector<2000x128xf32>
    %gt3A = arith.constant 0.000000e+00 : f32
    %gt3A_56 = vector.broadcast %gt3A : f32 to vector<2000x128xf32>
    %gt3A_57 = arith.cmpf ogt, %add3A_55, %gt3A_56 : vector<2000x128xf32>
    %min3A = arith.constant 0.000000e+00 : f32
    %min3A_58 = vector.broadcast %min3A : f32 to vector<2000x128xf32>
    %min3A_59 = arith.minimumf %add3A_55, %min3A_58 : vector<2000x128xf32>
    %exp3A = math.exp %min3A_59 : vector<2000x128xf32>
    %sub3A_60 = arith.constant 1.000000e+00 : f32
    %sub3A_61 = vector.broadcast %sub3A_60 : f32 to vector<2000x128xf32>
    %sub3A_62 = arith.subf %exp3A, %sub3A_61 : vector<2000x128xf32>
    %select_n3A = arith.select %gt3A_57, %add3A_55, %sub3A_62 : vector<2000x128xi1>, vector<2000x128xf32>
    %swap3A = arith.constant 0 : index
    %swap3A_63 = arith.constant 0 : index
    %swap3A_64 = vector.load %arg6[%swap3A, %swap3A_63] : memref<2000x128xf32, #tpu.memory_space<vmem>>, vector<2000x128xf32>
    tpu.vector_store %arg6[%swap3A, %swap3A_63], %select_n3A {strides = array<i32>} : memref<2000x128xf32, #tpu.memory_space<vmem>>, vector<2000x128xf32>,
    return
  }
  func.func @transform_0(%arg0: i32) -> (i32, i32, i32) {
    %c0_i32 = arith.constant 0 : i32
    %c0_i32_0 = arith.constant 0 : i32
    %c0_i32_1 = arith.constant 0 : i32
    return %c0_i32, %arg0, %c0_i32_0 : i32, i32, i32
  }
  func.func @transform_1(%arg0: i32) -> (i32, i32, i32) {
    %c0_i32 = arith.constant 0 : i32
    %c0_i32_0 = arith.constant 0 : i32
    %c0_i32_1 = arith.constant 0 : i32
    return %c0_i32, %arg0, %c0_i32_0 : i32, i32, i32
  }
  func.func @transform_2(%arg0: i32) -> (i32, i32) {
    %c0_i32 = arith.constant 0 : i32
    %c0_i32_0 = arith.constant 0 : i32
    %c0_i32_1 = arith.constant 0 : i32
    return %c0_i32, %c0_i32_0 : i32, i32
  }
  func.func @transform_3(%arg0: i32) -> (i32, i32) {
    %c0_i32 = arith.constant 0 : i32
    %c0_i32_0 = arith.constant 0 : i32
    %c0_i32_1 = arith.constant 0 : i32
    return %c0_i32, %c0_i32_0 : i32, i32
  }
  func.func @transform_4(%arg0: i32) -> (i32, i32) {
    %c0_i32 = arith.constant 0 : i32
    %c0_i32_0 = arith.constant 0 : i32
    %c0_i32_1 = arith.constant 0 : i32
    return %c0_i32, %c0_i32_0 : i32, i32
  }
  func.func @transform_5(%arg0: i32) -> (i32, i32) {
    %c0_i32 = arith.constant 0 : i32
    %c0_i32_0 = arith.constant 0 : i32
    return %arg0, %c0_i32 : i32, i32
  }
}

module attributes {stable_mosaic.version = 14 : i64} {
  func.func @_mm_body(%arg0: i32, %arg1: memref<2000x128xf32, #tpu.memory_space<vmem>>, %arg2: memref<2x2000x8xf32, #tpu.memory_space<vmem>>, %arg3: memref<128x128xf32, #tpu.memory_space<vmem>>, %arg4: memref<2000x128xf32, #tpu.memory_space<vmem>>) attributes {dimension_semantics = [#tpu.dimension_semantics<arbitrary>], iteration_bounds = array<i64: 5>, scalar_prefetch = 0 : i64, scratch_operands = 0 : i64, tpu.core_type = #tpu.core_type<tc>, window_params = [{transform_indices = @transform_0, window_bounds = array<i64: 2000, 128>}, {transform_indices = @transform_1, window_bounds = array<i64: 2, 2000, 8>}, {pipeline_mode = #tpu.pipeline_mode<synchronous>, transform_indices = @transform_2, window_bounds = array<i64: 128, 128>}, {transform_indices = @transform_3, window_bounds = array<i64: 2000, 128>}]} {
    %get3A = arith.constant 0 : index
    %get3A_0 = arith.constant 0 : index
    %get3A_1 = arith.constant 0 : index
    %get3A_2 = vector.load %arg2[%get3A, %get3A_0, %get3A_1] : memref<2x2000x8xf32, #tpu.memory_space<vmem>>, vector<1x2000x1xf32>
    %get3A_3 = vector.shape_cast %get3A_2 : vector<1x2000x1xf32> to vector<2000x1xf32>
    %get3A_4 = arith.constant 1 : index
    %get3A_5 = arith.constant 0 : index
    %get3A_6 = arith.constant 0 : index
    %get3A_7 = vector.load %arg2[%get3A_4, %get3A_5, %get3A_6] : memref<2x2000x8xf32, #tpu.memory_space<vmem>>, vector<1x2000x1xf32>
    %get3A_8 = vector.shape_cast %get3A_7 : vector<1x2000x1xf32> to vector<2000x1xf32>
    %add3A = arith.addf %get3A_3, %get3A_8 : vector<2000x1xf32>
    %max3A = arith.constant 1.000000e+00 : f32
    %max3A_9 = vector.broadcast %max3A : f32 to vector<2000x1xf32>
    %max3A_10 = arith.maximumf %add3A, %max3A_9 : vector<2000x1xf32>
    %sqrt3A = math.sqrt %max3A_10 : vector<2000x1xf32>
    %div3A = arith.constant 1.000000e+00 : f32
    %div3A_11 = vector.broadcast %div3A : f32 to vector<2000x1xf32>
    %div3A_12 = arith.divf %div3A_11, %sqrt3A : vector<2000x1xf32>
    %get3A_13 = arith.constant 0 : index
    %get3A_14 = arith.constant 0 : index
    %get3A_15 = vector.load %arg1[%get3A_13, %get3A_14] : memref<2000x128xf32, #tpu.memory_space<vmem>>, vector<2000x128xf32>
    %mul3A = vector.broadcast %div3A_12 : vector<2000x1xf32> to vector<2000x128xf32>
    %mul3A_16 = arith.mulf %get3A_15, %mul3A : vector<2000x128xf32>
    %get3A_17 = arith.constant 0 : index
    %get3A_18 = arith.constant 0 : index
    %get3A_19 = vector.load %arg3[%get3A_17, %get3A_18] : memref<128x128xf32, #tpu.memory_space<vmem>>, vector<128x128xf32>
    %dot_general3A = arith.constant dense<0.000000e+00> : vector<2000x128xf32>
    %dot_general3A_20 = tpu.matmul %mul3A_16, %get3A_19, %dot_general3A {dimension_numbers = #tpu.dot_dimension_numbers<[1], [0], [0], [1], [0, 0, 1, 1], [], []>, transpose_lhs_hint = false} : vector<2000x128xf32>, vector<128x128xf32>, vector<2000x128xf32> -> vector<2000x128xf32>
    %swap3A = arith.constant 0 : index
    %swap3A_21 = arith.constant 0 : index
    %swap3A_22 = vector.load %arg4[%swap3A, %swap3A_21] : memref<2000x128xf32, #tpu.memory_space<vmem>>, vector<2000x128xf32>
    tpu.vector_store %arg4[%swap3A, %swap3A_21], %dot_general3A_20 {strides = array<i32>} : memref<2000x128xf32, #tpu.memory_space<vmem>>, vector<2000x128xf32>,
    return
  }
  func.func @transform_0(%arg0: i32) -> (i32, i32) {
    %c0_i32 = arith.constant 0 : i32
    %c0_i32_0 = arith.constant 0 : i32
    return %arg0, %c0_i32 : i32, i32
  }
  func.func @transform_1(%arg0: i32) -> (i32, i32, i32) {
    %c0_i32 = arith.constant 0 : i32
    %c0_i32_0 = arith.constant 0 : i32
    %c0_i32_1 = arith.constant 0 : i32
    return %c0_i32, %arg0, %c0_i32_0 : i32, i32, i32
  }
  func.func @transform_2(%arg0: i32) -> (i32, i32) {
    %c0_i32 = arith.constant 0 : i32
    %c0_i32_0 = arith.constant 0 : i32
    %c0_i32_1 = arith.constant 0 : i32
    return %c0_i32, %c0_i32_0 : i32, i32
  }
  func.func @transform_3(%arg0: i32) -> (i32, i32) {
    %c0_i32 = arith.constant 0 : i32
    %c0_i32_0 = arith.constant 0 : i32
    return %arg0, %c0_i32 : i32, i32
  }
}

module attributes {stable_mosaic.version = 14 : i64} {
  func.func @_readout_body(%arg0: memref<10000x128xf32, #tpu.memory_space<vmem>>, %arg1: memref<10000x128xf32, #tpu.memory_space<vmem>>, %arg2: memref<128x64xf32, #tpu.memory_space<vmem>>, %arg3: memref<1x64xf32, #tpu.memory_space<vmem>>, %arg4: memref<64x64xf32, #tpu.memory_space<vmem>>, %arg5: memref<1x64xf32, #tpu.memory_space<vmem>>, %arg6: memref<64x128xf32, #tpu.memory_space<vmem>>, %arg7: memref<1x128xf32, #tpu.memory_space<vmem>>, %arg8: memref<128x128xf32, #tpu.memory_space<vmem>>, %arg9: memref<1x128xf32, #tpu.memory_space<vmem>>, %arg10: memref<128x64xf32, #tpu.memory_space<vmem>>, %arg11: memref<1x64xf32, #tpu.memory_space<vmem>>, %arg12: memref<64x64xf32, #tpu.memory_space<vmem>>, %arg13: memref<1x64xf32, #tpu.memory_space<vmem>>, %arg14: memref<64x32xf32, #tpu.memory_space<vmem>>, %arg15: memref<1x32xf32, #tpu.memory_space<vmem>>, %arg16: memref<32x128xf32, #tpu.memory_space<vmem>>, %arg17: memref<1x128xf32, #tpu.memory_space<vmem>>, %arg18: memref<8x64xf32, #tpu.memory_space<vmem>>, %arg19: memref<8x128xf32, #tpu.memory_space<vmem>>, %arg20: memref<8x64xf32, #tpu.memory_space<vmem>>) attributes {dimension_semantics = [], scalar_prefetch = 0 : i64, scratch_operands = 0 : i64, tpu.core_type = #tpu.core_type<tc>} {
    %broadcast_in_dim3A = arith.constant 0.000000e+00 : f32
    %broadcast_in_dim3A_0 = vector.broadcast %broadcast_in_dim3A : f32 to vector<1x128xf32>
    %get3A = arith.constant 0 : index
    %get3A_1 = arith.constant 0 : index
    %get3A_2 = vector.load %arg0[%get3A, %get3A_1] : memref<10000x128xf32, #tpu.memory_space<vmem>>, vector<1000x128xf32>
    %reduce_sum3A = arith.constant dense<0.000000e+00> : vector<128xf32>
    %reduce_sum3A_3 = vector.multi_reduction <add>, %get3A_2, %reduce_sum3A [0] : vector<1000x128xf32> to vector<128xf32>
    %broadcast_in_dim3A_4 = vector.shape_cast %reduce_sum3A_3 : vector<128xf32> to vector<1x128xf32>
    %add3A = arith.addf %broadcast_in_dim3A_0, %broadcast_in_dim3A_4 : vector<1x128xf32>
    %get3A_5 = arith.constant 1000 : index
    %get3A_6 = arith.constant 0 : index
    %get3A_7 = vector.load %arg0[%get3A_5, %get3A_6] : memref<10000x128xf32, #tpu.memory_space<vmem>>, vector<1000x128xf32>
    %reduce_sum3A_8 = arith.constant dense<0.000000e+00> : vector<128xf32>
    %reduce_sum3A_9 = vector.multi_reduction <add>, %get3A_7, %reduce_sum3A_8 [0] : vector<1000x128xf32> to vector<128xf32>
    %broadcast_in_dim3A_10 = vector.shape_cast %reduce_sum3A_9 : vector<128xf32> to vector<1x128xf32>
    %add3A_11 = arith.addf %add3A, %broadcast_in_dim3A_10 : vector<1x128xf32>
    %get3A_12 = arith.constant 2000 : index
    %get3A_13 = arith.constant 0 : index
    %get3A_14 = vector.load %arg0[%get3A_12, %get3A_13] : memref<10000x128xf32, #tpu.memory_space<vmem>>, vector<1000x128xf32>
    %reduce_sum3A_15 = arith.constant dense<0.000000e+00> : vector<128xf32>
    %reduce_sum3A_16 = vector.multi_reduction <add>, %get3A_14, %reduce_sum3A_15 [0] : vector<1000x128xf32> to vector<128xf32>
    %broadcast_in_dim3A_17 = vector.shape_cast %reduce_sum3A_16 : vector<128xf32> to vector<1x128xf32>
    %add3A_18 = arith.addf %add3A_11, %broadcast_in_dim3A_17 : vector<1x128xf32>
    %get3A_19 = arith.constant 3000 : index
    %get3A_20 = arith.constant 0 : index
    %get3A_21 = vector.load %arg0[%get3A_19, %get3A_20] : memref<10000x128xf32, #tpu.memory_space<vmem>>, vector<1000x128xf32>
    %reduce_sum3A_22 = arith.constant dense<0.000000e+00> : vector<128xf32>
    %reduce_sum3A_23 = vector.multi_reduction <add>, %get3A_21, %reduce_sum3A_22 [0] : vector<1000x128xf32> to vector<128xf32>
    %broadcast_in_dim3A_24 = vector.shape_cast %reduce_sum3A_23 : vector<128xf32> to vector<1x128xf32>
    %add3A_25 = arith.addf %add3A_18, %broadcast_in_dim3A_24 : vector<1x128xf32>
    %get3A_26 = arith.constant 4000 : index
    %get3A_27 = arith.constant 0 : index
    %get3A_28 = vector.load %arg0[%get3A_26, %get3A_27] : memref<10000x128xf32, #tpu.memory_space<vmem>>, vector<1000x128xf32>
    %reduce_sum3A_29 = arith.constant dense<0.000000e+00> : vector<128xf32>
    %reduce_sum3A_30 = vector.multi_reduction <add>, %get3A_28, %reduce_sum3A_29 [0] : vector<1000x128xf32> to vector<128xf32>
    %broadcast_in_dim3A_31 = vector.shape_cast %reduce_sum3A_30 : vector<128xf32> to vector<1x128xf32>
    %add3A_32 = arith.addf %add3A_25, %broadcast_in_dim3A_31 : vector<1x128xf32>
    %get3A_33 = arith.constant 5000 : index
    %get3A_34 = arith.constant 0 : index
    %get3A_35 = vector.load %arg0[%get3A_33, %get3A_34] : memref<10000x128xf32, #tpu.memory_space<vmem>>, vector<1000x128xf32>
    %reduce_sum3A_36 = arith.constant dense<0.000000e+00> : vector<128xf32>
    %reduce_sum3A_37 = vector.multi_reduction <add>, %get3A_35, %reduce_sum3A_36 [0] : vector<1000x128xf32> to vector<128xf32>
    %broadcast_in_dim3A_38 = vector.shape_cast %reduce_sum3A_37 : vector<128xf32> to vector<1x128xf32>
    %add3A_39 = arith.addf %add3A_32, %broadcast_in_dim3A_38 : vector<1x128xf32>
    %get3A_40 = arith.constant 6000 : index
    %get3A_41 = arith.constant 0 : index
    %get3A_42 = vector.load %arg0[%get3A_40, %get3A_41] : memref<10000x128xf32, #tpu.memory_space<vmem>>, vector<1000x128xf32>
    %reduce_sum3A_43 = arith.constant dense<0.000000e+00> : vector<128xf32>
    %reduce_sum3A_44 = vector.multi_reduction <add>, %get3A_42, %reduce_sum3A_43 [0] : vector<1000x128xf32> to vector<128xf32>
    %broadcast_in_dim3A_45 = vector.shape_cast %reduce_sum3A_44 : vector<128xf32> to vector<1x128xf32>
    %add3A_46 = arith.addf %add3A_39, %broadcast_in_dim3A_45 : vector<1x128xf32>
    %get3A_47 = arith.constant 7000 : index
    %get3A_48 = arith.constant 0 : index
    %get3A_49 = vector.load %arg0[%get3A_47, %get3A_48] : memref<10000x128xf32, #tpu.memory_space<vmem>>, vector<1000x128xf32>
    %reduce_sum3A_50 = arith.constant dense<0.000000e+00> : vector<128xf32>
    %reduce_sum3A_51 = vector.multi_reduction <add>, %get3A_49, %reduce_sum3A_50 [0] : vector<1000x128xf32> to vector<128xf32>
    %broadcast_in_dim3A_52 = vector.shape_cast %reduce_sum3A_51 : vector<128xf32> to vector<1x128xf32>
    %add3A_53 = arith.addf %add3A_46, %broadcast_in_dim3A_52 : vector<1x128xf32>
    %get3A_54 = arith.constant 8000 : index
    %get3A_55 = arith.constant 0 : index
    %get3A_56 = vector.load %arg0[%get3A_54, %get3A_55] : memref<10000x128xf32, #tpu.memory_space<vmem>>, vector<1000x128xf32>
    %reduce_sum3A_57 = arith.constant dense<0.000000e+00> : vector<128xf32>
    %reduce_sum3A_58 = vector.multi_reduction <add>, %get3A_56, %reduce_sum3A_57 [0] : vector<1000x128xf32> to vector<128xf32>
    %broadcast_in_dim3A_59 = vector.shape_cast %reduce_sum3A_58 : vector<128xf32> to vector<1x128xf32>
    %add3A_60 = arith.addf %add3A_53, %broadcast_in_dim3A_59 : vector<1x128xf32>
    %get3A_61 = arith.constant 9000 : index
    %get3A_62 = arith.constant 0 : index
    %get3A_63 = vector.load %arg0[%get3A_61, %get3A_62] : memref<10000x128xf32, #tpu.memory_space<vmem>>, vector<1000x128xf32>
    %reduce_sum3A_64 = arith.constant dense<0.000000e+00> : vector<128xf32>
    %reduce_sum3A_65 = vector.multi_reduction <add>, %get3A_63, %reduce_sum3A_64 [0] : vector<1000x128xf32> to vector<128xf32>
    %broadcast_in_dim3A_66 = vector.shape_cast %reduce_sum3A_65 : vector<128xf32> to vector<1x128xf32>
    %add3A_67 = arith.addf %add3A_60, %broadcast_in_dim3A_66 : vector<1x128xf32>
    %mul3A = arith.constant 9.99999974E-5 : f32
    %mul3A_68 = vector.broadcast %mul3A : f32 to vector<1x128xf32>
    %mul3A_69 = arith.mulf %add3A_67, %mul3A_68 : vector<1x128xf32>
    %broadcast_in_dim3A_70 = arith.constant 0.000000e+00 : f32
    %broadcast_in_dim3A_71 = vector.broadcast %broadcast_in_dim3A_70 : f32 to vector<1x128xf32>
    %get3A_72 = arith.constant 0 : index
    %get3A_73 = arith.constant 0 : index
    %get3A_74 = vector.load %arg1[%get3A_72, %get3A_73] : memref<10000x128xf32, #tpu.memory_space<vmem>>, vector<1000x128xf32>
    %reduce_sum3A_75 = arith.constant dense<0.000000e+00> : vector<128xf32>
    %reduce_sum3A_76 = vector.multi_reduction <add>, %get3A_74, %reduce_sum3A_75 [0] : vector<1000x128xf32> to vector<128xf32>
    %broadcast_in_dim3A_77 = vector.shape_cast %reduce_sum3A_76 : vector<128xf32> to vector<1x128xf32>
    %add3A_78 = arith.addf %broadcast_in_dim3A_71, %broadcast_in_dim3A_77 : vector<1x128xf32>
    %get3A_79 = arith.constant 1000 : index
    %get3A_80 = arith.constant 0 : index
    %get3A_81 = vector.load %arg1[%get3A_79, %get3A_80] : memref<10000x128xf32, #tpu.memory_space<vmem>>, vector<1000x128xf32>
    %reduce_sum3A_82 = arith.constant dense<0.000000e+00> : vector<128xf32>
    %reduce_sum3A_83 = vector.multi_reduction <add>, %get3A_81, %reduce_sum3A_82 [0] : vector<1000x128xf32> to vector<128xf32>
    %broadcast_in_dim3A_84 = vector.shape_cast %reduce_sum3A_83 : vector<128xf32> to vector<1x128xf32>
    %add3A_85 = arith.addf %add3A_78, %broadcast_in_dim3A_84 : vector<1x128xf32>
    %get3A_86 = arith.constant 2000 : index
    %get3A_87 = arith.constant 0 : index
    %get3A_88 = vector.load %arg1[%get3A_86, %get3A_87] : memref<10000x128xf32, #tpu.memory_space<vmem>>, vector<1000x128xf32>
    %reduce_sum3A_89 = arith.constant dense<0.000000e+00> : vector<128xf32>
    %reduce_sum3A_90 = vector.multi_reduction <add>, %get3A_88, %reduce_sum3A_89 [0] : vector<1000x128xf32> to vector<128xf32>
    %broadcast_in_dim3A_91 = vector.shape_cast %reduce_sum3A_90 : vector<128xf32> to vector<1x128xf32>
    %add3A_92 = arith.addf %add3A_85, %broadcast_in_dim3A_91 : vector<1x128xf32>
    %get3A_93 = arith.constant 3000 : index
    %get3A_94 = arith.constant 0 : index
    %get3A_95 = vector.load %arg1[%get3A_93, %get3A_94] : memref<10000x128xf32, #tpu.memory_space<vmem>>, vector<1000x128xf32>
    %reduce_sum3A_96 = arith.constant dense<0.000000e+00> : vector<128xf32>
    %reduce_sum3A_97 = vector.multi_reduction <add>, %get3A_95, %reduce_sum3A_96 [0] : vector<1000x128xf32> to vector<128xf32>
    %broadcast_in_dim3A_98 = vector.shape_cast %reduce_sum3A_97 : vector<128xf32> to vector<1x128xf32>
    %add3A_99 = arith.addf %add3A_92, %broadcast_in_dim3A_98 : vector<1x128xf32>
    %get3A_100 = arith.constant 4000 : index
    %get3A_101 = arith.constant 0 : index
    %get3A_102 = vector.load %arg1[%get3A_100, %get3A_101] : memref<10000x128xf32, #tpu.memory_space<vmem>>, vector<1000x128xf32>
    %reduce_sum3A_103 = arith.constant dense<0.000000e+00> : vector<128xf32>
    %reduce_sum3A_104 = vector.multi_reduction <add>, %get3A_102, %reduce_sum3A_103 [0] : vector<1000x128xf32> to vector<128xf32>
    %broadcast_in_dim3A_105 = vector.shape_cast %reduce_sum3A_104 : vector<128xf32> to vector<1x128xf32>
    %add3A_106 = arith.addf %add3A_99, %broadcast_in_dim3A_105 : vector<1x128xf32>
    %get3A_107 = arith.constant 5000 : index
    %get3A_108 = arith.constant 0 : index
    %get3A_109 = vector.load %arg1[%get3A_107, %get3A_108] : memref<10000x128xf32, #tpu.memory_space<vmem>>, vector<1000x128xf32>
    %reduce_sum3A_110 = arith.constant dense<0.000000e+00> : vector<128xf32>
    %reduce_sum3A_111 = vector.multi_reduction <add>, %get3A_109, %reduce_sum3A_110 [0] : vector<1000x128xf32> to vector<128xf32>
    %broadcast_in_dim3A_112 = vector.shape_cast %reduce_sum3A_111 : vector<128xf32> to vector<1x128xf32>
    %add3A_113 = arith.addf %add3A_106, %broadcast_in_dim3A_112 : vector<1x128xf32>
    %get3A_114 = arith.constant 6000 : index
    %get3A_115 = arith.constant 0 : index
    %get3A_116 = vector.load %arg1[%get3A_114, %get3A_115] : memref<10000x128xf32, #tpu.memory_space<vmem>>, vector<1000x128xf32>
    %reduce_sum3A_117 = arith.constant dense<0.000000e+00> : vector<128xf32>
    %reduce_sum3A_118 = vector.multi_reduction <add>, %get3A_116, %reduce_sum3A_117 [0] : vector<1000x128xf32> to vector<128xf32>
    %broadcast_in_dim3A_119 = vector.shape_cast %reduce_sum3A_118 : vector<128xf32> to vector<1x128xf32>
    %add3A_120 = arith.addf %add3A_113, %broadcast_in_dim3A_119 : vector<1x128xf32>
    %get3A_121 = arith.constant 7000 : index
    %get3A_122 = arith.constant 0 : index
    %get3A_123 = vector.load %arg1[%get3A_121, %get3A_122] : memref<10000x128xf32, #tpu.memory_space<vmem>>, vector<1000x128xf32>
    %reduce_sum3A_124 = arith.constant dense<0.000000e+00> : vector<128xf32>
    %reduce_sum3A_125 = vector.multi_reduction <add>, %get3A_123, %reduce_sum3A_124 [0] : vector<1000x128xf32> to vector<128xf32>
    %broadcast_in_dim3A_126 = vector.shape_cast %reduce_sum3A_125 : vector<128xf32> to vector<1x128xf32>
    %add3A_127 = arith.addf %add3A_120, %broadcast_in_dim3A_126 : vector<1x128xf32>
    %get3A_128 = arith.constant 8000 : index
    %get3A_129 = arith.constant 0 : index
    %get3A_130 = vector.load %arg1[%get3A_128, %get3A_129] : memref<10000x128xf32, #tpu.memory_space<vmem>>, vector<1000x128xf32>
    %reduce_sum3A_131 = arith.constant dense<0.000000e+00> : vector<128xf32>
    %reduce_sum3A_132 = vector.multi_reduction <add>, %get3A_130, %reduce_sum3A_131 [0] : vector<1000x128xf32> to vector<128xf32>
    %broadcast_in_dim3A_133 = vector.shape_cast %reduce_sum3A_132 : vector<128xf32> to vector<1x128xf32>
    %add3A_134 = arith.addf %add3A_127, %broadcast_in_dim3A_133 : vector<1x128xf32>
    %get3A_135 = arith.constant 9000 : index
    %get3A_136 = arith.constant 0 : index
    %get3A_137 = vector.load %arg1[%get3A_135, %get3A_136] : memref<10000x128xf32, #tpu.memory_space<vmem>>, vector<1000x128xf32>
    %reduce_sum3A_138 = arith.constant dense<0.000000e+00> : vector<128xf32>
    %reduce_sum3A_139 = vector.multi_reduction <add>, %get3A_137, %reduce_sum3A_138 [0] : vector<1000x128xf32> to vector<128xf32>
    %broadcast_in_dim3A_140 = vector.shape_cast %reduce_sum3A_139 : vector<128xf32> to vector<1x128xf32>
    %add3A_141 = arith.addf %add3A_134, %broadcast_in_dim3A_140 : vector<1x128xf32>
    %mul3A_142 = arith.constant 9.99999974E-5 : f32
    %mul3A_143 = vector.broadcast %mul3A_142 : f32 to vector<1x128xf32>
    %mul3A_144 = arith.mulf %add3A_141, %mul3A_143 : vector<1x128xf32>
    %add3A_145 = arith.addf %mul3A_69, %mul3A_144 : vector<1x128xf32>
    %broadcast_in_dim3A_146 = vector.shape_cast %add3A_145 : vector<1x128xf32> to vector<1x128xf32>
    %broadcast_in_dim3A_147 = vector.broadcast %broadcast_in_dim3A_146 : vector<1x128xf32> to vector<8x128xf32>
    %get3A_148 = arith.constant 0 : index
    %get3A_149 = arith.constant 0 : index
    %get3A_150 = vector.load %arg2[%get3A_148, %get3A_149] : memref<128x64xf32, #tpu.memory_space<vmem>>, vector<128x64xf32>
    %dot_general3A = arith.constant dense<0.000000e+00> : vector<8x64xf32>
    %dot_general3A_151 = tpu.matmul %broadcast_in_dim3A_147, %get3A_150, %dot_general3A {dimension_numbers = #tpu.dot_dimension_numbers<[1], [0], [0], [1], [0, 0, 1, 1], [], []>, transpose_lhs_hint = false} : vector<8x128xf32>, vector<128x64xf32>, vector<8x64xf32> -> vector<8x64xf32>
    %get3A_152 = arith.constant 0 : index
    %get3A_153 = arith.constant 0 : index
    %get3A_154 = vector.load %arg3[%get3A_152, %get3A_153] : memref<1x64xf32, #tpu.memory_space<vmem>>, vector<1x64xf32>
    %add3A_155 = vector.broadcast %get3A_154 : vector<1x64xf32> to vector<8x64xf32>
    %add3A_156 = arith.addf %dot_general3A_151, %add3A_155 : vector<8x64xf32>
    %max3A = arith.constant 0.000000e+00 : f32
    %max3A_157 = vector.broadcast %max3A : f32 to vector<8x64xf32>
    %max3A_158 = arith.maximumf %add3A_156, %max3A_157 : vector<8x64xf32>
    %get3A_159 = arith.constant 0 : index
    %get3A_160 = arith.constant 0 : index
    %get3A_161 = vector.load %arg4[%get3A_159, %get3A_160] : memref<64x64xf32, #tpu.memory_space<vmem>>, vector<64x64xf32>
    %dot_general3A_162 = arith.constant dense<0.000000e+00> : vector<8x64xf32>
    %dot_general3A_163 = tpu.matmul %max3A_158, %get3A_161, %dot_general3A_162 {dimension_numbers = #tpu.dot_dimension_numbers<[1], [0], [0], [1], [0, 0, 1, 1], [], []>, transpose_lhs_hint = false} : vector<8x64xf32>, vector<64x64xf32>, vector<8x64xf32> -> vector<8x64xf32>
    %get3A_164 = arith.constant 0 : index
    %get3A_165 = arith.constant 0 : index
    %get3A_166 = vector.load %arg5[%get3A_164, %get3A_165] : memref<1x64xf32, #tpu.memory_space<vmem>>, vector<1x64xf32>
    %add3A_167 = vector.broadcast %get3A_166 : vector<1x64xf32> to vector<8x64xf32>
    %add3A_168 = arith.addf %dot_general3A_163, %add3A_167 : vector<8x64xf32>
    %get3A_169 = arith.constant 0 : index
    %get3A_170 = arith.constant 0 : index
    %get3A_171 = vector.load %arg6[%get3A_169, %get3A_170] : memref<64x128xf32, #tpu.memory_space<vmem>>, vector<64x128xf32>
    %dot_general3A_172 = arith.constant dense<0.000000e+00> : vector<8x128xf32>
    %dot_general3A_173 = tpu.matmul %add3A_168, %get3A_171, %dot_general3A_172 {dimension_numbers = #tpu.dot_dimension_numbers<[1], [0], [0], [1], [0, 0, 1, 1], [], []>, transpose_lhs_hint = false} : vector<8x64xf32>, vector<64x128xf32>, vector<8x128xf32> -> vector<8x128xf32>
    %get3A_174 = arith.constant 0 : index
    %get3A_175 = arith.constant 0 : index
    %get3A_176 = vector.load %arg7[%get3A_174, %get3A_175] : memref<1x128xf32, #tpu.memory_space<vmem>>, vector<1x128xf32>
    %add3A_177 = vector.broadcast %get3A_176 : vector<1x128xf32> to vector<8x128xf32>
    %add3A_178 = arith.addf %dot_general3A_173, %add3A_177 : vector<8x128xf32>
    %max3A_179 = arith.constant 0.000000e+00 : f32
    %max3A_180 = vector.broadcast %max3A_179 : f32 to vector<8x128xf32>
    %max3A_181 = arith.maximumf %add3A_178, %max3A_180 : vector<8x128xf32>
    %get3A_182 = arith.constant 0 : index
    %get3A_183 = arith.constant 0 : index
    %get3A_184 = vector.load %arg8[%get3A_182, %get3A_183] : memref<128x128xf32, #tpu.memory_space<vmem>>, vector<128x128xf32>
    %dot_general3A_185 = arith.constant dense<0.000000e+00> : vector<8x128xf32>
    %dot_general3A_186 = tpu.matmul %max3A_181, %get3A_184, %dot_general3A_185 {dimension_numbers = #tpu.dot_dimension_numbers<[1], [0], [0], [1], [0, 0, 1, 1], [], []>, transpose_lhs_hint = false} : vector<8x128xf32>, vector<128x128xf32>, vector<8x128xf32> -> vector<8x128xf32>
    %get3A_187 = arith.constant 0 : index
    %get3A_188 = arith.constant 0 : index
    %get3A_189 = vector.load %arg9[%get3A_187, %get3A_188] : memref<1x128xf32, #tpu.memory_space<vmem>>, vector<1x128xf32>
    %add3A_190 = vector.broadcast %get3A_189 : vector<1x128xf32> to vector<8x128xf32>
    %add3A_191 = arith.addf %dot_general3A_186, %add3A_190 : vector<8x128xf32>
    %max3A_192 = arith.constant 0.000000e+00 : f32
    %max3A_193 = vector.broadcast %max3A_192 : f32 to vector<8x128xf32>
    %max3A_194 = arith.maximumf %add3A_191, %max3A_193 : vector<8x128xf32>
    %get3A_195 = arith.constant 0 : index
    %get3A_196 = arith.constant 0 : index
    %get3A_197 = vector.load %arg10[%get3A_195, %get3A_196] : memref<128x64xf32, #tpu.memory_space<vmem>>, vector<128x64xf32>
    %dot_general3A_198 = arith.constant dense<0.000000e+00> : vector<8x64xf32>
    %dot_general3A_199 = tpu.matmul %max3A_194, %get3A_197, %dot_general3A_198 {dimension_numbers = #tpu.dot_dimension_numbers<[1], [0], [0], [1], [0, 0, 1, 1], [], []>, transpose_lhs_hint = false} : vector<8x128xf32>, vector<128x64xf32>, vector<8x64xf32> -> vector<8x64xf32>
    %get3A_200 = arith.constant 0 : index
    %get3A_201 = arith.constant 0 : index
    %get3A_202 = vector.load %arg11[%get3A_200, %get3A_201] : memref<1x64xf32, #tpu.memory_space<vmem>>, vector<1x64xf32>
    %add3A_203 = vector.broadcast %get3A_202 : vector<1x64xf32> to vector<8x64xf32>
    %add3A_204 = arith.addf %dot_general3A_199, %add3A_203 : vector<8x64xf32>
    %get3A_205 = arith.constant 0 : index
    %get3A_206 = arith.constant 0 : index
    %get3A_207 = vector.load %arg12[%get3A_205, %get3A_206] : memref<64x64xf32, #tpu.memory_space<vmem>>, vector<64x64xf32>
    %dot_general3A_208 = arith.constant dense<0.000000e+00> : vector<8x64xf32>
    %dot_general3A_209 = tpu.matmul %add3A_168, %get3A_207, %dot_general3A_208 {dimension_numbers = #tpu.dot_dimension_numbers<[1], [0], [0], [1], [0, 0, 1, 1], [], []>, transpose_lhs_hint = false} : vector<8x64xf32>, vector<64x64xf32>, vector<8x64xf32> -> vector<8x64xf32>
    %get3A_210 = arith.constant 0 : index
    %get3A_211 = arith.constant 0 : index
    %get3A_212 = vector.load %arg13[%get3A_210, %get3A_211] : memref<1x64xf32, #tpu.memory_space<vmem>>, vector<1x64xf32>
    %add3A_213 = vector.broadcast %get3A_212 : vector<1x64xf32> to vector<8x64xf32>
    %add3A_214 = arith.addf %dot_general3A_209, %add3A_213 : vector<8x64xf32>
    %max3A_215 = arith.constant 0.000000e+00 : f32
    %max3A_216 = vector.broadcast %max3A_215 : f32 to vector<8x64xf32>
    %max3A_217 = arith.maximumf %add3A_214, %max3A_216 : vector<8x64xf32>
    %get3A_218 = arith.constant 0 : index
    %get3A_219 = arith.constant 0 : index
    %get3A_220 = vector.load %arg14[%get3A_218, %get3A_219] : memref<64x32xf32, #tpu.memory_space<vmem>>, vector<64x32xf32>
    %dot_general3A_221 = arith.constant dense<0.000000e+00> : vector<8x32xf32>
    %dot_general3A_222 = tpu.matmul %max3A_217, %get3A_220, %dot_general3A_221 {dimension_numbers = #tpu.dot_dimension_numbers<[1], [0], [0], [1], [0, 0, 1, 1], [], []>, transpose_lhs_hint = false} : vector<8x64xf32>, vector<64x32xf32>, vector<8x32xf32> -> vector<8x32xf32>
    %get3A_223 = arith.constant 0 : index
    %get3A_224 = arith.constant 0 : index
    %get3A_225 = vector.load %arg15[%get3A_223, %get3A_224] : memref<1x32xf32, #tpu.memory_space<vmem>>, vector<1x32xf32>
    %add3A_226 = vector.broadcast %get3A_225 : vector<1x32xf32> to vector<8x32xf32>
    %add3A_227 = arith.addf %dot_general3A_222, %add3A_226 : vector<8x32xf32>
    %max3A_228 = arith.constant 0.000000e+00 : f32
    %max3A_229 = vector.broadcast %max3A_228 : f32 to vector<8x32xf32>
    %max3A_230 = arith.maximumf %add3A_227, %max3A_229 : vector<8x32xf32>
    %get3A_231 = arith.constant 0 : index
    %get3A_232 = arith.constant 0 : index
    %get3A_233 = vector.load %arg16[%get3A_231, %get3A_232] : memref<32x128xf32, #tpu.memory_space<vmem>>, vector<32x128xf32>
    %dot_general3A_234 = arith.constant dense<0.000000e+00> : vector<8x128xf32>
    %dot_general3A_235 = tpu.matmul %max3A_230, %get3A_233, %dot_general3A_234 {dimension_numbers = #tpu.dot_dimension_numbers<[1], [0], [0], [1], [0, 0, 1, 1], [], []>, transpose_lhs_hint = false} : vector<8x32xf32>, vector<32x128xf32>, vector<8x128xf32> -> vector<8x128xf32>
    %get3A_236 = arith.constant 0 : index
    %get3A_237 = arith.constant 0 : index
    %get3A_238 = vector.load %arg17[%get3A_236, %get3A_237] : memref<1x128xf32, #tpu.memory_space<vmem>>, vector<1x128xf32>
    %add3A_239 = vector.broadcast %get3A_238 : vector<1x128xf32> to vector<8x128xf32>
    %add3A_240 = arith.addf %dot_general3A_235, %add3A_239 : vector<8x128xf32>
    %swap3A = arith.constant 0 : index
    %swap3A_241 = arith.constant 0 : index
    %swap3A_242 = vector.load %arg18[%swap3A, %swap3A_241] : memref<8x64xf32, #tpu.memory_space<vmem>>, vector<8x64xf32>
    tpu.vector_store %arg18[%swap3A, %swap3A_241], %add3A_204 {strides = array<i32>} : memref<8x64xf32, #tpu.memory_space<vmem>>, vector<8x64xf32>,
    %swap3A_243 = arith.constant 0 : index
    %swap3A_244 = arith.constant 0 : index
    %swap3A_245 = vector.load %arg19[%swap3A_243, %swap3A_244] : memref<8x128xf32, #tpu.memory_space<vmem>>, vector<8x128xf32>
    tpu.vector_store %arg19[%swap3A_243, %swap3A_244], %add3A_240 {strides = array<i32>} : memref<8x128xf32, #tpu.memory_space<vmem>>, vector<8x128xf32>,
    %swap3A_246 = arith.constant 0 : index
    %swap3A_247 = arith.constant 0 : index
    %swap3A_248 = vector.load %arg20[%swap3A_246, %swap3A_247] : memref<8x64xf32, #tpu.memory_space<vmem>>, vector<8x64xf32>
    tpu.vector_store %arg20[%swap3A_246, %swap3A_247], %add3A_168 {strides = array<i32>} : memref<8x64xf32, #tpu.memory_space<vmem>>, vector<8x64xf32>,
    return
  }
}

</mosaic_0001>

<sc_bundles>
// kernel: kernel.19.cloned.1.call-start
scs
__scs_entry_jumppad:
0x0: {  	(pc) =	sbr.rel $0x88, $3  }
0x1: {  	(tag) =	ssettag $0x0;
	lr =	simm.s32 $0x1  }
0x2: {  	[smem:$0x3F75] =	sst lr;
	_ =	strace $0xD0000000  }
0x3: {  	_ = 	snop  }
0x4: {  	_ = 	snop  }
0x5: {  	_ = 	snop  }
0x6: {  	_ = 	snop  }
0x7: {  	_ = 	snop  }
__scs_overlays_trampoline_lowered:
0x8: {  	[smem:$0x3F84] =	sst s0  }
0x9: {  	[smem:$0x3F85] =	sst s1  }
0xa: {  	[smem:$0x3F86] =	sst s2  }
0xb: {  	[smem:$0x3F87] =	sst s3  }
0xc: {  	[smem:$0x3F88] =	sst s4  }
0xd: {  	[smem:$0x3F89] =	sst s5  }
0xe: {  	[smem:$0x3F8A] =	sst s6  }
0xf: {  	[smem:$0x3F8B] =	sst s7  }
0x10: {  	[smem:$0x3F8C] =	sst s8  }
0x11: {  	[smem:$0x3F8D] =	sst s9;
	s0 =	simm.s32 @!p0 $0x0  }
0x12: {  	s1 =	sld [smem:$0x3F73];
	s0 =	simm.s32 @p0 $0x1  }
0x13: {  	[smem:$0x3F8E] =	sst s0;
	s0 =	simm.s32 @!p1 $0x0  }
0x14: {  	s2 =	sld [smem:$0x3F72];
	s0 =	simm.s32 @p1 $0x1  }
0x15: {  	[smem:$0x3F8F] =	sst s0;
	s0 =	simm.s32 @!p2 $0x0  }
0x16: {  	s3 =	sld [smem:$0x3FDB];
	s0 =	simm.s32 @p2 $0x1  }
0x17: {  	s4 =	simm.s32 $0x1BF5;
	[smem:$0x3F91] =	sst s0  }
0x18: {  	s0 =	sld [smem:$0x3F74];
	_ =	swait.ge [sflag:s4], $0x0  }
0x19: {  	s7 =	sld [smem:$0x3F75]  }
0x1a: {  	s8 =	sadd.s32 $0xFFFFE003, lr  }
0x1b: {  	s9 =	sadd.s32 $0xFFFFFEF7, lr;
	s5 =	simm.s32 $0xFFFFFFFF;
	p2 =	slt.u32 s8, $0xFFFFF086  }
0x1c: {  	p1 =	slt.u32 s9, $0xF7A;
	s5 =	simm.s32 @!p2 $0x0  }
0x1d: {  	s5 =	simm.s32 @p1 $0x1;
	p0 =	seq.s32 s7, s2  }
0x1e: {  	s7 =	smul.u32 @!p0 $0xF7A, s2;
	p2 =	seq.s32 @!p0 s5, $0x0  }
0x1f: {  	s9 =	smul.u32 $0xF7A, s1;
	s8 =	simm.s32 @!p0 $0x1BF5;
	p2 =	por !p2, p0  }
0x20: {  	[sflag:s8] =	ssyncset.s32 @!p0 $0xFFFFF086;
	s6 =	sadd.s32 @!p0 s3, s7;
	s7 =	simm.s32 @!p0 $0x108  }
0x21: {  	s3 =	sadd.s32 s3, s9;
	s6 =	sadd.s32 @!p0 $0x88, s6;
	s7 =	simm.s32 @p2 $0x1082  }
0x22: {  	[simem:s7], [sflag:s8] =	dma.local @!p0 [hbm:s6], $0xF7A  }
0x23: {  	s9 =	sor.u32 $0xD0000000, s2;
	s6 =	simm.s32 $0x108;
	_ =	swait.ge @!p0 [sflag:s8], $0x0  }
0x24: {  	s3 =	sadd.s32 $0x88, s3;
	s6 =	simm.s32 @!p1 $0x1082;
	[sflag:s4] =	ssyncset.s32 $0xFFFFF086  }
0x25: {  	[simem:s6], [sflag:s4] =	dma.local [hbm:s3], $0xF7A  }
0x26: {  	[smem:$0x3F75] =	sst s1;
	(tag) =	ssettag s2;
	_ =	strace s9  }
0x27: {  	s1 =	sld [smem:$0x3F85]  }
0x28: {  	s2 =	sld [smem:$0x3F86]  }
0x29: {  	s4 =	sld [smem:$0x3F88]  }
0x2a: {  	p0 =	seq.s32 s5, $0x0;
	s5 =	sld [smem:$0x3F89]  }
0x2b: {  	s6 =	sld [smem:$0x3F8A]  }
0x2c: {  	s7 =	sld [smem:$0x3F8B]  }
0x2d: {  	s3 =	simm.s32 $0x108;
	s8 =	sld [smem:$0x3F8C]  }
0x2e: {  	s3 =	simm.s32 @!p0 $0x1082;
	s9 =	sld [smem:$0x3F8D]  }
0x2f: {  	lr =	sadd.s32 s0, s3;
	s0 =	sld [smem:$0x3F84]  }
0x30: {  	s3 =	sld [smem:$0x3F87]  }
0x31: {  	[smem:$0x3F90] =	sst s10  }
0x32: {  	s10 =	sld [smem:$0x3F8E];
	_ =	sdelay $0x3  }
0x33: {  	p0 =	seq.s32 s10, $0x1;
	s10 =	sld [smem:$0x3F90];
	_ =	sdelay $0x3  }
0x34: {  	[smem:$0x3F90] =	sst s10  }
0x35: {  	s10 =	sld [smem:$0x3F8F];
	_ =	sdelay $0x3  }
0x36: {  	p1 =	seq.s32 s10, $0x1;
	s10 =	sld [smem:$0x3F90];
	_ =	sdelay $0x3  }
0x37: {  	[smem:$0x3F90] =	sst s10  }
0x38: {  	s10 =	sld [smem:$0x3F91]  }
0x39: {  	_ = 	snop;
	(pc) =	sbr.ind lr, $3  }
0x3a: {  	_ = 	snop  }
0x3b: {  	_ = 	snop  }
0x3c: {  	p2 =	seq.s32 s10, $0x1;
	s10 =	sld [smem:$0x3F90]  }
0x3d: {  	_ =	shalt  }
0x3e: {  	_ =	shalt  }
0x3f: {  	_ =	shalt  }
0x40: {  	_ =	shalt  }
0x41: {  	_ =	shalt  }
0x42: {  	_ =	shalt  }
0x43: {  	_ =	shalt  }
0x44: {  	_ =	shalt  }
0x45: {  	_ =	shalt  }
0x46: {  	_ =	shalt  }
0x47: {  	_ =	shalt  }
0x48: {  	_ =	shalt  }
0x49: {  	_ =	shalt  }
0x4a: {  	_ =	shalt  }
0x4b: {  	_ =	shalt  }
0x4c: {  	_ =	shalt  }
0x4d: {  	_ =	shalt  }
0x4e: {  	_ =	shalt  }
0x4f: {  	_ =	shalt  }
0x50: {  	_ =	shalt  }
0x51: {  	_ =	shalt  }
0x52: {  	_ =	shalt  }
0x53: {  	_ =	shalt  }
0x54: {  	_ =	shalt  }
0x55: {  	_ =	shalt  }
0x56: {  	_ =	shalt  }
0x57: {  	_ =	shalt  }
0x58: {  	_ =	shalt  }
0x59: {  	_ =	shalt  }
0x5a: {  	_ =	shalt  }
0x5b: {  	_ =	shalt  }
0x5c: {  	_ =	shalt  }
0x5d: {  	_ =	shalt  }
0x5e: {  	_ =	shalt  }
0x5f: {  	_ =	shalt  }
0x60: {  	_ =	shalt  }
0x61: {  	_ =	shalt  }
0x62: {  	_ =	shalt  }
0x63: {  	_ =	shalt  }
0x64: {  	_ =	shalt  }
0x65: {  	_ =	shalt  }
0x66: {  	_ =	shalt  }
0x67: {  	_ =	shalt  }
0x68: {  	_ =	shalt  }
0x69: {  	_ =	shalt  }
0x6a: {  	_ =	shalt  }
0x6b: {  	_ =	shalt  }
0x6c: {  	_ =	shalt  }
0x6d: {  	_ =	shalt  }
0x6e: {  	_ =	shalt  }
0x6f: {  	_ =	shalt  }
0x70: {  	_ =	shalt  }
0x71: {  	_ =	shalt  }
0x72: {  	_ =	shalt  }
0x73: {  	_ =	shalt  }
0x74: {  	_ =	shalt  }
0x75: {  	_ =	shalt  }
0x76: {  	_ =	shalt  }
0x77: {  	_ =	shalt  }
0x78: {  	_ =	shalt  }
0x79: {  	_ =	shalt  }
0x7a: {  	_ =	shalt  }
0x7b: {  	_ =	shalt  }
0x7c: {  	_ =	shalt  }
0x7d: {  	_ =	shalt  }
0x7e: {  	_ =	shalt  }
0x7f: {  	_ =	shalt  }
0x80: {  	_ =	shalt  }
0x81: {  	_ =	shalt  }
0x82: {  	_ =	shalt  }
0x83: {  	_ =	shalt  }
0x84: {  	_ =	shalt  }
0x85: {  	_ =	shalt  }
0x86: {  	_ =	shalt  }
0x87: {  	_ =	shalt  }
.Lfunc_end0:
.L_simem_size_0:
called_computation_lowered:
.L_overlay_start_0:
0x88: {  	s2 =	sld [smem:$0x3FD9]  }
0x89: {  	s3 =	sld [smem:$0x3FFE];
	_ =	sdelay $0x1  }
0x8a: {  	s1 =	srdreg.scid  }
0x8b: {  	s0 =	sand.u32 $0x1, s1  }
0x8c: {  	s16 =	sshll.u32 s0, $0xA;
	s2 =	sadd.s32 s3, s2  }
0x8d: {  	s2 =	sadd.s32 s2, s16  }
0x8e: {  	[smem:$0x3F9C] =	sst s2  }
0x8f: {  	_ = 	snop  }
0x90: {  	(tm) =	ssettm $0x1  }
0x91: {  	s17 =	sld [smem:$0x3FFB];
	_ =	sdelay $0x3  }
0x92: {  	_ =	strace s17  }
0x93: {  	s2 =	sld [smem:$0x3FFC];
	_ =	sdelay $0x3  }
0x94: {  	_ =	strace s2  }
0x95: {  	s2 =	sld [smem:$0x3FFD];
	_ =	sdelay $0x3  }
0x96: {  	_ =	strace s2  }
0x97: {  	_ =	strace $0x8FFFFFFF  }
0x98: {  	s18 =	sld [smem:$0x3FDB];
	_ =	sdelay $0x1  }
0x99: {  	s19 =	simm.s32 $_scs_section_size  }
0x9a: {  	s4 =	simm.s32 $_size__tile_overlayer_lowered;
	s5 =	simm.s32 $_tile_overlayer_lowered  }
0x9b: {  	s22 =	simm.s32 $0x1BFF;
	s21 =	sshll.u32 s5, $0x1;
	s2 =	sadd.s32 s19, s18  }
0x9c: {  	s6 =	simm.s32 $0x0;
	s20 =	sshll.u32 s4, $0x1;
	s4 =	sadd.s32 s21, s2  }
0x9d: {  	[timem:s6], [sflag:s22] =	dma.local [hbm:s4], s20  }
0x9e: {  	_ =	swait.ge [sflag:s22], s20  }
0x9f: {  	s3 =	ssub.s32 $0x0, s20;
	[sflag:s22] =	ssyncset.done $0x0  }
0xa0: {  	[sflag:s22] =	ssyncadd.s32 s3;
	_ =	sdelay $0x1  }
0xa1: {  	s23 =	simm.s32 $0x1B8B  }
0xa2: {  	_ =	swait.ge [sflag:s23], $0x1  }
0xa3: {  	[sflag:s23] =	ssyncset.done $0x0  }
0xa4: {  	s25 =	simm.s32 $0x1B8E;
	s24 =	sld [smem:$0x3FFE];
	[sflag:s23] =	ssyncadd.s32 $0xFFFFFFFF  }
0xa5: {  	s26 =	simm.s32 $execute0_lowered;
	[smem:$0x3FD2] =	sst s25  }
0xa6: {  	s4 =	sshll.u32 s26, $0x1;
	_ =	strace $0x80000046;
	[dreg:$0x1] =	wrdreg $0xFFFFFFFF  }
0xa7: {  	s28 =	simm.s32 $_size_execute0_lowered;
	s2 =	sadd.s32 s2, s4;
	[dreg:$0x0] =	wrdreg $0x0  }
0xa8: {  	s4 =	sshll.u32 s28, $0x1;
	[dreg:$0x2] =	wrdreg s2  }
0xa9: {  	[dreg:$0x3] =	wrdreg s4  }
0xaa: {  	[dreg:$0x4] =	wrdreg $0xC0  }
0xab: {  	_ =	task [dreg:s6], $0x5FFFF  }
0xac: {  	[dreg:$0x1] =	wrdreg $0xFFFFFFFF  }
0xad: {  	[dreg:$0x0] =	wrdreg $0x60  }
0xae: {  	[dreg:$0x2] =	wrdreg s24  }
0xaf: {  	[dreg:$0x3] =	wrdreg $0xA8000  }
0xb0: {  	[dreg:$0x4] =	wrdreg $0x9  }
0xb1: {  	_ =	task.clear_ibuf [dreg:s6], $0x5FFFF;
	_ =	strace $0x90000046  }
0xb2: {  	s29 =	simm.s32 $0x9;
	_ =	strace $0x80000048  }
0xb3: {  	_ =	swait.ge [sflag:s29], $0x1  }
0xb4: {  	[sflag:s29] =	ssyncadd.s32 $0xFFFFFFFF  }
0xb5: {  	_ =	strace $0x90000048  }
0xb6: {  	_ =	sfence  }
0xb7: {  	s30 =	sld [smem:$0x0];
	_ =	sdelay $0x2  }
0xb8: {  	s31 =	sshll.u32 s1, $0xD;
	s1 =	sshrl.u32 s1, $0x2  }
0xb9: {  	s3 =	sand.u32 $0x4000, s31;
	s1 =	sadd.s32 s1, s30  }
0xba: {  	s0 =	sor.u32 s3, s0;
	s1 =	sshll.u32 s1, $0x11  }
0xbb: {  	s0 =	sor.u32 s1, s0  }
0xbc: {  	s0 =	sadd.s32 $0x8F2B, s0  }
0xbd: {  	[sflag:s0] =	ssyncadd.remote.s32 $0x1  }
0xbe: {  	_ =	sfence.sel $0xFFFF  }
0xbf: {  	[dreg:$0x0] =	wrdreg $0xFFFFFFFF;
	(pc) =	sbr.abs _section_cstart, $3  }
0xc0: {  	[dreg:$0x1] =	wrdreg $0xFFFFFFFF  }
0xc1: {  	_ =	task.clear_ibuf [dreg:s6], $0x2FFFF;
	_ =	strace $0x9FFFFFFF  }
0xc2: {  	(tm) =	ssettm $0x7FFFFFFF  }
0xc3: {  	_ =	shalt  }
tec
execute0_lowered:
.L_overlay_start_1:
0x0: {  	(tag) =	ssettag $0x1  }
0x1: {  	s0 =	srdreg.scid;
	s5 =	rddreg [dreg:$0x0]  }
0x2: {  	s7 =	stileid.u32;
	s2 =	rddreg [dreg:$0x1]  }
0x3: {  	s3 =	simm.s32 $0x0;
	s18 =	simm.s32 $0x6800;
	s19 =	simm.s32 $0x9  }
0x4: {  	s20 =	simm.s32 $0x80;
	s21 =	simm.s32 $0x2800;
	s22 =	simm.s32 $0x1  }
0x5: {  	s23 =	simm.s32 $0x2;
	s28 =	simm.s32 $0x6;
	s29 =	simm.s32 $0x7  }
0x6: {  	s30 =	simm.s32 $0x8;
	s0 =	sand.u32 $0x1, s0;
	s6 =	smul.u32 $0x13C00, s7  }
0x7: {  	s1 =	sshll.u32 s7, $0x1;
	[smem:$0x7FF] =	sst s3;
	s7 =	smul.u32 $0x4F000, s7  }
0x8: {  	s1 =	sor.u32 s0, s1;
	s4 =	smul.u32 $0x13C000, s0;
	s0 =	ssub.s32 $0x2, s0  }
0x9: {  	_ =	strace $0x80000047;
	s1 =	smul.u32 $0x2800, s1;
	s8 =	sshrl.u32 s0, $0x1  }
0xa: {  	s24 =	sshrl.u32 s7, $0x2;
	s4 =	sadd.s32 s6, s4;
	s0 =	ssub.s32 s0, s8  }
0xb: {  	s1 =	sshrl.u32 s1, $0x3;
	s25 =	sshrl.u32 s4, $0x3;
	s4 =	sadd.s32 s24, s2  }
0xc: {  	s17 =	smax.u32 s0, $0x1;
	s24 =	simm.s32 $0x3;
	s1 =	sadd.s32 s1, s5  }
0xd: {  	s9 =	sadd.s32 s25, s5;
	s5 =	sadd.s32 $0x4000, s4;
	s6 =	sadd.s32 $0x8000, s4  }
0xe: {  	s7 =	sadd.s32 $0xC000, s4;
	s8 =	sadd.s32 $0x10000, s4;
	s25 =	simm.s32 $0x4  }
0xf: {  	s10 =	sadd.s32 $0x27600, s1;
	s26 =	sadd.s32 $0x4F600, s9;
	s31 =	sadd.s32 $0x31600, s1  }
0x10: {  	s12 =	sadd.s32 $0x9E600, s9;
	s13 =	sadd.s32 $0x3B600, s1;
	[dreg:$0x3] =	wrdreg s10  }
0x11: {  	s14 =	sadd.s32 $0xED600, s9;
	s15 =	sadd.s32 $0x45600, s1;
	[dreg:$0x4] =	wrdreg s26  }
0x12: {  	v0 =	vimm.f32 $1.000000000e+00;
	v1 =	vimm.f32 $0.0e+00;
	s16 =	sadd.s32 $0x13C600, s9;
	[dreg:$0x5] =	wrdreg s31;
	s26 =	simm.s32 $0x5  }
.LBB2_1:
0x13: {  	s0 =	simm.s32 $0x0;
	s1 =	simm.s32 $0x200  }
.LBB2_2:
0x14: {  	p0 =	sne.s32 s1, $0xFE00;
	[tilespmem:s0+$0x6870] =	vst v1  }
0x15: {  	[tilespmem:s0+$0x2800] =	vst v0  }
0x16: {  	[tilespmem:s0+$0x6800] =	vst v1  }
0x17: {  	[tilespmem:s0+$0x2810] =	vst v0  }
0x18: {  	[tilespmem:s0+$0x6810] =	vst v1  }
0x19: {  	[tilespmem:s0+$0x2820] =	vst v0  }
0x1a: {  	[tilespmem:s0+$0x6820] =	vst v1  }
0x1b: {  	[tilespmem:s0+$0x2830] =	vst v0  }
0x1c: {  	[tilespmem:s0+$0x6830] =	vst v1  }
0x1d: {  	[tilespmem:s0+$0x2840] =	vst v0  }
0x1e: {  	[tilespmem:s0+$0x6840] =	vst v1  }
.Ltmp0:
0x1f: {  	[tilespmem:s0+$0x2850] =	vst v0;
	(pc) =	sbr.rel @p0 .LBB2_2-.Ltmp0, $4  }
0x20: {  	[tilespmem:s0+$0x6850] =	vst v1  }
0x21: {  	[tilespmem:s0+$0x2860] =	vst v0  }
0x22: {  	[tilespmem:s0+$0x6860] =	vst v1  }
0x23: {  	[tilespmem:s0+$0x2870] =	vst v0;
	s0 =	sshra.s32 s1, $0x2;
	s1 =	sadd.s32 $0x200, s1  }
0x24: {  	[tilespmem:s0+$0x6870] =	vst v1  }
0x25: {  	[tilespmem:s0+$0x2800] =	vst v0  }
0x26: {  	[tilespmem:s0+$0x6800] =	vst v1  }
0x27: {  	[tilespmem:s0+$0x2810] =	vst v0  }
0x28: {  	[tilespmem:s0+$0x6810] =	vst v1  }
0x29: {  	[tilespmem:s0+$0x2820] =	vst v0  }
0x2a: {  	[tilespmem:s0+$0x6820] =	vst v1  }
0x2b: {  	[tilespmem:s0+$0x2830] =	vst v0  }
0x2c: {  	[tilespmem:s0+$0x6830] =	vst v1  }
0x2d: {  	[tilespmem:s0+$0x2840] =	vst v0  }
0x2e: {  	[tilespmem:s0+$0x6840] =	vst v1  }
0x2f: {  	[tilespmem:s0+$0x2850] =	vst v0  }
0x30: {  	[tilespmem:s0+$0x6850] =	vst v1  }
0x31: {  	[tilespmem:s0+$0x2860] =	vst v0  }
0x32: {  	[tilespmem:s0+$0x6860] =	vst v1  }
0x33: {  	[tilespmem:s0+$0x2870] =	vst v0  }
0x34: {  	[spmem:s4] =	stream.linear.scatter [tilespmem:s18], [sflag:$0x9], $0x4000, $0x38;
	[tilespmem:$0x1E400] =	vst v63  }
0x35: {  	_ =	swait.ge [sflag:s19], $0x4000  }
0x36: {  	[sflag:s19] =	ssyncset.done $0x0  }
0x37: {  	[sflag:s19] =	ssyncadd.s32 $0xFFFFC000  }
0x38: {  	[spmem:s5] =	stream.linear.scatter [tilespmem:s18], [sflag:$0x9], $0x4000, $0x38;
	[tilespmem:$0x1E400] =	vst v63  }
0x39: {  	_ =	swait.ge [sflag:s19], $0x4000  }
0x3a: {  	[sflag:s19] =	ssyncset.done $0x0  }
0x3b: {  	[sflag:s19] =	ssyncadd.s32 $0xFFFFC000  }
0x3c: {  	[spmem:s6] =	stream.linear.scatter [tilespmem:s18], [sflag:$0x9], $0x4000, $0x38;
	[tilespmem:$0x1E400] =	vst v63  }
0x3d: {  	_ =	swait.ge [sflag:s19], $0x4000  }
0x3e: {  	[sflag:s19] =	ssyncset.done $0x0  }
0x3f: {  	[sflag:s19] =	ssyncadd.s32 $0xFFFFC000  }
0x40: {  	[spmem:s7] =	stream.linear.scatter [tilespmem:s18], [sflag:$0x9], $0x4000, $0x38;
	[tilespmem:$0x1E400] =	vst v63  }
0x41: {  	_ =	swait.ge [sflag:s19], $0x4000  }
0x42: {  	[sflag:s19] =	ssyncset.done $0x0  }
0x43: {  	[sflag:s19] =	ssyncadd.s32 $0xFFFFC000  }
0x44: {  	[spmem:s8] =	stream.linear.scatter [tilespmem:s18], [sflag:$0x9], $0x3C00, $0x38;
	[tilespmem:$0x1E400] =	vst v63  }
0x45: {  	_ =	swait.ge [sflag:s19], $0x3C00  }
0x46: {  	[sflag:s19] =	ssyncset.done $0x0  }
0x47: {  	s9 =	simm.s32 $0x0;
	s1 =	rddreg [dreg:$0x3];
	[sflag:s19] =	ssyncadd.s32 $0xFFFFC400  }
0x48: {  	[tilespmem:s9], [sflag:$0x9] =	stream.linear.gather [hbm4b:s1+s9], $0x2800, $0x38;
	[tilespmem:$0x1E400] =	vst v63  }
0x49: {  	_ =	swait.ge [sflag:s19], $0x2800  }
0x4a: {  	[sflag:s19] =	ssyncset.done $0x0  }
0x4b: {  	[sflag:s19] =	ssyncadd.s32 $0xFFFFD800  }
0x4c: {  	s10 =	simm.s32 $0x0;
	[bflag:$0x0] =	sbarrier.arrive $0xFFFF  }
0x4d: {  	[spmem:s2] =	stream.indirect.scatter.add.f32 [tilespmem:s21], [sflag:$0x1], $0x80, s10, s20, $0xb8;
	[tilespmem:$0x1E400] =	vst v63  }
0x4e: {  	s11 =	simm.s32 $0x80  }
0x4f: {  	[spmem:s2] =	stream.indirect.scatter.add.f32 [tilespmem:s21], [sflag:$0x2], $0x80, s11, s20, $0xb8;
	[tilespmem:$0x1E400] =	vst v63  }
0x50: {  	s31 =	simm.s32 $0x100  }
0x51: {  	[spmem:s2] =	stream.indirect.scatter.add.f32 [tilespmem:s21], [sflag:$0x3], $0x80, s31, s20, $0xb8;
	[tilespmem:$0x1E400] =	vst v63  }
0x52: {  	s1 =	simm.s32 $0x180  }
0x53: {  	[spmem:s2] =	stream.indirect.scatter.add.f32 [tilespmem:s21], [sflag:$0x4], $0x80, s1, s20, $0xb8;
	[tilespmem:$0x1E400] =	vst v63  }
0x54: {  	s9 =	simm.s32 $0x200  }
0x55: {  	[spmem:s2] =	stream.indirect.scatter.add.f32 [tilespmem:s21], [sflag:$0x5], $0x80, s9, s20, $0xb8;
	[tilespmem:$0x1E400] =	vst v63  }
0x56: {  	s10 =	simm.s32 $0x280  }
0x57: {  	[spmem:s2] =	stream.indirect.scatter.add.f32 [tilespmem:s21], [sflag:$0x6], $0x80, s10, s20, $0xb8;
	[tilespmem:$0x1E400] =	vst v63  }
0x58: {  	s11 =	simm.s32 $0x300  }
0x59: {  	[spmem:s2] =	stream.indirect.scatter.add.f32 [tilespmem:s21], [sflag:$0x7], $0x80, s11, s20, $0xb8;
	[tilespmem:$0x1E400] =	vst v63  }
0x5a: {  	s31 =	simm.s32 $0x380  }
0x5b: {  	[spmem:s2] =	stream.indirect.scatter.add.f32 [tilespmem:s21], [sflag:$0x8], $0x80, s31, s20, $0xb8;
	[tilespmem:$0x1E400] =	vst v63  }
0x5c: {  	_ =	swait.ge [sflag:s22], $0x4000  }
0x5d: {  	[sflag:s22] =	ssyncset.done $0x0  }
0x5e: {  	[sflag:s22] =	ssyncadd.s32 $0xFFFFC000  }
0x5f: {  	_ =	swait.ge [sflag:s23], $0x4000  }
0x60: {  	[sflag:s23] =	ssyncset.done $0x0  }
0x61: {  	[sflag:s23] =	ssyncadd.s32 $0xFFFFC000  }
0x62: {  	_ =	swait.ge [sflag:s24], $0x4000  }
0x63: {  	[sflag:s24] =	ssyncset.done $0x0  }
0x64: {  	[sflag:s24] =	ssyncadd.s32 $0xFFFFC000  }
0x65: {  	_ =	swait.ge [sflag:s25], $0x4000  }
0x66: {  	[sflag:s25] =	ssyncset.done $0x0  }
0x67: {  	[sflag:s25] =	ssyncadd.s32 $0xFFFFC000  }
0x68: {  	_ =	swait.ge [sflag:s26], $0x4000  }
0x69: {  	[sflag:s26] =	ssyncset.done $0x0  }
0x6a: {  	[sflag:s26] =	ssyncadd.s32 $0xFFFFC000  }
0x6b: {  	_ =	swait.ge [sflag:s28], $0x4000  }
0x6c: {  	[sflag:s28] =	ssyncset.done $0x0  }
0x6d: {  	[sflag:s28] =	ssyncadd.s32 $0xFFFFC000  }
0x6e: {  	_ =	swait.ge [sflag:s29], $0x4000  }
0x6f: {  	[sflag:s29] =	ssyncset.done $0x0  }
0x70: {  	[sflag:s29] =	ssyncadd.s32 $0xFFFFC000  }
0x71: {  	_ =	swait.ge [sflag:s30], $0x4000  }
0x72: {  	s1 =	simm.s32 $0x1000;
	s9 =	simm.s32 $0x2000;
	[sflag:s30] =	ssyncset.done $0x0  }
.LBB2_4:
0x73: {  	s10 =	sshra.s32 s1, $0x2  }
0x74: {  	[sflag:s30] =	ssyncadd.s32 $0xFFFFC000;
	s1 =	smov.u32 s9;
	s0 =	sadd.s32 $0x1000, s9  }
0x75: {  	[spmem:s2] =	stream.indirect.scatter.add.f32 [tilespmem:s21], [sflag:$0x1], $0x80, s10, s20, $0xb8;
	[tilespmem:$0x1E400] =	vst v63  }
0x76: {  	p0 =	sne.s32 s9, $0x9000;
	s9 =	sadd.s32 $0x80, s10  }
0x77: {  	[spmem:s2] =	stream.indirect.scatter.add.f32 [tilespmem:s21], [sflag:$0x2], $0x80, s9, s20, $0xb8;
	[tilespmem:$0x1E400] =	vst v63  }
0x78: {  	s9 =	sadd.s32 $0x100, s10  }
0x79: {  	[spmem:s2] =	stream.indirect.scatter.add.f32 [tilespmem:s21], [sflag:$0x3], $0x80, s9, s20, $0xb8;
	[tilespmem:$0x1E400] =	vst v63  }
0x7a: {  	s9 =	sadd.s32 $0x180, s10  }
0x7b: {  	[spmem:s2] =	stream.indirect.scatter.add.f32 [tilespmem:s21], [sflag:$0x4], $0x80, s9, s20, $0xb8;
	[tilespmem:$0x1E400] =	vst v63  }
0x7c: {  	s9 =	sadd.s32 $0x200, s10  }
0x7d: {  	[spmem:s2] =	stream.indirect.scatter.add.f32 [tilespmem:s21], [sflag:$0x5], $0x80, s9, s20, $0xb8;
	[tilespmem:$0x1E400] =	vst v63  }
0x7e: {  	s9 =	sadd.s32 $0x280, s10  }
0x7f: {  	[spmem:s2] =	stream.indirect.scatter.add.f32 [tilespmem:s21], [sflag:$0x6], $0x80, s9, s20, $0xb8;
	[tilespmem:$0x1E400] =	vst v63  }
0x80: {  	s9 =	sadd.s32 $0x300, s10  }
0x81: {  	[spmem:s2] =	stream.indirect.scatter.add.f32 [tilespmem:s21], [sflag:$0x7], $0x80, s9, s20, $0xb8;
	[tilespmem:$0x1E400] =	vst v63  }
0x82: {  	s9 =	sadd.s32 $0x380, s10  }
0x83: {  	[spmem:s2] =	stream.indirect.scatter.add.f32 [tilespmem:s21], [sflag:$0x8], $0x80, s9, s20, $0xb8;
	[tilespmem:$0x1E400] =	vst v63  }
0x84: {  	_ =	swait.ge [sflag:s22], $0x4000  }
0x85: {  	[sflag:s22] =	ssyncset.done $0x0  }
0x86: {  	[sflag:s22] =	ssyncadd.s32 $0xFFFFC000  }
0x87: {  	_ =	swait.ge [sflag:s23], $0x4000  }
0x88: {  	[sflag:s23] =	ssyncset.done $0x0  }
0x89: {  	[sflag:s23] =	ssyncadd.s32 $0xFFFFC000  }
0x8a: {  	_ =	swait.ge [sflag:s24], $0x4000  }
0x8b: {  	[sflag:s24] =	ssyncset.done $0x0  }
0x8c: {  	[sflag:s24] =	ssyncadd.s32 $0xFFFFC000  }
0x8d: {  	_ =	swait.ge [sflag:s25], $0x4000  }
0x8e: {  	[sflag:s25] =	ssyncset.done $0x0  }
0x8f: {  	[sflag:s25] =	ssyncadd.s32 $0xFFFFC000  }
0x90: {  	_ =	swait.ge [sflag:s26], $0x4000  }
0x91: {  	[sflag:s26] =	ssyncset.done $0x0  }
0x92: {  	[sflag:s26] =	ssyncadd.s32 $0xFFFFC000  }
0x93: {  	_ =	swait.ge [sflag:s28], $0x4000  }
0x94: {  	[sflag:s28] =	ssyncset.done $0x0  }
0x95: {  	[sflag:s28] =	ssyncadd.s32 $0xFFFFC000  }
.Ltmp1:
0x96: {  	_ =	swait.ge [sflag:s29], $0x4000;
	(pc) =	sbr.rel @p0 .LBB2_4-.Ltmp1, $4  }
0x97: {  	[sflag:s29] =	ssyncset.done $0x0  }
0x98: {  	[sflag:s29] =	ssyncadd.s32 $0xFFFFC000  }
0x99: {  	_ =	swait.ge [sflag:s30], $0x4000  }
0x9a: {  	s9 =	smov.u32 s0;
	[sflag:s30] =	ssyncset.done $0x0  }
0x9b: {  	s0 =	sshra.s32 s1, $0x2;
	[sflag:s30] =	ssyncadd.s32 $0xFFFFC000  }
0x9c: {  	[spmem:s2] =	stream.indirect.scatter.add.f32 [tilespmem:s21], [sflag:$0x1], $0x80, s0, s20, $0xb8;
	[tilespmem:$0x1E400] =	vst v63  }
0x9d: {  	s1 =	sadd.s32 $0x80, s0  }
0x9e: {  	[spmem:s2] =	stream.indirect.scatter.add.f32 [tilespmem:s21], [sflag:$0x2], $0x80, s1, s20, $0xb8;
	[tilespmem:$0x1E400] =	vst v63  }
0x9f: {  	s10 =	sadd.s32 $0x100, s0  }
0xa0: {  	[spmem:s2] =	stream.indirect.scatter.add.f32 [tilespmem:s21], [sflag:$0x3], $0x80, s10, s20, $0xb8;
	[tilespmem:$0x1E400] =	vst v63  }
0xa1: {  	s11 =	sadd.s32 $0x180, s0  }
0xa2: {  	[spmem:s2] =	stream.indirect.scatter.add.f32 [tilespmem:s21], [sflag:$0x4], $0x80, s11, s20, $0xb8;
	[tilespmem:$0x1E400] =	vst v63  }
0xa3: {  	s9 =	sadd.s32 $0x200, s0  }
0xa4: {  	[spmem:s2] =	stream.indirect.scatter.add.f32 [tilespmem:s21], [sflag:$0x5], $0x80, s9, s20, $0xb8;
	[tilespmem:$0x1E400] =	vst v63  }
0xa5: {  	s10 =	sadd.s32 $0x280, s0  }
0xa6: {  	[spmem:s2] =	stream.indirect.scatter.add.f32 [tilespmem:s21], [sflag:$0x6], $0x80, s10, s20, $0xb8;
	[tilespmem:$0x1E400] =	vst v63  }
0xa7: {  	s11 =	sadd.s32 $0x300, s0  }
0xa8: {  	[spmem:s2] =	stream.indirect.scatter.add.f32 [tilespmem:s21], [sflag:$0x7], $0x80, s11, s20, $0xb8;
	[tilespmem:$0x1E400] =	vst v63  }
0xa9: {  	s0 =	sadd.s32 $0x380, s0  }
0xaa: {  	[spmem:s2] =	stream.indirect.scatter.add.f32 [tilespmem:s21], [sflag:$0x8], $0x80, s0, s20, $0xb8;
	[tilespmem:$0x1E400] =	vst v63  }
0xab: {  	_ =	swait.ge [sflag:s22], $0x4000  }
0xac: {  	[sflag:s22] =	ssyncset.done $0x0  }
0xad: {  	[sflag:s22] =	ssyncadd.s32 $0xFFFFC000  }
0xae: {  	_ =	swait.ge [sflag:s23], $0x4000  }
0xaf: {  	[sflag:s23] =	ssyncset.done $0x0  }
0xb0: {  	[sflag:s23] =	ssyncadd.s32 $0xFFFFC000  }
0xb1: {  	_ =	swait.ge [sflag:s24], $0x4000  }
0xb2: {  	[sflag:s24] =	ssyncset.done $0x0  }
0xb3: {  	[sflag:s24] =	ssyncadd.s32 $0xFFFFC000  }
0xb4: {  	_ =	swait.ge [sflag:s25], $0x4000  }
0xb5: {  	[sflag:s25] =	ssyncset.done $0x0  }
0xb6: {  	[sflag:s25] =	ssyncadd.s32 $0xFFFFC000  }
0xb7: {  	_ =	swait.ge [sflag:s26], $0x4000  }
0xb8: {  	[sflag:s26] =	ssyncset.done $0x0  }
0xb9: {  	[sflag:s26] =	ssyncadd.s32 $0xFFFFC000  }
0xba: {  	_ =	swait.ge [sflag:s28], $0x4000  }
0xbb: {  	[sflag:s28] =	ssyncset.done $0x0  }
0xbc: {  	[sflag:s28] =	ssyncadd.s32 $0xFFFFC000  }
0xbd: {  	_ =	swait.ge [sflag:s29], $0x4000  }
0xbe: {  	[sflag:s29] =	ssyncset.done $0x0  }
0xbf: {  	[sflag:s29] =	ssyncadd.s32 $0xFFFFC000  }
0xc0: {  	_ =	swait.ge [sflag:s30], $0x4000  }
0xc1: {  	[sflag:s30] =	ssyncset.done $0x0  }
0xc2: {  	s9 =	stileid.u32;
	[sflag:s30] =	ssyncadd.s32 $0xFFFFC000  }
0xc3: {  	s0 =	sshll.u32 s9, $0x6;
	[bflag:$0x0] =	sbarrier.arrive $0xFFFF  }
0xc4: {  	s1 =	sshrl.u32 s4, $0x3;
	s31 =	sor.u32 $0x1C09, s0;
	s10 =	rddreg [dreg:$0x4]  }
0xc5: {  	[hbm:s10], [sflag:s31] =	dma.local [spmem:s1], $0x2780  }
0xc6: {  	_ =	swait.ge [sflag:s19], $0x2780  }
0xc7: {  	[sflag:s19] =	ssyncset.done $0x0  }
0xc8: {  	[sflag:s19] =	ssyncadd.s32 $0xFFFFD880  }
0xc9: {  	[bflag:$0x0] =	sbarrier.arrive $0xFFFF  }
0xca: {  	[spmem:s4] =	stream.linear.scatter [tilespmem:s18], [sflag:$0x9], $0x4000, $0x38;
	[tilespmem:$0x1E400] =	vst v63  }
0xcb: {  	_ =	swait.ge [sflag:s19], $0x4000  }
0xcc: {  	[sflag:s19] =	ssyncset.done $0x0  }
0xcd: {  	[sflag:s19] =	ssyncadd.s32 $0xFFFFC000  }
0xce: {  	[spmem:s5] =	stream.linear.scatter [tilespmem:s18], [sflag:$0x9], $0x4000, $0x38;
	[tilespmem:$0x1E400] =	vst v63  }
0xcf: {  	_ =	swait.ge [sflag:s19], $0x4000  }
0xd0: {  	[sflag:s19] =	ssyncset.done $0x0  }
0xd1: {  	[sflag:s19] =	ssyncadd.s32 $0xFFFFC000  }
0xd2: {  	[spmem:s6] =	stream.linear.scatter [tilespmem:s18], [sflag:$0x9], $0x4000, $0x38;
	[tilespmem:$0x1E400] =	vst v63  }
0xd3: {  	_ =	swait.ge [sflag:s19], $0x4000  }
0xd4: {  	[sflag:s19] =	ssyncset.done $0x0  }
0xd5: {  	[sflag:s19] =	ssyncadd.s32 $0xFFFFC000  }
0xd6: {  	[spmem:s7] =	stream.linear.scatter [tilespmem:s18], [sflag:$0x9], $0x4000, $0x38;
	[tilespmem:$0x1E400] =	vst v63  }
0xd7: {  	_ =	swait.ge [sflag:s19], $0x4000  }
0xd8: {  	[sflag:s19] =	ssyncset.done $0x0  }
0xd9: {  	[sflag:s19] =	ssyncadd.s32 $0xFFFFC000  }
0xda: {  	[spmem:s8] =	stream.linear.scatter [tilespmem:s18], [sflag:$0x9], $0x3C00, $0x38;
	[tilespmem:$0x1E400] =	vst v63  }
0xdb: {  	_ =	swait.ge [sflag:s19], $0x3C00  }
0xdc: {  	[sflag:s19] =	ssyncset.done $0x0  }
0xdd: {  	s11 =	simm.s32 $0x0;
	s9 =	rddreg [dreg:$0x5];
	[sflag:s19] =	ssyncadd.s32 $0xFFFFC400  }
0xde: {  	[tilespmem:s11], [sflag:$0x9] =	stream.linear.gather [hbm4b:s9+s11], $0x2800, $0x38;
	[tilespmem:$0x1E400] =	vst v63  }
0xdf: {  	_ =	swait.ge [sflag:s19], $0x2800  }
0xe0: {  	[sflag:s19] =	ssyncset.done $0x0  }
0xe1: {  	[sflag:s19] =	ssyncadd.s32 $0xFFFFD800  }
0xe2: {  	s10 =	simm.s32 $0x0;
	[bflag:$0x0] =	sbarrier.arrive $0xFFFF  }
0xe3: {  	[spmem:s2] =	stream.indirect.scatter.add.f32 [tilespmem:s21], [sflag:$0x1], $0x80, s10, s20, $0xb8;
	[tilespmem:$0x1E400] =	vst v63  }
0xe4: {  	s11 =	simm.s32 $0x80  }
0xe5: {  	[spmem:s2] =	stream.indirect.scatter.add.f32 [tilespmem:s21], [sflag:$0x2], $0x80, s11, s20, $0xb8;
	[tilespmem:$0x1E400] =	vst v63  }
0xe6: {  	s9 =	simm.s32 $0x100  }
0xe7: {  	[spmem:s2] =	stream.indirect.scatter.add.f32 [tilespmem:s21], [sflag:$0x3], $0x80, s9, s20, $0xb8;
	[tilespmem:$0x1E400] =	vst v63  }
0xe8: {  	s10 =	simm.s32 $0x180  }
0xe9: {  	[spmem:s2] =	stream.indirect.scatter.add.f32 [tilespmem:s21], [sflag:$0x4], $0x80, s10, s20, $0xb8;
	[tilespmem:$0x1E400] =	vst v63  }
0xea: {  	s11 =	simm.s32 $0x200  }
0xeb: {  	[spmem:s2] =	stream.indirect.scatter.add.f32 [tilespmem:s21], [sflag:$0x5], $0x80, s11, s20, $0xb8;
	[tilespmem:$0x1E400] =	vst v63  }
0xec: {  	s9 =	simm.s32 $0x280  }
0xed: {  	[spmem:s2] =	stream.indirect.scatter.add.f32 [tilespmem:s21], [sflag:$0x6], $0x80, s9, s20, $0xb8;
	[tilespmem:$0x1E400] =	vst v63  }
0xee: {  	s10 =	simm.s32 $0x300  }
0xef: {  	[spmem:s2] =	stream.indirect.scatter.add.f32 [tilespmem:s21], [sflag:$0x7], $0x80, s10, s20, $0xb8;
	[tilespmem:$0x1E400] =	vst v63  }
0xf0: {  	s11 =	simm.s32 $0x380  }
0xf1: {  	[spmem:s2] =	stream.indirect.scatter.add.f32 [tilespmem:s21], [sflag:$0x8], $0x80, s11, s20, $0xb8;
	[tilespmem:$0x1E400] =	vst v63  }
0xf2: {  	_ =	swait.ge [sflag:s22], $0x4000  }
0xf3: {  	[sflag:s22] =	ssyncset.done $0x0  }
0xf4: {  	[sflag:s22] =	ssyncadd.s32 $0xFFFFC000  }
0xf5: {  	_ =	swait.ge [sflag:s23], $0x4000  }
0xf6: {  	[sflag:s23] =	ssyncset.done $0x0  }
0xf7: {  	[sflag:s23] =	ssyncadd.s32 $0xFFFFC000  }
0xf8: {  	_ =	swait.ge [sflag:s24], $0x4000  }
0xf9: {  	[sflag:s24] =	ssyncset.done $0x0  }
0xfa: {  	[sflag:s24] =	ssyncadd.s32 $0xFFFFC000  }
0xfb: {  	_ =	swait.ge [sflag:s25], $0x4000  }
0xfc: {  	[sflag:s25] =	ssyncset.done $0x0  }
0xfd: {  	[sflag:s25] =	ssyncadd.s32 $0xFFFFC000  }
0xfe: {  	_ =	swait.ge [sflag:s26], $0x4000  }
0xff: {  	[sflag:s26] =	ssyncset.done $0x0  }
0x100: {  	[sflag:s26] =	ssyncadd.s32 $0xFFFFC000  }
0x101: {  	_ =	swait.ge [sflag:s28], $0x4000  }
0x102: {  	[sflag:s28] =	ssyncset.done $0x0  }
0x103: {  	[sflag:s28] =	ssyncadd.s32 $0xFFFFC000  }
0x104: {  	_ =	swait.ge [sflag:s29], $0x4000  }
0x105: {  	[sflag:s29] =	ssyncset.done $0x0  }
0x106: {  	[sflag:s29] =	ssyncadd.s32 $0xFFFFC000  }
0x107: {  	_ =	swait.ge [sflag:s30], $0x4000  }
0x108: {  	s0 =	simm.s32 $0x1000;
	s9 =	simm.s32 $0x2000;
	[sflag:s30] =	ssyncset.done $0x0  }
.LBB2_6:
0x109: {  	s11 =	sshra.s32 s0, $0x2  }
0x10a: {  	[sflag:s30] =	ssyncadd.s32 $0xFFFFC000;
	s0 =	smov.u32 s9;
	s10 =	sadd.s32 $0x1000, s9  }
0x10b: {  	[spmem:s2] =	stream.indirect.scatter.add.f32 [tilespmem:s21], [sflag:$0x1], $0x80, s11, s20, $0xb8;
	[tilespmem:$0x1E400] =	vst v63  }
0x10c: {  	p0 =	sne.s32 s9, $0x9000;
	s9 =	sadd.s32 $0x80, s11  }
0x10d: {  	[spmem:s2] =	stream.indirect.scatter.add.f32 [tilespmem:s21], [sflag:$0x2], $0x80, s9, s20, $0xb8;
	[tilespmem:$0x1E400] =	vst v63  }
0x10e: {  	s9 =	sadd.s32 $0x100, s11  }
0x10f: {  	[spmem:s2] =	stream.indirect.scatter.add.f32 [tilespmem:s21], [sflag:$0x3], $0x80, s9, s20, $0xb8;
	[tilespmem:$0x1E400] =	vst v63  }
0x110: {  	s9 =	sadd.s32 $0x180, s11  }
0x111: {  	[spmem:s2] =	stream.indirect.scatter.add.f32 [tilespmem:s21], [sflag:$0x4], $0x80, s9, s20, $0xb8;
	[tilespmem:$0x1E400] =	vst v63  }
0x112: {  	s9 =	sadd.s32 $0x200, s11  }
0x113: {  	[spmem:s2] =	stream.indirect.scatter.add.f32 [tilespmem:s21], [sflag:$0x5], $0x80, s9, s20, $0xb8;
	[tilespmem:$0x1E400] =	vst v63  }
0x114: {  	s9 =	sadd.s32 $0x280, s11  }
0x115: {  	[spmem:s2] =	stream.indirect.scatter.add.f32 [tilespmem:s21], [sflag:$0x6], $0x80, s9, s20, $0xb8;
	[tilespmem:$0x1E400] =	vst v63  }
0x116: {  	s9 =	sadd.s32 $0x300, s11  }
0x117: {  	[spmem:s2] =	stream.indirect.scatter.add.f32 [tilespmem:s21], [sflag:$0x7], $0x80, s9, s20, $0xb8;
	[tilespmem:$0x1E400] =	vst v63  }
0x118: {  	s9 =	sadd.s32 $0x380, s11  }
0x119: {  	[spmem:s2] =	stream.indirect.scatter.add.f32 [tilespmem:s21], [sflag:$0x8], $0x80, s9, s20, $0xb8;
	[tilespmem:$0x1E400] =	vst v63  }
0x11a: {  	_ =	swait.ge [sflag:s22], $0x4000  }
0x11b: {  	[sflag:s22] =	ssyncset.done $0x0  }
0x11c: {  	[sflag:s22] =	ssyncadd.s32 $0xFFFFC000  }
0x11d: {  	_ =	swait.ge [sflag:s23], $0x4000  }
0x11e: {  	[sflag:s23] =	ssyncset.done $0x0  }
0x11f: {  	[sflag:s23] =	ssyncadd.s32 $0xFFFFC000  }
0x120: {  	_ =	swait.ge [sflag:s24], $0x4000  }
0x121: {  	[sflag:s24] =	ssyncset.done $0x0  }
0x122: {  	[sflag:s24] =	ssyncadd.s32 $0xFFFFC000  }
0x123: {  	_ =	swait.ge [sflag:s25], $0x4000  }
0x124: {  	[sflag:s25] =	ssyncset.done $0x0  }
0x125: {  	[sflag:s25] =	ssyncadd.s32 $0xFFFFC000  }
0x126: {  	_ =	swait.ge [sflag:s26], $0x4000  }
0x127: {  	[sflag:s26] =	ssyncset.done $0x0  }
0x128: {  	[sflag:s26] =	ssyncadd.s32 $0xFFFFC000  }
0x129: {  	_ =	swait.ge [sflag:s28], $0x4000  }
0x12a: {  	[sflag:s28] =	ssyncset.done $0x0  }
0x12b: {  	[sflag:s28] =	ssyncadd.s32 $0xFFFFC000  }
.Ltmp2:
0x12c: {  	_ =	swait.ge [sflag:s29], $0x4000;
	(pc) =	sbr.rel @p0 .LBB2_6-.Ltmp2, $4  }
0x12d: {  	[sflag:s29] =	ssyncset.done $0x0  }
0x12e: {  	[sflag:s29] =	ssyncadd.s32 $0xFFFFC000  }
0x12f: {  	_ =	swait.ge [sflag:s30], $0x4000  }
0x130: {  	s9 =	smov.u32 s10;
	[sflag:s30] =	ssyncset.done $0x0  }
0x131: {  	s0 =	sshra.s32 s0, $0x2;
	[sflag:s30] =	ssyncadd.s32 $0xFFFFC000  }
0x132: {  	[spmem:s2] =	stream.indirect.scatter.add.f32 [tilespmem:s21], [sflag:$0x1], $0x80, s0, s20, $0xb8;
	[tilespmem:$0x1E400] =	vst v63  }
0x133: {  	s9 =	sadd.s32 $0x80, s0  }
0x134: {  	[spmem:s2] =	stream.indirect.scatter.add.f32 [tilespmem:s21], [sflag:$0x2], $0x80, s9, s20, $0xb8;
	[tilespmem:$0x1E400] =	vst v63  }
0x135: {  	s11 =	sadd.s32 $0x100, s0  }
0x136: {  	[spmem:s2] =	stream.indirect.scatter.add.f32 [tilespmem:s21], [sflag:$0x3], $0x80, s11, s20, $0xb8;
	[tilespmem:$0x1E400] =	vst v63  }
0x137: {  	s10 =	sadd.s32 $0x180, s0  }
0x138: {  	[spmem:s2] =	stream.indirect.scatter.add.f32 [tilespmem:s21], [sflag:$0x4], $0x80, s10, s20, $0xb8;
	[tilespmem:$0x1E400] =	vst v63  }
0x139: {  	s11 =	sadd.s32 $0x200, s0  }
0x13a: {  	[spmem:s2] =	stream.indirect.scatter.add.f32 [tilespmem:s21], [sflag:$0x5], $0x80, s11, s20, $0xb8;
	[tilespmem:$0x1E400] =	vst v63  }
0x13b: {  	s10 =	sadd.s32 $0x280, s0  }
0x13c: {  	[spmem:s2] =	stream.indirect.scatter.add.f32 [tilespmem:s21], [sflag:$0x6], $0x80, s10, s20, $0xb8;
	[tilespmem:$0x1E400] =	vst v63  }
0x13d: {  	s11 =	sadd.s32 $0x300, s0  }
0x13e: {  	[spmem:s2] =	stream.indirect.scatter.add.f32 [tilespmem:s21], [sflag:$0x7], $0x80, s11, s20, $0xb8;
	[tilespmem:$0x1E400] =	vst v63  }
0x13f: {  	s0 =	sadd.s32 $0x380, s0  }
0x140: {  	[spmem:s2] =	stream.indirect.scatter.add.f32 [tilespmem:s21], [sflag:$0x8], $0x80, s0, s20, $0xb8;
	[tilespmem:$0x1E400] =	vst v63  }
0x141: {  	_ =	swait.ge [sflag:s22], $0x4000  }
0x142: {  	[sflag:s22] =	ssyncset.done $0x0  }
0x143: {  	[sflag:s22] =	ssyncadd.s32 $0xFFFFC000  }
0x144: {  	_ =	swait.ge [sflag:s23], $0x4000  }
0x145: {  	[sflag:s23] =	ssyncset.done $0x0  }
0x146: {  	[sflag:s23] =	ssyncadd.s32 $0xFFFFC000  }
0x147: {  	_ =	swait.ge [sflag:s24], $0x4000  }
0x148: {  	[sflag:s24] =	ssyncset.done $0x0  }
0x149: {  	[sflag:s24] =	ssyncadd.s32 $0xFFFFC000  }
0x14a: {  	_ =	swait.ge [sflag:s25], $0x4000  }
0x14b: {  	[sflag:s25] =	ssyncset.done $0x0  }
0x14c: {  	[sflag:s25] =	ssyncadd.s32 $0xFFFFC000  }
0x14d: {  	_ =	swait.ge [sflag:s26], $0x4000  }
0x14e: {  	[sflag:s26] =	ssyncset.done $0x0  }
0x14f: {  	[sflag:s26] =	ssyncadd.s32 $0xFFFFC000  }
0x150: {  	_ =	swait.ge [sflag:s28], $0x4000  }
0x151: {  	[sflag:s28] =	ssyncset.done $0x0  }
0x152: {  	[sflag:s28] =	ssyncadd.s32 $0xFFFFC000  }
0x153: {  	_ =	swait.ge [sflag:s29], $0x4000  }
0x154: {  	[sflag:s29] =	ssyncset.done $0x0  }
0x155: {  	[sflag:s29] =	ssyncadd.s32 $0xFFFFC000  }
0x156: {  	_ =	swait.ge [sflag:s30], $0x4000  }
0x157: {  	[sflag:s30] =	ssyncset.done $0x0  }
0x158: {  	[sflag:s30] =	ssyncadd.s32 $0xFFFFC000  }
0x159: {  	[bflag:$0x0] =	sbarrier.arrive $0xFFFF  }
0x15a: {  	[hbm:s12], [sflag:s31] =	dma.local [spmem:s1], $0x2780  }
0x15b: {  	_ =	swait.ge [sflag:s19], $0x2780  }
0x15c: {  	[sflag:s19] =	ssyncset.done $0x0  }
0x15d: {  	[sflag:s19] =	ssyncadd.s32 $0xFFFFD880  }
0x15e: {  	[bflag:$0x0] =	sbarrier.arrive $0xFFFF  }
0x15f: {  	[spmem:s4] =	stream.linear.scatter [tilespmem:s18], [sflag:$0x9], $0x4000, $0x38;
	[tilespmem:$0x1E400] =	vst v63  }
0x160: {  	_ =	swait.ge [sflag:s19], $0x4000  }
0x161: {  	[sflag:s19] =	ssyncset.done $0x0  }
0x162: {  	[sflag:s19] =	ssyncadd.s32 $0xFFFFC000  }
0x163: {  	[spmem:s5] =	stream.linear.scatter [tilespmem:s18], [sflag:$0x9], $0x4000, $0x38;
	[tilespmem:$0x1E400] =	vst v63  }
0x164: {  	_ =	swait.ge [sflag:s19], $0x4000  }
0x165: {  	[sflag:s19] =	ssyncset.done $0x0  }
0x166: {  	[sflag:s19] =	ssyncadd.s32 $0xFFFFC000  }
0x167: {  	[spmem:s6] =	stream.linear.scatter [tilespmem:s18], [sflag:$0x9], $0x4000, $0x38;
	[tilespmem:$0x1E400] =	vst v63  }
0x168: {  	_ =	swait.ge [sflag:s19], $0x4000  }
0x169: {  	[sflag:s19] =	ssyncset.done $0x0  }
0x16a: {  	[sflag:s19] =	ssyncadd.s32 $0xFFFFC000  }
0x16b: {  	[spmem:s7] =	stream.linear.scatter [tilespmem:s18], [sflag:$0x9], $0x4000, $0x38;
	[tilespmem:$0x1E400] =	vst v63  }
0x16c: {  	_ =	swait.ge [sflag:s19], $0x4000  }
0x16d: {  	[sflag:s19] =	ssyncset.done $0x0  }
0x16e: {  	[sflag:s19] =	ssyncadd.s32 $0xFFFFC000  }
0x16f: {  	[spmem:s8] =	stream.linear.scatter [tilespmem:s18], [sflag:$0x9], $0x3C00, $0x38;
	[tilespmem:$0x1E400] =	vst v63  }
0x170: {  	_ =	swait.ge [sflag:s19], $0x3C00  }
0x171: {  	[sflag:s19] =	ssyncset.done $0x0  }
0x172: {  	s9 =	simm.s32 $0x0;
	[sflag:s19] =	ssyncadd.s32 $0xFFFFC400  }
0x173: {  	[tilespmem:s9], [sflag:$0x9] =	stream.linear.gather [hbm4b:s13+s9], $0x2800, $0x38;
	[tilespmem:$0x1E400] =	vst v63  }
0x174: {  	_ =	swait.ge [sflag:s19], $0x2800  }
0x175: {  	[sflag:s19] =	ssyncset.done $0x0  }
0x176: {  	[sflag:s19] =	ssyncadd.s32 $0xFFFFD800  }
0x177: {  	s10 =	simm.s32 $0x0;
	[bflag:$0x0] =	sbarrier.arrive $0xFFFF  }
0x178: {  	[spmem:s2] =	stream.indirect.scatter.add.f32 [tilespmem:s21], [sflag:$0x1], $0x80, s10, s20, $0xb8;
	[tilespmem:$0x1E400] =	vst v63  }
0x179: {  	s11 =	simm.s32 $0x80  }
0x17a: {  	[spmem:s2] =	stream.indirect.scatter.add.f32 [tilespmem:s21], [sflag:$0x2], $0x80, s11, s20, $0xb8;
	[tilespmem:$0x1E400] =	vst v63  }
0x17b: {  	s9 =	simm.s32 $0x100  }
0x17c: {  	[spmem:s2] =	stream.indirect.scatter.add.f32 [tilespmem:s21], [sflag:$0x3], $0x80, s9, s20, $0xb8;
	[tilespmem:$0x1E400] =	vst v63  }
0x17d: {  	s10 =	simm.s32 $0x180  }
0x17e: {  	[spmem:s2] =	stream.indirect.scatter.add.f32 [tilespmem:s21], [sflag:$0x4], $0x80, s10, s20, $0xb8;
	[tilespmem:$0x1E400] =	vst v63  }
0x17f: {  	s11 =	simm.s32 $0x200  }
0x180: {  	[spmem:s2] =	stream.indirect.scatter.add.f32 [tilespmem:s21], [sflag:$0x5], $0x80, s11, s20, $0xb8;
	[tilespmem:$0x1E400] =	vst v63  }
0x181: {  	s9 =	simm.s32 $0x280  }
0x182: {  	[spmem:s2] =	stream.indirect.scatter.add.f32 [tilespmem:s21], [sflag:$0x6], $0x80, s9, s20, $0xb8;
	[tilespmem:$0x1E400] =	vst v63  }
0x183: {  	s10 =	simm.s32 $0x300  }
0x184: {  	[spmem:s2] =	stream.indirect.scatter.add.f32 [tilespmem:s21], [sflag:$0x7], $0x80, s10, s20, $0xb8;
	[tilespmem:$0x1E400] =	vst v63  }
0x185: {  	s11 =	simm.s32 $0x380  }
0x186: {  	[spmem:s2] =	stream.indirect.scatter.add.f32 [tilespmem:s21], [sflag:$0x8], $0x80, s11, s20, $0xb8;
	[tilespmem:$0x1E400] =	vst v63  }
0x187: {  	_ =	swait.ge [sflag:s22], $0x4000  }
0x188: {  	[sflag:s22] =	ssyncset.done $0x0  }
0x189: {  	[sflag:s22] =	ssyncadd.s32 $0xFFFFC000  }
0x18a: {  	_ =	swait.ge [sflag:s23], $0x4000  }
0x18b: {  	[sflag:s23] =	ssyncset.done $0x0  }
0x18c: {  	[sflag:s23] =	ssyncadd.s32 $0xFFFFC000  }
0x18d: {  	_ =	swait.ge [sflag:s24], $0x4000  }
0x18e: {  	[sflag:s24] =	ssyncset.done $0x0  }
0x18f: {  	[sflag:s24] =	ssyncadd.s32 $0xFFFFC000  }
0x190: {  	_ =	swait.ge [sflag:s25], $0x4000  }
0x191: {  	[sflag:s25] =	ssyncset.done $0x0  }
0x192: {  	[sflag:s25] =	ssyncadd.s32 $0xFFFFC000  }
0x193: {  	_ =	swait.ge [sflag:s26], $0x4000  }
0x194: {  	[sflag:s26] =	ssyncset.done $0x0  }
0x195: {  	[sflag:s26] =	ssyncadd.s32 $0xFFFFC000  }
0x196: {  	_ =	swait.ge [sflag:s28], $0x4000  }
0x197: {  	[sflag:s28] =	ssyncset.done $0x0  }
0x198: {  	[sflag:s28] =	ssyncadd.s32 $0xFFFFC000  }
0x199: {  	_ =	swait.ge [sflag:s29], $0x4000  }
0x19a: {  	[sflag:s29] =	ssyncset.done $0x0  }
0x19b: {  	[sflag:s29] =	ssyncadd.s32 $0xFFFFC000  }
0x19c: {  	_ =	swait.ge [sflag:s30], $0x4000  }
0x19d: {  	s0 =	simm.s32 $0x1000;
	s10 =	simm.s32 $0x2000;
	[sflag:s30] =	ssyncset.done $0x0  }
.LBB2_8:
0x19e: {  	s11 =	sshra.s32 s0, $0x2  }
0x19f: {  	[sflag:s30] =	ssyncadd.s32 $0xFFFFC000;
	s0 =	smov.u32 s10;
	s9 =	sadd.s32 $0x1000, s10  }
0x1a0: {  	[spmem:s2] =	stream.indirect.scatter.add.f32 [tilespmem:s21], [sflag:$0x1], $0x80, s11, s20, $0xb8;
	[tilespmem:$0x1E400] =	vst v63  }
0x1a1: {  	p0 =	sne.s32 s10, $0x9000;
	s10 =	sadd.s32 $0x80, s11  }
0x1a2: {  	[spmem:s2] =	stream.indirect.scatter.add.f32 [tilespmem:s21], [sflag:$0x2], $0x80, s10, s20, $0xb8;
	[tilespmem:$0x1E400] =	vst v63  }
0x1a3: {  	s10 =	sadd.s32 $0x100, s11  }
0x1a4: {  	[spmem:s2] =	stream.indirect.scatter.add.f32 [tilespmem:s21], [sflag:$0x3], $0x80, s10, s20, $0xb8;
	[tilespmem:$0x1E400] =	vst v63  }
0x1a5: {  	s10 =	sadd.s32 $0x180, s11  }
0x1a6: {  	[spmem:s2] =	stream.indirect.scatter.add.f32 [tilespmem:s21], [sflag:$0x4], $0x80, s10, s20, $0xb8;
	[tilespmem:$0x1E400] =	vst v63  }
0x1a7: {  	s10 =	sadd.s32 $0x200, s11  }
0x1a8: {  	[spmem:s2] =	stream.indirect.scatter.add.f32 [tilespmem:s21], [sflag:$0x5], $0x80, s10, s20, $0xb8;
	[tilespmem:$0x1E400] =	vst v63  }
0x1a9: {  	s10 =	sadd.s32 $0x280, s11  }
0x1aa: {  	[spmem:s2] =	stream.indirect.scatter.add.f32 [tilespmem:s21], [sflag:$0x6], $0x80, s10, s20, $0xb8;
	[tilespmem:$0x1E400] =	vst v63  }
0x1ab: {  	s10 =	sadd.s32 $0x300, s11  }
0x1ac: {  	[spmem:s2] =	stream.indirect.scatter.add.f32 [tilespmem:s21], [sflag:$0x7], $0x80, s10, s20, $0xb8;
	[tilespmem:$0x1E400] =	vst v63  }
0x1ad: {  	s10 =	sadd.s32 $0x380, s11  }
0x1ae: {  	[spmem:s2] =	stream.indirect.scatter.add.f32 [tilespmem:s21], [sflag:$0x8], $0x80, s10, s20, $0xb8;
	[tilespmem:$0x1E400] =	vst v63  }
0x1af: {  	_ =	swait.ge [sflag:s22], $0x4000  }
0x1b0: {  	[sflag:s22] =	ssyncset.done $0x0  }
0x1b1: {  	[sflag:s22] =	ssyncadd.s32 $0xFFFFC000  }
0x1b2: {  	_ =	swait.ge [sflag:s23], $0x4000  }
0x1b3: {  	[sflag:s23] =	ssyncset.done $0x0  }
0x1b4: {  	[sflag:s23] =	ssyncadd.s32 $0xFFFFC000  }
0x1b5: {  	_ =	swait.ge [sflag:s24], $0x4000  }
0x1b6: {  	[sflag:s24] =	ssyncset.done $0x0  }
0x1b7: {  	[sflag:s24] =	ssyncadd.s32 $0xFFFFC000  }
0x1b8: {  	_ =	swait.ge [sflag:s25], $0x4000  }
0x1b9: {  	[sflag:s25] =	ssyncset.done $0x0  }
0x1ba: {  	[sflag:s25] =	ssyncadd.s32 $0xFFFFC000  }
0x1bb: {  	_ =	swait.ge [sflag:s26], $0x4000  }
0x1bc: {  	[sflag:s26] =	ssyncset.done $0x0  }
0x1bd: {  	[sflag:s26] =	ssyncadd.s32 $0xFFFFC000  }
0x1be: {  	_ =	swait.ge [sflag:s28], $0x4000  }
0x1bf: {  	[sflag:s28] =	ssyncset.done $0x0  }
0x1c0: {  	[sflag:s28] =	ssyncadd.s32 $0xFFFFC000  }
.Ltmp3:
0x1c1: {  	_ =	swait.ge [sflag:s29], $0x4000;
	(pc) =	sbr.rel @p0 .LBB2_8-.Ltmp3, $4  }
0x1c2: {  	[sflag:s29] =	ssyncset.done $0x0  }
0x1c3: {  	[sflag:s29] =	ssyncadd.s32 $0xFFFFC000  }
0x1c4: {  	_ =	swait.ge [sflag:s30], $0x4000  }
0x1c5: {  	s10 =	smov.u32 s9;
	[sflag:s30] =	ssyncset.done $0x0  }
0x1c6: {  	s0 =	sshra.s32 s0, $0x2;
	[sflag:s30] =	ssyncadd.s32 $0xFFFFC000  }
0x1c7: {  	[spmem:s2] =	stream.indirect.scatter.add.f32 [tilespmem:s21], [sflag:$0x1], $0x80, s0, s20, $0xb8;
	[tilespmem:$0x1E400] =	vst v63  }
0x1c8: {  	s9 =	sadd.s32 $0x80, s0  }
0x1c9: {  	[spmem:s2] =	stream.indirect.scatter.add.f32 [tilespmem:s21], [sflag:$0x2], $0x80, s9, s20, $0xb8;
	[tilespmem:$0x1E400] =	vst v63  }
0x1ca: {  	s11 =	sadd.s32 $0x100, s0  }
0x1cb: {  	[spmem:s2] =	stream.indirect.scatter.add.f32 [tilespmem:s21], [sflag:$0x3], $0x80, s11, s20, $0xb8;
	[tilespmem:$0x1E400] =	vst v63  }
0x1cc: {  	s10 =	sadd.s32 $0x180, s0  }
0x1cd: {  	[spmem:s2] =	stream.indirect.scatter.add.f32 [tilespmem:s21], [sflag:$0x4], $0x80, s10, s20, $0xb8;
	[tilespmem:$0x1E400] =	vst v63  }
0x1ce: {  	s11 =	sadd.s32 $0x200, s0  }
0x1cf: {  	[spmem:s2] =	stream.indirect.scatter.add.f32 [tilespmem:s21], [sflag:$0x5], $0x80, s11, s20, $0xb8;
	[tilespmem:$0x1E400] =	vst v63  }
0x1d0: {  	s10 =	sadd.s32 $0x280, s0  }
0x1d1: {  	[spmem:s2] =	stream.indirect.scatter.add.f32 [tilespmem:s21], [sflag:$0x6], $0x80, s10, s20, $0xb8;
	[tilespmem:$0x1E400] =	vst v63  }
0x1d2: {  	s11 =	sadd.s32 $0x300, s0  }
0x1d3: {  	[spmem:s2] =	stream.indirect.scatter.add.f32 [tilespmem:s21], [sflag:$0x7], $0x80, s11, s20, $0xb8;
	[tilespmem:$0x1E400] =	vst v63  }
0x1d4: {  	s0 =	sadd.s32 $0x380, s0  }
0x1d5: {  	[spmem:s2] =	stream.indirect.scatter.add.f32 [tilespmem:s21], [sflag:$0x8], $0x80, s0, s20, $0xb8;
	[tilespmem:$0x1E400] =	vst v63  }
0x1d6: {  	_ =	swait.ge [sflag:s22], $0x4000  }
0x1d7: {  	[sflag:s22] =	ssyncset.done $0x0  }
0x1d8: {  	[sflag:s22] =	ssyncadd.s32 $0xFFFFC000  }
0x1d9: {  	_ =	swait.ge [sflag:s23], $0x4000  }
0x1da: {  	[sflag:s23] =	ssyncset.done $0x0  }
0x1db: {  	[sflag:s23] =	ssyncadd.s32 $0xFFFFC000  }
0x1dc: {  	_ =	swait.ge [sflag:s24], $0x4000  }
0x1dd: {  	[sflag:s24] =	ssyncset.done $0x0  }
0x1de: {  	[sflag:s24] =	ssyncadd.s32 $0xFFFFC000  }
0x1df: {  	_ =	swait.ge [sflag:s25], $0x4000  }
0x1e0: {  	[sflag:s25] =	ssyncset.done $0x0  }
0x1e1: {  	[sflag:s25] =	ssyncadd.s32 $0xFFFFC000  }
0x1e2: {  	_ =	swait.ge [sflag:s26], $0x4000  }
0x1e3: {  	[sflag:s26] =	ssyncset.done $0x0  }
0x1e4: {  	[sflag:s26] =	ssyncadd.s32 $0xFFFFC000  }
0x1e5: {  	_ =	swait.ge [sflag:s28], $0x4000  }
0x1e6: {  	[sflag:s28] =	ssyncset.done $0x0  }
0x1e7: {  	[sflag:s28] =	ssyncadd.s32 $0xFFFFC000  }
0x1e8: {  	_ =	swait.ge [sflag:s29], $0x4000  }
0x1e9: {  	[sflag:s29] =	ssyncset.done $0x0  }
0x1ea: {  	[sflag:s29] =	ssyncadd.s32 $0xFFFFC000  }
0x1eb: {  	_ =	swait.ge [sflag:s30], $0x4000  }
0x1ec: {  	[sflag:s30] =	ssyncset.done $0x0  }
0x1ed: {  	[sflag:s30] =	ssyncadd.s32 $0xFFFFC000  }
0x1ee: {  	[bflag:$0x0] =	sbarrier.arrive $0xFFFF  }
0x1ef: {  	[hbm:s14], [sflag:s31] =	dma.local [spmem:s1], $0x2780  }
0x1f0: {  	_ =	swait.ge [sflag:s19], $0x2780  }
0x1f1: {  	[sflag:s19] =	ssyncset.done $0x0  }
0x1f2: {  	[sflag:s19] =	ssyncadd.s32 $0xFFFFD880  }
0x1f3: {  	[bflag:$0x0] =	sbarrier.arrive $0xFFFF  }
0x1f4: {  	[spmem:s4] =	stream.linear.scatter [tilespmem:s18], [sflag:$0x9], $0x4000, $0x38;
	[tilespmem:$0x1E400] =	vst v63  }
0x1f5: {  	_ =	swait.ge [sflag:s19], $0x4000  }
0x1f6: {  	[sflag:s19] =	ssyncset.done $0x0  }
0x1f7: {  	[sflag:s19] =	ssyncadd.s32 $0xFFFFC000  }
0x1f8: {  	[spmem:s5] =	stream.linear.scatter [tilespmem:s18], [sflag:$0x9], $0x4000, $0x38;
	[tilespmem:$0x1E400] =	vst v63  }
0x1f9: {  	_ =	swait.ge [sflag:s19], $0x4000  }
0x1fa: {  	[sflag:s19] =	ssyncset.done $0x0  }
0x1fb: {  	[sflag:s19] =	ssyncadd.s32 $0xFFFFC000  }
0x1fc: {  	[spmem:s6] =	stream.linear.scatter [tilespmem:s18], [sflag:$0x9], $0x4000, $0x38;
	[tilespmem:$0x1E400] =	vst v63  }
0x1fd: {  	_ =	swait.ge [sflag:s19], $0x4000  }
0x1fe: {  	[sflag:s19] =	ssyncset.done $0x0  }
0x1ff: {  	[sflag:s19] =	ssyncadd.s32 $0xFFFFC000  }
0x200: {  	[spmem:s7] =	stream.linear.scatter [tilespmem:s18], [sflag:$0x9], $0x4000, $0x38;
	[tilespmem:$0x1E400] =	vst v63  }
0x201: {  	_ =	swait.ge [sflag:s19], $0x4000  }
0x202: {  	[sflag:s19] =	ssyncset.done $0x0  }
0x203: {  	[sflag:s19] =	ssyncadd.s32 $0xFFFFC000  }
0x204: {  	[spmem:s8] =	stream.linear.scatter [tilespmem:s18], [sflag:$0x9], $0x3C00, $0x38;
	[tilespmem:$0x1E400] =	vst v63  }
0x205: {  	_ =	swait.ge [sflag:s19], $0x3C00  }
0x206: {  	[sflag:s19] =	ssyncset.done $0x0  }
0x207: {  	s9 =	simm.s32 $0x0;
	[sflag:s19] =	ssyncadd.s32 $0xFFFFC400  }
0x208: {  	[tilespmem:s9], [sflag:$0x9] =	stream.linear.gather [hbm4b:s15+s9], $0x2800, $0x38;
	[tilespmem:$0x1E400] =	vst v63  }
0x209: {  	_ =	swait.ge [sflag:s19], $0x2800  }
0x20a: {  	[sflag:s19] =	ssyncset.done $0x0  }
0x20b: {  	[sflag:s19] =	ssyncadd.s32 $0xFFFFD800  }
0x20c: {  	s10 =	simm.s32 $0x0;
	[bflag:$0x0] =	sbarrier.arrive $0xFFFF  }
0x20d: {  	[spmem:s2] =	stream.indirect.scatter.add.f32 [tilespmem:s21], [sflag:$0x1], $0x80, s10, s20, $0xb8;
	[tilespmem:$0x1E400] =	vst v63  }
0x20e: {  	s11 =	simm.s32 $0x80  }
0x20f: {  	[spmem:s2] =	stream.indirect.scatter.add.f32 [tilespmem:s21], [sflag:$0x2], $0x80, s11, s20, $0xb8;
	[tilespmem:$0x1E400] =	vst v63  }
0x210: {  	s9 =	simm.s32 $0x100  }
0x211: {  	[spmem:s2] =	stream.indirect.scatter.add.f32 [tilespmem:s21], [sflag:$0x3], $0x80, s9, s20, $0xb8;
	[tilespmem:$0x1E400] =	vst v63  }
0x212: {  	s10 =	simm.s32 $0x180  }
0x213: {  	[spmem:s2] =	stream.indirect.scatter.add.f32 [tilespmem:s21], [sflag:$0x4], $0x80, s10, s20, $0xb8;
	[tilespmem:$0x1E400] =	vst v63  }
0x214: {  	s11 =	simm.s32 $0x200  }
0x215: {  	[spmem:s2] =	stream.indirect.scatter.add.f32 [tilespmem:s21], [sflag:$0x5], $0x80, s11, s20, $0xb8;
	[tilespmem:$0x1E400] =	vst v63  }
0x216: {  	s9 =	simm.s32 $0x280  }
0x217: {  	[spmem:s2] =	stream.indirect.scatter.add.f32 [tilespmem:s21], [sflag:$0x6], $0x80, s9, s20, $0xb8;
	[tilespmem:$0x1E400] =	vst v63  }
0x218: {  	s10 =	simm.s32 $0x300  }
0x219: {  	[spmem:s2] =	stream.indirect.scatter.add.f32 [tilespmem:s21], [sflag:$0x7], $0x80, s10, s20, $0xb8;
	[tilespmem:$0x1E400] =	vst v63  }
0x21a: {  	s11 =	simm.s32 $0x380  }
0x21b: {  	[spmem:s2] =	stream.indirect.scatter.add.f32 [tilespmem:s21], [sflag:$0x8], $0x80, s11, s20, $0xb8;
	[tilespmem:$0x1E400] =	vst v63  }
0x21c: {  	_ =	swait.ge [sflag:s22], $0x4000  }
0x21d: {  	[sflag:s22] =	ssyncset.done $0x0  }
0x21e: {  	[sflag:s22] =	ssyncadd.s32 $0xFFFFC000  }
0x21f: {  	_ =	swait.ge [sflag:s23], $0x4000  }
0x220: {  	[sflag:s23] =	ssyncset.done $0x0  }
0x221: {  	[sflag:s23] =	ssyncadd.s32 $0xFFFFC000  }
0x222: {  	_ =	swait.ge [sflag:s24], $0x4000  }
0x223: {  	[sflag:s24] =	ssyncset.done $0x0  }
0x224: {  	[sflag:s24] =	ssyncadd.s32 $0xFFFFC000  }
0x225: {  	_ =	swait.ge [sflag:s25], $0x4000  }
0x226: {  	[sflag:s25] =	ssyncset.done $0x0  }
0x227: {  	[sflag:s25] =	ssyncadd.s32 $0xFFFFC000  }
0x228: {  	_ =	swait.ge [sflag:s26], $0x4000  }
0x229: {  	[sflag:s26] =	ssyncset.done $0x0  }
0x22a: {  	[sflag:s26] =	ssyncadd.s32 $0xFFFFC000  }
0x22b: {  	_ =	swait.ge [sflag:s28], $0x4000  }
0x22c: {  	[sflag:s28] =	ssyncset.done $0x0  }
0x22d: {  	[sflag:s28] =	ssyncadd.s32 $0xFFFFC000  }
0x22e: {  	_ =	swait.ge [sflag:s29], $0x4000  }
0x22f: {  	[sflag:s29] =	ssyncset.done $0x0  }
0x230: {  	[sflag:s29] =	ssyncadd.s32 $0xFFFFC000  }
0x231: {  	_ =	swait.ge [sflag:s30], $0x4000  }
0x232: {  	s0 =	simm.s32 $0x1000;
	s10 =	simm.s32 $0x2000;
	[sflag:s30] =	ssyncset.done $0x0  }
.LBB2_10:
0x233: {  	s11 =	sshra.s32 s0, $0x2  }
0x234: {  	[sflag:s30] =	ssyncadd.s32 $0xFFFFC000;
	s0 =	smov.u32 s10;
	s9 =	sadd.s32 $0x1000, s10  }
0x235: {  	[spmem:s2] =	stream.indirect.scatter.add.f32 [tilespmem:s21], [sflag:$0x1], $0x80, s11, s20, $0xb8;
	[tilespmem:$0x1E400] =	vst v63  }
0x236: {  	p0 =	sne.s32 s10, $0x9000;
	s10 =	sadd.s32 $0x80, s11  }
0x237: {  	[spmem:s2] =	stream.indirect.scatter.add.f32 [tilespmem:s21], [sflag:$0x2], $0x80, s10, s20, $0xb8;
	[tilespmem:$0x1E400] =	vst v63  }
0x238: {  	s10 =	sadd.s32 $0x100, s11  }
0x239: {  	[spmem:s2] =	stream.indirect.scatter.add.f32 [tilespmem:s21], [sflag:$0x3], $0x80, s10, s20, $0xb8;
	[tilespmem:$0x1E400] =	vst v63  }
0x23a: {  	s10 =	sadd.s32 $0x180, s11  }
0x23b: {  	[spmem:s2] =	stream.indirect.scatter.add.f32 [tilespmem:s21], [sflag:$0x4], $0x80, s10, s20, $0xb8;
	[tilespmem:$0x1E400] =	vst v63  }
0x23c: {  	s10 =	sadd.s32 $0x200, s11  }
0x23d: {  	[spmem:s2] =	stream.indirect.scatter.add.f32 [tilespmem:s21], [sflag:$0x5], $0x80, s10, s20, $0xb8;
	[tilespmem:$0x1E400] =	vst v63  }
0x23e: {  	s10 =	sadd.s32 $0x280, s11  }
0x23f: {  	[spmem:s2] =	stream.indirect.scatter.add.f32 [tilespmem:s21], [sflag:$0x6], $0x80, s10, s20, $0xb8;
	[tilespmem:$0x1E400] =	vst v63  }
0x240: {  	s10 =	sadd.s32 $0x300, s11  }
0x241: {  	[spmem:s2] =	stream.indirect.scatter.add.f32 [tilespmem:s21], [sflag:$0x7], $0x80, s10, s20, $0xb8;
	[tilespmem:$0x1E400] =	vst v63  }
0x242: {  	s10 =	sadd.s32 $0x380, s11  }
0x243: {  	[spmem:s2] =	stream.indirect.scatter.add.f32 [tilespmem:s21], [sflag:$0x8], $0x80, s10, s20, $0xb8;
	[tilespmem:$0x1E400] =	vst v63  }
0x244: {  	_ =	swait.ge [sflag:s22], $0x4000  }
0x245: {  	[sflag:s22] =	ssyncset.done $0x0  }
0x246: {  	[sflag:s22] =	ssyncadd.s32 $0xFFFFC000  }
0x247: {  	_ =	swait.ge [sflag:s23], $0x4000  }
0x248: {  	[sflag:s23] =	ssyncset.done $0x0  }
0x249: {  	[sflag:s23] =	ssyncadd.s32 $0xFFFFC000  }
0x24a: {  	_ =	swait.ge [sflag:s24], $0x4000  }
0x24b: {  	[sflag:s24] =	ssyncset.done $0x0  }
0x24c: {  	[sflag:s24] =	ssyncadd.s32 $0xFFFFC000  }
0x24d: {  	_ =	swait.ge [sflag:s25], $0x4000  }
0x24e: {  	[sflag:s25] =	ssyncset.done $0x0  }
0x24f: {  	[sflag:s25] =	ssyncadd.s32 $0xFFFFC000  }
0x250: {  	_ =	swait.ge [sflag:s26], $0x4000  }
0x251: {  	[sflag:s26] =	ssyncset.done $0x0  }
0x252: {  	[sflag:s26] =	ssyncadd.s32 $0xFFFFC000  }
0x253: {  	_ =	swait.ge [sflag:s28], $0x4000  }
0x254: {  	[sflag:s28] =	ssyncset.done $0x0  }
0x255: {  	[sflag:s28] =	ssyncadd.s32 $0xFFFFC000  }
.Ltmp4:
0x256: {  	_ =	swait.ge [sflag:s29], $0x4000;
	(pc) =	sbr.rel @p0 .LBB2_10-.Ltmp4, $4  }
0x257: {  	[sflag:s29] =	ssyncset.done $0x0  }
0x258: {  	[sflag:s29] =	ssyncadd.s32 $0xFFFFC000  }
0x259: {  	_ =	swait.ge [sflag:s30], $0x4000  }
0x25a: {  	s10 =	smov.u32 s9;
	[sflag:s30] =	ssyncset.done $0x0  }
0x25b: {  	s0 =	sshra.s32 s0, $0x2;
	[sflag:s30] =	ssyncadd.s32 $0xFFFFC000  }
0x25c: {  	[spmem:s2] =	stream.indirect.scatter.add.f32 [tilespmem:s21], [sflag:$0x1], $0x80, s0, s20, $0xb8;
	[tilespmem:$0x1E400] =	vst v63  }
0x25d: {  	s9 =	sadd.s32 $0x80, s0  }
0x25e: {  	[spmem:s2] =	stream.indirect.scatter.add.f32 [tilespmem:s21], [sflag:$0x2], $0x80, s9, s20, $0xb8;
	[tilespmem:$0x1E400] =	vst v63  }
0x25f: {  	s11 =	sadd.s32 $0x100, s0  }
0x260: {  	[spmem:s2] =	stream.indirect.scatter.add.f32 [tilespmem:s21], [sflag:$0x3], $0x80, s11, s20, $0xb8;
	[tilespmem:$0x1E400] =	vst v63  }
0x261: {  	s10 =	sadd.s32 $0x180, s0  }
0x262: {  	[spmem:s2] =	stream.indirect.scatter.add.f32 [tilespmem:s21], [sflag:$0x4], $0x80, s10, s20, $0xb8;
	[tilespmem:$0x1E400] =	vst v63  }
0x263: {  	s11 =	sadd.s32 $0x200, s0  }
0x264: {  	[spmem:s2] =	stream.indirect.scatter.add.f32 [tilespmem:s21], [sflag:$0x5], $0x80, s11, s20, $0xb8;
	[tilespmem:$0x1E400] =	vst v63  }
0x265: {  	s10 =	sadd.s32 $0x280, s0  }
0x266: {  	[spmem:s2] =	stream.indirect.scatter.add.f32 [tilespmem:s21], [sflag:$0x6], $0x80, s10, s20, $0xb8;
	[tilespmem:$0x1E400] =	vst v63  }
0x267: {  	s11 =	sadd.s32 $0x300, s0  }
0x268: {  	[spmem:s2] =	stream.indirect.scatter.add.f32 [tilespmem:s21], [sflag:$0x7], $0x80, s11, s20, $0xb8;
	[tilespmem:$0x1E400] =	vst v63  }
0x269: {  	s0 =	sadd.s32 $0x380, s0  }
0x26a: {  	[spmem:s2] =	stream.indirect.scatter.add.f32 [tilespmem:s21], [sflag:$0x8], $0x80, s0, s20, $0xb8;
	[tilespmem:$0x1E400] =	vst v63  }
0x26b: {  	_ =	swait.ge [sflag:s22], $0x4000  }
0x26c: {  	[sflag:s22] =	ssyncset.done $0x0  }
0x26d: {  	[sflag:s22] =	ssyncadd.s32 $0xFFFFC000  }
0x26e: {  	_ =	swait.ge [sflag:s23], $0x4000  }
0x26f: {  	[sflag:s23] =	ssyncset.done $0x0  }
0x270: {  	[sflag:s23] =	ssyncadd.s32 $0xFFFFC000  }
0x271: {  	_ =	swait.ge [sflag:s24], $0x4000  }
0x272: {  	[sflag:s24] =	ssyncset.done $0x0  }
0x273: {  	[sflag:s24] =	ssyncadd.s32 $0xFFFFC000  }
0x274: {  	_ =	swait.ge [sflag:s25], $0x4000  }
0x275: {  	[sflag:s25] =	ssyncset.done $0x0  }
0x276: {  	[sflag:s25] =	ssyncadd.s32 $0xFFFFC000  }
0x277: {  	_ =	swait.ge [sflag:s26], $0x4000  }
0x278: {  	[sflag:s26] =	ssyncset.done $0x0  }
0x279: {  	[sflag:s26] =	ssyncadd.s32 $0xFFFFC000  }
0x27a: {  	_ =	swait.ge [sflag:s28], $0x4000  }
0x27b: {  	[sflag:s28] =	ssyncset.done $0x0  }
0x27c: {  	[sflag:s28] =	ssyncadd.s32 $0xFFFFC000  }
0x27d: {  	_ =	swait.ge [sflag:s29], $0x4000  }
0x27e: {  	[sflag:s29] =	ssyncset.done $0x0  }
0x27f: {  	[sflag:s29] =	ssyncadd.s32 $0xFFFFC000  }
0x280: {  	_ =	swait.ge [sflag:s30], $0x4000  }
0x281: {  	[sflag:s30] =	ssyncset.done $0x0  }
0x282: {  	s3 =	sadd.s32 $0x1, s3;
	[sflag:s30] =	ssyncadd.s32 $0xFFFFC000  }
0x283: {  	p0 =	sne.s32 s3, s17;
	[bflag:$0x0] =	sbarrier.arrive $0xFFFF  }
0x284: {  	[hbm:s16], [sflag:s31] =	dma.local [spmem:s1], $0x2780  }
.Ltmp5:
0x285: {  	_ =	swait.ge [sflag:s19], $0x2780;
	(pc) =	sbr.rel @p0 .LBB2_1-.Ltmp5, $3  }
0x286: {  	[sflag:s19] =	ssyncset.done $0x0  }
0x287: {  	[sflag:s19] =	ssyncadd.s32 $0xFFFFD880  }
0x288: {  	[bflag:$0x0] =	sbarrier.arrive $0xFFFF;
	_ =	sdelay $0x1  }
0x289: {  	_ =	sfence.sel $0x180000  }
0x28a: {  	[bflag:$0x0] =	sbarrier.arrive $0xFFFF  }
0x28b: {  	_ =	strace $0x90000047  }
0x28c: {  	s0 =	stileid.u32;
	[bflag:$0x2] =	sbarrier.arrive $0xFFFF  }
0x28d: {  	p0 =	sne.s32 s0, $0x0;
	s0 =	rddreg [dreg:$0x2]  }
0x28e: {  	s0 =	sadd.s32 @!p0 $0x100000, s0  }
0x28f: {  	[sflag:s0] =	ssyncadd.tile.s32 @!p0 $0x1;
	_ =	shalt  }
.Lfunc_end2:
_tile_overlayer_lowered:
.L_overlay_start_2:
0x290: {  	(tag) =	ssettag $0x2  }
0x291: {  	s0 =	rddreg [dreg:$0x0];
	s2 =	stileid.u32  }
0x292: {  	s1 =	rddreg [dreg:$0x1];
	p0 =	sne.s32 s2, $0x0  }
0x293: {  	s3 =	rddreg [dreg:$0x2];
	[bflag:$0x3] =	sbarrier.arrive $0xFFFF;
	s2 =	simm.s32 @!p0 $0x1C09  }
0x294: {  	[timem:s3], [sflag:s2] =	dma.local @!p0 [hbm:s0], s1  }
0x295: {  	s0 =	simm.s32 @!p0 $0x9  }
0x296: {  	_ =	swait.ge @!p0 [sflag:s0], s1  }
0x297: {  	s1 =	ssub.s32 @!p0 $0x0, s1;
	[sflag:s0] =	ssyncset.done @!p0 $0x0  }
0x298: {  	[sflag:s0] =	ssyncadd.s32 @!p0 s1  }
0x299: {  	[bflag:$0x3] =	sbarrier.arrive $0xFFFF  }
0x29a: {  	_ =	shalt  }

// kernel: kernel.22.cloned.1.call-start
scs
__scs_entry_jumppad:
0x0: {  	(pc) =	sbr.rel $0x88, $3  }
0x1: {  	(tag) =	ssettag $0x0;
	lr =	simm.s32 $0x1  }
0x2: {  	[smem:$0x3F75] =	sst lr;
	_ =	strace $0xD0000000  }
0x3: {  	_ = 	snop  }
0x4: {  	_ = 	snop  }
0x5: {  	_ = 	snop  }
0x6: {  	_ = 	snop  }
0x7: {  	_ = 	snop  }
__scs_overlays_trampoline_lowered:
0x8: {  	[smem:$0x3F84] =	sst s0  }
0x9: {  	[smem:$0x3F85] =	sst s1  }
0xa: {  	[smem:$0x3F86] =	sst s2  }
0xb: {  	[smem:$0x3F87] =	sst s3  }
0xc: {  	[smem:$0x3F88] =	sst s4  }
0xd: {  	[smem:$0x3F89] =	sst s5  }
0xe: {  	[smem:$0x3F8A] =	sst s6  }
0xf: {  	[smem:$0x3F8B] =	sst s7  }
0x10: {  	[smem:$0x3F8C] =	sst s8  }
0x11: {  	[smem:$0x3F8D] =	sst s9;
	s0 =	simm.s32 @!p0 $0x0  }
0x12: {  	s1 =	sld [smem:$0x3F73];
	s0 =	simm.s32 @p0 $0x1  }
0x13: {  	[smem:$0x3F8E] =	sst s0;
	s0 =	simm.s32 @!p1 $0x0  }
0x14: {  	s2 =	sld [smem:$0x3F72];
	s0 =	simm.s32 @p1 $0x1  }
0x15: {  	[smem:$0x3F8F] =	sst s0;
	s0 =	simm.s32 @!p2 $0x0  }
0x16: {  	s3 =	sld [smem:$0x3FDB];
	s0 =	simm.s32 @p2 $0x1  }
0x17: {  	s4 =	simm.s32 $0x1BF5;
	[smem:$0x3F91] =	sst s0  }
0x18: {  	s0 =	sld [smem:$0x3F74];
	_ =	swait.ge [sflag:s4], $0x0  }
0x19: {  	s7 =	sld [smem:$0x3F75]  }
0x1a: {  	s8 =	sadd.s32 $0xFFFFE003, lr  }
0x1b: {  	s9 =	sadd.s32 $0xFFFFFEF7, lr;
	s5 =	simm.s32 $0xFFFFFFFF;
	p2 =	slt.u32 s8, $0xFFFFF086  }
0x1c: {  	p1 =	slt.u32 s9, $0xF7A;
	s5 =	simm.s32 @!p2 $0x0  }
0x1d: {  	s5 =	simm.s32 @p1 $0x1;
	p0 =	seq.s32 s7, s2  }
0x1e: {  	s7 =	smul.u32 @!p0 $0xF7A, s2;
	p2 =	seq.s32 @!p0 s5, $0x0  }
0x1f: {  	s9 =	smul.u32 $0xF7A, s1;
	s8 =	simm.s32 @!p0 $0x1BF5;
	p2 =	por !p2, p0  }
0x20: {  	[sflag:s8] =	ssyncset.s32 @!p0 $0xFFFFF086;
	s6 =	sadd.s32 @!p0 s3, s7;
	s7 =	simm.s32 @!p0 $0x108  }
0x21: {  	s3 =	sadd.s32 s3, s9;
	s6 =	sadd.s32 @!p0 $0x88, s6;
	s7 =	simm.s32 @p2 $0x1082  }
0x22: {  	[simem:s7], [sflag:s8] =	dma.local @!p0 [hbm:s6], $0xF7A  }
0x23: {  	s9 =	sor.u32 $0xD0000000, s2;
	s6 =	simm.s32 $0x108;
	_ =	swait.ge @!p0 [sflag:s8], $0x0  }
0x24: {  	s3 =	sadd.s32 $0x88, s3;
	s6 =	simm.s32 @!p1 $0x1082;
	[sflag:s4] =	ssyncset.s32 $0xFFFFF086  }
0x25: {  	[simem:s6], [sflag:s4] =	dma.local [hbm:s3], $0xF7A  }
0x26: {  	[smem:$0x3F75] =	sst s1;
	(tag) =	ssettag s2;
	_ =	strace s9  }
0x27: {  	s1 =	sld [smem:$0x3F85]  }
0x28: {  	s2 =	sld [smem:$0x3F86]  }
0x29: {  	s4 =	sld [smem:$0x3F88]  }
0x2a: {  	p0 =	seq.s32 s5, $0x0;
	s5 =	sld [smem:$0x3F89]  }
0x2b: {  	s6 =	sld [smem:$0x3F8A]  }
0x2c: {  	s7 =	sld [smem:$0x3F8B]  }
0x2d: {  	s3 =	simm.s32 $0x108;
	s8 =	sld [smem:$0x3F8C]  }
0x2e: {  	s3 =	simm.s32 @!p0 $0x1082;
	s9 =	sld [smem:$0x3F8D]  }
0x2f: {  	lr =	sadd.s32 s0, s3;
	s0 =	sld [smem:$0x3F84]  }
0x30: {  	s3 =	sld [smem:$0x3F87]  }
0x31: {  	[smem:$0x3F90] =	sst s10  }
0x32: {  	s10 =	sld [smem:$0x3F8E];
	_ =	sdelay $0x3  }
0x33: {  	p0 =	seq.s32 s10, $0x1;
	s10 =	sld [smem:$0x3F90];
	_ =	sdelay $0x3  }
0x34: {  	[smem:$0x3F90] =	sst s10  }
0x35: {  	s10 =	sld [smem:$0x3F8F];
	_ =	sdelay $0x3  }
0x36: {  	p1 =	seq.s32 s10, $0x1;
	s10 =	sld [smem:$0x3F90];
	_ =	sdelay $0x3  }
0x37: {  	[smem:$0x3F90] =	sst s10  }
0x38: {  	s10 =	sld [smem:$0x3F91]  }
0x39: {  	_ = 	snop;
	(pc) =	sbr.ind lr, $3  }
0x3a: {  	_ = 	snop  }
0x3b: {  	_ = 	snop  }
0x3c: {  	p2 =	seq.s32 s10, $0x1;
	s10 =	sld [smem:$0x3F90]  }
0x3d: {  	_ =	shalt  }
0x3e: {  	_ =	shalt  }
0x3f: {  	_ =	shalt  }
0x40: {  	_ =	shalt  }
0x41: {  	_ =	shalt  }
0x42: {  	_ =	shalt  }
0x43: {  	_ =	shalt  }
0x44: {  	_ =	shalt  }
0x45: {  	_ =	shalt  }
0x46: {  	_ =	shalt  }
0x47: {  	_ =	shalt  }
0x48: {  	_ =	shalt  }
0x49: {  	_ =	shalt  }
0x4a: {  	_ =	shalt  }
0x4b: {  	_ =	shalt  }
0x4c: {  	_ =	shalt  }
0x4d: {  	_ =	shalt  }
0x4e: {  	_ =	shalt  }
0x4f: {  	_ =	shalt  }
0x50: {  	_ =	shalt  }
0x51: {  	_ =	shalt  }
0x52: {  	_ =	shalt  }
0x53: {  	_ =	shalt  }
0x54: {  	_ =	shalt  }
0x55: {  	_ =	shalt  }
0x56: {  	_ =	shalt  }
0x57: {  	_ =	shalt  }
0x58: {  	_ =	shalt  }
0x59: {  	_ =	shalt  }
0x5a: {  	_ =	shalt  }
0x5b: {  	_ =	shalt  }
0x5c: {  	_ =	shalt  }
0x5d: {  	_ =	shalt  }
0x5e: {  	_ =	shalt  }
0x5f: {  	_ =	shalt  }
0x60: {  	_ =	shalt  }
0x61: {  	_ =	shalt  }
0x62: {  	_ =	shalt  }
0x63: {  	_ =	shalt  }
0x64: {  	_ =	shalt  }
0x65: {  	_ =	shalt  }
0x66: {  	_ =	shalt  }
0x67: {  	_ =	shalt  }
0x68: {  	_ =	shalt  }
0x69: {  	_ =	shalt  }
0x6a: {  	_ =	shalt  }
0x6b: {  	_ =	shalt  }
0x6c: {  	_ =	shalt  }
0x6d: {  	_ =	shalt  }
0x6e: {  	_ =	shalt  }
0x6f: {  	_ =	shalt  }
0x70: {  	_ =	shalt  }
0x71: {  	_ =	shalt  }
0x72: {  	_ =	shalt  }
0x73: {  	_ =	shalt  }
0x74: {  	_ =	shalt  }
0x75: {  	_ =	shalt  }
0x76: {  	_ =	shalt  }
0x77: {  	_ =	shalt  }
0x78: {  	_ =	shalt  }
0x79: {  	_ =	shalt  }
0x7a: {  	_ =	shalt  }
0x7b: {  	_ =	shalt  }
0x7c: {  	_ =	shalt  }
0x7d: {  	_ =	shalt  }
0x7e: {  	_ =	shalt  }
0x7f: {  	_ =	shalt  }
0x80: {  	_ =	shalt  }
0x81: {  	_ =	shalt  }
0x82: {  	_ =	shalt  }
0x83: {  	_ =	shalt  }
0x84: {  	_ =	shalt  }
0x85: {  	_ =	shalt  }
0x86: {  	_ =	shalt  }
0x87: {  	_ =	shalt  }
.Lfunc_end0:
.L_simem_size_0:
called_computation.1_lowered:
.L_overlay_start_0:
0x88: {  	s2 =	sld [smem:$0x3FD9]  }
0x89: {  	s3 =	sld [smem:$0x3FFE];
	_ =	sdelay $0x1  }
0x8a: {  	s1 =	srdreg.scid  }
0x8b: {  	s0 =	sand.u32 $0x1, s1  }
0x8c: {  	s16 =	sshll.u32 s0, $0xA;
	s2 =	sadd.s32 s3, s2  }
0x8d: {  	s2 =	sadd.s32 s2, s16  }
0x8e: {  	[smem:$0x3F9C] =	sst s2  }
0x8f: {  	_ = 	snop  }
0x90: {  	(tm) =	ssettm $0x1  }
0x91: {  	s17 =	sld [smem:$0x3FFB];
	_ =	sdelay $0x3  }
0x92: {  	_ =	strace s17  }
0x93: {  	s2 =	sld [smem:$0x3FFC];
	_ =	sdelay $0x3  }
0x94: {  	_ =	strace s2  }
0x95: {  	s2 =	sld [smem:$0x3FFD];
	_ =	sdelay $0x3  }
0x96: {  	_ =	strace s2  }
0x97: {  	_ =	strace $0x8FFFFFFF  }
0x98: {  	s18 =	sld [smem:$0x3FDB];
	_ =	sdelay $0x1  }
0x99: {  	s19 =	simm.s32 $_scs_section_size  }
0x9a: {  	s4 =	simm.s32 $_size__tile_overlayer_lowered;
	s5 =	simm.s32 $_tile_overlayer_lowered  }
0x9b: {  	s22 =	simm.s32 $0x1BFF;
	s21 =	sshll.u32 s5, $0x1;
	s2 =	sadd.s32 s19, s18  }
0x9c: {  	s6 =	simm.s32 $0x0;
	s20 =	sshll.u32 s4, $0x1;
	s4 =	sadd.s32 s21, s2  }
0x9d: {  	[timem:s6], [sflag:s22] =	dma.local [hbm:s4], s20  }
0x9e: {  	_ =	swait.ge [sflag:s22], s20  }
0x9f: {  	s3 =	ssub.s32 $0x0, s20;
	[sflag:s22] =	ssyncset.done $0x0  }
0xa0: {  	[sflag:s22] =	ssyncadd.s32 s3;
	_ =	sdelay $0x1  }
0xa1: {  	s23 =	simm.s32 $0x1B8B  }
0xa2: {  	_ =	swait.ge [sflag:s23], $0x1  }
0xa3: {  	[sflag:s23] =	ssyncset.done $0x0  }
0xa4: {  	s25 =	simm.s32 $0x1B8E;
	s24 =	sld [smem:$0x3FFE];
	[sflag:s23] =	ssyncadd.s32 $0xFFFFFFFF  }
0xa5: {  	s26 =	simm.s32 $execute0_lowered;
	[smem:$0x3FD2] =	sst s25  }
0xa6: {  	s4 =	sshll.u32 s26, $0x1;
	_ =	strace $0x80000049;
	[dreg:$0x1] =	wrdreg $0xFFFFFFFF  }
0xa7: {  	s28 =	simm.s32 $_size_execute0_lowered;
	s2 =	sadd.s32 s2, s4;
	[dreg:$0x0] =	wrdreg $0x0  }
0xa8: {  	s4 =	sshll.u32 s28, $0x1;
	[dreg:$0x2] =	wrdreg s2  }
0xa9: {  	[dreg:$0x3] =	wrdreg s4  }
0xaa: {  	[dreg:$0x4] =	wrdreg $0xC0  }
0xab: {  	_ =	task [dreg:s6], $0x5FFFF  }
0xac: {  	[dreg:$0x1] =	wrdreg $0xFFFFFFFF  }
0xad: {  	[dreg:$0x0] =	wrdreg $0x60  }
0xae: {  	[dreg:$0x2] =	wrdreg s24  }
0xaf: {  	[dreg:$0x3] =	wrdreg $0xA8000  }
0xb0: {  	[dreg:$0x4] =	wrdreg $0x9  }
0xb1: {  	_ =	task.clear_ibuf [dreg:s6], $0x5FFFF;
	_ =	strace $0x90000049  }
0xb2: {  	s29 =	simm.s32 $0x9;
	_ =	strace $0x8000004B  }
0xb3: {  	_ =	swait.ge [sflag:s29], $0x1  }
0xb4: {  	[sflag:s29] =	ssyncadd.s32 $0xFFFFFFFF  }
0xb5: {  	_ =	strace $0x9000004B  }
0xb6: {  	_ =	sfence  }
0xb7: {  	s30 =	sld [smem:$0x0];
	_ =	sdelay $0x2  }
0xb8: {  	s31 =	sshll.u32 s1, $0xD;
	s1 =	sshrl.u32 s1, $0x2  }
0xb9: {  	s3 =	sand.u32 $0x4000, s31;
	s1 =	sadd.s32 s1, s30  }
0xba: {  	s0 =	sor.u32 s3, s0;
	s1 =	sshll.u32 s1, $0x11  }
0xbb: {  	s0 =	sor.u32 s1, s0  }
0xbc: {  	s0 =	sadd.s32 $0x8F2B, s0  }
0xbd: {  	[sflag:s0] =	ssyncadd.remote.s32 $0x1  }
0xbe: {  	_ =	sfence.sel $0xFFFF  }
0xbf: {  	[dreg:$0x0] =	wrdreg $0xFFFFFFFF;
	(pc) =	sbr.abs _section_cstart, $3  }
0xc0: {  	[dreg:$0x1] =	wrdreg $0xFFFFFFFF  }
0xc1: {  	_ =	task.clear_ibuf [dreg:s6], $0x2FFFF;
	_ =	strace $0x9FFFFFFF  }
0xc2: {  	(tm) =	ssettm $0x7FFFFFFF  }
0xc3: {  	_ =	shalt  }
tec
execute0_lowered:
.L_overlay_start_1:
0x0: {  	(tag) =	ssettag $0x1  }
0x1: {  	s6 =	rddreg [dreg:$0x0]  }
0x2: {  	s2 =	rddreg [dreg:$0x1];
	s3 =	srdreg.scid  }
0x3: {  	s0 =	rddreg [dreg:$0x2];
	s1 =	stileid.u32;
	s18 =	simm.s32 $0x2  }
0x4: {  	s19 =	simm.s32 $0x4000;
	s20 =	simm.s32 $0x6800;
	s21 =	simm.s32 $0x80  }
0x5: {  	s22 =	simm.s32 $0x1;
	s7 =	sand.u32 $0x1, s3;
	s9 =	smul.u32 $0x13C00, s1  }
0x6: {  	s3 =	simm.s32 $0x0;
	s4 =	sshll.u32 s1, $0x1;
	s29 =	smul.u32 $0x4F000, s1  }
0x7: {  	s8 =	smul.u32 $0x13C000, s7;
	[smem:$0x7FF] =	sst s3;
	s5 =	sor.u32 s7, s4  }
0x8: {  	s4 =	sadd.s32 $0x4E800, s6;
	s7 =	ssub.s32 $0x2, s7;
	_ =	strace $0x8000004A  }
0x9: {  	s10 =	smul.u32 $0x500, s5;
	s5 =	sadd.s32 $0x27600, s6;
	s30 =	sshrl.u32 s7, $0x1  }
0xa: {  	s31 =	sshrl.u32 s29, $0x2;
	s8 =	sadd.s32 s9, s8;
	s17 =	ssub.s32 s7, s30  }
0xb: {  	s7 =	sadd.s32 s31, s2;
	s15 =	sadd.s32 s10, s6;
	s8 =	sshrl.u32 s8, $0x3  }
0xc: {  	s9 =	sadd.s32 $0x4000, s7;
	s10 =	sadd.s32 $0x8000, s7;
	s11 =	sadd.s32 $0xC000, s7  }
0xd: {  	s12 =	sadd.s32 $0x10000, s7;
	s17 =	smax.u32 s17, $0x1;
	s16 =	sadd.s32 s8, s6  }
0xe: {  	s6 =	sadd.s32 $0x9600, s15;
	s8 =	sadd.s32 $0x13600, s15;
	s14 =	sadd.s32 $0x200A00, s15  }
0xf: {  	v0 =	vimm.f32 $0.0e+00;
	s15 =	sadd.s32 $0x1D600, s15;
	s13 =	sadd.s32 $0x75A00, s16;
	s16 =	sadd.s32 $0xC4A00, s16  }
.LBB2_1:
0x10: {  	s23 =	simm.s32 $0x0;
	s24 =	simm.s32 $0x200  }
.LBB2_2:
0x11: {  	p0 =	sne.s32 s24, $0xFE00;
	[tilespmem:s23+$0x6870] =	vst v0  }
0x12: {  	[tilespmem:s23+$0x6800] =	vst v0  }
0x13: {  	[tilespmem:s23+$0x6810] =	vst v0  }
.Ltmp0:
0x14: {  	[tilespmem:s23+$0x6820] =	vst v0;
	(pc) =	sbr.rel @p0 .LBB2_2-.Ltmp0, $4  }
0x15: {  	[tilespmem:s23+$0x6830] =	vst v0  }
0x16: {  	[tilespmem:s23+$0x6840] =	vst v0  }
0x17: {  	[tilespmem:s23+$0x6850] =	vst v0  }
0x18: {  	[tilespmem:s23+$0x6860] =	vst v0;
	s23 =	sshra.s32 s24, $0x2;
	s24 =	sadd.s32 $0x200, s24  }
0x19: {  	[tilespmem:s23+$0x6870] =	vst v0  }
0x1a: {  	[tilespmem:s23+$0x6800] =	vst v0  }
0x1b: {  	[tilespmem:s23+$0x6810] =	vst v0  }
0x1c: {  	[tilespmem:s23+$0x6820] =	vst v0  }
0x1d: {  	[tilespmem:s23+$0x6830] =	vst v0  }
0x1e: {  	[tilespmem:s23+$0x6840] =	vst v0  }
0x1f: {  	[tilespmem:s23+$0x6850] =	vst v0  }
0x20: {  	[tilespmem:s23+$0x6860] =	vst v0;
	s29 =	simm.s32 $0x0  }
0x21: {  	[tilespmem:s29], [sflag:$0x2] =	stream.linear.gather [hbm4b:s6+s29], $0x2800, $0x38;
	[tilespmem:$0x1E400] =	vst v63  }
0x22: {  	_ =	swait.ge [sflag:s18], $0x2800  }
0x23: {  	[sflag:s18] =	ssyncset.done $0x0  }
0x24: {  	[sflag:s18] =	ssyncadd.s32 $0xFFFFD800  }
0x25: {  	[tilespmem:s19], [sflag:$0x2] =	stream.linear.gather [hbm4b:s8+s29], $0x2800, $0x38;
	[tilespmem:$0x1E400] =	vst v63  }
0x26: {  	_ =	swait.ge [sflag:s18], $0x2800  }
0x27: {  	[sflag:s18] =	ssyncset.done $0x0  }
0x28: {  	[sflag:s18] =	ssyncadd.s32 $0xFFFFD800  }
0x29: {  	[spmem:s7] =	stream.linear.scatter [tilespmem:s20], [sflag:$0x2], $0x4000, $0x38;
	[tilespmem:$0x1E400] =	vst v63  }
0x2a: {  	_ =	swait.ge [sflag:s18], $0x4000  }
0x2b: {  	[sflag:s18] =	ssyncset.done $0x0  }
0x2c: {  	[sflag:s18] =	ssyncadd.s32 $0xFFFFC000  }
0x2d: {  	[spmem:s9] =	stream.linear.scatter [tilespmem:s20], [sflag:$0x2], $0x4000, $0x38;
	[tilespmem:$0x1E400] =	vst v63  }
0x2e: {  	_ =	swait.ge [sflag:s18], $0x4000  }
0x2f: {  	[sflag:s18] =	ssyncset.done $0x0  }
0x30: {  	[sflag:s18] =	ssyncadd.s32 $0xFFFFC000  }
0x31: {  	[spmem:s10] =	stream.linear.scatter [tilespmem:s20], [sflag:$0x2], $0x4000, $0x38;
	[tilespmem:$0x1E400] =	vst v63  }
0x32: {  	_ =	swait.ge [sflag:s18], $0x4000  }
0x33: {  	[sflag:s18] =	ssyncset.done $0x0  }
0x34: {  	[sflag:s18] =	ssyncadd.s32 $0xFFFFC000  }
0x35: {  	[spmem:s11] =	stream.linear.scatter [tilespmem:s20], [sflag:$0x2], $0x4000, $0x38;
	[tilespmem:$0x1E400] =	vst v63  }
0x36: {  	_ =	swait.ge [sflag:s18], $0x4000  }
0x37: {  	[sflag:s18] =	ssyncset.done $0x0  }
0x38: {  	[sflag:s18] =	ssyncadd.s32 $0xFFFFC000  }
0x39: {  	[spmem:s12] =	stream.linear.scatter [tilespmem:s20], [sflag:$0x2], $0x3C00, $0x38;
	[tilespmem:$0x1E400] =	vst v63  }
0x3a: {  	_ =	swait.ge [sflag:s18], $0x3C00  }
0x3b: {  	[sflag:s18] =	ssyncset.done $0x0  }
0x3c: {  	[sflag:s18] =	ssyncadd.s32 $0xFFFFC400  }
0x3d: {  	s30 =	simm.s32 $0x0;
	[bflag:$0x0] =	sbarrier.arrive $0xFFFF  }
0x3e: {  	[tilespmem:s20], [sflag:$0x1] =	stream.indirect.gather [hbm4b:s4+s21], $0x80, s30, s21, $0xb8;
	[tilespmem:$0x1E400] =	vst v63  }
0x3f: {  	_ =	swait.ge [sflag:s22], $0x4000  }
0x40: {  	[sflag:s22] =	ssyncset.done $0x0  }
0x41: {  	s31 =	simm.s32 $0x4000;
	[sflag:s22] =	ssyncadd.s32 $0xFFFFC000  }
0x42: {  	[spmem:s2] =	stream.indirect.scatter.add.f32 [tilespmem:s20], [sflag:$0x2], $0x80, s31, s21, $0xb8;
	[tilespmem:$0x1E400] =	vst v63  }
0x43: {  	_ =	swait.ge [sflag:s18], $0x4000  }
0x44: {  	s23 =	simm.s32 $0x200;
	s24 =	simm.s32 $0x400;
	[sflag:s18] =	ssyncset.done $0x0  }
.LBB2_4:
0x45: {  	s25 =	sshra.s32 s23, $0x2  }
0x46: {  	[sflag:s18] =	ssyncadd.s32 $0xFFFFC000;
	s23 =	smov.u32 s24;
	s26 =	sadd.s32 $0x200, s24  }
0x47: {  	[tilespmem:s20], [sflag:$0x1] =	stream.indirect.gather [hbm4b:s4+s21], $0x80, s25, s21, $0xb8;
	[tilespmem:$0x1E400] =	vst v63  }
0x48: {  	p0 =	sne.s32 s24, $0x9E00;
	_ =	swait.ge [sflag:s22], $0x4000  }
.Ltmp1:
0x49: {  	[sflag:s22] =	ssyncset.done $0x0;
	(pc) =	sbr.rel @p0 .LBB2_4-.Ltmp1, $4  }
0x4a: {  	s24 =	sadd.s32 $0x4000, s25;
	[sflag:s22] =	ssyncadd.s32 $0xFFFFC000  }
0x4b: {  	[spmem:s2] =	stream.indirect.scatter.add.f32 [tilespmem:s20], [sflag:$0x2], $0x80, s24, s21, $0xb8;
	[tilespmem:$0x1E400] =	vst v63  }
0x4c: {  	_ =	swait.ge [sflag:s18], $0x4000  }
0x4d: {  	s24 =	smov.u32 s26;
	[sflag:s18] =	ssyncset.done $0x0  }
0x4e: {  	s23 =	sshra.s32 s23, $0x2;
	[sflag:s18] =	ssyncadd.s32 $0xFFFFC000  }
0x4f: {  	[tilespmem:s20], [sflag:$0x1] =	stream.indirect.gather [hbm4b:s4+s21], $0x80, s23, s21, $0xb8;
	[tilespmem:$0x1E400] =	vst v63  }
0x50: {  	_ =	swait.ge [sflag:s22], $0x4000  }
0x51: {  	[sflag:s22] =	ssyncset.done $0x0  }
0x52: {  	s23 =	sadd.s32 $0x4000, s23;
	[sflag:s22] =	ssyncadd.s32 $0xFFFFC000  }
0x53: {  	[spmem:s2] =	stream.indirect.scatter.add.f32 [tilespmem:s20], [sflag:$0x2], $0x80, s23, s21, $0xb8;
	[tilespmem:$0x1E400] =	vst v63  }
0x54: {  	_ =	swait.ge [sflag:s18], $0x4000  }
0x55: {  	[sflag:s18] =	ssyncset.done $0x0  }
0x56: {  	s31 =	sshll.u32 s1, $0x6;
	[sflag:s18] =	ssyncadd.s32 $0xFFFFC000  }
0x57: {  	s24 =	sshrl.u32 s7, $0x3;
	s23 =	sor.u32 $0x1C02, s31;
	[bflag:$0x0] =	sbarrier.arrive $0xFFFF  }
0x58: {  	[hbm:s13], [sflag:s23] =	dma.local [spmem:s24], $0x2780  }
0x59: {  	_ =	swait.ge [sflag:s18], $0x2780  }
0x5a: {  	[sflag:s18] =	ssyncset.done $0x0  }
0x5b: {  	[sflag:s18] =	ssyncadd.s32 $0xFFFFD880  }
0x5c: {  	s25 =	simm.s32 $0x0;
	s26 =	simm.s32 $0x200;
	[bflag:$0x0] =	sbarrier.arrive $0xFFFF  }
.LBB2_6:
0x5d: {  	p0 =	sne.s32 s26, $0xFE00;
	[tilespmem:s25+$0x6870] =	vst v0  }
0x5e: {  	[tilespmem:s25+$0x6800] =	vst v0  }
0x5f: {  	[tilespmem:s25+$0x6810] =	vst v0  }
.Ltmp2:
0x60: {  	[tilespmem:s25+$0x6820] =	vst v0;
	(pc) =	sbr.rel @p0 .LBB2_6-.Ltmp2, $4  }
0x61: {  	[tilespmem:s25+$0x6830] =	vst v0  }
0x62: {  	[tilespmem:s25+$0x6840] =	vst v0  }
0x63: {  	[tilespmem:s25+$0x6850] =	vst v0  }
0x64: {  	[tilespmem:s25+$0x6860] =	vst v0;
	s25 =	sshra.s32 s26, $0x2;
	s26 =	sadd.s32 $0x200, s26  }
0x65: {  	[tilespmem:s25+$0x6870] =	vst v0  }
0x66: {  	[tilespmem:s25+$0x6800] =	vst v0  }
0x67: {  	[tilespmem:s25+$0x6810] =	vst v0  }
0x68: {  	[tilespmem:s25+$0x6820] =	vst v0  }
0x69: {  	[tilespmem:s25+$0x6830] =	vst v0  }
0x6a: {  	[tilespmem:s25+$0x6840] =	vst v0  }
0x6b: {  	[tilespmem:s25+$0x6850] =	vst v0  }
0x6c: {  	[tilespmem:s25+$0x6860] =	vst v0;
	s29 =	simm.s32 $0x0  }
0x6d: {  	[tilespmem:s29], [sflag:$0x2] =	stream.linear.gather [hbm4b:s14+s29], $0x2800, $0x38;
	[tilespmem:$0x1E400] =	vst v63  }
0x6e: {  	_ =	swait.ge [sflag:s18], $0x2800  }
0x6f: {  	[sflag:s18] =	ssyncset.done $0x0  }
0x70: {  	[sflag:s18] =	ssyncadd.s32 $0xFFFFD800  }
0x71: {  	[tilespmem:s19], [sflag:$0x2] =	stream.linear.gather [hbm4b:s15+s29], $0x2800, $0x38;
	[tilespmem:$0x1E400] =	vst v63  }
0x72: {  	_ =	swait.ge [sflag:s18], $0x2800  }
0x73: {  	[sflag:s18] =	ssyncset.done $0x0  }
0x74: {  	[sflag:s18] =	ssyncadd.s32 $0xFFFFD800  }
0x75: {  	[spmem:s7] =	stream.linear.scatter [tilespmem:s20], [sflag:$0x2], $0x4000, $0x38;
	[tilespmem:$0x1E400] =	vst v63  }
0x76: {  	_ =	swait.ge [sflag:s18], $0x4000  }
0x77: {  	[sflag:s18] =	ssyncset.done $0x0  }
0x78: {  	[sflag:s18] =	ssyncadd.s32 $0xFFFFC000  }
0x79: {  	[spmem:s9] =	stream.linear.scatter [tilespmem:s20], [sflag:$0x2], $0x4000, $0x38;
	[tilespmem:$0x1E400] =	vst v63  }
0x7a: {  	_ =	swait.ge [sflag:s18], $0x4000  }
0x7b: {  	[sflag:s18] =	ssyncset.done $0x0  }
0x7c: {  	[sflag:s18] =	ssyncadd.s32 $0xFFFFC000  }
0x7d: {  	[spmem:s10] =	stream.linear.scatter [tilespmem:s20], [sflag:$0x2], $0x4000, $0x38;
	[tilespmem:$0x1E400] =	vst v63  }
0x7e: {  	_ =	swait.ge [sflag:s18], $0x4000  }
0x7f: {  	[sflag:s18] =	ssyncset.done $0x0  }
0x80: {  	[sflag:s18] =	ssyncadd.s32 $0xFFFFC000  }
0x81: {  	[spmem:s11] =	stream.linear.scatter [tilespmem:s20], [sflag:$0x2], $0x4000, $0x38;
	[tilespmem:$0x1E400] =	vst v63  }
0x82: {  	_ =	swait.ge [sflag:s18], $0x4000  }
0x83: {  	[sflag:s18] =	ssyncset.done $0x0  }
0x84: {  	[sflag:s18] =	ssyncadd.s32 $0xFFFFC000  }
0x85: {  	[spmem:s12] =	stream.linear.scatter [tilespmem:s20], [sflag:$0x2], $0x3C00, $0x38;
	[tilespmem:$0x1E400] =	vst v63  }
0x86: {  	_ =	swait.ge [sflag:s18], $0x3C00  }
0x87: {  	[sflag:s18] =	ssyncset.done $0x0  }
0x88: {  	[sflag:s18] =	ssyncadd.s32 $0xFFFFC400  }
0x89: {  	s30 =	simm.s32 $0x0;
	[bflag:$0x0] =	sbarrier.arrive $0xFFFF  }
0x8a: {  	[tilespmem:s20], [sflag:$0x1] =	stream.indirect.gather [hbm4b:s5+s21], $0x80, s30, s21, $0xb8;
	[tilespmem:$0x1E400] =	vst v63  }
0x8b: {  	_ =	swait.ge [sflag:s22], $0x4000  }
0x8c: {  	[sflag:s22] =	ssyncset.done $0x0  }
0x8d: {  	s31 =	simm.s32 $0x4000;
	[sflag:s22] =	ssyncadd.s32 $0xFFFFC000  }
0x8e: {  	[spmem:s2] =	stream.indirect.scatter.add.f32 [tilespmem:s20], [sflag:$0x2], $0x80, s31, s21, $0xb8;
	[tilespmem:$0x1E400] =	vst v63  }
0x8f: {  	_ =	swait.ge [sflag:s18], $0x4000  }
0x90: {  	s25 =	simm.s32 $0x200;
	s26 =	simm.s32 $0x400;
	[sflag:s18] =	ssyncset.done $0x0  }
.LBB2_8:
0x91: {  	s28 =	sshra.s32 s25, $0x2  }
0x92: {  	[sflag:s18] =	ssyncadd.s32 $0xFFFFC000;
	s25 =	smov.u32 s26;
	s29 =	sadd.s32 $0x200, s26  }
0x93: {  	[tilespmem:s20], [sflag:$0x1] =	stream.indirect.gather [hbm4b:s5+s21], $0x80, s28, s21, $0xb8;
	[tilespmem:$0x1E400] =	vst v63  }
0x94: {  	p0 =	sne.s32 s26, $0x9E00;
	_ =	swait.ge [sflag:s22], $0x4000  }
.Ltmp3:
0x95: {  	[sflag:s22] =	ssyncset.done $0x0;
	(pc) =	sbr.rel @p0 .LBB2_8-.Ltmp3, $4  }
0x96: {  	s26 =	sadd.s32 $0x4000, s28;
	[sflag:s22] =	ssyncadd.s32 $0xFFFFC000  }
0x97: {  	[spmem:s2] =	stream.indirect.scatter.add.f32 [tilespmem:s20], [sflag:$0x2], $0x80, s26, s21, $0xb8;
	[tilespmem:$0x1E400] =	vst v63  }
0x98: {  	_ =	swait.ge [sflag:s18], $0x4000  }
0x99: {  	s26 =	smov.u32 s29;
	[sflag:s18] =	ssyncset.done $0x0  }
0x9a: {  	s25 =	sshra.s32 s25, $0x2;
	[sflag:s18] =	ssyncadd.s32 $0xFFFFC000  }
0x9b: {  	[tilespmem:s20], [sflag:$0x1] =	stream.indirect.gather [hbm4b:s5+s21], $0x80, s25, s21, $0xb8;
	[tilespmem:$0x1E400] =	vst v63  }
0x9c: {  	_ =	swait.ge [sflag:s22], $0x4000  }
0x9d: {  	[sflag:s22] =	ssyncset.done $0x0  }
0x9e: {  	s25 =	sadd.s32 $0x4000, s25;
	[sflag:s22] =	ssyncadd.s32 $0xFFFFC000  }
0x9f: {  	[spmem:s2] =	stream.indirect.scatter.add.f32 [tilespmem:s20], [sflag:$0x2], $0x80, s25, s21, $0xb8;
	[tilespmem:$0x1E400] =	vst v63  }
0xa0: {  	_ =	swait.ge [sflag:s18], $0x4000  }
0xa1: {  	[sflag:s18] =	ssyncset.done $0x0  }
0xa2: {  	s3 =	sadd.s32 $0x1, s3;
	[sflag:s18] =	ssyncadd.s32 $0xFFFFC000  }
0xa3: {  	p0 =	sne.s32 s3, s17;
	[bflag:$0x0] =	sbarrier.arrive $0xFFFF  }
0xa4: {  	[hbm:s16], [sflag:s23] =	dma.local [spmem:s24], $0x2780  }
.Ltmp4:
0xa5: {  	_ =	swait.ge [sflag:s18], $0x2780;
	(pc) =	sbr.rel @p0 .LBB2_1-.Ltmp4, $3  }
0xa6: {  	[sflag:s18] =	ssyncset.done $0x0  }
0xa7: {  	[sflag:s18] =	ssyncadd.s32 $0xFFFFD880  }
0xa8: {  	[bflag:$0x0] =	sbarrier.arrive $0xFFFF;
	_ =	sdelay $0x1  }
0xa9: {  	_ =	sfence.sel $0x180000  }
0xaa: {  	[bflag:$0x0] =	sbarrier.arrive $0xFFFF  }
0xab: {  	p0 =	sne.s32 s1, $0x0;
	_ =	strace $0x9000004A  }
0xac: {  	s0 =	sadd.s32 @!p0 $0x100000, s0;
	[bflag:$0x2] =	sbarrier.arrive $0xFFFF  }
0xad: {  	[sflag:s0] =	ssyncadd.tile.s32 @!p0 $0x1;
	_ =	shalt  }
.Lfunc_end2:
_tile_overlayer_lowered:
.L_overlay_start_2:
0xae: {  	(tag) =	ssettag $0x2  }
0xaf: {  	s0 =	rddreg [dreg:$0x0];
	s2 =	stileid.u32  }
0xb0: {  	s1 =	rddreg [dreg:$0x1];
	p0 =	sne.s32 s2, $0x0  }
0xb1: {  	s3 =	rddreg [dreg:$0x2];
	[bflag:$0x3] =	sbarrier.arrive $0xFFFF;
	s2 =	simm.s32 @!p0 $0x1C02  }
0xb2: {  	[timem:s3], [sflag:s2] =	dma.local @!p0 [hbm:s0], s1  }
0xb3: {  	s0 =	simm.s32 @!p0 $0x2  }
0xb4: {  	_ =	swait.ge @!p0 [sflag:s0], s1  }
0xb5: {  	s1 =	ssub.s32 @!p0 $0x0, s1;
	[sflag:s0] =	ssyncset.done @!p0 $0x0  }
0xb6: {  	[sflag:s0] =	ssyncadd.s32 @!p0 s1  }
0xb7: {  	[bflag:$0x3] =	sbarrier.arrive $0xFFFF  }
0xb8: {  	_ =	shalt  }

// kernel: kernel.25.cloned.1.call-start
scs
__scs_entry_jumppad:
0x0: {  	(pc) =	sbr.rel $0x88, $3  }
0x1: {  	(tag) =	ssettag $0x0;
	lr =	simm.s32 $0x1  }
0x2: {  	[smem:$0x3F75] =	sst lr;
	_ =	strace $0xD0000000  }
0x3: {  	_ = 	snop  }
0x4: {  	_ = 	snop  }
0x5: {  	_ = 	snop  }
0x6: {  	_ = 	snop  }
0x7: {  	_ = 	snop  }
__scs_overlays_trampoline_lowered:
0x8: {  	[smem:$0x3F84] =	sst s0  }
0x9: {  	[smem:$0x3F85] =	sst s1  }
0xa: {  	[smem:$0x3F86] =	sst s2  }
0xb: {  	[smem:$0x3F87] =	sst s3  }
0xc: {  	[smem:$0x3F88] =	sst s4  }
0xd: {  	[smem:$0x3F89] =	sst s5  }
0xe: {  	[smem:$0x3F8A] =	sst s6  }
0xf: {  	[smem:$0x3F8B] =	sst s7  }
0x10: {  	[smem:$0x3F8C] =	sst s8  }
0x11: {  	[smem:$0x3F8D] =	sst s9;
	s0 =	simm.s32 @!p0 $0x0  }
0x12: {  	s1 =	sld [smem:$0x3F73];
	s0 =	simm.s32 @p0 $0x1  }
0x13: {  	[smem:$0x3F8E] =	sst s0;
	s0 =	simm.s32 @!p1 $0x0  }
0x14: {  	s2 =	sld [smem:$0x3F72];
	s0 =	simm.s32 @p1 $0x1  }
0x15: {  	[smem:$0x3F8F] =	sst s0;
	s0 =	simm.s32 @!p2 $0x0  }
0x16: {  	s3 =	sld [smem:$0x3FDB];
	s0 =	simm.s32 @p2 $0x1  }
0x17: {  	s4 =	simm.s32 $0x1BF5;
	[smem:$0x3F91] =	sst s0  }
0x18: {  	s0 =	sld [smem:$0x3F74];
	_ =	swait.ge [sflag:s4], $0x0  }
0x19: {  	s7 =	sld [smem:$0x3F75]  }
0x1a: {  	s8 =	sadd.s32 $0xFFFFE003, lr  }
0x1b: {  	s9 =	sadd.s32 $0xFFFFFEF7, lr;
	s5 =	simm.s32 $0xFFFFFFFF;
	p2 =	slt.u32 s8, $0xFFFFF086  }
0x1c: {  	p1 =	slt.u32 s9, $0xF7A;
	s5 =	simm.s32 @!p2 $0x0  }
0x1d: {  	s5 =	simm.s32 @p1 $0x1;
	p0 =	seq.s32 s7, s2  }
0x1e: {  	s7 =	smul.u32 @!p0 $0xF7A, s2;
	p2 =	seq.s32 @!p0 s5, $0x0  }
0x1f: {  	s9 =	smul.u32 $0xF7A, s1;
	s8 =	simm.s32 @!p0 $0x1BF5;
	p2 =	por !p2, p0  }
0x20: {  	[sflag:s8] =	ssyncset.s32 @!p0 $0xFFFFF086;
	s6 =	sadd.s32 @!p0 s3, s7;
	s7 =	simm.s32 @!p0 $0x108  }
0x21: {  	s3 =	sadd.s32 s3, s9;
	s6 =	sadd.s32 @!p0 $0x88, s6;
	s7 =	simm.s32 @p2 $0x1082  }
0x22: {  	[simem:s7], [sflag:s8] =	dma.local @!p0 [hbm:s6], $0xF7A  }
0x23: {  	s9 =	sor.u32 $0xD0000000, s2;
	s6 =	simm.s32 $0x108;
	_ =	swait.ge @!p0 [sflag:s8], $0x0  }
0x24: {  	s3 =	sadd.s32 $0x88, s3;
	s6 =	simm.s32 @!p1 $0x1082;
	[sflag:s4] =	ssyncset.s32 $0xFFFFF086  }
0x25: {  	[simem:s6], [sflag:s4] =	dma.local [hbm:s3], $0xF7A  }
0x26: {  	[smem:$0x3F75] =	sst s1;
	(tag) =	ssettag s2;
	_ =	strace s9  }
0x27: {  	s1 =	sld [smem:$0x3F85]  }
0x28: {  	s2 =	sld [smem:$0x3F86]  }
0x29: {  	s4 =	sld [smem:$0x3F88]  }
0x2a: {  	p0 =	seq.s32 s5, $0x0;
	s5 =	sld [smem:$0x3F89]  }
0x2b: {  	s6 =	sld [smem:$0x3F8A]  }
0x2c: {  	s7 =	sld [smem:$0x3F8B]  }
0x2d: {  	s3 =	simm.s32 $0x108;
	s8 =	sld [smem:$0x3F8C]  }
0x2e: {  	s3 =	simm.s32 @!p0 $0x1082;
	s9 =	sld [smem:$0x3F8D]  }
0x2f: {  	lr =	sadd.s32 s0, s3;
	s0 =	sld [smem:$0x3F84]  }
0x30: {  	s3 =	sld [smem:$0x3F87]  }
0x31: {  	[smem:$0x3F90] =	sst s10  }
0x32: {  	s10 =	sld [smem:$0x3F8E];
	_ =	sdelay $0x3  }
0x33: {  	p0 =	seq.s32 s10, $0x1;
	s10 =	sld [smem:$0x3F90];
	_ =	sdelay $0x3  }
0x34: {  	[smem:$0x3F90] =	sst s10  }
0x35: {  	s10 =	sld [smem:$0x3F8F];
	_ =	sdelay $0x3  }
0x36: {  	p1 =	seq.s32 s10, $0x1;
	s10 =	sld [smem:$0x3F90];
	_ =	sdelay $0x3  }
0x37: {  	[smem:$0x3F90] =	sst s10  }
0x38: {  	s10 =	sld [smem:$0x3F91]  }
0x39: {  	_ = 	snop;
	(pc) =	sbr.ind lr, $3  }
0x3a: {  	_ = 	snop  }
0x3b: {  	_ = 	snop  }
0x3c: {  	p2 =	seq.s32 s10, $0x1;
	s10 =	sld [smem:$0x3F90]  }
0x3d: {  	_ =	shalt  }
0x3e: {  	_ =	shalt  }
0x3f: {  	_ =	shalt  }
0x40: {  	_ =	shalt  }
0x41: {  	_ =	shalt  }
0x42: {  	_ =	shalt  }
0x43: {  	_ =	shalt  }
0x44: {  	_ =	shalt  }
0x45: {  	_ =	shalt  }
0x46: {  	_ =	shalt  }
0x47: {  	_ =	shalt  }
0x48: {  	_ =	shalt  }
0x49: {  	_ =	shalt  }
0x4a: {  	_ =	shalt  }
0x4b: {  	_ =	shalt  }
0x4c: {  	_ =	shalt  }
0x4d: {  	_ =	shalt  }
0x4e: {  	_ =	shalt  }
0x4f: {  	_ =	shalt  }
0x50: {  	_ =	shalt  }
0x51: {  	_ =	shalt  }
0x52: {  	_ =	shalt  }
0x53: {  	_ =	shalt  }
0x54: {  	_ =	shalt  }
0x55: {  	_ =	shalt  }
0x56: {  	_ =	shalt  }
0x57: {  	_ =	shalt  }
0x58: {  	_ =	shalt  }
0x59: {  	_ =	shalt  }
0x5a: {  	_ =	shalt  }
0x5b: {  	_ =	shalt  }
0x5c: {  	_ =	shalt  }
0x5d: {  	_ =	shalt  }
0x5e: {  	_ =	shalt  }
0x5f: {  	_ =	shalt  }
0x60: {  	_ =	shalt  }
0x61: {  	_ =	shalt  }
0x62: {  	_ =	shalt  }
0x63: {  	_ =	shalt  }
0x64: {  	_ =	shalt  }
0x65: {  	_ =	shalt  }
0x66: {  	_ =	shalt  }
0x67: {  	_ =	shalt  }
0x68: {  	_ =	shalt  }
0x69: {  	_ =	shalt  }
0x6a: {  	_ =	shalt  }
0x6b: {  	_ =	shalt  }
0x6c: {  	_ =	shalt  }
0x6d: {  	_ =	shalt  }
0x6e: {  	_ =	shalt  }
0x6f: {  	_ =	shalt  }
0x70: {  	_ =	shalt  }
0x71: {  	_ =	shalt  }
0x72: {  	_ =	shalt  }
0x73: {  	_ =	shalt  }
0x74: {  	_ =	shalt  }
0x75: {  	_ =	shalt  }
0x76: {  	_ =	shalt  }
0x77: {  	_ =	shalt  }
0x78: {  	_ =	shalt  }
0x79: {  	_ =	shalt  }
0x7a: {  	_ =	shalt  }
0x7b: {  	_ =	shalt  }
0x7c: {  	_ =	shalt  }
0x7d: {  	_ =	shalt  }
0x7e: {  	_ =	shalt  }
0x7f: {  	_ =	shalt  }
0x80: {  	_ =	shalt  }
0x81: {  	_ =	shalt  }
0x82: {  	_ =	shalt  }
0x83: {  	_ =	shalt  }
0x84: {  	_ =	shalt  }
0x85: {  	_ =	shalt  }
0x86: {  	_ =	shalt  }
0x87: {  	_ =	shalt  }
.Lfunc_end0:
.L_simem_size_0:
called_computation.2_lowered:
.L_overlay_start_0:
0x88: {  	s2 =	sld [smem:$0x3FD9]  }
0x89: {  	s3 =	sld [smem:$0x3FFE];
	_ =	sdelay $0x1  }
0x8a: {  	s1 =	srdreg.scid  }
0x8b: {  	s0 =	sand.u32 $0x1, s1  }
0x8c: {  	s16 =	sshll.u32 s0, $0xA;
	s2 =	sadd.s32 s3, s2  }
0x8d: {  	s2 =	sadd.s32 s2, s16  }
0x8e: {  	[smem:$0x3F9C] =	sst s2  }
0x8f: {  	_ = 	snop  }
0x90: {  	(tm) =	ssettm $0x1  }
0x91: {  	s17 =	sld [smem:$0x3FFB];
	_ =	sdelay $0x3  }
0x92: {  	_ =	strace s17  }
0x93: {  	s2 =	sld [smem:$0x3FFC];
	_ =	sdelay $0x3  }
0x94: {  	_ =	strace s2  }
0x95: {  	s2 =	sld [smem:$0x3FFD];
	_ =	sdelay $0x3  }
0x96: {  	_ =	strace s2  }
0x97: {  	_ =	strace $0x8FFFFFFF  }
0x98: {  	s18 =	sld [smem:$0x3FDB];
	_ =	sdelay $0x1  }
0x99: {  	s19 =	simm.s32 $_scs_section_size  }
0x9a: {  	s4 =	simm.s32 $_size__tile_overlayer_lowered;
	s5 =	simm.s32 $_tile_overlayer_lowered  }
0x9b: {  	s22 =	simm.s32 $0x1BFF;
	s21 =	sshll.u32 s5, $0x1;
	s2 =	sadd.s32 s19, s18  }
0x9c: {  	s6 =	simm.s32 $0x0;
	s20 =	sshll.u32 s4, $0x1;
	s4 =	sadd.s32 s21, s2  }
0x9d: {  	[timem:s6], [sflag:s22] =	dma.local [hbm:s4], s20  }
0x9e: {  	_ =	swait.ge [sflag:s22], s20  }
0x9f: {  	s3 =	ssub.s32 $0x0, s20;
	[sflag:s22] =	ssyncset.done $0x0  }
0xa0: {  	[sflag:s22] =	ssyncadd.s32 s3;
	_ =	sdelay $0x1  }
0xa1: {  	s23 =	simm.s32 $0x1B8B  }
0xa2: {  	_ =	swait.ge [sflag:s23], $0x1  }
0xa3: {  	[sflag:s23] =	ssyncset.done $0x0  }
0xa4: {  	s25 =	simm.s32 $0x1B8E;
	s24 =	sld [smem:$0x3FFE];
	[sflag:s23] =	ssyncadd.s32 $0xFFFFFFFF  }
0xa5: {  	s26 =	simm.s32 $execute0_lowered;
	[smem:$0x3FD2] =	sst s25  }
0xa6: {  	s4 =	sshll.u32 s26, $0x1;
	_ =	strace $0x8000004C;
	[dreg:$0x1] =	wrdreg $0xFFFFFFFF  }
0xa7: {  	s28 =	simm.s32 $_size_execute0_lowered;
	s2 =	sadd.s32 s2, s4;
	[dreg:$0x0] =	wrdreg $0x0  }
0xa8: {  	s4 =	sshll.u32 s28, $0x1;
	[dreg:$0x2] =	wrdreg s2  }
0xa9: {  	[dreg:$0x3] =	wrdreg s4  }
0xaa: {  	[dreg:$0x4] =	wrdreg $0xC0  }
0xab: {  	_ =	task [dreg:s6], $0x5FFFF  }
0xac: {  	[dreg:$0x1] =	wrdreg $0xFFFFFFFF  }
0xad: {  	[dreg:$0x0] =	wrdreg $0x60  }
0xae: {  	[dreg:$0x2] =	wrdreg s24  }
0xaf: {  	[dreg:$0x3] =	wrdreg $0xA8000  }
0xb0: {  	[dreg:$0x4] =	wrdreg $0x9  }
0xb1: {  	_ =	task.clear_ibuf [dreg:s6], $0x5FFFF;
	_ =	strace $0x9000004C  }
0xb2: {  	s29 =	simm.s32 $0x9;
	_ =	strace $0x8000004E  }
0xb3: {  	_ =	swait.ge [sflag:s29], $0x1  }
0xb4: {  	[sflag:s29] =	ssyncadd.s32 $0xFFFFFFFF  }
0xb5: {  	_ =	strace $0x9000004E  }
0xb6: {  	_ =	sfence  }
0xb7: {  	s30 =	sld [smem:$0x0];
	_ =	sdelay $0x2  }
0xb8: {  	s31 =	sshll.u32 s1, $0xD;
	s1 =	sshrl.u32 s1, $0x2  }
0xb9: {  	s3 =	sand.u32 $0x4000, s31;
	s1 =	sadd.s32 s1, s30  }
0xba: {  	s0 =	sor.u32 s3, s0;
	s1 =	sshll.u32 s1, $0x11  }
0xbb: {  	s0 =	sor.u32 s1, s0  }
0xbc: {  	s0 =	sadd.s32 $0x8F2B, s0  }
0xbd: {  	[sflag:s0] =	ssyncadd.remote.s32 $0x1  }
0xbe: {  	_ =	sfence.sel $0xFFFF  }
0xbf: {  	[dreg:$0x0] =	wrdreg $0xFFFFFFFF;
	(pc) =	sbr.abs _section_cstart, $3  }
0xc0: {  	[dreg:$0x1] =	wrdreg $0xFFFFFFFF  }
0xc1: {  	_ =	task.clear_ibuf [dreg:s6], $0x2FFFF;
	_ =	strace $0x9FFFFFFF  }
0xc2: {  	(tm) =	ssettm $0x7FFFFFFF  }
0xc3: {  	_ =	shalt  }
tec
execute0_lowered:
.L_overlay_start_1:
0x0: {  	(tag) =	ssettag $0x1  }
0x1: {  	s6 =	rddreg [dreg:$0x0]  }
0x2: {  	s2 =	rddreg [dreg:$0x1];
	s3 =	srdreg.scid  }
0x3: {  	s0 =	rddreg [dreg:$0x2];
	s1 =	stileid.u32;
	s18 =	simm.s32 $0x2  }
0x4: {  	s19 =	simm.s32 $0x4000;
	s20 =	simm.s32 $0x6800;
	s21 =	simm.s32 $0x80  }
0x5: {  	s22 =	simm.s32 $0x1;
	s7 =	sand.u32 $0x1, s3;
	s9 =	smul.u32 $0x13C00, s1  }
0x6: {  	s3 =	simm.s32 $0x0;
	s4 =	sshll.u32 s1, $0x1;
	s29 =	smul.u32 $0x4F000, s1  }
0x7: {  	s8 =	smul.u32 $0x13C000, s7;
	[smem:$0x7FF] =	sst s3;
	s5 =	sor.u32 s7, s4  }
0x8: {  	s4 =	sadd.s32 $0x4E800, s6;
	s7 =	ssub.s32 $0x2, s7;
	_ =	strace $0x8000004D  }
0x9: {  	s10 =	smul.u32 $0x500, s5;
	s5 =	sadd.s32 $0x27600, s6;
	s30 =	sshrl.u32 s7, $0x1  }
0xa: {  	s31 =	sshrl.u32 s29, $0x2;
	s8 =	sadd.s32 s9, s8;
	s17 =	ssub.s32 s7, s30  }
0xb: {  	s7 =	sadd.s32 s31, s2;
	s15 =	sadd.s32 s10, s6;
	s8 =	sshrl.u32 s8, $0x3  }
0xc: {  	s9 =	sadd.s32 $0x4000, s7;
	s10 =	sadd.s32 $0x8000, s7;
	s11 =	sadd.s32 $0xC000, s7  }
0xd: {  	s12 =	sadd.s32 $0x10000, s7;
	s17 =	smax.u32 s17, $0x1;
	s16 =	sadd.s32 s8, s6  }
0xe: {  	s6 =	sadd.s32 $0x9600, s15;
	s8 =	sadd.s32 $0x13600, s15;
	s14 =	sadd.s32 $0x200A00, s15  }
0xf: {  	v0 =	vimm.f32 $0.0e+00;
	s15 =	sadd.s32 $0x1D600, s15;
	s13 =	sadd.s32 $0x75A00, s16;
	s16 =	sadd.s32 $0xC4A00, s16  }
.LBB2_1:
0x10: {  	s23 =	simm.s32 $0x0;
	s24 =	simm.s32 $0x200  }
.LBB2_2:
0x11: {  	p0 =	sne.s32 s24, $0xFE00;
	[tilespmem:s23+$0x6870] =	vst v0  }
0x12: {  	[tilespmem:s23+$0x6800] =	vst v0  }
0x13: {  	[tilespmem:s23+$0x6810] =	vst v0  }
.Ltmp0:
0x14: {  	[tilespmem:s23+$0x6820] =	vst v0;
	(pc) =	sbr.rel @p0 .LBB2_2-.Ltmp0, $4  }
0x15: {  	[tilespmem:s23+$0x6830] =	vst v0  }
0x16: {  	[tilespmem:s23+$0x6840] =	vst v0  }
0x17: {  	[tilespmem:s23+$0x6850] =	vst v0  }
0x18: {  	[tilespmem:s23+$0x6860] =	vst v0;
	s23 =	sshra.s32 s24, $0x2;
	s24 =	sadd.s32 $0x200, s24  }
0x19: {  	[tilespmem:s23+$0x6870] =	vst v0  }
0x1a: {  	[tilespmem:s23+$0x6800] =	vst v0  }
0x1b: {  	[tilespmem:s23+$0x6810] =	vst v0  }
0x1c: {  	[tilespmem:s23+$0x6820] =	vst v0  }
0x1d: {  	[tilespmem:s23+$0x6830] =	vst v0  }
0x1e: {  	[tilespmem:s23+$0x6840] =	vst v0  }
0x1f: {  	[tilespmem:s23+$0x6850] =	vst v0  }
0x20: {  	[tilespmem:s23+$0x6860] =	vst v0;
	s29 =	simm.s32 $0x0  }
0x21: {  	[tilespmem:s29], [sflag:$0x2] =	stream.linear.gather [hbm4b:s6+s29], $0x2800, $0x38;
	[tilespmem:$0x1E400] =	vst v63  }
0x22: {  	_ =	swait.ge [sflag:s18], $0x2800  }
0x23: {  	[sflag:s18] =	ssyncset.done $0x0  }
0x24: {  	[sflag:s18] =	ssyncadd.s32 $0xFFFFD800  }
0x25: {  	[tilespmem:s19], [sflag:$0x2] =	stream.linear.gather [hbm4b:s8+s29], $0x2800, $0x38;
	[tilespmem:$0x1E400] =	vst v63  }
0x26: {  	_ =	swait.ge [sflag:s18], $0x2800  }
0x27: {  	[sflag:s18] =	ssyncset.done $0x0  }
0x28: {  	[sflag:s18] =	ssyncadd.s32 $0xFFFFD800  }
0x29: {  	[spmem:s7] =	stream.linear.scatter [tilespmem:s20], [sflag:$0x2], $0x4000, $0x38;
	[tilespmem:$0x1E400] =	vst v63  }
0x2a: {  	_ =	swait.ge [sflag:s18], $0x4000  }
0x2b: {  	[sflag:s18] =	ssyncset.done $0x0  }
0x2c: {  	[sflag:s18] =	ssyncadd.s32 $0xFFFFC000  }
0x2d: {  	[spmem:s9] =	stream.linear.scatter [tilespmem:s20], [sflag:$0x2], $0x4000, $0x38;
	[tilespmem:$0x1E400] =	vst v63  }
0x2e: {  	_ =	swait.ge [sflag:s18], $0x4000  }
0x2f: {  	[sflag:s18] =	ssyncset.done $0x0  }
0x30: {  	[sflag:s18] =	ssyncadd.s32 $0xFFFFC000  }
0x31: {  	[spmem:s10] =	stream.linear.scatter [tilespmem:s20], [sflag:$0x2], $0x4000, $0x38;
	[tilespmem:$0x1E400] =	vst v63  }
0x32: {  	_ =	swait.ge [sflag:s18], $0x4000  }
0x33: {  	[sflag:s18] =	ssyncset.done $0x0  }
0x34: {  	[sflag:s18] =	ssyncadd.s32 $0xFFFFC000  }
0x35: {  	[spmem:s11] =	stream.linear.scatter [tilespmem:s20], [sflag:$0x2], $0x4000, $0x38;
	[tilespmem:$0x1E400] =	vst v63  }
0x36: {  	_ =	swait.ge [sflag:s18], $0x4000  }
0x37: {  	[sflag:s18] =	ssyncset.done $0x0  }
0x38: {  	[sflag:s18] =	ssyncadd.s32 $0xFFFFC000  }
0x39: {  	[spmem:s12] =	stream.linear.scatter [tilespmem:s20], [sflag:$0x2], $0x3C00, $0x38;
	[tilespmem:$0x1E400] =	vst v63  }
0x3a: {  	_ =	swait.ge [sflag:s18], $0x3C00  }
0x3b: {  	[sflag:s18] =	ssyncset.done $0x0  }
0x3c: {  	[sflag:s18] =	ssyncadd.s32 $0xFFFFC400  }
0x3d: {  	s30 =	simm.s32 $0x0;
	[bflag:$0x0] =	sbarrier.arrive $0xFFFF  }
0x3e: {  	[tilespmem:s20], [sflag:$0x1] =	stream.indirect.gather [hbm4b:s4+s21], $0x80, s30, s21, $0xb8;
	[tilespmem:$0x1E400] =	vst v63  }
0x3f: {  	_ =	swait.ge [sflag:s22], $0x4000  }
0x40: {  	[sflag:s22] =	ssyncset.done $0x0  }
0x41: {  	s31 =	simm.s32 $0x4000;
	[sflag:s22] =	ssyncadd.s32 $0xFFFFC000  }
0x42: {  	[spmem:s2] =	stream.indirect.scatter.add.f32 [tilespmem:s20], [sflag:$0x2], $0x80, s31, s21, $0xb8;
	[tilespmem:$0x1E400] =	vst v63  }
0x43: {  	_ =	swait.ge [sflag:s18], $0x4000  }
0x44: {  	s23 =	simm.s32 $0x200;
	s24 =	simm.s32 $0x400;
	[sflag:s18] =	ssyncset.done $0x0  }
.LBB2_4:
0x45: {  	s25 =	sshra.s32 s23, $0x2  }
0x46: {  	[sflag:s18] =	ssyncadd.s32 $0xFFFFC000;
	s23 =	smov.u32 s24;
	s26 =	sadd.s32 $0x200, s24  }
0x47: {  	[tilespmem:s20], [sflag:$0x1] =	stream.indirect.gather [hbm4b:s4+s21], $0x80, s25, s21, $0xb8;
	[tilespmem:$0x1E400] =	vst v63  }
0x48: {  	p0 =	sne.s32 s24, $0x9E00;
	_ =	swait.ge [sflag:s22], $0x4000  }
.Ltmp1:
0x49: {  	[sflag:s22] =	ssyncset.done $0x0;
	(pc) =	sbr.rel @p0 .LBB2_4-.Ltmp1, $4  }
0x4a: {  	s24 =	sadd.s32 $0x4000, s25;
	[sflag:s22] =	ssyncadd.s32 $0xFFFFC000  }
0x4b: {  	[spmem:s2] =	stream.indirect.scatter.add.f32 [tilespmem:s20], [sflag:$0x2], $0x80, s24, s21, $0xb8;
	[tilespmem:$0x1E400] =	vst v63  }
0x4c: {  	_ =	swait.ge [sflag:s18], $0x4000  }
0x4d: {  	s24 =	smov.u32 s26;
	[sflag:s18] =	ssyncset.done $0x0  }
0x4e: {  	s23 =	sshra.s32 s23, $0x2;
	[sflag:s18] =	ssyncadd.s32 $0xFFFFC000  }
0x4f: {  	[tilespmem:s20], [sflag:$0x1] =	stream.indirect.gather [hbm4b:s4+s21], $0x80, s23, s21, $0xb8;
	[tilespmem:$0x1E400] =	vst v63  }
0x50: {  	_ =	swait.ge [sflag:s22], $0x4000  }
0x51: {  	[sflag:s22] =	ssyncset.done $0x0  }
0x52: {  	s23 =	sadd.s32 $0x4000, s23;
	[sflag:s22] =	ssyncadd.s32 $0xFFFFC000  }
0x53: {  	[spmem:s2] =	stream.indirect.scatter.add.f32 [tilespmem:s20], [sflag:$0x2], $0x80, s23, s21, $0xb8;
	[tilespmem:$0x1E400] =	vst v63  }
0x54: {  	_ =	swait.ge [sflag:s18], $0x4000  }
0x55: {  	[sflag:s18] =	ssyncset.done $0x0  }
0x56: {  	s31 =	sshll.u32 s1, $0x6;
	[sflag:s18] =	ssyncadd.s32 $0xFFFFC000  }
0x57: {  	s24 =	sshrl.u32 s7, $0x3;
	s23 =	sor.u32 $0x1C02, s31;
	[bflag:$0x0] =	sbarrier.arrive $0xFFFF  }
0x58: {  	[hbm:s13], [sflag:s23] =	dma.local [spmem:s24], $0x2780  }
0x59: {  	_ =	swait.ge [sflag:s18], $0x2780  }
0x5a: {  	[sflag:s18] =	ssyncset.done $0x0  }
0x5b: {  	[sflag:s18] =	ssyncadd.s32 $0xFFFFD880  }
0x5c: {  	s25 =	simm.s32 $0x0;
	s26 =	simm.s32 $0x200;
	[bflag:$0x0] =	sbarrier.arrive $0xFFFF  }
.LBB2_6:
0x5d: {  	p0 =	sne.s32 s26, $0xFE00;
	[tilespmem:s25+$0x6870] =	vst v0  }
0x5e: {  	[tilespmem:s25+$0x6800] =	vst v0  }
0x5f: {  	[tilespmem:s25+$0x6810] =	vst v0  }
.Ltmp2:
0x60: {  	[tilespmem:s25+$0x6820] =	vst v0;
	(pc) =	sbr.rel @p0 .LBB2_6-.Ltmp2, $4  }
0x61: {  	[tilespmem:s25+$0x6830] =	vst v0  }
0x62: {  	[tilespmem:s25+$0x6840] =	vst v0  }
0x63: {  	[tilespmem:s25+$0x6850] =	vst v0  }
0x64: {  	[tilespmem:s25+$0x6860] =	vst v0;
	s25 =	sshra.s32 s26, $0x2;
	s26 =	sadd.s32 $0x200, s26  }
0x65: {  	[tilespmem:s25+$0x6870] =	vst v0  }
0x66: {  	[tilespmem:s25+$0x6800] =	vst v0  }
0x67: {  	[tilespmem:s25+$0x6810] =	vst v0  }
0x68: {  	[tilespmem:s25+$0x6820] =	vst v0  }
0x69: {  	[tilespmem:s25+$0x6830] =	vst v0  }
0x6a: {  	[tilespmem:s25+$0x6840] =	vst v0  }
0x6b: {  	[tilespmem:s25+$0x6850] =	vst v0  }
0x6c: {  	[tilespmem:s25+$0x6860] =	vst v0;
	s29 =	simm.s32 $0x0  }
0x6d: {  	[tilespmem:s29], [sflag:$0x2] =	stream.linear.gather [hbm4b:s14+s29], $0x2800, $0x38;
	[tilespmem:$0x1E400] =	vst v63  }
0x6e: {  	_ =	swait.ge [sflag:s18], $0x2800  }
0x6f: {  	[sflag:s18] =	ssyncset.done $0x0  }
0x70: {  	[sflag:s18] =	ssyncadd.s32 $0xFFFFD800  }
0x71: {  	[tilespmem:s19], [sflag:$0x2] =	stream.linear.gather [hbm4b:s15+s29], $0x2800, $0x38;
	[tilespmem:$0x1E400] =	vst v63  }
0x72: {  	_ =	swait.ge [sflag:s18], $0x2800  }
0x73: {  	[sflag:s18] =	ssyncset.done $0x0  }
0x74: {  	[sflag:s18] =	ssyncadd.s32 $0xFFFFD800  }
0x75: {  	[spmem:s7] =	stream.linear.scatter [tilespmem:s20], [sflag:$0x2], $0x4000, $0x38;
	[tilespmem:$0x1E400] =	vst v63  }
0x76: {  	_ =	swait.ge [sflag:s18], $0x4000  }
0x77: {  	[sflag:s18] =	ssyncset.done $0x0  }
0x78: {  	[sflag:s18] =	ssyncadd.s32 $0xFFFFC000  }
0x79: {  	[spmem:s9] =	stream.linear.scatter [tilespmem:s20], [sflag:$0x2], $0x4000, $0x38;
	[tilespmem:$0x1E400] =	vst v63  }
0x7a: {  	_ =	swait.ge [sflag:s18], $0x4000  }
0x7b: {  	[sflag:s18] =	ssyncset.done $0x0  }
0x7c: {  	[sflag:s18] =	ssyncadd.s32 $0xFFFFC000  }
0x7d: {  	[spmem:s10] =	stream.linear.scatter [tilespmem:s20], [sflag:$0x2], $0x4000, $0x38;
	[tilespmem:$0x1E400] =	vst v63  }
0x7e: {  	_ =	swait.ge [sflag:s18], $0x4000  }
0x7f: {  	[sflag:s18] =	ssyncset.done $0x0  }
0x80: {  	[sflag:s18] =	ssyncadd.s32 $0xFFFFC000  }
0x81: {  	[spmem:s11] =	stream.linear.scatter [tilespmem:s20], [sflag:$0x2], $0x4000, $0x38;
	[tilespmem:$0x1E400] =	vst v63  }
0x82: {  	_ =	swait.ge [sflag:s18], $0x4000  }
0x83: {  	[sflag:s18] =	ssyncset.done $0x0  }
0x84: {  	[sflag:s18] =	ssyncadd.s32 $0xFFFFC000  }
0x85: {  	[spmem:s12] =	stream.linear.scatter [tilespmem:s20], [sflag:$0x2], $0x3C00, $0x38;
	[tilespmem:$0x1E400] =	vst v63  }
0x86: {  	_ =	swait.ge [sflag:s18], $0x3C00  }
0x87: {  	[sflag:s18] =	ssyncset.done $0x0  }
0x88: {  	[sflag:s18] =	ssyncadd.s32 $0xFFFFC400  }
0x89: {  	s30 =	simm.s32 $0x0;
	[bflag:$0x0] =	sbarrier.arrive $0xFFFF  }
0x8a: {  	[tilespmem:s20], [sflag:$0x1] =	stream.indirect.gather [hbm4b:s5+s21], $0x80, s30, s21, $0xb8;
	[tilespmem:$0x1E400] =	vst v63  }
0x8b: {  	_ =	swait.ge [sflag:s22], $0x4000  }
0x8c: {  	[sflag:s22] =	ssyncset.done $0x0  }
0x8d: {  	s31 =	simm.s32 $0x4000;
	[sflag:s22] =	ssyncadd.s32 $0xFFFFC000  }
0x8e: {  	[spmem:s2] =	stream.indirect.scatter.add.f32 [tilespmem:s20], [sflag:$0x2], $0x80, s31, s21, $0xb8;
	[tilespmem:$0x1E400] =	vst v63  }
0x8f: {  	_ =	swait.ge [sflag:s18], $0x4000  }
0x90: {  	s25 =	simm.s32 $0x200;
	s26 =	simm.s32 $0x400;
	[sflag:s18] =	ssyncset.done $0x0  }
.LBB2_8:
0x91: {  	s28 =	sshra.s32 s25, $0x2  }
0x92: {  	[sflag:s18] =	ssyncadd.s32 $0xFFFFC000;
	s25 =	smov.u32 s26;
	s29 =	sadd.s32 $0x200, s26  }
0x93: {  	[tilespmem:s20], [sflag:$0x1] =	stream.indirect.gather [hbm4b:s5+s21], $0x80, s28, s21, $0xb8;
	[tilespmem:$0x1E400] =	vst v63  }
0x94: {  	p0 =	sne.s32 s26, $0x9E00;
	_ =	swait.ge [sflag:s22], $0x4000  }
.Ltmp3:
0x95: {  	[sflag:s22] =	ssyncset.done $0x0;
	(pc) =	sbr.rel @p0 .LBB2_8-.Ltmp3, $4  }
0x96: {  	s26 =	sadd.s32 $0x4000, s28;
	[sflag:s22] =	ssyncadd.s32 $0xFFFFC000  }
0x97: {  	[spmem:s2] =	stream.indirect.scatter.add.f32 [tilespmem:s20], [sflag:$0x2], $0x80, s26, s21, $0xb8;
	[tilespmem:$0x1E400] =	vst v63  }
0x98: {  	_ =	swait.ge [sflag:s18], $0x4000  }
0x99: {  	s26 =	smov.u32 s29;
	[sflag:s18] =	ssyncset.done $0x0  }
0x9a: {  	s25 =	sshra.s32 s25, $0x2;
	[sflag:s18] =	ssyncadd.s32 $0xFFFFC000  }
0x9b: {  	[tilespmem:s20], [sflag:$0x1] =	stream.indirect.gather [hbm4b:s5+s21], $0x80, s25, s21, $0xb8;
	[tilespmem:$0x1E400] =	vst v63  }
0x9c: {  	_ =	swait.ge [sflag:s22], $0x4000  }
0x9d: {  	[sflag:s22] =	ssyncset.done $0x0  }
0x9e: {  	s25 =	sadd.s32 $0x4000, s25;
	[sflag:s22] =	ssyncadd.s32 $0xFFFFC000  }
0x9f: {  	[spmem:s2] =	stream.indirect.scatter.add.f32 [tilespmem:s20], [sflag:$0x2], $0x80, s25, s21, $0xb8;
	[tilespmem:$0x1E400] =	vst v63  }
0xa0: {  	_ =	swait.ge [sflag:s18], $0x4000  }
0xa1: {  	[sflag:s18] =	ssyncset.done $0x0  }
0xa2: {  	s3 =	sadd.s32 $0x1, s3;
	[sflag:s18] =	ssyncadd.s32 $0xFFFFC000  }
0xa3: {  	p0 =	sne.s32 s3, s17;
	[bflag:$0x0] =	sbarrier.arrive $0xFFFF  }
0xa4: {  	[hbm:s16], [sflag:s23] =	dma.local [spmem:s24], $0x2780  }
.Ltmp4:
0xa5: {  	_ =	swait.ge [sflag:s18], $0x2780;
	(pc) =	sbr.rel @p0 .LBB2_1-.Ltmp4, $3  }
0xa6: {  	[sflag:s18] =	ssyncset.done $0x0  }
0xa7: {  	[sflag:s18] =	ssyncadd.s32 $0xFFFFD880  }
0xa8: {  	[bflag:$0x0] =	sbarrier.arrive $0xFFFF;
	_ =	sdelay $0x1  }
0xa9: {  	_ =	sfence.sel $0x180000  }
0xaa: {  	[bflag:$0x0] =	sbarrier.arrive $0xFFFF  }
0xab: {  	p0 =	sne.s32 s1, $0x0;
	_ =	strace $0x9000004D  }
0xac: {  	s0 =	sadd.s32 @!p0 $0x100000, s0;
	[bflag:$0x2] =	sbarrier.arrive $0xFFFF  }
0xad: {  	[sflag:s0] =	ssyncadd.tile.s32 @!p0 $0x1;
	_ =	shalt  }
.Lfunc_end2:
_tile_overlayer_lowered:
.L_overlay_start_2:
0xae: {  	(tag) =	ssettag $0x2  }
0xaf: {  	s0 =	rddreg [dreg:$0x0];
	s2 =	stileid.u32  }
0xb0: {  	s1 =	rddreg [dreg:$0x1];
	p0 =	sne.s32 s2, $0x0  }
0xb1: {  	s3 =	rddreg [dreg:$0x2];
	[bflag:$0x3] =	sbarrier.arrive $0xFFFF;
	s2 =	simm.s32 @!p0 $0x1C02  }
0xb2: {  	[timem:s3], [sflag:s2] =	dma.local @!p0 [hbm:s0], s1  }
0xb3: {  	s0 =	simm.s32 @!p0 $0x2  }
0xb4: {  	_ =	swait.ge @!p0 [sflag:s0], s1  }
0xb5: {  	s1 =	ssub.s32 @!p0 $0x0, s1;
	[sflag:s0] =	ssyncset.done @!p0 $0x0  }
0xb6: {  	[sflag:s0] =	ssyncadd.s32 @!p0 s1  }
0xb7: {  	[bflag:$0x3] =	sbarrier.arrive $0xFFFF  }
0xb8: {  	_ =	shalt  }

// kernel: kernel.28.cloned.1.call-start
scs
__scs_entry_jumppad:
0x0: {  	(pc) =	sbr.rel $0x88, $3  }
0x1: {  	(tag) =	ssettag $0x0;
	lr =	simm.s32 $0x1  }
0x2: {  	[smem:$0x3F75] =	sst lr;
	_ =	strace $0xD0000000  }
0x3: {  	_ = 	snop  }
0x4: {  	_ = 	snop  }
0x5: {  	_ = 	snop  }
0x6: {  	_ = 	snop  }
0x7: {  	_ = 	snop  }
__scs_overlays_trampoline_lowered:
0x8: {  	[smem:$0x3F84] =	sst s0  }
0x9: {  	[smem:$0x3F85] =	sst s1  }
0xa: {  	[smem:$0x3F86] =	sst s2  }
0xb: {  	[smem:$0x3F87] =	sst s3  }
0xc: {  	[smem:$0x3F88] =	sst s4  }
0xd: {  	[smem:$0x3F89] =	sst s5  }
0xe: {  	[smem:$0x3F8A] =	sst s6  }
0xf: {  	[smem:$0x3F8B] =	sst s7  }
0x10: {  	[smem:$0x3F8C] =	sst s8  }
0x11: {  	[smem:$0x3F8D] =	sst s9;
	s0 =	simm.s32 @!p0 $0x0  }
0x12: {  	s1 =	sld [smem:$0x3F73];
	s0 =	simm.s32 @p0 $0x1  }
0x13: {  	[smem:$0x3F8E] =	sst s0;
	s0 =	simm.s32 @!p1 $0x0  }
0x14: {  	s2 =	sld [smem:$0x3F72];
	s0 =	simm.s32 @p1 $0x1  }
0x15: {  	[smem:$0x3F8F] =	sst s0;
	s0 =	simm.s32 @!p2 $0x0  }
0x16: {  	s3 =	sld [smem:$0x3FDB];
	s0 =	simm.s32 @p2 $0x1  }
0x17: {  	s4 =	simm.s32 $0x1BF5;
	[smem:$0x3F91] =	sst s0  }
0x18: {  	s0 =	sld [smem:$0x3F74];
	_ =	swait.ge [sflag:s4], $0x0  }
0x19: {  	s7 =	sld [smem:$0x3F75]  }
0x1a: {  	s8 =	sadd.s32 $0xFFFFE003, lr  }
0x1b: {  	s9 =	sadd.s32 $0xFFFFFEF7, lr;
	s5 =	simm.s32 $0xFFFFFFFF;
	p2 =	slt.u32 s8, $0xFFFFF086  }
0x1c: {  	p1 =	slt.u32 s9, $0xF7A;
	s5 =	simm.s32 @!p2 $0x0  }
0x1d: {  	s5 =	simm.s32 @p1 $0x1;
	p0 =	seq.s32 s7, s2  }
0x1e: {  	s7 =	smul.u32 @!p0 $0xF7A, s2;
	p2 =	seq.s32 @!p0 s5, $0x0  }
0x1f: {  	s9 =	smul.u32 $0xF7A, s1;
	s8 =	simm.s32 @!p0 $0x1BF5;
	p2 =	por !p2, p0  }
0x20: {  	[sflag:s8] =	ssyncset.s32 @!p0 $0xFFFFF086;
	s6 =	sadd.s32 @!p0 s3, s7;
	s7 =	simm.s32 @!p0 $0x108  }
0x21: {  	s3 =	sadd.s32 s3, s9;
	s6 =	sadd.s32 @!p0 $0x88, s6;
	s7 =	simm.s32 @p2 $0x1082  }
0x22: {  	[simem:s7], [sflag:s8] =	dma.local @!p0 [hbm:s6], $0xF7A  }
0x23: {  	s9 =	sor.u32 $0xD0000000, s2;
	s6 =	simm.s32 $0x108;
	_ =	swait.ge @!p0 [sflag:s8], $0x0  }
0x24: {  	s3 =	sadd.s32 $0x88, s3;
	s6 =	simm.s32 @!p1 $0x1082;
	[sflag:s4] =	ssyncset.s32 $0xFFFFF086  }
0x25: {  	[simem:s6], [sflag:s4] =	dma.local [hbm:s3], $0xF7A  }
0x26: {  	[smem:$0x3F75] =	sst s1;
	(tag) =	ssettag s2;
	_ =	strace s9  }
0x27: {  	s1 =	sld [smem:$0x3F85]  }
0x28: {  	s2 =	sld [smem:$0x3F86]  }
0x29: {  	s4 =	sld [smem:$0x3F88]  }
0x2a: {  	p0 =	seq.s32 s5, $0x0;
	s5 =	sld [smem:$0x3F89]  }
0x2b: {  	s6 =	sld [smem:$0x3F8A]  }
0x2c: {  	s7 =	sld [smem:$0x3F8B]  }
0x2d: {  	s3 =	simm.s32 $0x108;
	s8 =	sld [smem:$0x3F8C]  }
0x2e: {  	s3 =	simm.s32 @!p0 $0x1082;
	s9 =	sld [smem:$0x3F8D]  }
0x2f: {  	lr =	sadd.s32 s0, s3;
	s0 =	sld [smem:$0x3F84]  }
0x30: {  	s3 =	sld [smem:$0x3F87]  }
0x31: {  	[smem:$0x3F90] =	sst s10  }
0x32: {  	s10 =	sld [smem:$0x3F8E];
	_ =	sdelay $0x3  }
0x33: {  	p0 =	seq.s32 s10, $0x1;
	s10 =	sld [smem:$0x3F90];
	_ =	sdelay $0x3  }
0x34: {  	[smem:$0x3F90] =	sst s10  }
0x35: {  	s10 =	sld [smem:$0x3F8F];
	_ =	sdelay $0x3  }
0x36: {  	p1 =	seq.s32 s10, $0x1;
	s10 =	sld [smem:$0x3F90];
	_ =	sdelay $0x3  }
0x37: {  	[smem:$0x3F90] =	sst s10  }
0x38: {  	s10 =	sld [smem:$0x3F91]  }
0x39: {  	_ = 	snop;
	(pc) =	sbr.ind lr, $3  }
0x3a: {  	_ = 	snop  }
0x3b: {  	_ = 	snop  }
0x3c: {  	p2 =	seq.s32 s10, $0x1;
	s10 =	sld [smem:$0x3F90]  }
0x3d: {  	_ =	shalt  }
0x3e: {  	_ =	shalt  }
0x3f: {  	_ =	shalt  }
0x40: {  	_ =	shalt  }
0x41: {  	_ =	shalt  }
0x42: {  	_ =	shalt  }
0x43: {  	_ =	shalt  }
0x44: {  	_ =	shalt  }
0x45: {  	_ =	shalt  }
0x46: {  	_ =	shalt  }
0x47: {  	_ =	shalt  }
0x48: {  	_ =	shalt  }
0x49: {  	_ =	shalt  }
0x4a: {  	_ =	shalt  }
0x4b: {  	_ =	shalt  }
0x4c: {  	_ =	shalt  }
0x4d: {  	_ =	shalt  }
0x4e: {  	_ =	shalt  }
0x4f: {  	_ =	shalt  }
0x50: {  	_ =	shalt  }
0x51: {  	_ =	shalt  }
0x52: {  	_ =	shalt  }
0x53: {  	_ =	shalt  }
0x54: {  	_ =	shalt  }
0x55: {  	_ =	shalt  }
0x56: {  	_ =	shalt  }
0x57: {  	_ =	shalt  }
0x58: {  	_ =	shalt  }
0x59: {  	_ =	shalt  }
0x5a: {  	_ =	shalt  }
0x5b: {  	_ =	shalt  }
0x5c: {  	_ =	shalt  }
0x5d: {  	_ =	shalt  }
0x5e: {  	_ =	shalt  }
0x5f: {  	_ =	shalt  }
0x60: {  	_ =	shalt  }
0x61: {  	_ =	shalt  }
0x62: {  	_ =	shalt  }
0x63: {  	_ =	shalt  }
0x64: {  	_ =	shalt  }
0x65: {  	_ =	shalt  }
0x66: {  	_ =	shalt  }
0x67: {  	_ =	shalt  }
0x68: {  	_ =	shalt  }
0x69: {  	_ =	shalt  }
0x6a: {  	_ =	shalt  }
0x6b: {  	_ =	shalt  }
0x6c: {  	_ =	shalt  }
0x6d: {  	_ =	shalt  }
0x6e: {  	_ =	shalt  }
0x6f: {  	_ =	shalt  }
0x70: {  	_ =	shalt  }
0x71: {  	_ =	shalt  }
0x72: {  	_ =	shalt  }
0x73: {  	_ =	shalt  }
0x74: {  	_ =	shalt  }
0x75: {  	_ =	shalt  }
0x76: {  	_ =	shalt  }
0x77: {  	_ =	shalt  }
0x78: {  	_ =	shalt  }
0x79: {  	_ =	shalt  }
0x7a: {  	_ =	shalt  }
0x7b: {  	_ =	shalt  }
0x7c: {  	_ =	shalt  }
0x7d: {  	_ =	shalt  }
0x7e: {  	_ =	shalt  }
0x7f: {  	_ =	shalt  }
0x80: {  	_ =	shalt  }
0x81: {  	_ =	shalt  }
0x82: {  	_ =	shalt  }
0x83: {  	_ =	shalt  }
0x84: {  	_ =	shalt  }
0x85: {  	_ =	shalt  }
0x86: {  	_ =	shalt  }
0x87: {  	_ =	shalt  }
.Lfunc_end0:
.L_simem_size_0:
called_computation.3_lowered:
.L_overlay_start_0:
0x88: {  	s2 =	sld [smem:$0x3FD9]  }
0x89: {  	s3 =	sld [smem:$0x3FFE];
	_ =	sdelay $0x1  }
0x8a: {  	s1 =	srdreg.scid  }
0x8b: {  	s0 =	sand.u32 $0x1, s1  }
0x8c: {  	s16 =	sshll.u32 s0, $0xA;
	s2 =	sadd.s32 s3, s2  }
0x8d: {  	s2 =	sadd.s32 s2, s16  }
0x8e: {  	[smem:$0x3F9C] =	sst s2  }
0x8f: {  	_ = 	snop  }
0x90: {  	(tm) =	ssettm $0x1  }
0x91: {  	s17 =	sld [smem:$0x3FFB];
	_ =	sdelay $0x3  }
0x92: {  	_ =	strace s17  }
0x93: {  	s2 =	sld [smem:$0x3FFC];
	_ =	sdelay $0x3  }
0x94: {  	_ =	strace s2  }
0x95: {  	s2 =	sld [smem:$0x3FFD];
	_ =	sdelay $0x3  }
0x96: {  	_ =	strace s2  }
0x97: {  	_ =	strace $0x8FFFFFFF  }
0x98: {  	s18 =	sld [smem:$0x3FDB];
	_ =	sdelay $0x1  }
0x99: {  	s19 =	simm.s32 $_scs_section_size  }
0x9a: {  	s4 =	simm.s32 $_size__tile_overlayer_lowered;
	s5 =	simm.s32 $_tile_overlayer_lowered  }
0x9b: {  	s22 =	simm.s32 $0x1BFF;
	s21 =	sshll.u32 s5, $0x1;
	s2 =	sadd.s32 s19, s18  }
0x9c: {  	s6 =	simm.s32 $0x0;
	s20 =	sshll.u32 s4, $0x1;
	s4 =	sadd.s32 s21, s2  }
0x9d: {  	[timem:s6], [sflag:s22] =	dma.local [hbm:s4], s20  }
0x9e: {  	_ =	swait.ge [sflag:s22], s20  }
0x9f: {  	s3 =	ssub.s32 $0x0, s20;
	[sflag:s22] =	ssyncset.done $0x0  }
0xa0: {  	[sflag:s22] =	ssyncadd.s32 s3;
	_ =	sdelay $0x1  }
0xa1: {  	s23 =	simm.s32 $0x1B8B  }
0xa2: {  	_ =	swait.ge [sflag:s23], $0x1  }
0xa3: {  	[sflag:s23] =	ssyncset.done $0x0  }
0xa4: {  	s25 =	simm.s32 $0x1B8E;
	s24 =	sld [smem:$0x3FFE];
	[sflag:s23] =	ssyncadd.s32 $0xFFFFFFFF  }
0xa5: {  	s26 =	simm.s32 $execute0_lowered;
	[smem:$0x3FD2] =	sst s25  }
0xa6: {  	s4 =	sshll.u32 s26, $0x1;
	_ =	strace $0x8000004F;
	[dreg:$0x1] =	wrdreg $0xFFFFFFFF  }
0xa7: {  	s28 =	simm.s32 $_size_execute0_lowered;
	s2 =	sadd.s32 s2, s4;
	[dreg:$0x0] =	wrdreg $0x0  }
0xa8: {  	s4 =	sshll.u32 s28, $0x1;
	[dreg:$0x2] =	wrdreg s2  }
0xa9: {  	[dreg:$0x3] =	wrdreg s4  }
0xaa: {  	[dreg:$0x4] =	wrdreg $0xC0  }
0xab: {  	_ =	task [dreg:s6], $0x5FFFF  }
0xac: {  	[dreg:$0x1] =	wrdreg $0xFFFFFFFF  }
0xad: {  	[dreg:$0x0] =	wrdreg $0x60  }
0xae: {  	[dreg:$0x2] =	wrdreg s24  }
0xaf: {  	[dreg:$0x3] =	wrdreg $0xA8000  }
0xb0: {  	[dreg:$0x4] =	wrdreg $0x9  }
0xb1: {  	_ =	task.clear_ibuf [dreg:s6], $0x5FFFF;
	_ =	strace $0x9000004F  }
0xb2: {  	s29 =	simm.s32 $0x9;
	_ =	strace $0x80000051  }
0xb3: {  	_ =	swait.ge [sflag:s29], $0x1  }
0xb4: {  	[sflag:s29] =	ssyncadd.s32 $0xFFFFFFFF  }
0xb5: {  	_ =	strace $0x90000051  }
0xb6: {  	_ =	sfence  }
0xb7: {  	s30 =	sld [smem:$0x0];
	_ =	sdelay $0x2  }
0xb8: {  	s31 =	sshll.u32 s1, $0xD;
	s1 =	sshrl.u32 s1, $0x2  }
0xb9: {  	s3 =	sand.u32 $0x4000, s31;
	s1 =	sadd.s32 s1, s30  }
0xba: {  	s0 =	sor.u32 s3, s0;
	s1 =	sshll.u32 s1, $0x11  }
0xbb: {  	s0 =	sor.u32 s1, s0  }
0xbc: {  	s0 =	sadd.s32 $0x8F2B, s0  }
0xbd: {  	[sflag:s0] =	ssyncadd.remote.s32 $0x1  }
0xbe: {  	_ =	sfence.sel $0xFFFF  }
0xbf: {  	[dreg:$0x0] =	wrdreg $0xFFFFFFFF;
	(pc) =	sbr.abs _section_cstart, $3  }
0xc0: {  	[dreg:$0x1] =	wrdreg $0xFFFFFFFF  }
0xc1: {  	_ =	task.clear_ibuf [dreg:s6], $0x2FFFF;
	_ =	strace $0x9FFFFFFF  }
0xc2: {  	(tm) =	ssettm $0x7FFFFFFF  }
0xc3: {  	_ =	shalt  }
tec
execute0_lowered:
.L_overlay_start_1:
0x0: {  	(tag) =	ssettag $0x1  }
0x1: {  	s6 =	rddreg [dreg:$0x0]  }
0x2: {  	s2 =	rddreg [dreg:$0x1]  }
0x3: {  	s0 =	rddreg [dreg:$0x2]  }
0x4: {  	s4 =	srdreg.scid;
	s3 =	simm.s32 $0x0;
	s1 =	stileid.u32  }
0x5: {  	s18 =	simm.s32 $0x2;
	s19 =	simm.s32 $0x4000;
	s20 =	simm.s32 $0x6800  }
0x6: {  	s21 =	simm.s32 $0x80;
	s22 =	simm.s32 $0x1;
	s9 =	smul.u32 $0x13C00, s1  }
0x7: {  	s7 =	sand.u32 $0x1, s4;
	[smem:$0x7FF] =	sst s3;
	s29 =	smul.u32 $0x4F000, s1  }
0x8: {  	s28 =	sshll.u32 s1, $0x1;
	s4 =	sadd.s32 $0x231C00, s6;
	s8 =	smul.u32 $0x13C000, s7  }
0x9: {  	_ =	strace $0x80000050;
	s5 =	sor.u32 s7, s28;
	s7 =	ssub.s32 $0x2, s7  }
0xa: {  	s10 =	smul.u32 $0x500, s5;
	s5 =	sadd.s32 $0x20AA00, s6;
	s30 =	sshrl.u32 s7, $0x1  }
0xb: {  	s31 =	sshrl.u32 s29, $0x2;
	s8 =	sadd.s32 s9, s8;
	s17 =	ssub.s32 s7, s30  }
0xc: {  	s7 =	sadd.s32 s31, s2;
	s15 =	sadd.s32 s10, s6;
	s8 =	sshrl.u32 s8, $0x3  }
0xd: {  	s9 =	sadd.s32 $0x4000, s7;
	s10 =	sadd.s32 $0x8000, s7;
	s11 =	sadd.s32 $0xC000, s7  }
0xe: {  	s12 =	sadd.s32 $0x10000, s7;
	s17 =	smax.u32 s17, $0x1;
	s16 =	sadd.s32 s8, s6  }
0xf: {  	s6 =	sadd.s32 $0x9600, s15;
	s8 =	sadd.s32 $0x13600, s15;
	s14 =	sadd.s32 $0x200A00, s15  }
0x10: {  	v0 =	vimm.f32 $0.0e+00;
	s15 =	sadd.s32 $0x1D600, s15;
	s13 =	sadd.s32 $0x76600, s16;
	s16 =	sadd.s32 $0x27600, s16  }
.LBB2_1:
0x11: {  	s23 =	simm.s32 $0x0;
	s24 =	simm.s32 $0x200  }
.LBB2_2:
0x12: {  	p0 =	sne.s32 s24, $0xFE00;
	[tilespmem:s23+$0x6870] =	vst v0  }
0x13: {  	[tilespmem:s23+$0x6800] =	vst v0  }
0x14: {  	[tilespmem:s23+$0x6810] =	vst v0  }
.Ltmp0:
0x15: {  	[tilespmem:s23+$0x6820] =	vst v0;
	(pc) =	sbr.rel @p0 .LBB2_2-.Ltmp0, $4  }
0x16: {  	[tilespmem:s23+$0x6830] =	vst v0  }
0x17: {  	[tilespmem:s23+$0x6840] =	vst v0  }
0x18: {  	[tilespmem:s23+$0x6850] =	vst v0  }
0x19: {  	[tilespmem:s23+$0x6860] =	vst v0;
	s23 =	sshra.s32 s24, $0x2;
	s24 =	sadd.s32 $0x200, s24  }
0x1a: {  	[tilespmem:s23+$0x6870] =	vst v0  }
0x1b: {  	[tilespmem:s23+$0x6800] =	vst v0  }
0x1c: {  	[tilespmem:s23+$0x6810] =	vst v0  }
0x1d: {  	[tilespmem:s23+$0x6820] =	vst v0  }
0x1e: {  	[tilespmem:s23+$0x6830] =	vst v0  }
0x1f: {  	[tilespmem:s23+$0x6840] =	vst v0  }
0x20: {  	[tilespmem:s23+$0x6850] =	vst v0  }
0x21: {  	[tilespmem:s23+$0x6860] =	vst v0;
	s29 =	simm.s32 $0x0  }
0x22: {  	[tilespmem:s29], [sflag:$0x2] =	stream.linear.gather [hbm4b:s6+s29], $0x2800, $0x38;
	[tilespmem:$0x1E400] =	vst v63  }
0x23: {  	_ =	swait.ge [sflag:s18], $0x2800  }
0x24: {  	[sflag:s18] =	ssyncset.done $0x0  }
0x25: {  	[sflag:s18] =	ssyncadd.s32 $0xFFFFD800  }
0x26: {  	[tilespmem:s19], [sflag:$0x2] =	stream.linear.gather [hbm4b:s8+s29], $0x2800, $0x38;
	[tilespmem:$0x1E400] =	vst v63  }
0x27: {  	_ =	swait.ge [sflag:s18], $0x2800  }
0x28: {  	[sflag:s18] =	ssyncset.done $0x0  }
0x29: {  	[sflag:s18] =	ssyncadd.s32 $0xFFFFD800  }
0x2a: {  	[spmem:s7] =	stream.linear.scatter [tilespmem:s20], [sflag:$0x2], $0x4000, $0x38;
	[tilespmem:$0x1E400] =	vst v63  }
0x2b: {  	_ =	swait.ge [sflag:s18], $0x4000  }
0x2c: {  	[sflag:s18] =	ssyncset.done $0x0  }
0x2d: {  	[sflag:s18] =	ssyncadd.s32 $0xFFFFC000  }
0x2e: {  	[spmem:s9] =	stream.linear.scatter [tilespmem:s20], [sflag:$0x2], $0x4000, $0x38;
	[tilespmem:$0x1E400] =	vst v63  }
0x2f: {  	_ =	swait.ge [sflag:s18], $0x4000  }
0x30: {  	[sflag:s18] =	ssyncset.done $0x0  }
0x31: {  	[sflag:s18] =	ssyncadd.s32 $0xFFFFC000  }
0x32: {  	[spmem:s10] =	stream.linear.scatter [tilespmem:s20], [sflag:$0x2], $0x4000, $0x38;
	[tilespmem:$0x1E400] =	vst v63  }
0x33: {  	_ =	swait.ge [sflag:s18], $0x4000  }
0x34: {  	[sflag:s18] =	ssyncset.done $0x0  }
0x35: {  	[sflag:s18] =	ssyncadd.s32 $0xFFFFC000  }
0x36: {  	[spmem:s11] =	stream.linear.scatter [tilespmem:s20], [sflag:$0x2], $0x4000, $0x38;
	[tilespmem:$0x1E400] =	vst v63  }
0x37: {  	_ =	swait.ge [sflag:s18], $0x4000  }
0x38: {  	[sflag:s18] =	ssyncset.done $0x0  }
0x39: {  	[sflag:s18] =	ssyncadd.s32 $0xFFFFC000  }
0x3a: {  	[spmem:s12] =	stream.linear.scatter [tilespmem:s20], [sflag:$0x2], $0x3C00, $0x38;
	[tilespmem:$0x1E400] =	vst v63  }
0x3b: {  	_ =	swait.ge [sflag:s18], $0x3C00  }
0x3c: {  	[sflag:s18] =	ssyncset.done $0x0  }
0x3d: {  	[sflag:s18] =	ssyncadd.s32 $0xFFFFC400  }
0x3e: {  	s30 =	simm.s32 $0x0;
	[bflag:$0x0] =	sbarrier.arrive $0xFFFF  }
0x3f: {  	[tilespmem:s20], [sflag:$0x1] =	stream.indirect.gather [hbm4b:s4+s21], $0x80, s30, s21, $0xb8;
	[tilespmem:$0x1E400] =	vst v63  }
0x40: {  	_ =	swait.ge [sflag:s22], $0x4000  }
0x41: {  	[sflag:s22] =	ssyncset.done $0x0  }
0x42: {  	s31 =	simm.s32 $0x4000;
	[sflag:s22] =	ssyncadd.s32 $0xFFFFC000  }
0x43: {  	[spmem:s2] =	stream.indirect.scatter.add.f32 [tilespmem:s20], [sflag:$0x2], $0x80, s31, s21, $0xb8;
	[tilespmem:$0x1E400] =	vst v63  }
0x44: {  	_ =	swait.ge [sflag:s18], $0x4000  }
0x45: {  	s23 =	simm.s32 $0x200;
	s24 =	simm.s32 $0x400;
	[sflag:s18] =	ssyncset.done $0x0  }
.LBB2_4:
0x46: {  	s25 =	sshra.s32 s23, $0x2  }
0x47: {  	[sflag:s18] =	ssyncadd.s32 $0xFFFFC000;
	s23 =	smov.u32 s24;
	s26 =	sadd.s32 $0x200, s24  }
0x48: {  	[tilespmem:s20], [sflag:$0x1] =	stream.indirect.gather [hbm4b:s4+s21], $0x80, s25, s21, $0xb8;
	[tilespmem:$0x1E400] =	vst v63  }
0x49: {  	p0 =	sne.s32 s24, $0x9E00;
	_ =	swait.ge [sflag:s22], $0x4000  }
.Ltmp1:
0x4a: {  	[sflag:s22] =	ssyncset.done $0x0;
	(pc) =	sbr.rel @p0 .LBB2_4-.Ltmp1, $4  }
0x4b: {  	s24 =	sadd.s32 $0x4000, s25;
	[sflag:s22] =	ssyncadd.s32 $0xFFFFC000  }
0x4c: {  	[spmem:s2] =	stream.indirect.scatter.add.f32 [tilespmem:s20], [sflag:$0x2], $0x80, s24, s21, $0xb8;
	[tilespmem:$0x1E400] =	vst v63  }
0x4d: {  	_ =	swait.ge [sflag:s18], $0x4000  }
0x4e: {  	s24 =	smov.u32 s26;
	[sflag:s18] =	ssyncset.done $0x0  }
0x4f: {  	s23 =	sshra.s32 s23, $0x2;
	[sflag:s18] =	ssyncadd.s32 $0xFFFFC000  }
0x50: {  	[tilespmem:s20], [sflag:$0x1] =	stream.indirect.gather [hbm4b:s4+s21], $0x80, s23, s21, $0xb8;
	[tilespmem:$0x1E400] =	vst v63  }
0x51: {  	_ =	swait.ge [sflag:s22], $0x4000  }
0x52: {  	[sflag:s22] =	ssyncset.done $0x0  }
0x53: {  	s23 =	sadd.s32 $0x4000, s23;
	[sflag:s22] =	ssyncadd.s32 $0xFFFFC000  }
0x54: {  	[spmem:s2] =	stream.indirect.scatter.add.f32 [tilespmem:s20], [sflag:$0x2], $0x80, s23, s21, $0xb8;
	[tilespmem:$0x1E400] =	vst v63  }
0x55: {  	_ =	swait.ge [sflag:s18], $0x4000  }
0x56: {  	[sflag:s18] =	ssyncset.done $0x0  }
0x57: {  	s31 =	sshll.u32 s1, $0x6;
	[sflag:s18] =	ssyncadd.s32 $0xFFFFC000  }
0x58: {  	s24 =	sshrl.u32 s7, $0x3;
	s23 =	sor.u32 $0x1C02, s31;
	[bflag:$0x0] =	sbarrier.arrive $0xFFFF  }
0x59: {  	[hbm:s13], [sflag:s23] =	dma.local [spmem:s24], $0x2780  }
0x5a: {  	_ =	swait.ge [sflag:s18], $0x2780  }
0x5b: {  	[sflag:s18] =	ssyncset.done $0x0  }
0x5c: {  	[sflag:s18] =	ssyncadd.s32 $0xFFFFD880  }
0x5d: {  	s25 =	simm.s32 $0x0;
	s26 =	simm.s32 $0x200;
	[bflag:$0x0] =	sbarrier.arrive $0xFFFF  }
.LBB2_6:
0x5e: {  	p0 =	sne.s32 s26, $0xFE00;
	[tilespmem:s25+$0x6870] =	vst v0  }
0x5f: {  	[tilespmem:s25+$0x6800] =	vst v0  }
0x60: {  	[tilespmem:s25+$0x6810] =	vst v0  }
.Ltmp2:
0x61: {  	[tilespmem:s25+$0x6820] =	vst v0;
	(pc) =	sbr.rel @p0 .LBB2_6-.Ltmp2, $4  }
0x62: {  	[tilespmem:s25+$0x6830] =	vst v0  }
0x63: {  	[tilespmem:s25+$0x6840] =	vst v0  }
0x64: {  	[tilespmem:s25+$0x6850] =	vst v0  }
0x65: {  	[tilespmem:s25+$0x6860] =	vst v0;
	s25 =	sshra.s32 s26, $0x2;
	s26 =	sadd.s32 $0x200, s26  }
0x66: {  	[tilespmem:s25+$0x6870] =	vst v0  }
0x67: {  	[tilespmem:s25+$0x6800] =	vst v0  }
0x68: {  	[tilespmem:s25+$0x6810] =	vst v0  }
0x69: {  	[tilespmem:s25+$0x6820] =	vst v0  }
0x6a: {  	[tilespmem:s25+$0x6830] =	vst v0  }
0x6b: {  	[tilespmem:s25+$0x6840] =	vst v0  }
0x6c: {  	[tilespmem:s25+$0x6850] =	vst v0  }
0x6d: {  	[tilespmem:s25+$0x6860] =	vst v0;
	s29 =	simm.s32 $0x0  }
0x6e: {  	[tilespmem:s29], [sflag:$0x2] =	stream.linear.gather [hbm4b:s14+s29], $0x2800, $0x38;
	[tilespmem:$0x1E400] =	vst v63  }
0x6f: {  	_ =	swait.ge [sflag:s18], $0x2800  }
0x70: {  	[sflag:s18] =	ssyncset.done $0x0  }
0x71: {  	[sflag:s18] =	ssyncadd.s32 $0xFFFFD800  }
0x72: {  	[tilespmem:s19], [sflag:$0x2] =	stream.linear.gather [hbm4b:s15+s29], $0x2800, $0x38;
	[tilespmem:$0x1E400] =	vst v63  }
0x73: {  	_ =	swait.ge [sflag:s18], $0x2800  }
0x74: {  	[sflag:s18] =	ssyncset.done $0x0  }
0x75: {  	[sflag:s18] =	ssyncadd.s32 $0xFFFFD800  }
0x76: {  	[spmem:s7] =	stream.linear.scatter [tilespmem:s20], [sflag:$0x2], $0x4000, $0x38;
	[tilespmem:$0x1E400] =	vst v63  }
0x77: {  	_ =	swait.ge [sflag:s18], $0x4000  }
0x78: {  	[sflag:s18] =	ssyncset.done $0x0  }
0x79: {  	[sflag:s18] =	ssyncadd.s32 $0xFFFFC000  }
0x7a: {  	[spmem:s9] =	stream.linear.scatter [tilespmem:s20], [sflag:$0x2], $0x4000, $0x38;
	[tilespmem:$0x1E400] =	vst v63  }
0x7b: {  	_ =	swait.ge [sflag:s18], $0x4000  }
0x7c: {  	[sflag:s18] =	ssyncset.done $0x0  }
0x7d: {  	[sflag:s18] =	ssyncadd.s32 $0xFFFFC000  }
0x7e: {  	[spmem:s10] =	stream.linear.scatter [tilespmem:s20], [sflag:$0x2], $0x4000, $0x38;
	[tilespmem:$0x1E400] =	vst v63  }
0x7f: {  	_ =	swait.ge [sflag:s18], $0x4000  }
0x80: {  	[sflag:s18] =	ssyncset.done $0x0  }
0x81: {  	[sflag:s18] =	ssyncadd.s32 $0xFFFFC000  }
0x82: {  	[spmem:s11] =	stream.linear.scatter [tilespmem:s20], [sflag:$0x2], $0x4000, $0x38;
	[tilespmem:$0x1E400] =	vst v63  }
0x83: {  	_ =	swait.ge [sflag:s18], $0x4000  }
0x84: {  	[sflag:s18] =	ssyncset.done $0x0  }
0x85: {  	[sflag:s18] =	ssyncadd.s32 $0xFFFFC000  }
0x86: {  	[spmem:s12] =	stream.linear.scatter [tilespmem:s20], [sflag:$0x2], $0x3C00, $0x38;
	[tilespmem:$0x1E400] =	vst v63  }
0x87: {  	_ =	swait.ge [sflag:s18], $0x3C00  }
0x88: {  	[sflag:s18] =	ssyncset.done $0x0  }
0x89: {  	[sflag:s18] =	ssyncadd.s32 $0xFFFFC400  }
0x8a: {  	s30 =	simm.s32 $0x0;
	[bflag:$0x0] =	sbarrier.arrive $0xFFFF  }
0x8b: {  	[tilespmem:s20], [sflag:$0x1] =	stream.indirect.gather [hbm4b:s5+s21], $0x80, s30, s21, $0xb8;
	[tilespmem:$0x1E400] =	vst v63  }
0x8c: {  	_ =	swait.ge [sflag:s22], $0x4000  }
0x8d: {  	[sflag:s22] =	ssyncset.done $0x0  }
0x8e: {  	s31 =	simm.s32 $0x4000;
	[sflag:s22] =	ssyncadd.s32 $0xFFFFC000  }
0x8f: {  	[spmem:s2] =	stream.indirect.scatter.add.f32 [tilespmem:s20], [sflag:$0x2], $0x80, s31, s21, $0xb8;
	[tilespmem:$0x1E400] =	vst v63  }
0x90: {  	_ =	swait.ge [sflag:s18], $0x4000  }
0x91: {  	s25 =	simm.s32 $0x200;
	s26 =	simm.s32 $0x400;
	[sflag:s18] =	ssyncset.done $0x0  }
.LBB2_8:
0x92: {  	s28 =	sshra.s32 s25, $0x2  }
0x93: {  	[sflag:s18] =	ssyncadd.s32 $0xFFFFC000;
	s25 =	smov.u32 s26;
	s29 =	sadd.s32 $0x200, s26  }
0x94: {  	[tilespmem:s20], [sflag:$0x1] =	stream.indirect.gather [hbm4b:s5+s21], $0x80, s28, s21, $0xb8;
	[tilespmem:$0x1E400] =	vst v63  }
0x95: {  	p0 =	sne.s32 s26, $0x9E00;
	_ =	swait.ge [sflag:s22], $0x4000  }
.Ltmp3:
0x96: {  	[sflag:s22] =	ssyncset.done $0x0;
	(pc) =	sbr.rel @p0 .LBB2_8-.Ltmp3, $4  }
0x97: {  	s26 =	sadd.s32 $0x4000, s28;
	[sflag:s22] =	ssyncadd.s32 $0xFFFFC000  }
0x98: {  	[spmem:s2] =	stream.indirect.scatter.add.f32 [tilespmem:s20], [sflag:$0x2], $0x80, s26, s21, $0xb8;
	[tilespmem:$0x1E400] =	vst v63  }
0x99: {  	_ =	swait.ge [sflag:s18], $0x4000  }
0x9a: {  	s26 =	smov.u32 s29;
	[sflag:s18] =	ssyncset.done $0x0  }
0x9b: {  	s25 =	sshra.s32 s25, $0x2;
	[sflag:s18] =	ssyncadd.s32 $0xFFFFC000  }
0x9c: {  	[tilespmem:s20], [sflag:$0x1] =	stream.indirect.gather [hbm4b:s5+s21], $0x80, s25, s21, $0xb8;
	[tilespmem:$0x1E400] =	vst v63  }
0x9d: {  	_ =	swait.ge [sflag:s22], $0x4000  }
0x9e: {  	[sflag:s22] =	ssyncset.done $0x0  }
0x9f: {  	s25 =	sadd.s32 $0x4000, s25;
	[sflag:s22] =	ssyncadd.s32 $0xFFFFC000  }
0xa0: {  	[spmem:s2] =	stream.indirect.scatter.add.f32 [tilespmem:s20], [sflag:$0x2], $0x80, s25, s21, $0xb8;
	[tilespmem:$0x1E400] =	vst v63  }
0xa1: {  	_ =	swait.ge [sflag:s18], $0x4000  }
0xa2: {  	[sflag:s18] =	ssyncset.done $0x0  }
0xa3: {  	s3 =	sadd.s32 $0x1, s3;
	[sflag:s18] =	ssyncadd.s32 $0xFFFFC000  }
0xa4: {  	p0 =	sne.s32 s3, s17;
	[bflag:$0x0] =	sbarrier.arrive $0xFFFF  }
0xa5: {  	[hbm:s16], [sflag:s23] =	dma.local [spmem:s24], $0x2780  }
.Ltmp4:
0xa6: {  	_ =	swait.ge [sflag:s18], $0x2780;
	(pc) =	sbr.rel @p0 .LBB2_1-.Ltmp4, $3  }
0xa7: {  	[sflag:s18] =	ssyncset.done $0x0  }
0xa8: {  	[sflag:s18] =	ssyncadd.s32 $0xFFFFD880  }
0xa9: {  	[bflag:$0x0] =	sbarrier.arrive $0xFFFF;
	_ =	sdelay $0x1  }
0xaa: {  	_ =	sfence.sel $0x180000  }
0xab: {  	[bflag:$0x0] =	sbarrier.arrive $0xFFFF  }
0xac: {  	p0 =	sne.s32 s1, $0x0;
	_ =	strace $0x90000050  }
0xad: {  	s0 =	sadd.s32 @!p0 $0x100000, s0;
	[bflag:$0x2] =	sbarrier.arrive $0xFFFF  }
0xae: {  	[sflag:s0] =	ssyncadd.tile.s32 @!p0 $0x1;
	_ =	shalt  }
.Lfunc_end2:
_tile_overlayer_lowered:
.L_overlay_start_2:
0xaf: {  	(tag) =	ssettag $0x2  }
0xb0: {  	s0 =	rddreg [dreg:$0x0];
	s2 =	stileid.u32  }
0xb1: {  	s1 =	rddreg [dreg:$0x1];
	p0 =	sne.s32 s2, $0x0  }
0xb2: {  	s3 =	rddreg [dreg:$0x2];
	[bflag:$0x3] =	sbarrier.arrive $0xFFFF;
	s2 =	simm.s32 @!p0 $0x1C02  }
0xb3: {  	[timem:s3], [sflag:s2] =	dma.local @!p0 [hbm:s0], s1  }
0xb4: {  	s0 =	simm.s32 @!p0 $0x2  }
0xb5: {  	_ =	swait.ge @!p0 [sflag:s0], s1  }
0xb6: {  	s1 =	ssub.s32 @!p0 $0x0, s1;
	[sflag:s0] =	ssyncset.done @!p0 $0x0  }
0xb7: {  	[sflag:s0] =	ssyncadd.s32 @!p0 s1  }
0xb8: {  	[bflag:$0x3] =	sbarrier.arrive $0xFFFF  }
0xb9: {  	_ =	shalt  }

</sc_bundles>
